<compile_context>
chip_gen: v7x
topology: tpu7x:2x2x1
jax: 0.10.2.dev20260603
libtpu: 0.0.44.dev20260713+nightly
codegen_flags: <defaults>
</compile_context>

<pallas_src>
import functools

import jax
import jax.numpy as jnp
from jax import lax
from jax.experimental import pallas as pl
from jax.experimental.pallas import tpu as pltpu
from jax.experimental.pallas import tpu_sc as plsc

_NG = 1024
_D = 128
_N = 100000
_T = 0.1
_CH = 128
_NFULL = _N // _CH
_TAIL = _N - _NFULL * _CH
_NCHUNK = _NFULL + 1
_IDROWS = 800
_JUNK = _NG
_AROWS = 1152
_RPT = _AROWS // 16
_NW = 32
_MAXC = _IDROWS // _NW
_HBLK = 100


def _sc_segsum(x1, x2, ids1, ids2, zacc,
               s1_out, s2_out,
               idb1, idb2, xbuf0, xbuf1, xbuf2, xbuf3,
               sem0, sem1, sem2, sem3,
               acc1, acc2):
    cid = lax.axis_index("c")
    sid = lax.axis_index("s")
    wid = sid * 2 + cid

    r0 = sid * _RPT
    pltpu.sync_copy(zacc.at[pl.ds(r0, _RPT)], acc1.at[pl.ds(r0, _RPT)])
    pltpu.sync_copy(zacc.at[pl.ds(r0, _RPT)], acc2.at[pl.ds(r0, _RPT)])
    plsc.subcore_barrier()

    start = _MAXC * wid
    count = jnp.clip(_NCHUNK - start, 0, _MAXC)

    pltpu.sync_copy(ids1.at[wid], idb1)
    pltpu.sync_copy(ids2.at[wid], idb2)

    chains = ((x1, idb1, acc1, (xbuf0, xbuf1), (sem0, sem1)),
              (x2, idb2, acc2, (xbuf2, xbuf3), (sem2, sem3)))

    def load(chain, j):
        x, _, _, cbufs, csems = chain
        c = start + j
        row0 = jnp.where(c == _NFULL, _N - _CH, c * _CH)
        pltpu.async_copy(x.at[pl.ds(row0, _CH)], cbufs[j % 2], csems[j % 2])

    def wait_buf(chain, j):
        x, _, _, cbufs, csems = chain
        pltpu.make_async_copy(x.at[pl.ds(0, _CH)], cbufs[j % 2],
                              csems[j % 2]).wait()

    @pl.when(0 < count)
    def _():
        for chain in chains:
            load(chain, 0)

    for j in range(_MAXC):
        @pl.when(j < count)
        def _():
            for chain in chains:
                @pl.when(j + 1 < count)
                def _():
                    load(chain, j + 1)

                _, idb, acc, cbufs, _ = chain
                wait_buf(chain, j)
                pltpu.sync_copy(cbufs[j % 2], acc.at[idb.at[j]], add=True)

    plsc.subcore_barrier()

    pltpu.sync_copy(acc1.at[pl.ds(r0, _RPT)], s1_out.at[cid, pl.ds(r0, _RPT)])
    pltpu.sync_copy(acc2.at[pl.ds(r0, _RPT)], s2_out.at[cid, pl.ds(r0, _RPT)])


_sc_call = functools.partial(
    pl.kernel,
    _sc_segsum,
    out_type=[
        jax.ShapeDtypeStruct((2, _AROWS, _D), jnp.float32),
        jax.ShapeDtypeStruct((2, _AROWS, _D), jnp.float32),
    ],
    mesh=plsc.VectorSubcoreMesh(core_axis_name="c", subcore_axis_name="s"),
    scratch_types=[
        pltpu.VMEM((_MAXC, _CH), jnp.int32),
        pltpu.VMEM((_MAXC, _CH), jnp.int32),
        pltpu.VMEM((_CH, _D), jnp.float32),
        pltpu.VMEM((_CH, _D), jnp.float32),
        pltpu.VMEM((_CH, _D), jnp.float32),
        pltpu.VMEM((_CH, _D), jnp.float32),
        pltpu.SemaphoreType.DMA,
        pltpu.SemaphoreType.DMA,
        pltpu.SemaphoreType.DMA,
        pltpu.SemaphoreType.DMA,
        pltpu.VMEM_SHARED((_AROWS, _D), jnp.float32),
        pltpu.VMEM_SHARED((_AROWS, _D), jnp.float32),
    ],
)()


def _histogram(h):
    f32 = jnp.float32
    bf16 = jnp.bfloat16
    hcol = lax.broadcasted_iota(jnp.int32, (_NG // _D, 1), 0)
    lcol = lax.broadcasted_iota(jnp.int32, (_D, 1), 0)

    def body(bidx, cnt2d):
        row = h[pl.ds(bidx, 1), :]
        at = (lax.shift_right_logical(row, 7) == hcol).astype(bf16)
        bt = ((row & 127) == lcol).astype(bf16)
        return cnt2d + lax.dot_general(
            at, bt, (((1,), (1,)), ((), ())),
            preferred_element_type=f32)

    cnt2d = lax.fori_loop(0, _HBLK, body, jnp.zeros((_NG // _D, _D), f32))
    giota = lax.broadcasted_iota(jnp.int32, (_NG, 1), 0)
    hrow = lax.broadcasted_iota(jnp.int32, (1, _NG // _D), 1)
    lrow = lax.broadcasted_iota(jnp.int32, (1, _D), 1)
    p = (lax.shift_right_logical(giota, 7) == hrow).astype(f32)
    r = ((giota & 127) == lrow).astype(f32)
    tmp = lax.dot_general(p, cnt2d, (((1,), (0,)), ((), ())),
                          precision=jax.lax.Precision.HIGHEST,
                          preferred_element_type=f32)
    return jnp.sum(tmp * r, axis=1, keepdims=True)


def _counts_body(h1, h2, out):
    out[:, 0:1] = _histogram(h1)
    out[:, 1:2] = _histogram(h2)


def _tc_body(s1, s2, cnts, w1t, b1, w2t, b2, out):
    f32 = jnp.float32
    hi = jax.lax.Precision.HIGHEST

    def graph_emb(s, cnt):
        acc = s[0, :_NG, :] + s[1, :_NG, :]
        xg = acc / jnp.maximum(cnt, 1.0)
        hh = lax.dot_general(xg, w1t[...], (((1,), (0,)), ((), ())),
                             precision=hi, preferred_element_type=f32)
        hh = hh + b1[0:1, :]
        hh = hh * (1.0 / (1.0 + jnp.exp(-hh)))
        g = lax.dot_general(hh, w2t[...], (((1,), (0,)), ((), ())),
                            precision=hi, preferred_element_type=f32)
        return g + b2[0:1, :]

    g1 = graph_emb(s1[...], cnts[:, 0:1])
    g2 = graph_emb(s2[...], cnts[:, 1:2])
    sim = lax.dot_general(g1, g2, (((1,), (1,)), ((), ())),
                          precision=hi, preferred_element_type=f32) * (1.0 / _T)
    m = jnp.max(sim, axis=1, keepdims=True)
    lse = jnp.log(jnp.sum(jnp.exp(sim - m), axis=1, keepdims=True)) + m
    rows = lax.broadcasted_iota(jnp.int32, (_NG, _NG), 0)
    cols = lax.broadcasted_iota(jnp.int32, (_NG, _NG), 1)
    diag = jnp.sum(jnp.where(rows == cols, sim, 0.0), axis=1, keepdims=True)
    out[...] = jnp.sum(lse - diag, axis=(0, 1), keepdims=True) * (1.0 / _NG)


def kernel(x1, x2, node2graph1, node2graph2, W1, b1, W2, b2):
    pad = jnp.full((_IDROWS * _CH - _N,), _JUNK, dtype=jnp.int32)
    junk96 = jnp.full((_CH - _TAIL,), _JUNK, dtype=jnp.int32)

    def arrange(ids):
        ids = ids.astype(jnp.int32)
        return jnp.concatenate(
            [ids[: _NFULL * _CH], junk96, ids[_NFULL * _CH:],
             pad[: _IDROWS * _CH - _NCHUNK * _CH]])

    flat1 = arrange(node2graph1)
    flat2 = arrange(node2graph2)
    ids1 = flat1.reshape(_NW, _MAXC, _CH)
    ids2 = flat2.reshape(_NW, _MAXC, _CH)
    zacc = jnp.zeros((_AROWS, _D), jnp.float32)

    s1, s2 = _sc_call(x1, x2, ids1, ids2, zacc)

    h1 = flat1.reshape(_HBLK, _NG)
    h2 = flat2.reshape(_HBLK, _NG)

    cnts = pl.pallas_call(
        _counts_body,
        out_shape=jax.ShapeDtypeStruct((_NG, 2), jnp.float32),
    )(h1, h2)

    out = pl.pallas_call(
        _tc_body,
        out_shape=jax.ShapeDtypeStruct((1, 1), jnp.float32),
    )(s1, s2, cnts, W1.T, b1.reshape(1, _D), W2.T, b2.reshape(1, _D))
    return out[0, 0]

# --- scband reference (transcript-rebuilt; emitter-appended) ---
"""Pipeline reference for scband-graph-cl-37417755083388 (READ-ONLY COPY).

The authoritative reference and input builder live on the scoring server;
editing this copy changes nothing except your own understanding.
"""

import jax, jax.numpy as jnp
import numpy as np

NUM_GRAPHS = 1024
T = 0.1
N, D = 100000, 128


def setup_inputs(seed: int = 0) -> dict:
    key = jax.random.key(seed)
    ks = jax.random.split(key, 8)
    x1 = jax.random.normal(ks[0], (N, D), dtype=jnp.float32)
    x2 = jax.random.normal(ks[1], (N, D), dtype=jnp.float32)
    node2graph1 = jnp.sort(jax.random.randint(ks[2], (N,), 0, NUM_GRAPHS))
    node2graph2 = jnp.sort(jax.random.randint(ks[3], (N,), 0, NUM_GRAPHS))
    W1 = jax.random.normal(ks[4], (D, D), dtype=jnp.float32) * 0.02
    b1 = jnp.zeros((D,), dtype=jnp.float32)
    W2 = jax.random.normal(ks[5], (D, D), dtype=jnp.float32) * 0.02
    b2 = jnp.zeros((D,), dtype=jnp.float32)
    return {"x1": x1, "x2": x2, "node2graph1": node2graph1, "node2graph2": node2graph2,
            "W1": W1, "b1": b1, "W2": W2, "b2": b2}


def _scatter_mean(x, seg, num_segments):
    s = jax.ops.segment_sum(x, seg, num_segments=num_segments)
    cnt = jax.ops.segment_sum(jnp.ones((x.shape[0],), dtype=x.dtype), seg, num_segments=num_segments)
    return s / jnp.maximum(cnt, 1.0)[:, None]


def _graph_dec(x, W1, b1, W2, b2):
    h = x @ W1.T + b1
    h = h * jax.nn.sigmoid(h)  # SiLU
    return h @ W2.T + b2


def reference(x1, x2, node2graph1, node2graph2, W1, b1, W2, b2):
    xg1 = _scatter_mean(x1, node2graph1, NUM_GRAPHS)
    xg2 = _scatter_mean(x2, node2graph2, NUM_GRAPHS)
    xg1 = _graph_dec(xg1, W1, b1, W2, b2)
    xg2 = _graph_dec(xg2, W1, b1, W2, b2)
    sim = jnp.einsum('ik,jk->ij', xg1, xg2) / T
    labels = jnp.arange(NUM_GRAPHS)
    logp = jax.nn.log_softmax(sim, axis=-1)
    loss = -jnp.take_along_axis(logp, labels[:, None], axis=1)[:, 0]
    return loss.mean()

if __name__ == "__main__":
    import jax
    _d = setup_inputs()
    print(jax.jit(kernel)(*tuple(_d.values())))

</pallas_src>

<mosaic_0001>
#map = affine_map<(d0, d1) -> (0, 0)>
#map1 = affine_map<(d0, d1) -> (0, 0, 0)>
module attributes {stable_mosaic.version = 14 : i64} {
  func.func @_sc_segsum(%arg0: i32, %arg1: i32, %arg2: memref<100000x128xf32, #tpu.memory_space<hbm>>, %arg3: memref<100000x128xf32, #tpu.memory_space<hbm>>, %arg4: memref<32x25x128xi32, #tpu.memory_space<hbm>>, %arg5: memref<32x25x128xi32, #tpu.memory_space<hbm>>, %arg6: memref<1152x128xf32, #tpu.memory_space<hbm>>, %arg7: memref<2x1152x128xf32, #tpu.memory_space<hbm>>, %arg8: memref<2x1152x128xf32, #tpu.memory_space<hbm>>, %arg9: memref<25x128xi32, #tpu.memory_space<vmem>>, %arg10: memref<25x128xi32, #tpu.memory_space<vmem>>, %arg11: memref<128x128xf32, #tpu.memory_space<vmem>>, %arg12: memref<128x128xf32, #tpu.memory_space<vmem>>, %arg13: memref<128x128xf32, #tpu.memory_space<vmem>>, %arg14: memref<128x128xf32, #tpu.memory_space<vmem>>, %arg15: memref<!tpu.dma_semaphore, #tpu.memory_space<semaphore_mem>>, %arg16: memref<!tpu.dma_semaphore, #tpu.memory_space<semaphore_mem>>, %arg17: memref<!tpu.dma_semaphore, #tpu.memory_space<semaphore_mem>>, %arg18: memref<!tpu.dma_semaphore, #tpu.memory_space<semaphore_mem>>, %arg19: memref<1152x128xf32, #tpu.memory_space<vmem_shared>>, %arg20: memref<1152x128xf32, #tpu.memory_space<vmem_shared>>) attributes {dimension_semantics = [#tpu.dimension_semantics<core_parallel>, #tpu.dimension_semantics<subcore_parallel>], iteration_bounds = array<i64: 2, 16>, scalar_prefetch = 0 : i64, scratch_operands = 12 : i64, tpu.core_type = #tpu.core_type<sc_vector_subcore>, window_params = [{transform_indices = #map}, {transform_indices = #map}, {transform_indices = #map1}, {transform_indices = #map1}, {transform_indices = #map}, {transform_indices = #map1}, {transform_indices = #map1}]} {
    %mul3A = arith.constant 2 : i32
    %mul3A_0 = arith.muli %arg1, %mul3A : i32
    %add3A = arith.addi %mul3A_0, %arg0 : i32
    %mul3A_1 = arith.constant 72 : i32
    %mul3A_2 = arith.muli %arg1, %mul3A_1 : i32
    "tpu.region"() ({
      %run_scoped3A = tpu.sem_alloc : memref<!tpu.dma_semaphore, #tpu.memory_space<semaphore_mem>>
      %dma_start3A = arith.constant 0 : i32
      %dma_start3A_135 = tpu.memref_slice %arg19[%mul3A_2, %dma_start3A] : memref<1152x128xf32, #tpu.memory_space<vmem_shared>> -> memref<72x128xf32, #tpu.memory_space<vmem_shared>>
      %dma_start3A_136 = arith.constant 0 : i32
      %dma_start3A_137 = tpu.memref_slice %arg6[%mul3A_2, %dma_start3A_136] : memref<1152x128xf32, #tpu.memory_space<hbm>> -> memref<72x128xf32, #tpu.memory_space<hbm>>
      tpu.enqueue_dma source(%dma_start3A_137 : memref<72x128xf32, #tpu.memory_space<hbm>>) target(%dma_start3A_135 : memref<72x128xf32, #tpu.memory_space<vmem_shared>>) target_semaphore(%run_scoped3A : memref<!tpu.dma_semaphore, #tpu.memory_space<semaphore_mem>>)
      %dma_wait3A = arith.constant 0 : i32
      %dma_wait3A_138 = tpu.memref_slice %arg19[%mul3A_2, %dma_wait3A] : memref<1152x128xf32, #tpu.memory_space<vmem_shared>> -> memref<72x128xf32, #tpu.memory_space<vmem_shared>>
      %dma_wait3A_139 = arith.constant 0 : i32
      %dma_wait3A_140 = tpu.memref_slice %arg6[%mul3A_2, %dma_wait3A_139] : memref<1152x128xf32, #tpu.memory_space<hbm>> -> memref<72x128xf32, #tpu.memory_space<hbm>>
      tpu.wait_dma2 semaphore(%run_scoped3A : memref<!tpu.dma_semaphore, #tpu.memory_space<semaphore_mem>>) src(%dma_wait3A_140 : memref<72x128xf32, #tpu.memory_space<hbm>>) dst(%dma_wait3A_138 : memref<72x128xf32, #tpu.memory_space<vmem_shared>>)
      tpu.yield
    }) : () -> ()
    "tpu.region"() ({
      %run_scoped3A = tpu.sem_alloc : memref<!tpu.dma_semaphore, #tpu.memory_space<semaphore_mem>>
      %dma_start3A = arith.constant 0 : i32
      %dma_start3A_135 = tpu.memref_slice %arg20[%mul3A_2, %dma_start3A] : memref<1152x128xf32, #tpu.memory_space<vmem_shared>> -> memref<72x128xf32, #tpu.memory_space<vmem_shared>>
      %dma_start3A_136 = arith.constant 0 : i32
      %dma_start3A_137 = tpu.memref_slice %arg6[%mul3A_2, %dma_start3A_136] : memref<1152x128xf32, #tpu.memory_space<hbm>> -> memref<72x128xf32, #tpu.memory_space<hbm>>
      tpu.enqueue_dma source(%dma_start3A_137 : memref<72x128xf32, #tpu.memory_space<hbm>>) target(%dma_start3A_135 : memref<72x128xf32, #tpu.memory_space<vmem_shared>>) target_semaphore(%run_scoped3A : memref<!tpu.dma_semaphore, #tpu.memory_space<semaphore_mem>>)
      %dma_wait3A = arith.constant 0 : i32
      %dma_wait3A_138 = tpu.memref_slice %arg20[%mul3A_2, %dma_wait3A] : memref<1152x128xf32, #tpu.memory_space<vmem_shared>> -> memref<72x128xf32, #tpu.memory_space<vmem_shared>>
      %dma_wait3A_139 = arith.constant 0 : i32
      %dma_wait3A_140 = tpu.memref_slice %arg6[%mul3A_2, %dma_wait3A_139] : memref<1152x128xf32, #tpu.memory_space<hbm>> -> memref<72x128xf32, #tpu.memory_space<hbm>>
      tpu.wait_dma2 semaphore(%run_scoped3A : memref<!tpu.dma_semaphore, #tpu.memory_space<semaphore_mem>>) src(%dma_wait3A_140 : memref<72x128xf32, #tpu.memory_space<hbm>>) dst(%dma_wait3A_138 : memref<72x128xf32, #tpu.memory_space<vmem_shared>>)
      tpu.yield
    }) : () -> ()
    %barrier3A = arith.constant 0 : index
    tpu.barrier barrier_id(%barrier3A)
    %mul3A_3 = arith.constant 25 : i32
    %mul3A_4 = arith.muli %mul3A_3, %add3A : i32
    %sub3A = arith.constant 782 : i32
    %sub3A_5 = arith.subi %sub3A, %mul3A_4 : i32
    %jit3A = arith.constant 0 : i32
    %jit3A_6 = arith.constant 25 : i32
    %max3A = arith.maxsi %jit3A, %sub3A_5 : i32
    %min3A = arith.minsi %jit3A_6, %max3A : i32
    "tpu.region"() ({
      %run_scoped3A = tpu.sem_alloc : memref<!tpu.dma_semaphore, #tpu.memory_space<semaphore_mem>>
      %dma_start3A = arith.constant 0 : i32
      %dma_start3A_135 = arith.constant 0 : i32
      %dma_start3A_136 = tpu.memref_slice %arg4[%add3A, %dma_start3A, %dma_start3A_135] : memref<32x25x128xi32, #tpu.memory_space<hbm>> -> memref<1x25x128xi32, #tpu.memory_space<hbm>>
      %dma_start3A_137 = tpu.memref_squeeze %dma_start3A_136 : memref<1x25x128xi32, #tpu.memory_space<hbm>> -> memref<25x128xi32, #tpu.memory_space<hbm>>
      %dma_start3A_138 = arith.constant 0 : i32
      %dma_start3A_139 = arith.constant 0 : i32
      %dma_start3A_140 = tpu.memref_slice %arg4[%add3A, %dma_start3A_138, %dma_start3A_139] : memref<32x25x128xi32, #tpu.memory_space<hbm>> -> memref<1x25x128xi32, #tpu.memory_space<hbm>>
      %dma_start3A_141 = tpu.memref_squeeze %dma_start3A_140 : memref<1x25x128xi32, #tpu.memory_space<hbm>> -> memref<25x128xi32, #tpu.memory_space<hbm>>
      tpu.enqueue_dma source(%dma_start3A_141 : memref<25x128xi32, #tpu.memory_space<hbm>>) target(%arg9 : memref<25x128xi32, #tpu.memory_space<vmem>>) target_semaphore(%run_scoped3A : memref<!tpu.dma_semaphore, #tpu.memory_space<semaphore_mem>>)
      %dma_wait3A = arith.constant 0 : i32
      %dma_wait3A_142 = arith.constant 0 : i32
      %dma_wait3A_143 = tpu.memref_slice %arg4[%add3A, %dma_wait3A, %dma_wait3A_142] : memref<32x25x128xi32, #tpu.memory_space<hbm>> -> memref<1x25x128xi32, #tpu.memory_space<hbm>>
      %dma_wait3A_144 = tpu.memref_squeeze %dma_wait3A_143 : memref<1x25x128xi32, #tpu.memory_space<hbm>> -> memref<25x128xi32, #tpu.memory_space<hbm>>
      %dma_wait3A_145 = arith.constant 0 : i32
      %dma_wait3A_146 = arith.constant 0 : i32
      %dma_wait3A_147 = tpu.memref_slice %arg4[%add3A, %dma_wait3A_145, %dma_wait3A_146] : memref<32x25x128xi32, #tpu.memory_space<hbm>> -> memref<1x25x128xi32, #tpu.memory_space<hbm>>
      %dma_wait3A_148 = tpu.memref_squeeze %dma_wait3A_147 : memref<1x25x128xi32, #tpu.memory_space<hbm>> -> memref<25x128xi32, #tpu.memory_space<hbm>>
      tpu.wait_dma2 semaphore(%run_scoped3A : memref<!tpu.dma_semaphore, #tpu.memory_space<semaphore_mem>>) src(%dma_wait3A_148 : memref<25x128xi32, #tpu.memory_space<hbm>>) dst(%arg9 : memref<25x128xi32, #tpu.memory_space<vmem>>)
      tpu.yield
    }) : () -> ()
    "tpu.region"() ({
      %run_scoped3A = tpu.sem_alloc : memref<!tpu.dma_semaphore, #tpu.memory_space<semaphore_mem>>
      %dma_start3A = arith.constant 0 : i32
      %dma_start3A_135 = arith.constant 0 : i32
      %dma_start3A_136 = tpu.memref_slice %arg5[%add3A, %dma_start3A, %dma_start3A_135] : memref<32x25x128xi32, #tpu.memory_space<hbm>> -> memref<1x25x128xi32, #tpu.memory_space<hbm>>
      %dma_start3A_137 = tpu.memref_squeeze %dma_start3A_136 : memref<1x25x128xi32, #tpu.memory_space<hbm>> -> memref<25x128xi32, #tpu.memory_space<hbm>>
      %dma_start3A_138 = arith.constant 0 : i32
      %dma_start3A_139 = arith.constant 0 : i32
      %dma_start3A_140 = tpu.memref_slice %arg5[%add3A, %dma_start3A_138, %dma_start3A_139] : memref<32x25x128xi32, #tpu.memory_space<hbm>> -> memref<1x25x128xi32, #tpu.memory_space<hbm>>
      %dma_start3A_141 = tpu.memref_squeeze %dma_start3A_140 : memref<1x25x128xi32, #tpu.memory_space<hbm>> -> memref<25x128xi32, #tpu.memory_space<hbm>>
      tpu.enqueue_dma source(%dma_start3A_141 : memref<25x128xi32, #tpu.memory_space<hbm>>) target(%arg10 : memref<25x128xi32, #tpu.memory_space<vmem>>) target_semaphore(%run_scoped3A : memref<!tpu.dma_semaphore, #tpu.memory_space<semaphore_mem>>)
      %dma_wait3A = arith.constant 0 : i32
      %dma_wait3A_142 = arith.constant 0 : i32
      %dma_wait3A_143 = tpu.memref_slice %arg5[%add3A, %dma_wait3A, %dma_wait3A_142] : memref<32x25x128xi32, #tpu.memory_space<hbm>> -> memref<1x25x128xi32, #tpu.memory_space<hbm>>
      %dma_wait3A_144 = tpu.memref_squeeze %dma_wait3A_143 : memref<1x25x128xi32, #tpu.memory_space<hbm>> -> memref<25x128xi32, #tpu.memory_space<hbm>>
      %dma_wait3A_145 = arith.constant 0 : i32
      %dma_wait3A_146 = arith.constant 0 : i32
      %dma_wait3A_147 = tpu.memref_slice %arg5[%add3A, %dma_wait3A_145, %dma_wait3A_146] : memref<32x25x128xi32, #tpu.memory_space<hbm>> -> memref<1x25x128xi32, #tpu.memory_space<hbm>>
      %dma_wait3A_148 = tpu.memref_squeeze %dma_wait3A_147 : memref<1x25x128xi32, #tpu.memory_space<hbm>> -> memref<25x128xi32, #tpu.memory_space<hbm>>
      tpu.wait_dma2 semaphore(%run_scoped3A : memref<!tpu.dma_semaphore, #tpu.memory_space<semaphore_mem>>) src(%dma_wait3A_148 : memref<25x128xi32, #tpu.memory_space<hbm>>) dst(%arg10 : memref<25x128xi32, #tpu.memory_space<vmem>>)
      tpu.yield
    }) : () -> ()
    %gt3A = arith.constant 0 : i32
    %gt3A_7 = arith.cmpi sgt, %min3A, %gt3A : i32
    %convert_element_type3A = arith.extui %gt3A_7 : i1 to i32
    %cond3A = arith.constant 0 : i32
    %cond3A_8 = arith.cmpi ne, %convert_element_type3A, %cond3A : i32
    scf.if %cond3A_8 {
      %add3A_135 = arith.constant 0 : i32
      %add3A_136 = arith.addi %mul3A_4, %add3A_135 : i32
      %eq3A = arith.constant 781 : i32
      %eq3A_137 = arith.cmpi eq, %add3A_136, %eq3A : i32
      %mul3A_138 = arith.constant 128 : i32
      %mul3A_139 = arith.muli %add3A_136, %mul3A_138 : i32
      %jit3A_140 = arith.constant 99872 : i32
      %select_n3A = arith.select %eq3A_137, %jit3A_140, %mul3A_139 : i32
      %dma_start3A = arith.constant 0 : i32
      %dma_start3A_141 = tpu.memref_slice %arg2[%select_n3A, %dma_start3A] : memref<100000x128xf32, #tpu.memory_space<hbm>> -> memref<128x128xf32, #tpu.memory_space<hbm>>
      %dma_start3A_142 = arith.constant 0 : i32
      %dma_start3A_143 = tpu.memref_slice %arg2[%select_n3A, %dma_start3A_142] : memref<100000x128xf32, #tpu.memory_space<hbm>> -> memref<128x128xf32, #tpu.memory_space<hbm>>
      tpu.enqueue_dma source(%dma_start3A_143 : memref<128x128xf32, #tpu.memory_space<hbm>>) target(%arg11 : memref<128x128xf32, #tpu.memory_space<vmem>>) target_semaphore(%arg15 : memref<!tpu.dma_semaphore, #tpu.memory_space<semaphore_mem>>)
      %add3A_144 = arith.constant 0 : i32
      %add3A_145 = arith.addi %mul3A_4, %add3A_144 : i32
      %eq3A_146 = arith.constant 781 : i32
      %eq3A_147 = arith.cmpi eq, %add3A_145, %eq3A_146 : i32
      %mul3A_148 = arith.constant 128 : i32
      %mul3A_149 = arith.muli %add3A_145, %mul3A_148 : i32
      %jit3A_150 = arith.constant 99872 : i32
      %select_n3A_151 = arith.select %eq3A_147, %jit3A_150, %mul3A_149 : i32
      %dma_start3A_152 = arith.constant 0 : i32
      %dma_start3A_153 = tpu.memref_slice %arg3[%select_n3A_151, %dma_start3A_152] : memref<100000x128xf32, #tpu.memory_space<hbm>> -> memref<128x128xf32, #tpu.memory_space<hbm>>
      %dma_start3A_154 = arith.constant 0 : i32
      %dma_start3A_155 = tpu.memref_slice %arg3[%select_n3A_151, %dma_start3A_154] : memref<100000x128xf32, #tpu.memory_space<hbm>> -> memref<128x128xf32, #tpu.memory_space<hbm>>
      tpu.enqueue_dma source(%dma_start3A_155 : memref<128x128xf32, #tpu.memory_space<hbm>>) target(%arg13 : memref<128x128xf32, #tpu.memory_space<vmem>>) target_semaphore(%arg17 : memref<!tpu.dma_semaphore, #tpu.memory_space<semaphore_mem>>)
    } else {
    }
    %gt3A_9 = arith.constant 0 : i32
    %gt3A_10 = arith.cmpi sgt, %min3A, %gt3A_9 : i32
    %convert_element_type3A_11 = arith.extui %gt3A_10 : i1 to i32
    %cond3A_12 = arith.constant 0 : i32
    %cond3A_13 = arith.cmpi ne, %convert_element_type3A_11, %cond3A_12 : i32
    scf.if %cond3A_13 {
      %gt3A_135 = arith.constant 1 : i32
      %gt3A_136 = arith.cmpi sgt, %min3A, %gt3A_135 : i32
      %convert_element_type3A_137 = arith.extui %gt3A_136 : i1 to i32
      %cond3A_138 = arith.constant 0 : i32
      %cond3A_139 = arith.cmpi ne, %convert_element_type3A_137, %cond3A_138 : i32
      scf.if %cond3A_139 {
        %add3A_157 = arith.constant 1 : i32
        %add3A_158 = arith.addi %mul3A_4, %add3A_157 : i32
        %eq3A = arith.constant 781 : i32
        %eq3A_159 = arith.cmpi eq, %add3A_158, %eq3A : i32
        %mul3A_160 = arith.constant 128 : i32
        %mul3A_161 = arith.muli %add3A_158, %mul3A_160 : i32
        %jit3A_162 = arith.constant 99872 : i32
        %select_n3A = arith.select %eq3A_159, %jit3A_162, %mul3A_161 : i32
        %dma_start3A = arith.constant 0 : i32
        %dma_start3A_163 = tpu.memref_slice %arg2[%select_n3A, %dma_start3A] : memref<100000x128xf32, #tpu.memory_space<hbm>> -> memref<128x128xf32, #tpu.memory_space<hbm>>
        %dma_start3A_164 = arith.constant 0 : i32
        %dma_start3A_165 = tpu.memref_slice %arg2[%select_n3A, %dma_start3A_164] : memref<100000x128xf32, #tpu.memory_space<hbm>> -> memref<128x128xf32, #tpu.memory_space<hbm>>
        tpu.enqueue_dma source(%dma_start3A_165 : memref<128x128xf32, #tpu.memory_space<hbm>>) target(%arg12 : memref<128x128xf32, #tpu.memory_space<vmem>>) target_semaphore(%arg16 : memref<!tpu.dma_semaphore, #tpu.memory_space<semaphore_mem>>)
      } else {
      }
      %dma_wait3A = arith.constant 0 : i32
      %dma_wait3A_140 = arith.constant 0 : i32
      %dma_wait3A_141 = tpu.memref_slice %arg2[%dma_wait3A, %dma_wait3A_140] : memref<100000x128xf32, #tpu.memory_space<hbm>> -> memref<128x128xf32, #tpu.memory_space<hbm>>
      %dma_wait3A_142 = arith.constant 0 : i32
      %dma_wait3A_143 = arith.constant 0 : i32
      %dma_wait3A_144 = tpu.memref_slice %arg2[%dma_wait3A_142, %dma_wait3A_143] : memref<100000x128xf32, #tpu.memory_space<hbm>> -> memref<128x128xf32, #tpu.memory_space<hbm>>
      tpu.wait_dma2 semaphore(%arg15 : memref<!tpu.dma_semaphore, #tpu.memory_space<semaphore_mem>>) src(%dma_wait3A_144 : memref<128x128xf32, #tpu.memory_space<hbm>>) dst(%arg11 : memref<128x128xf32, #tpu.memory_space<vmem>>)
      %run_scoped3A = arith.constant 0 : i32
      "tpu.region"() ({
        %run_scoped3A_157 = tpu.sem_alloc : memref<!tpu.dma_semaphore, #tpu.memory_space<semaphore_mem>>
        %dma_start3A = arith.constant 0 : i32
        %dma_start3A_158 = tpu.memref_slice %arg9[%run_scoped3A, %dma_start3A] : memref<25x128xi32, #tpu.memory_space<vmem>> -> memref<1x128xi32, #tpu.memory_space<vmem>>
        %dma_start3A_159 = tpu.memref_squeeze %dma_start3A_158 : memref<1x128xi32, #tpu.memory_space<vmem>> -> memref<128xi32, #tpu.memory_space<vmem>>
        %dma_start3A_160 = arith.constant 0 : i32
        %dma_start3A_161 = arith.constant 0 : i32
        %dma_start3A_162 = tpu.memref_slice %arg19[%dma_start3A_160, %dma_start3A_161] : memref<1152x128xf32, #tpu.memory_space<vmem_shared>> -> memref<1152x128xf32, #tpu.memory_space<vmem_shared>>
        tpu.enqueue_indirect_dma source(%arg11 : memref<128x128xf32, #tpu.memory_space<vmem>>) target(%dma_start3A_162 : memref<1152x128xf32, #tpu.memory_space<vmem_shared>>) offsets(%dma_start3A_159 : memref<128xi32, #tpu.memory_space<vmem>>) semaphore(%run_scoped3A_157 : memref<!tpu.dma_semaphore, #tpu.memory_space<semaphore_mem>>) {add = true}
        %dma_wait3A_163 = arith.constant 0 : i32
        %dma_wait3A_164 = tpu.memref_slice %arg9[%run_scoped3A, %dma_wait3A_163] : memref<25x128xi32, #tpu.memory_space<vmem>> -> memref<1x128xi32, #tpu.memory_space<vmem>>
        %dma_wait3A_165 = tpu.memref_squeeze %dma_wait3A_164 : memref<1x128xi32, #tpu.memory_space<vmem>> -> memref<128xi32, #tpu.memory_space<vmem>>
        %dma_wait3A_166 = arith.constant 0 : i32
        %dma_wait3A_167 = arith.constant 0 : i32
        %dma_wait3A_168 = tpu.memref_slice %arg19[%dma_wait3A_166, %dma_wait3A_167] : memref<1152x128xf32, #tpu.memory_space<vmem_shared>> -> memref<1152x128xf32, #tpu.memory_space<vmem_shared>>
        tpu.wait_indirect_dma semaphore(%run_scoped3A_157 : memref<!tpu.dma_semaphore, #tpu.memory_space<semaphore_mem>>) src(%arg11 : memref<128x128xf32, #tpu.memory_space<vmem>>) dst(%dma_wait3A_168 : memref<1152x128xf32, #tpu.memory_space<vmem_shared>>)
        tpu.yield
      }) : () -> ()
      %gt3A_145 = arith.constant 1 : i32
      %gt3A_146 = arith.cmpi sgt, %min3A, %gt3A_145 : i32
      %convert_element_type3A_147 = arith.extui %gt3A_146 : i1 to i32
      %cond3A_148 = arith.constant 0 : i32
      %cond3A_149 = arith.cmpi ne, %convert_element_type3A_147, %cond3A_148 : i32
      scf.if %cond3A_149 {
        %add3A_157 = arith.constant 1 : i32
        %add3A_158 = arith.addi %mul3A_4, %add3A_157 : i32
        %eq3A = arith.constant 781 : i32
        %eq3A_159 = arith.cmpi eq, %add3A_158, %eq3A : i32
        %mul3A_160 = arith.constant 128 : i32
        %mul3A_161 = arith.muli %add3A_158, %mul3A_160 : i32
        %jit3A_162 = arith.constant 99872 : i32
        %select_n3A = arith.select %eq3A_159, %jit3A_162, %mul3A_161 : i32
        %dma_start3A = arith.constant 0 : i32
        %dma_start3A_163 = tpu.memref_slice %arg3[%select_n3A, %dma_start3A] : memref<100000x128xf32, #tpu.memory_space<hbm>> -> memref<128x128xf32, #tpu.memory_space<hbm>>
        %dma_start3A_164 = arith.constant 0 : i32
        %dma_start3A_165 = tpu.memref_slice %arg3[%select_n3A, %dma_start3A_164] : memref<100000x128xf32, #tpu.memory_space<hbm>> -> memref<128x128xf32, #tpu.memory_space<hbm>>
        tpu.enqueue_dma source(%dma_start3A_165 : memref<128x128xf32, #tpu.memory_space<hbm>>) target(%arg14 : memref<128x128xf32, #tpu.memory_space<vmem>>) target_semaphore(%arg18 : memref<!tpu.dma_semaphore, #tpu.memory_space<semaphore_mem>>)
      } else {
      }
      %dma_wait3A_150 = arith.constant 0 : i32
      %dma_wait3A_151 = arith.constant 0 : i32
      %dma_wait3A_152 = tpu.memref_slice %arg3[%dma_wait3A_150, %dma_wait3A_151] : memref<100000x128xf32, #tpu.memory_space<hbm>> -> memref<128x128xf32, #tpu.memory_space<hbm>>
      %dma_wait3A_153 = arith.constant 0 : i32
      %dma_wait3A_154 = arith.constant 0 : i32
      %dma_wait3A_155 = tpu.memref_slice %arg3[%dma_wait3A_153, %dma_wait3A_154] : memref<100000x128xf32, #tpu.memory_space<hbm>> -> memref<128x128xf32, #tpu.memory_space<hbm>>
      tpu.wait_dma2 semaphore(%arg17 : memref<!tpu.dma_semaphore, #tpu.memory_space<semaphore_mem>>) src(%dma_wait3A_155 : memref<128x128xf32, #tpu.memory_space<hbm>>) dst(%arg13 : memref<128x128xf32, #tpu.memory_space<vmem>>)
      %run_scoped3A_156 = arith.constant 0 : i32
      "tpu.region"() ({
        %run_scoped3A_157 = tpu.sem_alloc : memref<!tpu.dma_semaphore, #tpu.memory_space<semaphore_mem>>
        %dma_start3A = arith.constant 0 : i32
        %dma_start3A_158 = tpu.memref_slice %arg10[%run_scoped3A_156, %dma_start3A] : memref<25x128xi32, #tpu.memory_space<vmem>> -> memref<1x128xi32, #tpu.memory_space<vmem>>
        %dma_start3A_159 = tpu.memref_squeeze %dma_start3A_158 : memref<1x128xi32, #tpu.memory_space<vmem>> -> memref<128xi32, #tpu.memory_space<vmem>>
        %dma_start3A_160 = arith.constant 0 : i32
        %dma_start3A_161 = arith.constant 0 : i32
        %dma_start3A_162 = tpu.memref_slice %arg20[%dma_start3A_160, %dma_start3A_161] : memref<1152x128xf32, #tpu.memory_space<vmem_shared>> -> memref<1152x128xf32, #tpu.memory_space<vmem_shared>>
        tpu.enqueue_indirect_dma source(%arg13 : memref<128x128xf32, #tpu.memory_space<vmem>>) target(%dma_start3A_162 : memref<1152x128xf32, #tpu.memory_space<vmem_shared>>) offsets(%dma_start3A_159 : memref<128xi32, #tpu.memory_space<vmem>>) semaphore(%run_scoped3A_157 : memref<!tpu.dma_semaphore, #tpu.memory_space<semaphore_mem>>) {add = true}
        %dma_wait3A_163 = arith.constant 0 : i32
        %dma_wait3A_164 = tpu.memref_slice %arg10[%run_scoped3A_156, %dma_wait3A_163] : memref<25x128xi32, #tpu.memory_space<vmem>> -> memref<1x128xi32, #tpu.memory_space<vmem>>
        %dma_wait3A_165 = tpu.memref_squeeze %dma_wait3A_164 : memref<1x128xi32, #tpu.memory_space<vmem>> -> memref<128xi32, #tpu.memory_space<vmem>>
        %dma_wait3A_166 = arith.constant 0 : i32
        %dma_wait3A_167 = arith.constant 0 : i32
        %dma_wait3A_168 = tpu.memref_slice %arg20[%dma_wait3A_166, %dma_wait3A_167] : memref<1152x128xf32, #tpu.memory_space<vmem_shared>> -> memref<1152x128xf32, #tpu.memory_space<vmem_shared>>
        tpu.wait_indirect_dma semaphore(%run_scoped3A_157 : memref<!tpu.dma_semaphore, #tpu.memory_space<semaphore_mem>>) src(%arg13 : memref<128x128xf32, #tpu.memory_space<vmem>>) dst(%dma_wait3A_168 : memref<1152x128xf32, #tpu.memory_space<vmem_shared>>)
        tpu.yield
      }) : () -> ()
    } else {
    }
    %gt3A_14 = arith.constant 1 : i32
    %gt3A_15 = arith.cmpi sgt, %min3A, %gt3A_14 : i32
    %convert_element_type3A_16 = arith.extui %gt3A_15 : i1 to i32
    %cond3A_17 = arith.constant 0 : i32
    %cond3A_18 = arith.cmpi ne, %convert_element_type3A_16, %cond3A_17 : i32
    scf.if %cond3A_18 {
      %gt3A_135 = arith.constant 2 : i32
      %gt3A_136 = arith.cmpi sgt, %min3A, %gt3A_135 : i32
      %convert_element_type3A_137 = arith.extui %gt3A_136 : i1 to i32
      %cond3A_138 = arith.constant 0 : i32
      %cond3A_139 = arith.cmpi ne, %convert_element_type3A_137, %cond3A_138 : i32
      scf.if %cond3A_139 {
        %add3A_157 = arith.constant 2 : i32
        %add3A_158 = arith.addi %mul3A_4, %add3A_157 : i32
        %eq3A = arith.constant 781 : i32
        %eq3A_159 = arith.cmpi eq, %add3A_158, %eq3A : i32
        %mul3A_160 = arith.constant 128 : i32
        %mul3A_161 = arith.muli %add3A_158, %mul3A_160 : i32
        %jit3A_162 = arith.constant 99872 : i32
        %select_n3A = arith.select %eq3A_159, %jit3A_162, %mul3A_161 : i32
        %dma_start3A = arith.constant 0 : i32
        %dma_start3A_163 = tpu.memref_slice %arg2[%select_n3A, %dma_start3A] : memref<100000x128xf32, #tpu.memory_space<hbm>> -> memref<128x128xf32, #tpu.memory_space<hbm>>
        %dma_start3A_164 = arith.constant 0 : i32
        %dma_start3A_165 = tpu.memref_slice %arg2[%select_n3A, %dma_start3A_164] : memref<100000x128xf32, #tpu.memory_space<hbm>> -> memref<128x128xf32, #tpu.memory_space<hbm>>
        tpu.enqueue_dma source(%dma_start3A_165 : memref<128x128xf32, #tpu.memory_space<hbm>>) target(%arg11 : memref<128x128xf32, #tpu.memory_space<vmem>>) target_semaphore(%arg15 : memref<!tpu.dma_semaphore, #tpu.memory_space<semaphore_mem>>)
      } else {
      }
      %dma_wait3A = arith.constant 0 : i32
      %dma_wait3A_140 = arith.constant 0 : i32
      %dma_wait3A_141 = tpu.memref_slice %arg2[%dma_wait3A, %dma_wait3A_140] : memref<100000x128xf32, #tpu.memory_space<hbm>> -> memref<128x128xf32, #tpu.memory_space<hbm>>
      %dma_wait3A_142 = arith.constant 0 : i32
      %dma_wait3A_143 = arith.constant 0 : i32
      %dma_wait3A_144 = tpu.memref_slice %arg2[%dma_wait3A_142, %dma_wait3A_143] : memref<100000x128xf32, #tpu.memory_space<hbm>> -> memref<128x128xf32, #tpu.memory_space<hbm>>
      tpu.wait_dma2 semaphore(%arg16 : memref<!tpu.dma_semaphore, #tpu.memory_space<semaphore_mem>>) src(%dma_wait3A_144 : memref<128x128xf32, #tpu.memory_space<hbm>>) dst(%arg12 : memref<128x128xf32, #tpu.memory_space<vmem>>)
      %run_scoped3A = arith.constant 1 : i32
      "tpu.region"() ({
        %run_scoped3A_157 = tpu.sem_alloc : memref<!tpu.dma_semaphore, #tpu.memory_space<semaphore_mem>>
        %dma_start3A = arith.constant 0 : i32
        %dma_start3A_158 = tpu.memref_slice %arg9[%run_scoped3A, %dma_start3A] : memref<25x128xi32, #tpu.memory_space<vmem>> -> memref<1x128xi32, #tpu.memory_space<vmem>>
        %dma_start3A_159 = tpu.memref_squeeze %dma_start3A_158 : memref<1x128xi32, #tpu.memory_space<vmem>> -> memref<128xi32, #tpu.memory_space<vmem>>
        %dma_start3A_160 = arith.constant 0 : i32
        %dma_start3A_161 = arith.constant 0 : i32
        %dma_start3A_162 = tpu.memref_slice %arg19[%dma_start3A_160, %dma_start3A_161] : memref<1152x128xf32, #tpu.memory_space<vmem_shared>> -> memref<1152x128xf32, #tpu.memory_space<vmem_shared>>
        tpu.enqueue_indirect_dma source(%arg12 : memref<128x128xf32, #tpu.memory_space<vmem>>) target(%dma_start3A_162 : memref<1152x128xf32, #tpu.memory_space<vmem_shared>>) offsets(%dma_start3A_159 : memref<128xi32, #tpu.memory_space<vmem>>) semaphore(%run_scoped3A_157 : memref<!tpu.dma_semaphore, #tpu.memory_space<semaphore_mem>>) {add = true}
        %dma_wait3A_163 = arith.constant 0 : i32
        %dma_wait3A_164 = tpu.memref_slice %arg9[%run_scoped3A, %dma_wait3A_163] : memref<25x128xi32, #tpu.memory_space<vmem>> -> memref<1x128xi32, #tpu.memory_space<vmem>>
        %dma_wait3A_165 = tpu.memref_squeeze %dma_wait3A_164 : memref<1x128xi32, #tpu.memory_space<vmem>> -> memref<128xi32, #tpu.memory_space<vmem>>
        %dma_wait3A_166 = arith.constant 0 : i32
        %dma_wait3A_167 = arith.constant 0 : i32
        %dma_wait3A_168 = tpu.memref_slice %arg19[%dma_wait3A_166, %dma_wait3A_167] : memref<1152x128xf32, #tpu.memory_space<vmem_shared>> -> memref<1152x128xf32, #tpu.memory_space<vmem_shared>>
        tpu.wait_indirect_dma semaphore(%run_scoped3A_157 : memref<!tpu.dma_semaphore, #tpu.memory_space<semaphore_mem>>) src(%arg12 : memref<128x128xf32, #tpu.memory_space<vmem>>) dst(%dma_wait3A_168 : memref<1152x128xf32, #tpu.memory_space<vmem_shared>>)
        tpu.yield
      }) : () -> ()
      %gt3A_145 = arith.constant 2 : i32
      %gt3A_146 = arith.cmpi sgt, %min3A, %gt3A_145 : i32
      %convert_element_type3A_147 = arith.extui %gt3A_146 : i1 to i32
      %cond3A_148 = arith.constant 0 : i32
      %cond3A_149 = arith.cmpi ne, %convert_element_type3A_147, %cond3A_148 : i32
      scf.if %cond3A_149 {
        %add3A_157 = arith.constant 2 : i32
        %add3A_158 = arith.addi %mul3A_4, %add3A_157 : i32
        %eq3A = arith.constant 781 : i32
        %eq3A_159 = arith.cmpi eq, %add3A_158, %eq3A : i32
        %mul3A_160 = arith.constant 128 : i32
        %mul3A_161 = arith.muli %add3A_158, %mul3A_160 : i32
        %jit3A_162 = arith.constant 99872 : i32
        %select_n3A = arith.select %eq3A_159, %jit3A_162, %mul3A_161 : i32
        %dma_start3A = arith.constant 0 : i32
        %dma_start3A_163 = tpu.memref_slice %arg3[%select_n3A, %dma_start3A] : memref<100000x128xf32, #tpu.memory_space<hbm>> -> memref<128x128xf32, #tpu.memory_space<hbm>>
        %dma_start3A_164 = arith.constant 0 : i32
        %dma_start3A_165 = tpu.memref_slice %arg3[%select_n3A, %dma_start3A_164] : memref<100000x128xf32, #tpu.memory_space<hbm>> -> memref<128x128xf32, #tpu.memory_space<hbm>>
        tpu.enqueue_dma source(%dma_start3A_165 : memref<128x128xf32, #tpu.memory_space<hbm>>) target(%arg13 : memref<128x128xf32, #tpu.memory_space<vmem>>) target_semaphore(%arg17 : memref<!tpu.dma_semaphore, #tpu.memory_space<semaphore_mem>>)
      } else {
      }
      %dma_wait3A_150 = arith.constant 0 : i32
      %dma_wait3A_151 = arith.constant 0 : i32
      %dma_wait3A_152 = tpu.memref_slice %arg3[%dma_wait3A_150, %dma_wait3A_151] : memref<100000x128xf32, #tpu.memory_space<hbm>> -> memref<128x128xf32, #tpu.memory_space<hbm>>
      %dma_wait3A_153 = arith.constant 0 : i32
      %dma_wait3A_154 = arith.constant 0 : i32
      %dma_wait3A_155 = tpu.memref_slice %arg3[%dma_wait3A_153, %dma_wait3A_154] : memref<100000x128xf32, #tpu.memory_space<hbm>> -> memref<128x128xf32, #tpu.memory_space<hbm>>
      tpu.wait_dma2 semaphore(%arg18 : memref<!tpu.dma_semaphore, #tpu.memory_space<semaphore_mem>>) src(%dma_wait3A_155 : memref<128x128xf32, #tpu.memory_space<hbm>>) dst(%arg14 : memref<128x128xf32, #tpu.memory_space<vmem>>)
      %run_scoped3A_156 = arith.constant 1 : i32
      "tpu.region"() ({
        %run_scoped3A_157 = tpu.sem_alloc : memref<!tpu.dma_semaphore, #tpu.memory_space<semaphore_mem>>
        %dma_start3A = arith.constant 0 : i32
        %dma_start3A_158 = tpu.memref_slice %arg10[%run_scoped3A_156, %dma_start3A] : memref<25x128xi32, #tpu.memory_space<vmem>> -> memref<1x128xi32, #tpu.memory_space<vmem>>
        %dma_start3A_159 = tpu.memref_squeeze %dma_start3A_158 : memref<1x128xi32, #tpu.memory_space<vmem>> -> memref<128xi32, #tpu.memory_space<vmem>>
        %dma_start3A_160 = arith.constant 0 : i32
        %dma_start3A_161 = arith.constant 0 : i32
        %dma_start3A_162 = tpu.memref_slice %arg20[%dma_start3A_160, %dma_start3A_161] : memref<1152x128xf32, #tpu.memory_space<vmem_shared>> -> memref<1152x128xf32, #tpu.memory_space<vmem_shared>>
        tpu.enqueue_indirect_dma source(%arg14 : memref<128x128xf32, #tpu.memory_space<vmem>>) target(%dma_start3A_162 : memref<1152x128xf32, #tpu.memory_space<vmem_shared>>) offsets(%dma_start3A_159 : memref<128xi32, #tpu.memory_space<vmem>>) semaphore(%run_scoped3A_157 : memref<!tpu.dma_semaphore, #tpu.memory_space<semaphore_mem>>) {add = true}
        %dma_wait3A_163 = arith.constant 0 : i32
        %dma_wait3A_164 = tpu.memref_slice %arg10[%run_scoped3A_156, %dma_wait3A_163] : memref<25x128xi32, #tpu.memory_space<vmem>> -> memref<1x128xi32, #tpu.memory_space<vmem>>
        %dma_wait3A_165 = tpu.memref_squeeze %dma_wait3A_164 : memref<1x128xi32, #tpu.memory_space<vmem>> -> memref<128xi32, #tpu.memory_space<vmem>>
        %dma_wait3A_166 = arith.constant 0 : i32
        %dma_wait3A_167 = arith.constant 0 : i32
        %dma_wait3A_168 = tpu.memref_slice %arg20[%dma_wait3A_166, %dma_wait3A_167] : memref<1152x128xf32, #tpu.memory_space<vmem_shared>> -> memref<1152x128xf32, #tpu.memory_space<vmem_shared>>
        tpu.wait_indirect_dma semaphore(%run_scoped3A_157 : memref<!tpu.dma_semaphore, #tpu.memory_space<semaphore_mem>>) src(%arg14 : memref<128x128xf32, #tpu.memory_space<vmem>>) dst(%dma_wait3A_168 : memref<1152x128xf32, #tpu.memory_space<vmem_shared>>)
        tpu.yield
      }) : () -> ()
    } else {
    }
    %gt3A_19 = arith.constant 2 : i32
    %gt3A_20 = arith.cmpi sgt, %min3A, %gt3A_19 : i32
    %convert_element_type3A_21 = arith.extui %gt3A_20 : i1 to i32
    %cond3A_22 = arith.constant 0 : i32
    %cond3A_23 = arith.cmpi ne, %convert_element_type3A_21, %cond3A_22 : i32
    scf.if %cond3A_23 {
      %gt3A_135 = arith.constant 3 : i32
      %gt3A_136 = arith.cmpi sgt, %min3A, %gt3A_135 : i32
      %convert_element_type3A_137 = arith.extui %gt3A_136 : i1 to i32
      %cond3A_138 = arith.constant 0 : i32
      %cond3A_139 = arith.cmpi ne, %convert_element_type3A_137, %cond3A_138 : i32
      scf.if %cond3A_139 {
        %add3A_157 = arith.constant 3 : i32
        %add3A_158 = arith.addi %mul3A_4, %add3A_157 : i32
        %eq3A = arith.constant 781 : i32
        %eq3A_159 = arith.cmpi eq, %add3A_158, %eq3A : i32
        %mul3A_160 = arith.constant 128 : i32
        %mul3A_161 = arith.muli %add3A_158, %mul3A_160 : i32
        %jit3A_162 = arith.constant 99872 : i32
        %select_n3A = arith.select %eq3A_159, %jit3A_162, %mul3A_161 : i32
        %dma_start3A = arith.constant 0 : i32
        %dma_start3A_163 = tpu.memref_slice %arg2[%select_n3A, %dma_start3A] : memref<100000x128xf32, #tpu.memory_space<hbm>> -> memref<128x128xf32, #tpu.memory_space<hbm>>
        %dma_start3A_164 = arith.constant 0 : i32
        %dma_start3A_165 = tpu.memref_slice %arg2[%select_n3A, %dma_start3A_164] : memref<100000x128xf32, #tpu.memory_space<hbm>> -> memref<128x128xf32, #tpu.memory_space<hbm>>
        tpu.enqueue_dma source(%dma_start3A_165 : memref<128x128xf32, #tpu.memory_space<hbm>>) target(%arg12 : memref<128x128xf32, #tpu.memory_space<vmem>>) target_semaphore(%arg16 : memref<!tpu.dma_semaphore, #tpu.memory_space<semaphore_mem>>)
      } else {
      }
      %dma_wait3A = arith.constant 0 : i32
      %dma_wait3A_140 = arith.constant 0 : i32
      %dma_wait3A_141 = tpu.memref_slice %arg2[%dma_wait3A, %dma_wait3A_140] : memref<100000x128xf32, #tpu.memory_space<hbm>> -> memref<128x128xf32, #tpu.memory_space<hbm>>
      %dma_wait3A_142 = arith.constant 0 : i32
      %dma_wait3A_143 = arith.constant 0 : i32
      %dma_wait3A_144 = tpu.memref_slice %arg2[%dma_wait3A_142, %dma_wait3A_143] : memref<100000x128xf32, #tpu.memory_space<hbm>> -> memref<128x128xf32, #tpu.memory_space<hbm>>
      tpu.wait_dma2 semaphore(%arg15 : memref<!tpu.dma_semaphore, #tpu.memory_space<semaphore_mem>>) src(%dma_wait3A_144 : memref<128x128xf32, #tpu.memory_space<hbm>>) dst(%arg11 : memref<128x128xf32, #tpu.memory_space<vmem>>)
      %run_scoped3A = arith.constant 2 : i32
      "tpu.region"() ({
        %run_scoped3A_157 = tpu.sem_alloc : memref<!tpu.dma_semaphore, #tpu.memory_space<semaphore_mem>>
        %dma_start3A = arith.constant 0 : i32
        %dma_start3A_158 = tpu.memref_slice %arg9[%run_scoped3A, %dma_start3A] : memref<25x128xi32, #tpu.memory_space<vmem>> -> memref<1x128xi32, #tpu.memory_space<vmem>>
        %dma_start3A_159 = tpu.memref_squeeze %dma_start3A_158 : memref<1x128xi32, #tpu.memory_space<vmem>> -> memref<128xi32, #tpu.memory_space<vmem>>
        %dma_start3A_160 = arith.constant 0 : i32
        %dma_start3A_161 = arith.constant 0 : i32
        %dma_start3A_162 = tpu.memref_slice %arg19[%dma_start3A_160, %dma_start3A_161] : memref<1152x128xf32, #tpu.memory_space<vmem_shared>> -> memref<1152x128xf32, #tpu.memory_space<vmem_shared>>
        tpu.enqueue_indirect_dma source(%arg11 : memref<128x128xf32, #tpu.memory_space<vmem>>) target(%dma_start3A_162 : memref<1152x128xf32, #tpu.memory_space<vmem_shared>>) offsets(%dma_start3A_159 : memref<128xi32, #tpu.memory_space<vmem>>) semaphore(%run_scoped3A_157 : memref<!tpu.dma_semaphore, #tpu.memory_space<semaphore_mem>>) {add = true}
        %dma_wait3A_163 = arith.constant 0 : i32
        %dma_wait3A_164 = tpu.memref_slice %arg9[%run_scoped3A, %dma_wait3A_163] : memref<25x128xi32, #tpu.memory_space<vmem>> -> memref<1x128xi32, #tpu.memory_space<vmem>>
        %dma_wait3A_165 = tpu.memref_squeeze %dma_wait3A_164 : memref<1x128xi32, #tpu.memory_space<vmem>> -> memref<128xi32, #tpu.memory_space<vmem>>
        %dma_wait3A_166 = arith.constant 0 : i32
        %dma_wait3A_167 = arith.constant 0 : i32
        %dma_wait3A_168 = tpu.memref_slice %arg19[%dma_wait3A_166, %dma_wait3A_167] : memref<1152x128xf32, #tpu.memory_space<vmem_shared>> -> memref<1152x128xf32, #tpu.memory_space<vmem_shared>>
        tpu.wait_indirect_dma semaphore(%run_scoped3A_157 : memref<!tpu.dma_semaphore, #tpu.memory_space<semaphore_mem>>) src(%arg11 : memref<128x128xf32, #tpu.memory_space<vmem>>) dst(%dma_wait3A_168 : memref<1152x128xf32, #tpu.memory_space<vmem_shared>>)
        tpu.yield
      }) : () -> ()
      %gt3A_145 = arith.constant 3 : i32
      %gt3A_146 = arith.cmpi sgt, %min3A, %gt3A_145 : i32
      %convert_element_type3A_147 = arith.extui %gt3A_146 : i1 to i32
      %cond3A_148 = arith.constant 0 : i32
      %cond3A_149 = arith.cmpi ne, %convert_element_type3A_147, %cond3A_148 : i32
      scf.if %cond3A_149 {
        %add3A_157 = arith.constant 3 : i32
        %add3A_158 = arith.addi %mul3A_4, %add3A_157 : i32
        %eq3A = arith.constant 781 : i32
        %eq3A_159 = arith.cmpi eq, %add3A_158, %eq3A : i32
        %mul3A_160 = arith.constant 128 : i32
        %mul3A_161 = arith.muli %add3A_158, %mul3A_160 : i32
        %jit3A_162 = arith.constant 99872 : i32
        %select_n3A = arith.select %eq3A_159, %jit3A_162, %mul3A_161 : i32
        %dma_start3A = arith.constant 0 : i32
        %dma_start3A_163 = tpu.memref_slice %arg3[%select_n3A, %dma_start3A] : memref<100000x128xf32, #tpu.memory_space<hbm>> -> memref<128x128xf32, #tpu.memory_space<hbm>>
        %dma_start3A_164 = arith.constant 0 : i32
        %dma_start3A_165 = tpu.memref_slice %arg3[%select_n3A, %dma_start3A_164] : memref<100000x128xf32, #tpu.memory_space<hbm>> -> memref<128x128xf32, #tpu.memory_space<hbm>>
        tpu.enqueue_dma source(%dma_start3A_165 : memref<128x128xf32, #tpu.memory_space<hbm>>) target(%arg14 : memref<128x128xf32, #tpu.memory_space<vmem>>) target_semaphore(%arg18 : memref<!tpu.dma_semaphore, #tpu.memory_space<semaphore_mem>>)
      } else {
      }
      %dma_wait3A_150 = arith.constant 0 : i32
      %dma_wait3A_151 = arith.constant 0 : i32
      %dma_wait3A_152 = tpu.memref_slice %arg3[%dma_wait3A_150, %dma_wait3A_151] : memref<100000x128xf32, #tpu.memory_space<hbm>> -> memref<128x128xf32, #tpu.memory_space<hbm>>
      %dma_wait3A_153 = arith.constant 0 : i32
      %dma_wait3A_154 = arith.constant 0 : i32
      %dma_wait3A_155 = tpu.memref_slice %arg3[%dma_wait3A_153, %dma_wait3A_154] : memref<100000x128xf32, #tpu.memory_space<hbm>> -> memref<128x128xf32, #tpu.memory_space<hbm>>
      tpu.wait_dma2 semaphore(%arg17 : memref<!tpu.dma_semaphore, #tpu.memory_space<semaphore_mem>>) src(%dma_wait3A_155 : memref<128x128xf32, #tpu.memory_space<hbm>>) dst(%arg13 : memref<128x128xf32, #tpu.memory_space<vmem>>)
      %run_scoped3A_156 = arith.constant 2 : i32
      "tpu.region"() ({
        %run_scoped3A_157 = tpu.sem_alloc : memref<!tpu.dma_semaphore, #tpu.memory_space<semaphore_mem>>
        %dma_start3A = arith.constant 0 : i32
        %dma_start3A_158 = tpu.memref_slice %arg10[%run_scoped3A_156, %dma_start3A] : memref<25x128xi32, #tpu.memory_space<vmem>> -> memref<1x128xi32, #tpu.memory_space<vmem>>
        %dma_start3A_159 = tpu.memref_squeeze %dma_start3A_158 : memref<1x128xi32, #tpu.memory_space<vmem>> -> memref<128xi32, #tpu.memory_space<vmem>>
        %dma_start3A_160 = arith.constant 0 : i32
        %dma_start3A_161 = arith.constant 0 : i32
        %dma_start3A_162 = tpu.memref_slice %arg20[%dma_start3A_160, %dma_start3A_161] : memref<1152x128xf32, #tpu.memory_space<vmem_shared>> -> memref<1152x128xf32, #tpu.memory_space<vmem_shared>>
        tpu.enqueue_indirect_dma source(%arg13 : memref<128x128xf32, #tpu.memory_space<vmem>>) target(%dma_start3A_162 : memref<1152x128xf32, #tpu.memory_space<vmem_shared>>) offsets(%dma_start3A_159 : memref<128xi32, #tpu.memory_space<vmem>>) semaphore(%run_scoped3A_157 : memref<!tpu.dma_semaphore, #tpu.memory_space<semaphore_mem>>) {add = true}
        %dma_wait3A_163 = arith.constant 0 : i32
        %dma_wait3A_164 = tpu.memref_slice %arg10[%run_scoped3A_156, %dma_wait3A_163] : memref<25x128xi32, #tpu.memory_space<vmem>> -> memref<1x128xi32, #tpu.memory_space<vmem>>
        %dma_wait3A_165 = tpu.memref_squeeze %dma_wait3A_164 : memref<1x128xi32, #tpu.memory_space<vmem>> -> memref<128xi32, #tpu.memory_space<vmem>>
        %dma_wait3A_166 = arith.constant 0 : i32
        %dma_wait3A_167 = arith.constant 0 : i32
        %dma_wait3A_168 = tpu.memref_slice %arg20[%dma_wait3A_166, %dma_wait3A_167] : memref<1152x128xf32, #tpu.memory_space<vmem_shared>> -> memref<1152x128xf32, #tpu.memory_space<vmem_shared>>
        tpu.wait_indirect_dma semaphore(%run_scoped3A_157 : memref<!tpu.dma_semaphore, #tpu.memory_space<semaphore_mem>>) src(%arg13 : memref<128x128xf32, #tpu.memory_space<vmem>>) dst(%dma_wait3A_168 : memref<1152x128xf32, #tpu.memory_space<vmem_shared>>)
        tpu.yield
      }) : () -> ()
    } else {
    }
    %gt3A_24 = arith.constant 3 : i32
    %gt3A_25 = arith.cmpi sgt, %min3A, %gt3A_24 : i32
    %convert_element_type3A_26 = arith.extui %gt3A_25 : i1 to i32
    %cond3A_27 = arith.constant 0 : i32
    %cond3A_28 = arith.cmpi ne, %convert_element_type3A_26, %cond3A_27 : i32
    scf.if %cond3A_28 {
      %gt3A_135 = arith.constant 4 : i32
      %gt3A_136 = arith.cmpi sgt, %min3A, %gt3A_135 : i32
      %convert_element_type3A_137 = arith.extui %gt3A_136 : i1 to i32
      %cond3A_138 = arith.constant 0 : i32
      %cond3A_139 = arith.cmpi ne, %convert_element_type3A_137, %cond3A_138 : i32
      scf.if %cond3A_139 {
        %add3A_157 = arith.constant 4 : i32
        %add3A_158 = arith.addi %mul3A_4, %add3A_157 : i32
        %eq3A = arith.constant 781 : i32
        %eq3A_159 = arith.cmpi eq, %add3A_158, %eq3A : i32
        %mul3A_160 = arith.constant 128 : i32
        %mul3A_161 = arith.muli %add3A_158, %mul3A_160 : i32
        %jit3A_162 = arith.constant 99872 : i32
        %select_n3A = arith.select %eq3A_159, %jit3A_162, %mul3A_161 : i32
        %dma_start3A = arith.constant 0 : i32
        %dma_start3A_163 = tpu.memref_slice %arg2[%select_n3A, %dma_start3A] : memref<100000x128xf32, #tpu.memory_space<hbm>> -> memref<128x128xf32, #tpu.memory_space<hbm>>
        %dma_start3A_164 = arith.constant 0 : i32
        %dma_start3A_165 = tpu.memref_slice %arg2[%select_n3A, %dma_start3A_164] : memref<100000x128xf32, #tpu.memory_space<hbm>> -> memref<128x128xf32, #tpu.memory_space<hbm>>
        tpu.enqueue_dma source(%dma_start3A_165 : memref<128x128xf32, #tpu.memory_space<hbm>>) target(%arg11 : memref<128x128xf32, #tpu.memory_space<vmem>>) target_semaphore(%arg15 : memref<!tpu.dma_semaphore, #tpu.memory_space<semaphore_mem>>)
      } else {
      }
      %dma_wait3A = arith.constant 0 : i32
      %dma_wait3A_140 = arith.constant 0 : i32
      %dma_wait3A_141 = tpu.memref_slice %arg2[%dma_wait3A, %dma_wait3A_140] : memref<100000x128xf32, #tpu.memory_space<hbm>> -> memref<128x128xf32, #tpu.memory_space<hbm>>
      %dma_wait3A_142 = arith.constant 0 : i32
      %dma_wait3A_143 = arith.constant 0 : i32
      %dma_wait3A_144 = tpu.memref_slice %arg2[%dma_wait3A_142, %dma_wait3A_143] : memref<100000x128xf32, #tpu.memory_space<hbm>> -> memref<128x128xf32, #tpu.memory_space<hbm>>
      tpu.wait_dma2 semaphore(%arg16 : memref<!tpu.dma_semaphore, #tpu.memory_space<semaphore_mem>>) src(%dma_wait3A_144 : memref<128x128xf32, #tpu.memory_space<hbm>>) dst(%arg12 : memref<128x128xf32, #tpu.memory_space<vmem>>)
      %run_scoped3A = arith.constant 3 : i32
      "tpu.region"() ({
        %run_scoped3A_157 = tpu.sem_alloc : memref<!tpu.dma_semaphore, #tpu.memory_space<semaphore_mem>>
        %dma_start3A = arith.constant 0 : i32
        %dma_start3A_158 = tpu.memref_slice %arg9[%run_scoped3A, %dma_start3A] : memref<25x128xi32, #tpu.memory_space<vmem>> -> memref<1x128xi32, #tpu.memory_space<vmem>>
        %dma_start3A_159 = tpu.memref_squeeze %dma_start3A_158 : memref<1x128xi32, #tpu.memory_space<vmem>> -> memref<128xi32, #tpu.memory_space<vmem>>
        %dma_start3A_160 = arith.constant 0 : i32
        %dma_start3A_161 = arith.constant 0 : i32
        %dma_start3A_162 = tpu.memref_slice %arg19[%dma_start3A_160, %dma_start3A_161] : memref<1152x128xf32, #tpu.memory_space<vmem_shared>> -> memref<1152x128xf32, #tpu.memory_space<vmem_shared>>
        tpu.enqueue_indirect_dma source(%arg12 : memref<128x128xf32, #tpu.memory_space<vmem>>) target(%dma_start3A_162 : memref<1152x128xf32, #tpu.memory_space<vmem_shared>>) offsets(%dma_start3A_159 : memref<128xi32, #tpu.memory_space<vmem>>) semaphore(%run_scoped3A_157 : memref<!tpu.dma_semaphore, #tpu.memory_space<semaphore_mem>>) {add = true}
        %dma_wait3A_163 = arith.constant 0 : i32
        %dma_wait3A_164 = tpu.memref_slice %arg9[%run_scoped3A, %dma_wait3A_163] : memref<25x128xi32, #tpu.memory_space<vmem>> -> memref<1x128xi32, #tpu.memory_space<vmem>>
        %dma_wait3A_165 = tpu.memref_squeeze %dma_wait3A_164 : memref<1x128xi32, #tpu.memory_space<vmem>> -> memref<128xi32, #tpu.memory_space<vmem>>
        %dma_wait3A_166 = arith.constant 0 : i32
        %dma_wait3A_167 = arith.constant 0 : i32
        %dma_wait3A_168 = tpu.memref_slice %arg19[%dma_wait3A_166, %dma_wait3A_167] : memref<1152x128xf32, #tpu.memory_space<vmem_shared>> -> memref<1152x128xf32, #tpu.memory_space<vmem_shared>>
        tpu.wait_indirect_dma semaphore(%run_scoped3A_157 : memref<!tpu.dma_semaphore, #tpu.memory_space<semaphore_mem>>) src(%arg12 : memref<128x128xf32, #tpu.memory_space<vmem>>) dst(%dma_wait3A_168 : memref<1152x128xf32, #tpu.memory_space<vmem_shared>>)
        tpu.yield
      }) : () -> ()
      %gt3A_145 = arith.constant 4 : i32
      %gt3A_146 = arith.cmpi sgt, %min3A, %gt3A_145 : i32
      %convert_element_type3A_147 = arith.extui %gt3A_146 : i1 to i32
      %cond3A_148 = arith.constant 0 : i32
      %cond3A_149 = arith.cmpi ne, %convert_element_type3A_147, %cond3A_148 : i32
      scf.if %cond3A_149 {
        %add3A_157 = arith.constant 4 : i32
        %add3A_158 = arith.addi %mul3A_4, %add3A_157 : i32
        %eq3A = arith.constant 781 : i32
        %eq3A_159 = arith.cmpi eq, %add3A_158, %eq3A : i32
        %mul3A_160 = arith.constant 128 : i32
        %mul3A_161 = arith.muli %add3A_158, %mul3A_160 : i32
        %jit3A_162 = arith.constant 99872 : i32
        %select_n3A = arith.select %eq3A_159, %jit3A_162, %mul3A_161 : i32
        %dma_start3A = arith.constant 0 : i32
        %dma_start3A_163 = tpu.memref_slice %arg3[%select_n3A, %dma_start3A] : memref<100000x128xf32, #tpu.memory_space<hbm>> -> memref<128x128xf32, #tpu.memory_space<hbm>>
        %dma_start3A_164 = arith.constant 0 : i32
        %dma_start3A_165 = tpu.memref_slice %arg3[%select_n3A, %dma_start3A_164] : memref<100000x128xf32, #tpu.memory_space<hbm>> -> memref<128x128xf32, #tpu.memory_space<hbm>>
        tpu.enqueue_dma source(%dma_start3A_165 : memref<128x128xf32, #tpu.memory_space<hbm>>) target(%arg13 : memref<128x128xf32, #tpu.memory_space<vmem>>) target_semaphore(%arg17 : memref<!tpu.dma_semaphore, #tpu.memory_space<semaphore_mem>>)
      } else {
      }
      %dma_wait3A_150 = arith.constant 0 : i32
      %dma_wait3A_151 = arith.constant 0 : i32
      %dma_wait3A_152 = tpu.memref_slice %arg3[%dma_wait3A_150, %dma_wait3A_151] : memref<100000x128xf32, #tpu.memory_space<hbm>> -> memref<128x128xf32, #tpu.memory_space<hbm>>
      %dma_wait3A_153 = arith.constant 0 : i32
      %dma_wait3A_154 = arith.constant 0 : i32
      %dma_wait3A_155 = tpu.memref_slice %arg3[%dma_wait3A_153, %dma_wait3A_154] : memref<100000x128xf32, #tpu.memory_space<hbm>> -> memref<128x128xf32, #tpu.memory_space<hbm>>
      tpu.wait_dma2 semaphore(%arg18 : memref<!tpu.dma_semaphore, #tpu.memory_space<semaphore_mem>>) src(%dma_wait3A_155 : memref<128x128xf32, #tpu.memory_space<hbm>>) dst(%arg14 : memref<128x128xf32, #tpu.memory_space<vmem>>)
      %run_scoped3A_156 = arith.constant 3 : i32
      "tpu.region"() ({
        %run_scoped3A_157 = tpu.sem_alloc : memref<!tpu.dma_semaphore, #tpu.memory_space<semaphore_mem>>
        %dma_start3A = arith.constant 0 : i32
        %dma_start3A_158 = tpu.memref_slice %arg10[%run_scoped3A_156, %dma_start3A] : memref<25x128xi32, #tpu.memory_space<vmem>> -> memref<1x128xi32, #tpu.memory_space<vmem>>
        %dma_start3A_159 = tpu.memref_squeeze %dma_start3A_158 : memref<1x128xi32, #tpu.memory_space<vmem>> -> memref<128xi32, #tpu.memory_space<vmem>>
        %dma_start3A_160 = arith.constant 0 : i32
        %dma_start3A_161 = arith.constant 0 : i32
        %dma_start3A_162 = tpu.memref_slice %arg20[%dma_start3A_160, %dma_start3A_161] : memref<1152x128xf32, #tpu.memory_space<vmem_shared>> -> memref<1152x128xf32, #tpu.memory_space<vmem_shared>>
        tpu.enqueue_indirect_dma source(%arg14 : memref<128x128xf32, #tpu.memory_space<vmem>>) target(%dma_start3A_162 : memref<1152x128xf32, #tpu.memory_space<vmem_shared>>) offsets(%dma_start3A_159 : memref<128xi32, #tpu.memory_space<vmem>>) semaphore(%run_scoped3A_157 : memref<!tpu.dma_semaphore, #tpu.memory_space<semaphore_mem>>) {add = true}
        %dma_wait3A_163 = arith.constant 0 : i32
        %dma_wait3A_164 = tpu.memref_slice %arg10[%run_scoped3A_156, %dma_wait3A_163] : memref<25x128xi32, #tpu.memory_space<vmem>> -> memref<1x128xi32, #tpu.memory_space<vmem>>
        %dma_wait3A_165 = tpu.memref_squeeze %dma_wait3A_164 : memref<1x128xi32, #tpu.memory_space<vmem>> -> memref<128xi32, #tpu.memory_space<vmem>>
        %dma_wait3A_166 = arith.constant 0 : i32
        %dma_wait3A_167 = arith.constant 0 : i32
        %dma_wait3A_168 = tpu.memref_slice %arg20[%dma_wait3A_166, %dma_wait3A_167] : memref<1152x128xf32, #tpu.memory_space<vmem_shared>> -> memref<1152x128xf32, #tpu.memory_space<vmem_shared>>
        tpu.wait_indirect_dma semaphore(%run_scoped3A_157 : memref<!tpu.dma_semaphore, #tpu.memory_space<semaphore_mem>>) src(%arg14 : memref<128x128xf32, #tpu.memory_space<vmem>>) dst(%dma_wait3A_168 : memref<1152x128xf32, #tpu.memory_space<vmem_shared>>)
        tpu.yield
      }) : () -> ()
    } else {
    }
    %gt3A_29 = arith.constant 4 : i32
    %gt3A_30 = arith.cmpi sgt, %min3A, %gt3A_29 : i32
    %convert_element_type3A_31 = arith.extui %gt3A_30 : i1 to i32
    %cond3A_32 = arith.constant 0 : i32
    %cond3A_33 = arith.cmpi ne, %convert_element_type3A_31, %cond3A_32 : i32
    scf.if %cond3A_33 {
      %gt3A_135 = arith.constant 5 : i32
      %gt3A_136 = arith.cmpi sgt, %min3A, %gt3A_135 : i32
      %convert_element_type3A_137 = arith.extui %gt3A_136 : i1 to i32
      %cond3A_138 = arith.constant 0 : i32
      %cond3A_139 = arith.cmpi ne, %convert_element_type3A_137, %cond3A_138 : i32
      scf.if %cond3A_139 {
        %add3A_157 = arith.constant 5 : i32
        %add3A_158 = arith.addi %mul3A_4, %add3A_157 : i32
        %eq3A = arith.constant 781 : i32
        %eq3A_159 = arith.cmpi eq, %add3A_158, %eq3A : i32
        %mul3A_160 = arith.constant 128 : i32
        %mul3A_161 = arith.muli %add3A_158, %mul3A_160 : i32
        %jit3A_162 = arith.constant 99872 : i32
        %select_n3A = arith.select %eq3A_159, %jit3A_162, %mul3A_161 : i32
        %dma_start3A = arith.constant 0 : i32
        %dma_start3A_163 = tpu.memref_slice %arg2[%select_n3A, %dma_start3A] : memref<100000x128xf32, #tpu.memory_space<hbm>> -> memref<128x128xf32, #tpu.memory_space<hbm>>
        %dma_start3A_164 = arith.constant 0 : i32
        %dma_start3A_165 = tpu.memref_slice %arg2[%select_n3A, %dma_start3A_164] : memref<100000x128xf32, #tpu.memory_space<hbm>> -> memref<128x128xf32, #tpu.memory_space<hbm>>
        tpu.enqueue_dma source(%dma_start3A_165 : memref<128x128xf32, #tpu.memory_space<hbm>>) target(%arg12 : memref<128x128xf32, #tpu.memory_space<vmem>>) target_semaphore(%arg16 : memref<!tpu.dma_semaphore, #tpu.memory_space<semaphore_mem>>)
      } else {
      }
      %dma_wait3A = arith.constant 0 : i32
      %dma_wait3A_140 = arith.constant 0 : i32
      %dma_wait3A_141 = tpu.memref_slice %arg2[%dma_wait3A, %dma_wait3A_140] : memref<100000x128xf32, #tpu.memory_space<hbm>> -> memref<128x128xf32, #tpu.memory_space<hbm>>
      %dma_wait3A_142 = arith.constant 0 : i32
      %dma_wait3A_143 = arith.constant 0 : i32
      %dma_wait3A_144 = tpu.memref_slice %arg2[%dma_wait3A_142, %dma_wait3A_143] : memref<100000x128xf32, #tpu.memory_space<hbm>> -> memref<128x128xf32, #tpu.memory_space<hbm>>
      tpu.wait_dma2 semaphore(%arg15 : memref<!tpu.dma_semaphore, #tpu.memory_space<semaphore_mem>>) src(%dma_wait3A_144 : memref<128x128xf32, #tpu.memory_space<hbm>>) dst(%arg11 : memref<128x128xf32, #tpu.memory_space<vmem>>)
      %run_scoped3A = arith.constant 4 : i32
      "tpu.region"() ({
        %run_scoped3A_157 = tpu.sem_alloc : memref<!tpu.dma_semaphore, #tpu.memory_space<semaphore_mem>>
        %dma_start3A = arith.constant 0 : i32
        %dma_start3A_158 = tpu.memref_slice %arg9[%run_scoped3A, %dma_start3A] : memref<25x128xi32, #tpu.memory_space<vmem>> -> memref<1x128xi32, #tpu.memory_space<vmem>>
        %dma_start3A_159 = tpu.memref_squeeze %dma_start3A_158 : memref<1x128xi32, #tpu.memory_space<vmem>> -> memref<128xi32, #tpu.memory_space<vmem>>
        %dma_start3A_160 = arith.constant 0 : i32
        %dma_start3A_161 = arith.constant 0 : i32
        %dma_start3A_162 = tpu.memref_slice %arg19[%dma_start3A_160, %dma_start3A_161] : memref<1152x128xf32, #tpu.memory_space<vmem_shared>> -> memref<1152x128xf32, #tpu.memory_space<vmem_shared>>
        tpu.enqueue_indirect_dma source(%arg11 : memref<128x128xf32, #tpu.memory_space<vmem>>) target(%dma_start3A_162 : memref<1152x128xf32, #tpu.memory_space<vmem_shared>>) offsets(%dma_start3A_159 : memref<128xi32, #tpu.memory_space<vmem>>) semaphore(%run_scoped3A_157 : memref<!tpu.dma_semaphore, #tpu.memory_space<semaphore_mem>>) {add = true}
        %dma_wait3A_163 = arith.constant 0 : i32
        %dma_wait3A_164 = tpu.memref_slice %arg9[%run_scoped3A, %dma_wait3A_163] : memref<25x128xi32, #tpu.memory_space<vmem>> -> memref<1x128xi32, #tpu.memory_space<vmem>>
        %dma_wait3A_165 = tpu.memref_squeeze %dma_wait3A_164 : memref<1x128xi32, #tpu.memory_space<vmem>> -> memref<128xi32, #tpu.memory_space<vmem>>
        %dma_wait3A_166 = arith.constant 0 : i32
        %dma_wait3A_167 = arith.constant 0 : i32
        %dma_wait3A_168 = tpu.memref_slice %arg19[%dma_wait3A_166, %dma_wait3A_167] : memref<1152x128xf32, #tpu.memory_space<vmem_shared>> -> memref<1152x128xf32, #tpu.memory_space<vmem_shared>>
        tpu.wait_indirect_dma semaphore(%run_scoped3A_157 : memref<!tpu.dma_semaphore, #tpu.memory_space<semaphore_mem>>) src(%arg11 : memref<128x128xf32, #tpu.memory_space<vmem>>) dst(%dma_wait3A_168 : memref<1152x128xf32, #tpu.memory_space<vmem_shared>>)
        tpu.yield
      }) : () -> ()
      %gt3A_145 = arith.constant 5 : i32
      %gt3A_146 = arith.cmpi sgt, %min3A, %gt3A_145 : i32
      %convert_element_type3A_147 = arith.extui %gt3A_146 : i1 to i32
      %cond3A_148 = arith.constant 0 : i32
      %cond3A_149 = arith.cmpi ne, %convert_element_type3A_147, %cond3A_148 : i32
      scf.if %cond3A_149 {
        %add3A_157 = arith.constant 5 : i32
        %add3A_158 = arith.addi %mul3A_4, %add3A_157 : i32
        %eq3A = arith.constant 781 : i32
        %eq3A_159 = arith.cmpi eq, %add3A_158, %eq3A : i32
        %mul3A_160 = arith.constant 128 : i32
        %mul3A_161 = arith.muli %add3A_158, %mul3A_160 : i32
        %jit3A_162 = arith.constant 99872 : i32
        %select_n3A = arith.select %eq3A_159, %jit3A_162, %mul3A_161 : i32
        %dma_start3A = arith.constant 0 : i32
        %dma_start3A_163 = tpu.memref_slice %arg3[%select_n3A, %dma_start3A] : memref<100000x128xf32, #tpu.memory_space<hbm>> -> memref<128x128xf32, #tpu.memory_space<hbm>>
        %dma_start3A_164 = arith.constant 0 : i32
        %dma_start3A_165 = tpu.memref_slice %arg3[%select_n3A, %dma_start3A_164] : memref<100000x128xf32, #tpu.memory_space<hbm>> -> memref<128x128xf32, #tpu.memory_space<hbm>>
        tpu.enqueue_dma source(%dma_start3A_165 : memref<128x128xf32, #tpu.memory_space<hbm>>) target(%arg14 : memref<128x128xf32, #tpu.memory_space<vmem>>) target_semaphore(%arg18 : memref<!tpu.dma_semaphore, #tpu.memory_space<semaphore_mem>>)
      } else {
      }
      %dma_wait3A_150 = arith.constant 0 : i32
      %dma_wait3A_151 = arith.constant 0 : i32
      %dma_wait3A_152 = tpu.memref_slice %arg3[%dma_wait3A_150, %dma_wait3A_151] : memref<100000x128xf32, #tpu.memory_space<hbm>> -> memref<128x128xf32, #tpu.memory_space<hbm>>
      %dma_wait3A_153 = arith.constant 0 : i32
      %dma_wait3A_154 = arith.constant 0 : i32
      %dma_wait3A_155 = tpu.memref_slice %arg3[%dma_wait3A_153, %dma_wait3A_154] : memref<100000x128xf32, #tpu.memory_space<hbm>> -> memref<128x128xf32, #tpu.memory_space<hbm>>
      tpu.wait_dma2 semaphore(%arg17 : memref<!tpu.dma_semaphore, #tpu.memory_space<semaphore_mem>>) src(%dma_wait3A_155 : memref<128x128xf32, #tpu.memory_space<hbm>>) dst(%arg13 : memref<128x128xf32, #tpu.memory_space<vmem>>)
      %run_scoped3A_156 = arith.constant 4 : i32
      "tpu.region"() ({
        %run_scoped3A_157 = tpu.sem_alloc : memref<!tpu.dma_semaphore, #tpu.memory_space<semaphore_mem>>
        %dma_start3A = arith.constant 0 : i32
        %dma_start3A_158 = tpu.memref_slice %arg10[%run_scoped3A_156, %dma_start3A] : memref<25x128xi32, #tpu.memory_space<vmem>> -> memref<1x128xi32, #tpu.memory_space<vmem>>
        %dma_start3A_159 = tpu.memref_squeeze %dma_start3A_158 : memref<1x128xi32, #tpu.memory_space<vmem>> -> memref<128xi32, #tpu.memory_space<vmem>>
        %dma_start3A_160 = arith.constant 0 : i32
        %dma_start3A_161 = arith.constant 0 : i32
        %dma_start3A_162 = tpu.memref_slice %arg20[%dma_start3A_160, %dma_start3A_161] : memref<1152x128xf32, #tpu.memory_space<vmem_shared>> -> memref<1152x128xf32, #tpu.memory_space<vmem_shared>>
        tpu.enqueue_indirect_dma source(%arg13 : memref<128x128xf32, #tpu.memory_space<vmem>>) target(%dma_start3A_162 : memref<1152x128xf32, #tpu.memory_space<vmem_shared>>) offsets(%dma_start3A_159 : memref<128xi32, #tpu.memory_space<vmem>>) semaphore(%run_scoped3A_157 : memref<!tpu.dma_semaphore, #tpu.memory_space<semaphore_mem>>) {add = true}
        %dma_wait3A_163 = arith.constant 0 : i32
        %dma_wait3A_164 = tpu.memref_slice %arg10[%run_scoped3A_156, %dma_wait3A_163] : memref<25x128xi32, #tpu.memory_space<vmem>> -> memref<1x128xi32, #tpu.memory_space<vmem>>
        %dma_wait3A_165 = tpu.memref_squeeze %dma_wait3A_164 : memref<1x128xi32, #tpu.memory_space<vmem>> -> memref<128xi32, #tpu.memory_space<vmem>>
        %dma_wait3A_166 = arith.constant 0 : i32
        %dma_wait3A_167 = arith.constant 0 : i32
        %dma_wait3A_168 = tpu.memref_slice %arg20[%dma_wait3A_166, %dma_wait3A_167] : memref<1152x128xf32, #tpu.memory_space<vmem_shared>> -> memref<1152x128xf32, #tpu.memory_space<vmem_shared>>
        tpu.wait_indirect_dma semaphore(%run_scoped3A_157 : memref<!tpu.dma_semaphore, #tpu.memory_space<semaphore_mem>>) src(%arg13 : memref<128x128xf32, #tpu.memory_space<vmem>>) dst(%dma_wait3A_168 : memref<1152x128xf32, #tpu.memory_space<vmem_shared>>)
        tpu.yield
      }) : () -> ()
    } else {
    }
    %gt3A_34 = arith.constant 5 : i32
    %gt3A_35 = arith.cmpi sgt, %min3A, %gt3A_34 : i32
    %convert_element_type3A_36 = arith.extui %gt3A_35 : i1 to i32
    %cond3A_37 = arith.constant 0 : i32
    %cond3A_38 = arith.cmpi ne, %convert_element_type3A_36, %cond3A_37 : i32
    scf.if %cond3A_38 {
      %gt3A_135 = arith.constant 6 : i32
      %gt3A_136 = arith.cmpi sgt, %min3A, %gt3A_135 : i32
      %convert_element_type3A_137 = arith.extui %gt3A_136 : i1 to i32
      %cond3A_138 = arith.constant 0 : i32
      %cond3A_139 = arith.cmpi ne, %convert_element_type3A_137, %cond3A_138 : i32
      scf.if %cond3A_139 {
        %add3A_157 = arith.constant 6 : i32
        %add3A_158 = arith.addi %mul3A_4, %add3A_157 : i32
        %eq3A = arith.constant 781 : i32
        %eq3A_159 = arith.cmpi eq, %add3A_158, %eq3A : i32
        %mul3A_160 = arith.constant 128 : i32
        %mul3A_161 = arith.muli %add3A_158, %mul3A_160 : i32
        %jit3A_162 = arith.constant 99872 : i32
        %select_n3A = arith.select %eq3A_159, %jit3A_162, %mul3A_161 : i32
        %dma_start3A = arith.constant 0 : i32
        %dma_start3A_163 = tpu.memref_slice %arg2[%select_n3A, %dma_start3A] : memref<100000x128xf32, #tpu.memory_space<hbm>> -> memref<128x128xf32, #tpu.memory_space<hbm>>
        %dma_start3A_164 = arith.constant 0 : i32
        %dma_start3A_165 = tpu.memref_slice %arg2[%select_n3A, %dma_start3A_164] : memref<100000x128xf32, #tpu.memory_space<hbm>> -> memref<128x128xf32, #tpu.memory_space<hbm>>
        tpu.enqueue_dma source(%dma_start3A_165 : memref<128x128xf32, #tpu.memory_space<hbm>>) target(%arg11 : memref<128x128xf32, #tpu.memory_space<vmem>>) target_semaphore(%arg15 : memref<!tpu.dma_semaphore, #tpu.memory_space<semaphore_mem>>)
      } else {
      }
      %dma_wait3A = arith.constant 0 : i32
      %dma_wait3A_140 = arith.constant 0 : i32
      %dma_wait3A_141 = tpu.memref_slice %arg2[%dma_wait3A, %dma_wait3A_140] : memref<100000x128xf32, #tpu.memory_space<hbm>> -> memref<128x128xf32, #tpu.memory_space<hbm>>
      %dma_wait3A_142 = arith.constant 0 : i32
      %dma_wait3A_143 = arith.constant 0 : i32
      %dma_wait3A_144 = tpu.memref_slice %arg2[%dma_wait3A_142, %dma_wait3A_143] : memref<100000x128xf32, #tpu.memory_space<hbm>> -> memref<128x128xf32, #tpu.memory_space<hbm>>
      tpu.wait_dma2 semaphore(%arg16 : memref<!tpu.dma_semaphore, #tpu.memory_space<semaphore_mem>>) src(%dma_wait3A_144 : memref<128x128xf32, #tpu.memory_space<hbm>>) dst(%arg12 : memref<128x128xf32, #tpu.memory_space<vmem>>)
      %run_scoped3A = arith.constant 5 : i32
      "tpu.region"() ({
        %run_scoped3A_157 = tpu.sem_alloc : memref<!tpu.dma_semaphore, #tpu.memory_space<semaphore_mem>>
        %dma_start3A = arith.constant 0 : i32
        %dma_start3A_158 = tpu.memref_slice %arg9[%run_scoped3A, %dma_start3A] : memref<25x128xi32, #tpu.memory_space<vmem>> -> memref<1x128xi32, #tpu.memory_space<vmem>>
        %dma_start3A_159 = tpu.memref_squeeze %dma_start3A_158 : memref<1x128xi32, #tpu.memory_space<vmem>> -> memref<128xi32, #tpu.memory_space<vmem>>
        %dma_start3A_160 = arith.constant 0 : i32
        %dma_start3A_161 = arith.constant 0 : i32
        %dma_start3A_162 = tpu.memref_slice %arg19[%dma_start3A_160, %dma_start3A_161] : memref<1152x128xf32, #tpu.memory_space<vmem_shared>> -> memref<1152x128xf32, #tpu.memory_space<vmem_shared>>
        tpu.enqueue_indirect_dma source(%arg12 : memref<128x128xf32, #tpu.memory_space<vmem>>) target(%dma_start3A_162 : memref<1152x128xf32, #tpu.memory_space<vmem_shared>>) offsets(%dma_start3A_159 : memref<128xi32, #tpu.memory_space<vmem>>) semaphore(%run_scoped3A_157 : memref<!tpu.dma_semaphore, #tpu.memory_space<semaphore_mem>>) {add = true}
        %dma_wait3A_163 = arith.constant 0 : i32
        %dma_wait3A_164 = tpu.memref_slice %arg9[%run_scoped3A, %dma_wait3A_163] : memref<25x128xi32, #tpu.memory_space<vmem>> -> memref<1x128xi32, #tpu.memory_space<vmem>>
        %dma_wait3A_165 = tpu.memref_squeeze %dma_wait3A_164 : memref<1x128xi32, #tpu.memory_space<vmem>> -> memref<128xi32, #tpu.memory_space<vmem>>
        %dma_wait3A_166 = arith.constant 0 : i32
        %dma_wait3A_167 = arith.constant 0 : i32
        %dma_wait3A_168 = tpu.memref_slice %arg19[%dma_wait3A_166, %dma_wait3A_167] : memref<1152x128xf32, #tpu.memory_space<vmem_shared>> -> memref<1152x128xf32, #tpu.memory_space<vmem_shared>>
        tpu.wait_indirect_dma semaphore(%run_scoped3A_157 : memref<!tpu.dma_semaphore, #tpu.memory_space<semaphore_mem>>) src(%arg12 : memref<128x128xf32, #tpu.memory_space<vmem>>) dst(%dma_wait3A_168 : memref<1152x128xf32, #tpu.memory_space<vmem_shared>>)
        tpu.yield
      }) : () -> ()
      %gt3A_145 = arith.constant 6 : i32
      %gt3A_146 = arith.cmpi sgt, %min3A, %gt3A_145 : i32
      %convert_element_type3A_147 = arith.extui %gt3A_146 : i1 to i32
      %cond3A_148 = arith.constant 0 : i32
      %cond3A_149 = arith.cmpi ne, %convert_element_type3A_147, %cond3A_148 : i32
      scf.if %cond3A_149 {
        %add3A_157 = arith.constant 6 : i32
        %add3A_158 = arith.addi %mul3A_4, %add3A_157 : i32
        %eq3A = arith.constant 781 : i32
        %eq3A_159 = arith.cmpi eq, %add3A_158, %eq3A : i32
        %mul3A_160 = arith.constant 128 : i32
        %mul3A_161 = arith.muli %add3A_158, %mul3A_160 : i32
        %jit3A_162 = arith.constant 99872 : i32
        %select_n3A = arith.select %eq3A_159, %jit3A_162, %mul3A_161 : i32
        %dma_start3A = arith.constant 0 : i32
        %dma_start3A_163 = tpu.memref_slice %arg3[%select_n3A, %dma_start3A] : memref<100000x128xf32, #tpu.memory_space<hbm>> -> memref<128x128xf32, #tpu.memory_space<hbm>>
        %dma_start3A_164 = arith.constant 0 : i32
        %dma_start3A_165 = tpu.memref_slice %arg3[%select_n3A, %dma_start3A_164] : memref<100000x128xf32, #tpu.memory_space<hbm>> -> memref<128x128xf32, #tpu.memory_space<hbm>>
        tpu.enqueue_dma source(%dma_start3A_165 : memref<128x128xf32, #tpu.memory_space<hbm>>) target(%arg13 : memref<128x128xf32, #tpu.memory_space<vmem>>) target_semaphore(%arg17 : memref<!tpu.dma_semaphore, #tpu.memory_space<semaphore_mem>>)
      } else {
      }
      %dma_wait3A_150 = arith.constant 0 : i32
      %dma_wait3A_151 = arith.constant 0 : i32
      %dma_wait3A_152 = tpu.memref_slice %arg3[%dma_wait3A_150, %dma_wait3A_151] : memref<100000x128xf32, #tpu.memory_space<hbm>> -> memref<128x128xf32, #tpu.memory_space<hbm>>
      %dma_wait3A_153 = arith.constant 0 : i32
      %dma_wait3A_154 = arith.constant 0 : i32
      %dma_wait3A_155 = tpu.memref_slice %arg3[%dma_wait3A_153, %dma_wait3A_154] : memref<100000x128xf32, #tpu.memory_space<hbm>> -> memref<128x128xf32, #tpu.memory_space<hbm>>
      tpu.wait_dma2 semaphore(%arg18 : memref<!tpu.dma_semaphore, #tpu.memory_space<semaphore_mem>>) src(%dma_wait3A_155 : memref<128x128xf32, #tpu.memory_space<hbm>>) dst(%arg14 : memref<128x128xf32, #tpu.memory_space<vmem>>)
      %run_scoped3A_156 = arith.constant 5 : i32
      "tpu.region"() ({
        %run_scoped3A_157 = tpu.sem_alloc : memref<!tpu.dma_semaphore, #tpu.memory_space<semaphore_mem>>
        %dma_start3A = arith.constant 0 : i32
        %dma_start3A_158 = tpu.memref_slice %arg10[%run_scoped3A_156, %dma_start3A] : memref<25x128xi32, #tpu.memory_space<vmem>> -> memref<1x128xi32, #tpu.memory_space<vmem>>
        %dma_start3A_159 = tpu.memref_squeeze %dma_start3A_158 : memref<1x128xi32, #tpu.memory_space<vmem>> -> memref<128xi32, #tpu.memory_space<vmem>>
        %dma_start3A_160 = arith.constant 0 : i32
        %dma_start3A_161 = arith.constant 0 : i32
        %dma_start3A_162 = tpu.memref_slice %arg20[%dma_start3A_160, %dma_start3A_161] : memref<1152x128xf32, #tpu.memory_space<vmem_shared>> -> memref<1152x128xf32, #tpu.memory_space<vmem_shared>>
        tpu.enqueue_indirect_dma source(%arg14 : memref<128x128xf32, #tpu.memory_space<vmem>>) target(%dma_start3A_162 : memref<1152x128xf32, #tpu.memory_space<vmem_shared>>) offsets(%dma_start3A_159 : memref<128xi32, #tpu.memory_space<vmem>>) semaphore(%run_scoped3A_157 : memref<!tpu.dma_semaphore, #tpu.memory_space<semaphore_mem>>) {add = true}
        %dma_wait3A_163 = arith.constant 0 : i32
        %dma_wait3A_164 = tpu.memref_slice %arg10[%run_scoped3A_156, %dma_wait3A_163] : memref<25x128xi32, #tpu.memory_space<vmem>> -> memref<1x128xi32, #tpu.memory_space<vmem>>
        %dma_wait3A_165 = tpu.memref_squeeze %dma_wait3A_164 : memref<1x128xi32, #tpu.memory_space<vmem>> -> memref<128xi32, #tpu.memory_space<vmem>>
        %dma_wait3A_166 = arith.constant 0 : i32
        %dma_wait3A_167 = arith.constant 0 : i32
        %dma_wait3A_168 = tpu.memref_slice %arg20[%dma_wait3A_166, %dma_wait3A_167] : memref<1152x128xf32, #tpu.memory_space<vmem_shared>> -> memref<1152x128xf32, #tpu.memory_space<vmem_shared>>
        tpu.wait_indirect_dma semaphore(%run_scoped3A_157 : memref<!tpu.dma_semaphore, #tpu.memory_space<semaphore_mem>>) src(%arg14 : memref<128x128xf32, #tpu.memory_space<vmem>>) dst(%dma_wait3A_168 : memref<1152x128xf32, #tpu.memory_space<vmem_shared>>)
        tpu.yield
      }) : () -> ()
    } else {
    }
    %gt3A_39 = arith.constant 6 : i32
    %gt3A_40 = arith.cmpi sgt, %min3A, %gt3A_39 : i32
    %convert_element_type3A_41 = arith.extui %gt3A_40 : i1 to i32
    %cond3A_42 = arith.constant 0 : i32
    %cond3A_43 = arith.cmpi ne, %convert_element_type3A_41, %cond3A_42 : i32
    scf.if %cond3A_43 {
      %gt3A_135 = arith.constant 7 : i32
      %gt3A_136 = arith.cmpi sgt, %min3A, %gt3A_135 : i32
      %convert_element_type3A_137 = arith.extui %gt3A_136 : i1 to i32
      %cond3A_138 = arith.constant 0 : i32
      %cond3A_139 = arith.cmpi ne, %convert_element_type3A_137, %cond3A_138 : i32
      scf.if %cond3A_139 {
        %add3A_157 = arith.constant 7 : i32
        %add3A_158 = arith.addi %mul3A_4, %add3A_157 : i32
        %eq3A = arith.constant 781 : i32
        %eq3A_159 = arith.cmpi eq, %add3A_158, %eq3A : i32
        %mul3A_160 = arith.constant 128 : i32
        %mul3A_161 = arith.muli %add3A_158, %mul3A_160 : i32
        %jit3A_162 = arith.constant 99872 : i32
        %select_n3A = arith.select %eq3A_159, %jit3A_162, %mul3A_161 : i32
        %dma_start3A = arith.constant 0 : i32
        %dma_start3A_163 = tpu.memref_slice %arg2[%select_n3A, %dma_start3A] : memref<100000x128xf32, #tpu.memory_space<hbm>> -> memref<128x128xf32, #tpu.memory_space<hbm>>
        %dma_start3A_164 = arith.constant 0 : i32
        %dma_start3A_165 = tpu.memref_slice %arg2[%select_n3A, %dma_start3A_164] : memref<100000x128xf32, #tpu.memory_space<hbm>> -> memref<128x128xf32, #tpu.memory_space<hbm>>
        tpu.enqueue_dma source(%dma_start3A_165 : memref<128x128xf32, #tpu.memory_space<hbm>>) target(%arg12 : memref<128x128xf32, #tpu.memory_space<vmem>>) target_semaphore(%arg16 : memref<!tpu.dma_semaphore, #tpu.memory_space<semaphore_mem>>)
      } else {
      }
      %dma_wait3A = arith.constant 0 : i32
      %dma_wait3A_140 = arith.constant 0 : i32
      %dma_wait3A_141 = tpu.memref_slice %arg2[%dma_wait3A, %dma_wait3A_140] : memref<100000x128xf32, #tpu.memory_space<hbm>> -> memref<128x128xf32, #tpu.memory_space<hbm>>
      %dma_wait3A_142 = arith.constant 0 : i32
      %dma_wait3A_143 = arith.constant 0 : i32
      %dma_wait3A_144 = tpu.memref_slice %arg2[%dma_wait3A_142, %dma_wait3A_143] : memref<100000x128xf32, #tpu.memory_space<hbm>> -> memref<128x128xf32, #tpu.memory_space<hbm>>
      tpu.wait_dma2 semaphore(%arg15 : memref<!tpu.dma_semaphore, #tpu.memory_space<semaphore_mem>>) src(%dma_wait3A_144 : memref<128x128xf32, #tpu.memory_space<hbm>>) dst(%arg11 : memref<128x128xf32, #tpu.memory_space<vmem>>)
      %run_scoped3A = arith.constant 6 : i32
      "tpu.region"() ({
        %run_scoped3A_157 = tpu.sem_alloc : memref<!tpu.dma_semaphore, #tpu.memory_space<semaphore_mem>>
        %dma_start3A = arith.constant 0 : i32
        %dma_start3A_158 = tpu.memref_slice %arg9[%run_scoped3A, %dma_start3A] : memref<25x128xi32, #tpu.memory_space<vmem>> -> memref<1x128xi32, #tpu.memory_space<vmem>>
        %dma_start3A_159 = tpu.memref_squeeze %dma_start3A_158 : memref<1x128xi32, #tpu.memory_space<vmem>> -> memref<128xi32, #tpu.memory_space<vmem>>
        %dma_start3A_160 = arith.constant 0 : i32
        %dma_start3A_161 = arith.constant 0 : i32
        %dma_start3A_162 = tpu.memref_slice %arg19[%dma_start3A_160, %dma_start3A_161] : memref<1152x128xf32, #tpu.memory_space<vmem_shared>> -> memref<1152x128xf32, #tpu.memory_space<vmem_shared>>
        tpu.enqueue_indirect_dma source(%arg11 : memref<128x128xf32, #tpu.memory_space<vmem>>) target(%dma_start3A_162 : memref<1152x128xf32, #tpu.memory_space<vmem_shared>>) offsets(%dma_start3A_159 : memref<128xi32, #tpu.memory_space<vmem>>) semaphore(%run_scoped3A_157 : memref<!tpu.dma_semaphore, #tpu.memory_space<semaphore_mem>>) {add = true}
        %dma_wait3A_163 = arith.constant 0 : i32
        %dma_wait3A_164 = tpu.memref_slice %arg9[%run_scoped3A, %dma_wait3A_163] : memref<25x128xi32, #tpu.memory_space<vmem>> -> memref<1x128xi32, #tpu.memory_space<vmem>>
        %dma_wait3A_165 = tpu.memref_squeeze %dma_wait3A_164 : memref<1x128xi32, #tpu.memory_space<vmem>> -> memref<128xi32, #tpu.memory_space<vmem>>
        %dma_wait3A_166 = arith.constant 0 : i32
        %dma_wait3A_167 = arith.constant 0 : i32
        %dma_wait3A_168 = tpu.memref_slice %arg19[%dma_wait3A_166, %dma_wait3A_167] : memref<1152x128xf32, #tpu.memory_space<vmem_shared>> -> memref<1152x128xf32, #tpu.memory_space<vmem_shared>>
        tpu.wait_indirect_dma semaphore(%run_scoped3A_157 : memref<!tpu.dma_semaphore, #tpu.memory_space<semaphore_mem>>) src(%arg11 : memref<128x128xf32, #tpu.memory_space<vmem>>) dst(%dma_wait3A_168 : memref<1152x128xf32, #tpu.memory_space<vmem_shared>>)
        tpu.yield
      }) : () -> ()
      %gt3A_145 = arith.constant 7 : i32
      %gt3A_146 = arith.cmpi sgt, %min3A, %gt3A_145 : i32
      %convert_element_type3A_147 = arith.extui %gt3A_146 : i1 to i32
      %cond3A_148 = arith.constant 0 : i32
      %cond3A_149 = arith.cmpi ne, %convert_element_type3A_147, %cond3A_148 : i32
      scf.if %cond3A_149 {
        %add3A_157 = arith.constant 7 : i32
        %add3A_158 = arith.addi %mul3A_4, %add3A_157 : i32
        %eq3A = arith.constant 781 : i32
        %eq3A_159 = arith.cmpi eq, %add3A_158, %eq3A : i32
        %mul3A_160 = arith.constant 128 : i32
        %mul3A_161 = arith.muli %add3A_158, %mul3A_160 : i32
        %jit3A_162 = arith.constant 99872 : i32
        %select_n3A = arith.select %eq3A_159, %jit3A_162, %mul3A_161 : i32
        %dma_start3A = arith.constant 0 : i32
        %dma_start3A_163 = tpu.memref_slice %arg3[%select_n3A, %dma_start3A] : memref<100000x128xf32, #tpu.memory_space<hbm>> -> memref<128x128xf32, #tpu.memory_space<hbm>>
        %dma_start3A_164 = arith.constant 0 : i32
        %dma_start3A_165 = tpu.memref_slice %arg3[%select_n3A, %dma_start3A_164] : memref<100000x128xf32, #tpu.memory_space<hbm>> -> memref<128x128xf32, #tpu.memory_space<hbm>>
        tpu.enqueue_dma source(%dma_start3A_165 : memref<128x128xf32, #tpu.memory_space<hbm>>) target(%arg14 : memref<128x128xf32, #tpu.memory_space<vmem>>) target_semaphore(%arg18 : memref<!tpu.dma_semaphore, #tpu.memory_space<semaphore_mem>>)
      } else {
      }
      %dma_wait3A_150 = arith.constant 0 : i32
      %dma_wait3A_151 = arith.constant 0 : i32
      %dma_wait3A_152 = tpu.memref_slice %arg3[%dma_wait3A_150, %dma_wait3A_151] : memref<100000x128xf32, #tpu.memory_space<hbm>> -> memref<128x128xf32, #tpu.memory_space<hbm>>
      %dma_wait3A_153 = arith.constant 0 : i32
      %dma_wait3A_154 = arith.constant 0 : i32
      %dma_wait3A_155 = tpu.memref_slice %arg3[%dma_wait3A_153, %dma_wait3A_154] : memref<100000x128xf32, #tpu.memory_space<hbm>> -> memref<128x128xf32, #tpu.memory_space<hbm>>
      tpu.wait_dma2 semaphore(%arg17 : memref<!tpu.dma_semaphore, #tpu.memory_space<semaphore_mem>>) src(%dma_wait3A_155 : memref<128x128xf32, #tpu.memory_space<hbm>>) dst(%arg13 : memref<128x128xf32, #tpu.memory_space<vmem>>)
      %run_scoped3A_156 = arith.constant 6 : i32
      "tpu.region"() ({
        %run_scoped3A_157 = tpu.sem_alloc : memref<!tpu.dma_semaphore, #tpu.memory_space<semaphore_mem>>
        %dma_start3A = arith.constant 0 : i32
        %dma_start3A_158 = tpu.memref_slice %arg10[%run_scoped3A_156, %dma_start3A] : memref<25x128xi32, #tpu.memory_space<vmem>> -> memref<1x128xi32, #tpu.memory_space<vmem>>
        %dma_start3A_159 = tpu.memref_squeeze %dma_start3A_158 : memref<1x128xi32, #tpu.memory_space<vmem>> -> memref<128xi32, #tpu.memory_space<vmem>>
        %dma_start3A_160 = arith.constant 0 : i32
        %dma_start3A_161 = arith.constant 0 : i32
        %dma_start3A_162 = tpu.memref_slice %arg20[%dma_start3A_160, %dma_start3A_161] : memref<1152x128xf32, #tpu.memory_space<vmem_shared>> -> memref<1152x128xf32, #tpu.memory_space<vmem_shared>>
        tpu.enqueue_indirect_dma source(%arg13 : memref<128x128xf32, #tpu.memory_space<vmem>>) target(%dma_start3A_162 : memref<1152x128xf32, #tpu.memory_space<vmem_shared>>) offsets(%dma_start3A_159 : memref<128xi32, #tpu.memory_space<vmem>>) semaphore(%run_scoped3A_157 : memref<!tpu.dma_semaphore, #tpu.memory_space<semaphore_mem>>) {add = true}
        %dma_wait3A_163 = arith.constant 0 : i32
        %dma_wait3A_164 = tpu.memref_slice %arg10[%run_scoped3A_156, %dma_wait3A_163] : memref<25x128xi32, #tpu.memory_space<vmem>> -> memref<1x128xi32, #tpu.memory_space<vmem>>
        %dma_wait3A_165 = tpu.memref_squeeze %dma_wait3A_164 : memref<1x128xi32, #tpu.memory_space<vmem>> -> memref<128xi32, #tpu.memory_space<vmem>>
        %dma_wait3A_166 = arith.constant 0 : i32
        %dma_wait3A_167 = arith.constant 0 : i32
        %dma_wait3A_168 = tpu.memref_slice %arg20[%dma_wait3A_166, %dma_wait3A_167] : memref<1152x128xf32, #tpu.memory_space<vmem_shared>> -> memref<1152x128xf32, #tpu.memory_space<vmem_shared>>
        tpu.wait_indirect_dma semaphore(%run_scoped3A_157 : memref<!tpu.dma_semaphore, #tpu.memory_space<semaphore_mem>>) src(%arg13 : memref<128x128xf32, #tpu.memory_space<vmem>>) dst(%dma_wait3A_168 : memref<1152x128xf32, #tpu.memory_space<vmem_shared>>)
        tpu.yield
      }) : () -> ()
    } else {
    }
    %gt3A_44 = arith.constant 7 : i32
    %gt3A_45 = arith.cmpi sgt, %min3A, %gt3A_44 : i32
    %convert_element_type3A_46 = arith.extui %gt3A_45 : i1 to i32
    %cond3A_47 = arith.constant 0 : i32
    %cond3A_48 = arith.cmpi ne, %convert_element_type3A_46, %cond3A_47 : i32
    scf.if %cond3A_48 {
      %gt3A_135 = arith.constant 8 : i32
      %gt3A_136 = arith.cmpi sgt, %min3A, %gt3A_135 : i32
      %convert_element_type3A_137 = arith.extui %gt3A_136 : i1 to i32
      %cond3A_138 = arith.constant 0 : i32
      %cond3A_139 = arith.cmpi ne, %convert_element_type3A_137, %cond3A_138 : i32
      scf.if %cond3A_139 {
        %add3A_157 = arith.constant 8 : i32
        %add3A_158 = arith.addi %mul3A_4, %add3A_157 : i32
        %eq3A = arith.constant 781 : i32
        %eq3A_159 = arith.cmpi eq, %add3A_158, %eq3A : i32
        %mul3A_160 = arith.constant 128 : i32
        %mul3A_161 = arith.muli %add3A_158, %mul3A_160 : i32
        %jit3A_162 = arith.constant 99872 : i32
        %select_n3A = arith.select %eq3A_159, %jit3A_162, %mul3A_161 : i32
        %dma_start3A = arith.constant 0 : i32
        %dma_start3A_163 = tpu.memref_slice %arg2[%select_n3A, %dma_start3A] : memref<100000x128xf32, #tpu.memory_space<hbm>> -> memref<128x128xf32, #tpu.memory_space<hbm>>
        %dma_start3A_164 = arith.constant 0 : i32
        %dma_start3A_165 = tpu.memref_slice %arg2[%select_n3A, %dma_start3A_164] : memref<100000x128xf32, #tpu.memory_space<hbm>> -> memref<128x128xf32, #tpu.memory_space<hbm>>
        tpu.enqueue_dma source(%dma_start3A_165 : memref<128x128xf32, #tpu.memory_space<hbm>>) target(%arg11 : memref<128x128xf32, #tpu.memory_space<vmem>>) target_semaphore(%arg15 : memref<!tpu.dma_semaphore, #tpu.memory_space<semaphore_mem>>)
      } else {
      }
      %dma_wait3A = arith.constant 0 : i32
      %dma_wait3A_140 = arith.constant 0 : i32
      %dma_wait3A_141 = tpu.memref_slice %arg2[%dma_wait3A, %dma_wait3A_140] : memref<100000x128xf32, #tpu.memory_space<hbm>> -> memref<128x128xf32, #tpu.memory_space<hbm>>
      %dma_wait3A_142 = arith.constant 0 : i32
      %dma_wait3A_143 = arith.constant 0 : i32
      %dma_wait3A_144 = tpu.memref_slice %arg2[%dma_wait3A_142, %dma_wait3A_143] : memref<100000x128xf32, #tpu.memory_space<hbm>> -> memref<128x128xf32, #tpu.memory_space<hbm>>
      tpu.wait_dma2 semaphore(%arg16 : memref<!tpu.dma_semaphore, #tpu.memory_space<semaphore_mem>>) src(%dma_wait3A_144 : memref<128x128xf32, #tpu.memory_space<hbm>>) dst(%arg12 : memref<128x128xf32, #tpu.memory_space<vmem>>)
      %run_scoped3A = arith.constant 7 : i32
      "tpu.region"() ({
        %run_scoped3A_157 = tpu.sem_alloc : memref<!tpu.dma_semaphore, #tpu.memory_space<semaphore_mem>>
        %dma_start3A = arith.constant 0 : i32
        %dma_start3A_158 = tpu.memref_slice %arg9[%run_scoped3A, %dma_start3A] : memref<25x128xi32, #tpu.memory_space<vmem>> -> memref<1x128xi32, #tpu.memory_space<vmem>>
        %dma_start3A_159 = tpu.memref_squeeze %dma_start3A_158 : memref<1x128xi32, #tpu.memory_space<vmem>> -> memref<128xi32, #tpu.memory_space<vmem>>
        %dma_start3A_160 = arith.constant 0 : i32
        %dma_start3A_161 = arith.constant 0 : i32
        %dma_start3A_162 = tpu.memref_slice %arg19[%dma_start3A_160, %dma_start3A_161] : memref<1152x128xf32, #tpu.memory_space<vmem_shared>> -> memref<1152x128xf32, #tpu.memory_space<vmem_shared>>
        tpu.enqueue_indirect_dma source(%arg12 : memref<128x128xf32, #tpu.memory_space<vmem>>) target(%dma_start3A_162 : memref<1152x128xf32, #tpu.memory_space<vmem_shared>>) offsets(%dma_start3A_159 : memref<128xi32, #tpu.memory_space<vmem>>) semaphore(%run_scoped3A_157 : memref<!tpu.dma_semaphore, #tpu.memory_space<semaphore_mem>>) {add = true}
        %dma_wait3A_163 = arith.constant 0 : i32
        %dma_wait3A_164 = tpu.memref_slice %arg9[%run_scoped3A, %dma_wait3A_163] : memref<25x128xi32, #tpu.memory_space<vmem>> -> memref<1x128xi32, #tpu.memory_space<vmem>>
        %dma_wait3A_165 = tpu.memref_squeeze %dma_wait3A_164 : memref<1x128xi32, #tpu.memory_space<vmem>> -> memref<128xi32, #tpu.memory_space<vmem>>
        %dma_wait3A_166 = arith.constant 0 : i32
        %dma_wait3A_167 = arith.constant 0 : i32
        %dma_wait3A_168 = tpu.memref_slice %arg19[%dma_wait3A_166, %dma_wait3A_167] : memref<1152x128xf32, #tpu.memory_space<vmem_shared>> -> memref<1152x128xf32, #tpu.memory_space<vmem_shared>>
        tpu.wait_indirect_dma semaphore(%run_scoped3A_157 : memref<!tpu.dma_semaphore, #tpu.memory_space<semaphore_mem>>) src(%arg12 : memref<128x128xf32, #tpu.memory_space<vmem>>) dst(%dma_wait3A_168 : memref<1152x128xf32, #tpu.memory_space<vmem_shared>>)
        tpu.yield
      }) : () -> ()
      %gt3A_145 = arith.constant 8 : i32
      %gt3A_146 = arith.cmpi sgt, %min3A, %gt3A_145 : i32
      %convert_element_type3A_147 = arith.extui %gt3A_146 : i1 to i32
      %cond3A_148 = arith.constant 0 : i32
      %cond3A_149 = arith.cmpi ne, %convert_element_type3A_147, %cond3A_148 : i32
      scf.if %cond3A_149 {
        %add3A_157 = arith.constant 8 : i32
        %add3A_158 = arith.addi %mul3A_4, %add3A_157 : i32
        %eq3A = arith.constant 781 : i32
        %eq3A_159 = arith.cmpi eq, %add3A_158, %eq3A : i32
        %mul3A_160 = arith.constant 128 : i32
        %mul3A_161 = arith.muli %add3A_158, %mul3A_160 : i32
        %jit3A_162 = arith.constant 99872 : i32
        %select_n3A = arith.select %eq3A_159, %jit3A_162, %mul3A_161 : i32
        %dma_start3A = arith.constant 0 : i32
        %dma_start3A_163 = tpu.memref_slice %arg3[%select_n3A, %dma_start3A] : memref<100000x128xf32, #tpu.memory_space<hbm>> -> memref<128x128xf32, #tpu.memory_space<hbm>>
        %dma_start3A_164 = arith.constant 0 : i32
        %dma_start3A_165 = tpu.memref_slice %arg3[%select_n3A, %dma_start3A_164] : memref<100000x128xf32, #tpu.memory_space<hbm>> -> memref<128x128xf32, #tpu.memory_space<hbm>>
        tpu.enqueue_dma source(%dma_start3A_165 : memref<128x128xf32, #tpu.memory_space<hbm>>) target(%arg13 : memref<128x128xf32, #tpu.memory_space<vmem>>) target_semaphore(%arg17 : memref<!tpu.dma_semaphore, #tpu.memory_space<semaphore_mem>>)
      } else {
      }
      %dma_wait3A_150 = arith.constant 0 : i32
      %dma_wait3A_151 = arith.constant 0 : i32
      %dma_wait3A_152 = tpu.memref_slice %arg3[%dma_wait3A_150, %dma_wait3A_151] : memref<100000x128xf32, #tpu.memory_space<hbm>> -> memref<128x128xf32, #tpu.memory_space<hbm>>
      %dma_wait3A_153 = arith.constant 0 : i32
      %dma_wait3A_154 = arith.constant 0 : i32
      %dma_wait3A_155 = tpu.memref_slice %arg3[%dma_wait3A_153, %dma_wait3A_154] : memref<100000x128xf32, #tpu.memory_space<hbm>> -> memref<128x128xf32, #tpu.memory_space<hbm>>
      tpu.wait_dma2 semaphore(%arg18 : memref<!tpu.dma_semaphore, #tpu.memory_space<semaphore_mem>>) src(%dma_wait3A_155 : memref<128x128xf32, #tpu.memory_space<hbm>>) dst(%arg14 : memref<128x128xf32, #tpu.memory_space<vmem>>)
      %run_scoped3A_156 = arith.constant 7 : i32
      "tpu.region"() ({
        %run_scoped3A_157 = tpu.sem_alloc : memref<!tpu.dma_semaphore, #tpu.memory_space<semaphore_mem>>
        %dma_start3A = arith.constant 0 : i32
        %dma_start3A_158 = tpu.memref_slice %arg10[%run_scoped3A_156, %dma_start3A] : memref<25x128xi32, #tpu.memory_space<vmem>> -> memref<1x128xi32, #tpu.memory_space<vmem>>
        %dma_start3A_159 = tpu.memref_squeeze %dma_start3A_158 : memref<1x128xi32, #tpu.memory_space<vmem>> -> memref<128xi32, #tpu.memory_space<vmem>>
        %dma_start3A_160 = arith.constant 0 : i32
        %dma_start3A_161 = arith.constant 0 : i32
        %dma_start3A_162 = tpu.memref_slice %arg20[%dma_start3A_160, %dma_start3A_161] : memref<1152x128xf32, #tpu.memory_space<vmem_shared>> -> memref<1152x128xf32, #tpu.memory_space<vmem_shared>>
        tpu.enqueue_indirect_dma source(%arg14 : memref<128x128xf32, #tpu.memory_space<vmem>>) target(%dma_start3A_162 : memref<1152x128xf32, #tpu.memory_space<vmem_shared>>) offsets(%dma_start3A_159 : memref<128xi32, #tpu.memory_space<vmem>>) semaphore(%run_scoped3A_157 : memref<!tpu.dma_semaphore, #tpu.memory_space<semaphore_mem>>) {add = true}
        %dma_wait3A_163 = arith.constant 0 : i32
        %dma_wait3A_164 = tpu.memref_slice %arg10[%run_scoped3A_156, %dma_wait3A_163] : memref<25x128xi32, #tpu.memory_space<vmem>> -> memref<1x128xi32, #tpu.memory_space<vmem>>
        %dma_wait3A_165 = tpu.memref_squeeze %dma_wait3A_164 : memref<1x128xi32, #tpu.memory_space<vmem>> -> memref<128xi32, #tpu.memory_space<vmem>>
        %dma_wait3A_166 = arith.constant 0 : i32
        %dma_wait3A_167 = arith.constant 0 : i32
        %dma_wait3A_168 = tpu.memref_slice %arg20[%dma_wait3A_166, %dma_wait3A_167] : memref<1152x128xf32, #tpu.memory_space<vmem_shared>> -> memref<1152x128xf32, #tpu.memory_space<vmem_shared>>
        tpu.wait_indirect_dma semaphore(%run_scoped3A_157 : memref<!tpu.dma_semaphore, #tpu.memory_space<semaphore_mem>>) src(%arg14 : memref<128x128xf32, #tpu.memory_space<vmem>>) dst(%dma_wait3A_168 : memref<1152x128xf32, #tpu.memory_space<vmem_shared>>)
        tpu.yield
      }) : () -> ()
    } else {
    }
    %gt3A_49 = arith.constant 8 : i32
    %gt3A_50 = arith.cmpi sgt, %min3A, %gt3A_49 : i32
    %convert_element_type3A_51 = arith.extui %gt3A_50 : i1 to i32
    %cond3A_52 = arith.constant 0 : i32
    %cond3A_53 = arith.cmpi ne, %convert_element_type3A_51, %cond3A_52 : i32
    scf.if %cond3A_53 {
      %gt3A_135 = arith.constant 9 : i32
      %gt3A_136 = arith.cmpi sgt, %min3A, %gt3A_135 : i32
      %convert_element_type3A_137 = arith.extui %gt3A_136 : i1 to i32
      %cond3A_138 = arith.constant 0 : i32
      %cond3A_139 = arith.cmpi ne, %convert_element_type3A_137, %cond3A_138 : i32
      scf.if %cond3A_139 {
        %add3A_157 = arith.constant 9 : i32
        %add3A_158 = arith.addi %mul3A_4, %add3A_157 : i32
        %eq3A = arith.constant 781 : i32
        %eq3A_159 = arith.cmpi eq, %add3A_158, %eq3A : i32
        %mul3A_160 = arith.constant 128 : i32
        %mul3A_161 = arith.muli %add3A_158, %mul3A_160 : i32
        %jit3A_162 = arith.constant 99872 : i32
        %select_n3A = arith.select %eq3A_159, %jit3A_162, %mul3A_161 : i32
        %dma_start3A = arith.constant 0 : i32
        %dma_start3A_163 = tpu.memref_slice %arg2[%select_n3A, %dma_start3A] : memref<100000x128xf32, #tpu.memory_space<hbm>> -> memref<128x128xf32, #tpu.memory_space<hbm>>
        %dma_start3A_164 = arith.constant 0 : i32
        %dma_start3A_165 = tpu.memref_slice %arg2[%select_n3A, %dma_start3A_164] : memref<100000x128xf32, #tpu.memory_space<hbm>> -> memref<128x128xf32, #tpu.memory_space<hbm>>
        tpu.enqueue_dma source(%dma_start3A_165 : memref<128x128xf32, #tpu.memory_space<hbm>>) target(%arg12 : memref<128x128xf32, #tpu.memory_space<vmem>>) target_semaphore(%arg16 : memref<!tpu.dma_semaphore, #tpu.memory_space<semaphore_mem>>)
      } else {
      }
      %dma_wait3A = arith.constant 0 : i32
      %dma_wait3A_140 = arith.constant 0 : i32
      %dma_wait3A_141 = tpu.memref_slice %arg2[%dma_wait3A, %dma_wait3A_140] : memref<100000x128xf32, #tpu.memory_space<hbm>> -> memref<128x128xf32, #tpu.memory_space<hbm>>
      %dma_wait3A_142 = arith.constant 0 : i32
      %dma_wait3A_143 = arith.constant 0 : i32
      %dma_wait3A_144 = tpu.memref_slice %arg2[%dma_wait3A_142, %dma_wait3A_143] : memref<100000x128xf32, #tpu.memory_space<hbm>> -> memref<128x128xf32, #tpu.memory_space<hbm>>
      tpu.wait_dma2 semaphore(%arg15 : memref<!tpu.dma_semaphore, #tpu.memory_space<semaphore_mem>>) src(%dma_wait3A_144 : memref<128x128xf32, #tpu.memory_space<hbm>>) dst(%arg11 : memref<128x128xf32, #tpu.memory_space<vmem>>)
      %run_scoped3A = arith.constant 8 : i32
      "tpu.region"() ({
        %run_scoped3A_157 = tpu.sem_alloc : memref<!tpu.dma_semaphore, #tpu.memory_space<semaphore_mem>>
        %dma_start3A = arith.constant 0 : i32
        %dma_start3A_158 = tpu.memref_slice %arg9[%run_scoped3A, %dma_start3A] : memref<25x128xi32, #tpu.memory_space<vmem>> -> memref<1x128xi32, #tpu.memory_space<vmem>>
        %dma_start3A_159 = tpu.memref_squeeze %dma_start3A_158 : memref<1x128xi32, #tpu.memory_space<vmem>> -> memref<128xi32, #tpu.memory_space<vmem>>
        %dma_start3A_160 = arith.constant 0 : i32
        %dma_start3A_161 = arith.constant 0 : i32
        %dma_start3A_162 = tpu.memref_slice %arg19[%dma_start3A_160, %dma_start3A_161] : memref<1152x128xf32, #tpu.memory_space<vmem_shared>> -> memref<1152x128xf32, #tpu.memory_space<vmem_shared>>
        tpu.enqueue_indirect_dma source(%arg11 : memref<128x128xf32, #tpu.memory_space<vmem>>) target(%dma_start3A_162 : memref<1152x128xf32, #tpu.memory_space<vmem_shared>>) offsets(%dma_start3A_159 : memref<128xi32, #tpu.memory_space<vmem>>) semaphore(%run_scoped3A_157 : memref<!tpu.dma_semaphore, #tpu.memory_space<semaphore_mem>>) {add = true}
        %dma_wait3A_163 = arith.constant 0 : i32
        %dma_wait3A_164 = tpu.memref_slice %arg9[%run_scoped3A, %dma_wait3A_163] : memref<25x128xi32, #tpu.memory_space<vmem>> -> memref<1x128xi32, #tpu.memory_space<vmem>>
        %dma_wait3A_165 = tpu.memref_squeeze %dma_wait3A_164 : memref<1x128xi32, #tpu.memory_space<vmem>> -> memref<128xi32, #tpu.memory_space<vmem>>
        %dma_wait3A_166 = arith.constant 0 : i32
        %dma_wait3A_167 = arith.constant 0 : i32
        %dma_wait3A_168 = tpu.memref_slice %arg19[%dma_wait3A_166, %dma_wait3A_167] : memref<1152x128xf32, #tpu.memory_space<vmem_shared>> -> memref<1152x128xf32, #tpu.memory_space<vmem_shared>>
        tpu.wait_indirect_dma semaphore(%run_scoped3A_157 : memref<!tpu.dma_semaphore, #tpu.memory_space<semaphore_mem>>) src(%arg11 : memref<128x128xf32, #tpu.memory_space<vmem>>) dst(%dma_wait3A_168 : memref<1152x128xf32, #tpu.memory_space<vmem_shared>>)
        tpu.yield
      }) : () -> ()
      %gt3A_145 = arith.constant 9 : i32
      %gt3A_146 = arith.cmpi sgt, %min3A, %gt3A_145 : i32
      %convert_element_type3A_147 = arith.extui %gt3A_146 : i1 to i32
      %cond3A_148 = arith.constant 0 : i32
      %cond3A_149 = arith.cmpi ne, %convert_element_type3A_147, %cond3A_148 : i32
      scf.if %cond3A_149 {
        %add3A_157 = arith.constant 9 : i32
        %add3A_158 = arith.addi %mul3A_4, %add3A_157 : i32
        %eq3A = arith.constant 781 : i32
        %eq3A_159 = arith.cmpi eq, %add3A_158, %eq3A : i32
        %mul3A_160 = arith.constant 128 : i32
        %mul3A_161 = arith.muli %add3A_158, %mul3A_160 : i32
        %jit3A_162 = arith.constant 99872 : i32
        %select_n3A = arith.select %eq3A_159, %jit3A_162, %mul3A_161 : i32
        %dma_start3A = arith.constant 0 : i32
        %dma_start3A_163 = tpu.memref_slice %arg3[%select_n3A, %dma_start3A] : memref<100000x128xf32, #tpu.memory_space<hbm>> -> memref<128x128xf32, #tpu.memory_space<hbm>>
        %dma_start3A_164 = arith.constant 0 : i32
        %dma_start3A_165 = tpu.memref_slice %arg3[%select_n3A, %dma_start3A_164] : memref<100000x128xf32, #tpu.memory_space<hbm>> -> memref<128x128xf32, #tpu.memory_space<hbm>>
        tpu.enqueue_dma source(%dma_start3A_165 : memref<128x128xf32, #tpu.memory_space<hbm>>) target(%arg14 : memref<128x128xf32, #tpu.memory_space<vmem>>) target_semaphore(%arg18 : memref<!tpu.dma_semaphore, #tpu.memory_space<semaphore_mem>>)
      } else {
      }
      %dma_wait3A_150 = arith.constant 0 : i32
      %dma_wait3A_151 = arith.constant 0 : i32
      %dma_wait3A_152 = tpu.memref_slice %arg3[%dma_wait3A_150, %dma_wait3A_151] : memref<100000x128xf32, #tpu.memory_space<hbm>> -> memref<128x128xf32, #tpu.memory_space<hbm>>
      %dma_wait3A_153 = arith.constant 0 : i32
      %dma_wait3A_154 = arith.constant 0 : i32
      %dma_wait3A_155 = tpu.memref_slice %arg3[%dma_wait3A_153, %dma_wait3A_154] : memref<100000x128xf32, #tpu.memory_space<hbm>> -> memref<128x128xf32, #tpu.memory_space<hbm>>
      tpu.wait_dma2 semaphore(%arg17 : memref<!tpu.dma_semaphore, #tpu.memory_space<semaphore_mem>>) src(%dma_wait3A_155 : memref<128x128xf32, #tpu.memory_space<hbm>>) dst(%arg13 : memref<128x128xf32, #tpu.memory_space<vmem>>)
      %run_scoped3A_156 = arith.constant 8 : i32
      "tpu.region"() ({
        %run_scoped3A_157 = tpu.sem_alloc : memref<!tpu.dma_semaphore, #tpu.memory_space<semaphore_mem>>
        %dma_start3A = arith.constant 0 : i32
        %dma_start3A_158 = tpu.memref_slice %arg10[%run_scoped3A_156, %dma_start3A] : memref<25x128xi32, #tpu.memory_space<vmem>> -> memref<1x128xi32, #tpu.memory_space<vmem>>
        %dma_start3A_159 = tpu.memref_squeeze %dma_start3A_158 : memref<1x128xi32, #tpu.memory_space<vmem>> -> memref<128xi32, #tpu.memory_space<vmem>>
        %dma_start3A_160 = arith.constant 0 : i32
        %dma_start3A_161 = arith.constant 0 : i32
        %dma_start3A_162 = tpu.memref_slice %arg20[%dma_start3A_160, %dma_start3A_161] : memref<1152x128xf32, #tpu.memory_space<vmem_shared>> -> memref<1152x128xf32, #tpu.memory_space<vmem_shared>>
        tpu.enqueue_indirect_dma source(%arg13 : memref<128x128xf32, #tpu.memory_space<vmem>>) target(%dma_start3A_162 : memref<1152x128xf32, #tpu.memory_space<vmem_shared>>) offsets(%dma_start3A_159 : memref<128xi32, #tpu.memory_space<vmem>>) semaphore(%run_scoped3A_157 : memref<!tpu.dma_semaphore, #tpu.memory_space<semaphore_mem>>) {add = true}
        %dma_wait3A_163 = arith.constant 0 : i32
        %dma_wait3A_164 = tpu.memref_slice %arg10[%run_scoped3A_156, %dma_wait3A_163] : memref<25x128xi32, #tpu.memory_space<vmem>> -> memref<1x128xi32, #tpu.memory_space<vmem>>
        %dma_wait3A_165 = tpu.memref_squeeze %dma_wait3A_164 : memref<1x128xi32, #tpu.memory_space<vmem>> -> memref<128xi32, #tpu.memory_space<vmem>>
        %dma_wait3A_166 = arith.constant 0 : i32
        %dma_wait3A_167 = arith.constant 0 : i32
        %dma_wait3A_168 = tpu.memref_slice %arg20[%dma_wait3A_166, %dma_wait3A_167] : memref<1152x128xf32, #tpu.memory_space<vmem_shared>> -> memref<1152x128xf32, #tpu.memory_space<vmem_shared>>
        tpu.wait_indirect_dma semaphore(%run_scoped3A_157 : memref<!tpu.dma_semaphore, #tpu.memory_space<semaphore_mem>>) src(%arg13 : memref<128x128xf32, #tpu.memory_space<vmem>>) dst(%dma_wait3A_168 : memref<1152x128xf32, #tpu.memory_space<vmem_shared>>)
        tpu.yield
      }) : () -> ()
    } else {
    }
    %gt3A_54 = arith.constant 9 : i32
    %gt3A_55 = arith.cmpi sgt, %min3A, %gt3A_54 : i32
    %convert_element_type3A_56 = arith.extui %gt3A_55 : i1 to i32
    %cond3A_57 = arith.constant 0 : i32
    %cond3A_58 = arith.cmpi ne, %convert_element_type3A_56, %cond3A_57 : i32
    scf.if %cond3A_58 {
      %gt3A_135 = arith.constant 10 : i32
      %gt3A_136 = arith.cmpi sgt, %min3A, %gt3A_135 : i32
      %convert_element_type3A_137 = arith.extui %gt3A_136 : i1 to i32
      %cond3A_138 = arith.constant 0 : i32
      %cond3A_139 = arith.cmpi ne, %convert_element_type3A_137, %cond3A_138 : i32
      scf.if %cond3A_139 {
        %add3A_157 = arith.constant 10 : i32
        %add3A_158 = arith.addi %mul3A_4, %add3A_157 : i32
        %eq3A = arith.constant 781 : i32
        %eq3A_159 = arith.cmpi eq, %add3A_158, %eq3A : i32
        %mul3A_160 = arith.constant 128 : i32
        %mul3A_161 = arith.muli %add3A_158, %mul3A_160 : i32
        %jit3A_162 = arith.constant 99872 : i32
        %select_n3A = arith.select %eq3A_159, %jit3A_162, %mul3A_161 : i32
        %dma_start3A = arith.constant 0 : i32
        %dma_start3A_163 = tpu.memref_slice %arg2[%select_n3A, %dma_start3A] : memref<100000x128xf32, #tpu.memory_space<hbm>> -> memref<128x128xf32, #tpu.memory_space<hbm>>
        %dma_start3A_164 = arith.constant 0 : i32
        %dma_start3A_165 = tpu.memref_slice %arg2[%select_n3A, %dma_start3A_164] : memref<100000x128xf32, #tpu.memory_space<hbm>> -> memref<128x128xf32, #tpu.memory_space<hbm>>
        tpu.enqueue_dma source(%dma_start3A_165 : memref<128x128xf32, #tpu.memory_space<hbm>>) target(%arg11 : memref<128x128xf32, #tpu.memory_space<vmem>>) target_semaphore(%arg15 : memref<!tpu.dma_semaphore, #tpu.memory_space<semaphore_mem>>)
      } else {
      }
      %dma_wait3A = arith.constant 0 : i32
      %dma_wait3A_140 = arith.constant 0 : i32
      %dma_wait3A_141 = tpu.memref_slice %arg2[%dma_wait3A, %dma_wait3A_140] : memref<100000x128xf32, #tpu.memory_space<hbm>> -> memref<128x128xf32, #tpu.memory_space<hbm>>
      %dma_wait3A_142 = arith.constant 0 : i32
      %dma_wait3A_143 = arith.constant 0 : i32
      %dma_wait3A_144 = tpu.memref_slice %arg2[%dma_wait3A_142, %dma_wait3A_143] : memref<100000x128xf32, #tpu.memory_space<hbm>> -> memref<128x128xf32, #tpu.memory_space<hbm>>
      tpu.wait_dma2 semaphore(%arg16 : memref<!tpu.dma_semaphore, #tpu.memory_space<semaphore_mem>>) src(%dma_wait3A_144 : memref<128x128xf32, #tpu.memory_space<hbm>>) dst(%arg12 : memref<128x128xf32, #tpu.memory_space<vmem>>)
      %run_scoped3A = arith.constant 9 : i32
      "tpu.region"() ({
        %run_scoped3A_157 = tpu.sem_alloc : memref<!tpu.dma_semaphore, #tpu.memory_space<semaphore_mem>>
        %dma_start3A = arith.constant 0 : i32
        %dma_start3A_158 = tpu.memref_slice %arg9[%run_scoped3A, %dma_start3A] : memref<25x128xi32, #tpu.memory_space<vmem>> -> memref<1x128xi32, #tpu.memory_space<vmem>>
        %dma_start3A_159 = tpu.memref_squeeze %dma_start3A_158 : memref<1x128xi32, #tpu.memory_space<vmem>> -> memref<128xi32, #tpu.memory_space<vmem>>
        %dma_start3A_160 = arith.constant 0 : i32
        %dma_start3A_161 = arith.constant 0 : i32
        %dma_start3A_162 = tpu.memref_slice %arg19[%dma_start3A_160, %dma_start3A_161] : memref<1152x128xf32, #tpu.memory_space<vmem_shared>> -> memref<1152x128xf32, #tpu.memory_space<vmem_shared>>
        tpu.enqueue_indirect_dma source(%arg12 : memref<128x128xf32, #tpu.memory_space<vmem>>) target(%dma_start3A_162 : memref<1152x128xf32, #tpu.memory_space<vmem_shared>>) offsets(%dma_start3A_159 : memref<128xi32, #tpu.memory_space<vmem>>) semaphore(%run_scoped3A_157 : memref<!tpu.dma_semaphore, #tpu.memory_space<semaphore_mem>>) {add = true}
        %dma_wait3A_163 = arith.constant 0 : i32
        %dma_wait3A_164 = tpu.memref_slice %arg9[%run_scoped3A, %dma_wait3A_163] : memref<25x128xi32, #tpu.memory_space<vmem>> -> memref<1x128xi32, #tpu.memory_space<vmem>>
        %dma_wait3A_165 = tpu.memref_squeeze %dma_wait3A_164 : memref<1x128xi32, #tpu.memory_space<vmem>> -> memref<128xi32, #tpu.memory_space<vmem>>
        %dma_wait3A_166 = arith.constant 0 : i32
        %dma_wait3A_167 = arith.constant 0 : i32
        %dma_wait3A_168 = tpu.memref_slice %arg19[%dma_wait3A_166, %dma_wait3A_167] : memref<1152x128xf32, #tpu.memory_space<vmem_shared>> -> memref<1152x128xf32, #tpu.memory_space<vmem_shared>>
        tpu.wait_indirect_dma semaphore(%run_scoped3A_157 : memref<!tpu.dma_semaphore, #tpu.memory_space<semaphore_mem>>) src(%arg12 : memref<128x128xf32, #tpu.memory_space<vmem>>) dst(%dma_wait3A_168 : memref<1152x128xf32, #tpu.memory_space<vmem_shared>>)
        tpu.yield
      }) : () -> ()
      %gt3A_145 = arith.constant 10 : i32
      %gt3A_146 = arith.cmpi sgt, %min3A, %gt3A_145 : i32
      %convert_element_type3A_147 = arith.extui %gt3A_146 : i1 to i32
      %cond3A_148 = arith.constant 0 : i32
      %cond3A_149 = arith.cmpi ne, %convert_element_type3A_147, %cond3A_148 : i32
      scf.if %cond3A_149 {
        %add3A_157 = arith.constant 10 : i32
        %add3A_158 = arith.addi %mul3A_4, %add3A_157 : i32
        %eq3A = arith.constant 781 : i32
        %eq3A_159 = arith.cmpi eq, %add3A_158, %eq3A : i32
        %mul3A_160 = arith.constant 128 : i32
        %mul3A_161 = arith.muli %add3A_158, %mul3A_160 : i32
        %jit3A_162 = arith.constant 99872 : i32
        %select_n3A = arith.select %eq3A_159, %jit3A_162, %mul3A_161 : i32
        %dma_start3A = arith.constant 0 : i32
        %dma_start3A_163 = tpu.memref_slice %arg3[%select_n3A, %dma_start3A] : memref<100000x128xf32, #tpu.memory_space<hbm>> -> memref<128x128xf32, #tpu.memory_space<hbm>>
        %dma_start3A_164 = arith.constant 0 : i32
        %dma_start3A_165 = tpu.memref_slice %arg3[%select_n3A, %dma_start3A_164] : memref<100000x128xf32, #tpu.memory_space<hbm>> -> memref<128x128xf32, #tpu.memory_space<hbm>>
        tpu.enqueue_dma source(%dma_start3A_165 : memref<128x128xf32, #tpu.memory_space<hbm>>) target(%arg13 : memref<128x128xf32, #tpu.memory_space<vmem>>) target_semaphore(%arg17 : memref<!tpu.dma_semaphore, #tpu.memory_space<semaphore_mem>>)
      } else {
      }
      %dma_wait3A_150 = arith.constant 0 : i32
      %dma_wait3A_151 = arith.constant 0 : i32
      %dma_wait3A_152 = tpu.memref_slice %arg3[%dma_wait3A_150, %dma_wait3A_151] : memref<100000x128xf32, #tpu.memory_space<hbm>> -> memref<128x128xf32, #tpu.memory_space<hbm>>
      %dma_wait3A_153 = arith.constant 0 : i32
      %dma_wait3A_154 = arith.constant 0 : i32
      %dma_wait3A_155 = tpu.memref_slice %arg3[%dma_wait3A_153, %dma_wait3A_154] : memref<100000x128xf32, #tpu.memory_space<hbm>> -> memref<128x128xf32, #tpu.memory_space<hbm>>
      tpu.wait_dma2 semaphore(%arg18 : memref<!tpu.dma_semaphore, #tpu.memory_space<semaphore_mem>>) src(%dma_wait3A_155 : memref<128x128xf32, #tpu.memory_space<hbm>>) dst(%arg14 : memref<128x128xf32, #tpu.memory_space<vmem>>)
      %run_scoped3A_156 = arith.constant 9 : i32
      "tpu.region"() ({
        %run_scoped3A_157 = tpu.sem_alloc : memref<!tpu.dma_semaphore, #tpu.memory_space<semaphore_mem>>
        %dma_start3A = arith.constant 0 : i32
        %dma_start3A_158 = tpu.memref_slice %arg10[%run_scoped3A_156, %dma_start3A] : memref<25x128xi32, #tpu.memory_space<vmem>> -> memref<1x128xi32, #tpu.memory_space<vmem>>
        %dma_start3A_159 = tpu.memref_squeeze %dma_start3A_158 : memref<1x128xi32, #tpu.memory_space<vmem>> -> memref<128xi32, #tpu.memory_space<vmem>>
        %dma_start3A_160 = arith.constant 0 : i32
        %dma_start3A_161 = arith.constant 0 : i32
        %dma_start3A_162 = tpu.memref_slice %arg20[%dma_start3A_160, %dma_start3A_161] : memref<1152x128xf32, #tpu.memory_space<vmem_shared>> -> memref<1152x128xf32, #tpu.memory_space<vmem_shared>>
        tpu.enqueue_indirect_dma source(%arg14 : memref<128x128xf32, #tpu.memory_space<vmem>>) target(%dma_start3A_162 : memref<1152x128xf32, #tpu.memory_space<vmem_shared>>) offsets(%dma_start3A_159 : memref<128xi32, #tpu.memory_space<vmem>>) semaphore(%run_scoped3A_157 : memref<!tpu.dma_semaphore, #tpu.memory_space<semaphore_mem>>) {add = true}
        %dma_wait3A_163 = arith.constant 0 : i32
        %dma_wait3A_164 = tpu.memref_slice %arg10[%run_scoped3A_156, %dma_wait3A_163] : memref<25x128xi32, #tpu.memory_space<vmem>> -> memref<1x128xi32, #tpu.memory_space<vmem>>
        %dma_wait3A_165 = tpu.memref_squeeze %dma_wait3A_164 : memref<1x128xi32, #tpu.memory_space<vmem>> -> memref<128xi32, #tpu.memory_space<vmem>>
        %dma_wait3A_166 = arith.constant 0 : i32
        %dma_wait3A_167 = arith.constant 0 : i32
        %dma_wait3A_168 = tpu.memref_slice %arg20[%dma_wait3A_166, %dma_wait3A_167] : memref<1152x128xf32, #tpu.memory_space<vmem_shared>> -> memref<1152x128xf32, #tpu.memory_space<vmem_shared>>
        tpu.wait_indirect_dma semaphore(%run_scoped3A_157 : memref<!tpu.dma_semaphore, #tpu.memory_space<semaphore_mem>>) src(%arg14 : memref<128x128xf32, #tpu.memory_space<vmem>>) dst(%dma_wait3A_168 : memref<1152x128xf32, #tpu.memory_space<vmem_shared>>)
        tpu.yield
      }) : () -> ()
    } else {
    }
    %gt3A_59 = arith.constant 10 : i32
    %gt3A_60 = arith.cmpi sgt, %min3A, %gt3A_59 : i32
    %convert_element_type3A_61 = arith.extui %gt3A_60 : i1 to i32
    %cond3A_62 = arith.constant 0 : i32
    %cond3A_63 = arith.cmpi ne, %convert_element_type3A_61, %cond3A_62 : i32
    scf.if %cond3A_63 {
      %gt3A_135 = arith.constant 11 : i32
      %gt3A_136 = arith.cmpi sgt, %min3A, %gt3A_135 : i32
      %convert_element_type3A_137 = arith.extui %gt3A_136 : i1 to i32
      %cond3A_138 = arith.constant 0 : i32
      %cond3A_139 = arith.cmpi ne, %convert_element_type3A_137, %cond3A_138 : i32
      scf.if %cond3A_139 {
        %add3A_157 = arith.constant 11 : i32
        %add3A_158 = arith.addi %mul3A_4, %add3A_157 : i32
        %eq3A = arith.constant 781 : i32
        %eq3A_159 = arith.cmpi eq, %add3A_158, %eq3A : i32
        %mul3A_160 = arith.constant 128 : i32
        %mul3A_161 = arith.muli %add3A_158, %mul3A_160 : i32
        %jit3A_162 = arith.constant 99872 : i32
        %select_n3A = arith.select %eq3A_159, %jit3A_162, %mul3A_161 : i32
        %dma_start3A = arith.constant 0 : i32
        %dma_start3A_163 = tpu.memref_slice %arg2[%select_n3A, %dma_start3A] : memref<100000x128xf32, #tpu.memory_space<hbm>> -> memref<128x128xf32, #tpu.memory_space<hbm>>
        %dma_start3A_164 = arith.constant 0 : i32
        %dma_start3A_165 = tpu.memref_slice %arg2[%select_n3A, %dma_start3A_164] : memref<100000x128xf32, #tpu.memory_space<hbm>> -> memref<128x128xf32, #tpu.memory_space<hbm>>
        tpu.enqueue_dma source(%dma_start3A_165 : memref<128x128xf32, #tpu.memory_space<hbm>>) target(%arg12 : memref<128x128xf32, #tpu.memory_space<vmem>>) target_semaphore(%arg16 : memref<!tpu.dma_semaphore, #tpu.memory_space<semaphore_mem>>)
      } else {
      }
      %dma_wait3A = arith.constant 0 : i32
      %dma_wait3A_140 = arith.constant 0 : i32
      %dma_wait3A_141 = tpu.memref_slice %arg2[%dma_wait3A, %dma_wait3A_140] : memref<100000x128xf32, #tpu.memory_space<hbm>> -> memref<128x128xf32, #tpu.memory_space<hbm>>
      %dma_wait3A_142 = arith.constant 0 : i32
      %dma_wait3A_143 = arith.constant 0 : i32
      %dma_wait3A_144 = tpu.memref_slice %arg2[%dma_wait3A_142, %dma_wait3A_143] : memref<100000x128xf32, #tpu.memory_space<hbm>> -> memref<128x128xf32, #tpu.memory_space<hbm>>
      tpu.wait_dma2 semaphore(%arg15 : memref<!tpu.dma_semaphore, #tpu.memory_space<semaphore_mem>>) src(%dma_wait3A_144 : memref<128x128xf32, #tpu.memory_space<hbm>>) dst(%arg11 : memref<128x128xf32, #tpu.memory_space<vmem>>)
      %run_scoped3A = arith.constant 10 : i32
      "tpu.region"() ({
        %run_scoped3A_157 = tpu.sem_alloc : memref<!tpu.dma_semaphore, #tpu.memory_space<semaphore_mem>>
        %dma_start3A = arith.constant 0 : i32
        %dma_start3A_158 = tpu.memref_slice %arg9[%run_scoped3A, %dma_start3A] : memref<25x128xi32, #tpu.memory_space<vmem>> -> memref<1x128xi32, #tpu.memory_space<vmem>>
        %dma_start3A_159 = tpu.memref_squeeze %dma_start3A_158 : memref<1x128xi32, #tpu.memory_space<vmem>> -> memref<128xi32, #tpu.memory_space<vmem>>
        %dma_start3A_160 = arith.constant 0 : i32
        %dma_start3A_161 = arith.constant 0 : i32
        %dma_start3A_162 = tpu.memref_slice %arg19[%dma_start3A_160, %dma_start3A_161] : memref<1152x128xf32, #tpu.memory_space<vmem_shared>> -> memref<1152x128xf32, #tpu.memory_space<vmem_shared>>
        tpu.enqueue_indirect_dma source(%arg11 : memref<128x128xf32, #tpu.memory_space<vmem>>) target(%dma_start3A_162 : memref<1152x128xf32, #tpu.memory_space<vmem_shared>>) offsets(%dma_start3A_159 : memref<128xi32, #tpu.memory_space<vmem>>) semaphore(%run_scoped3A_157 : memref<!tpu.dma_semaphore, #tpu.memory_space<semaphore_mem>>) {add = true}
        %dma_wait3A_163 = arith.constant 0 : i32
        %dma_wait3A_164 = tpu.memref_slice %arg9[%run_scoped3A, %dma_wait3A_163] : memref<25x128xi32, #tpu.memory_space<vmem>> -> memref<1x128xi32, #tpu.memory_space<vmem>>
        %dma_wait3A_165 = tpu.memref_squeeze %dma_wait3A_164 : memref<1x128xi32, #tpu.memory_space<vmem>> -> memref<128xi32, #tpu.memory_space<vmem>>
        %dma_wait3A_166 = arith.constant 0 : i32
        %dma_wait3A_167 = arith.constant 0 : i32
        %dma_wait3A_168 = tpu.memref_slice %arg19[%dma_wait3A_166, %dma_wait3A_167] : memref<1152x128xf32, #tpu.memory_space<vmem_shared>> -> memref<1152x128xf32, #tpu.memory_space<vmem_shared>>
        tpu.wait_indirect_dma semaphore(%run_scoped3A_157 : memref<!tpu.dma_semaphore, #tpu.memory_space<semaphore_mem>>) src(%arg11 : memref<128x128xf32, #tpu.memory_space<vmem>>) dst(%dma_wait3A_168 : memref<1152x128xf32, #tpu.memory_space<vmem_shared>>)
        tpu.yield
      }) : () -> ()
      %gt3A_145 = arith.constant 11 : i32
      %gt3A_146 = arith.cmpi sgt, %min3A, %gt3A_145 : i32
      %convert_element_type3A_147 = arith.extui %gt3A_146 : i1 to i32
      %cond3A_148 = arith.constant 0 : i32
      %cond3A_149 = arith.cmpi ne, %convert_element_type3A_147, %cond3A_148 : i32
      scf.if %cond3A_149 {
        %add3A_157 = arith.constant 11 : i32
        %add3A_158 = arith.addi %mul3A_4, %add3A_157 : i32
        %eq3A = arith.constant 781 : i32
        %eq3A_159 = arith.cmpi eq, %add3A_158, %eq3A : i32
        %mul3A_160 = arith.constant 128 : i32
        %mul3A_161 = arith.muli %add3A_158, %mul3A_160 : i32
        %jit3A_162 = arith.constant 99872 : i32
        %select_n3A = arith.select %eq3A_159, %jit3A_162, %mul3A_161 : i32
        %dma_start3A = arith.constant 0 : i32
        %dma_start3A_163 = tpu.memref_slice %arg3[%select_n3A, %dma_start3A] : memref<100000x128xf32, #tpu.memory_space<hbm>> -> memref<128x128xf32, #tpu.memory_space<hbm>>
        %dma_start3A_164 = arith.constant 0 : i32
        %dma_start3A_165 = tpu.memref_slice %arg3[%select_n3A, %dma_start3A_164] : memref<100000x128xf32, #tpu.memory_space<hbm>> -> memref<128x128xf32, #tpu.memory_space<hbm>>
        tpu.enqueue_dma source(%dma_start3A_165 : memref<128x128xf32, #tpu.memory_space<hbm>>) target(%arg14 : memref<128x128xf32, #tpu.memory_space<vmem>>) target_semaphore(%arg18 : memref<!tpu.dma_semaphore, #tpu.memory_space<semaphore_mem>>)
      } else {
      }
      %dma_wait3A_150 = arith.constant 0 : i32
      %dma_wait3A_151 = arith.constant 0 : i32
      %dma_wait3A_152 = tpu.memref_slice %arg3[%dma_wait3A_150, %dma_wait3A_151] : memref<100000x128xf32, #tpu.memory_space<hbm>> -> memref<128x128xf32, #tpu.memory_space<hbm>>
      %dma_wait3A_153 = arith.constant 0 : i32
      %dma_wait3A_154 = arith.constant 0 : i32
      %dma_wait3A_155 = tpu.memref_slice %arg3[%dma_wait3A_153, %dma_wait3A_154] : memref<100000x128xf32, #tpu.memory_space<hbm>> -> memref<128x128xf32, #tpu.memory_space<hbm>>
      tpu.wait_dma2 semaphore(%arg17 : memref<!tpu.dma_semaphore, #tpu.memory_space<semaphore_mem>>) src(%dma_wait3A_155 : memref<128x128xf32, #tpu.memory_space<hbm>>) dst(%arg13 : memref<128x128xf32, #tpu.memory_space<vmem>>)
      %run_scoped3A_156 = arith.constant 10 : i32
      "tpu.region"() ({
        %run_scoped3A_157 = tpu.sem_alloc : memref<!tpu.dma_semaphore, #tpu.memory_space<semaphore_mem>>
        %dma_start3A = arith.constant 0 : i32
        %dma_start3A_158 = tpu.memref_slice %arg10[%run_scoped3A_156, %dma_start3A] : memref<25x128xi32, #tpu.memory_space<vmem>> -> memref<1x128xi32, #tpu.memory_space<vmem>>
        %dma_start3A_159 = tpu.memref_squeeze %dma_start3A_158 : memref<1x128xi32, #tpu.memory_space<vmem>> -> memref<128xi32, #tpu.memory_space<vmem>>
        %dma_start3A_160 = arith.constant 0 : i32
        %dma_start3A_161 = arith.constant 0 : i32
        %dma_start3A_162 = tpu.memref_slice %arg20[%dma_start3A_160, %dma_start3A_161] : memref<1152x128xf32, #tpu.memory_space<vmem_shared>> -> memref<1152x128xf32, #tpu.memory_space<vmem_shared>>
        tpu.enqueue_indirect_dma source(%arg13 : memref<128x128xf32, #tpu.memory_space<vmem>>) target(%dma_start3A_162 : memref<1152x128xf32, #tpu.memory_space<vmem_shared>>) offsets(%dma_start3A_159 : memref<128xi32, #tpu.memory_space<vmem>>) semaphore(%run_scoped3A_157 : memref<!tpu.dma_semaphore, #tpu.memory_space<semaphore_mem>>) {add = true}
        %dma_wait3A_163 = arith.constant 0 : i32
        %dma_wait3A_164 = tpu.memref_slice %arg10[%run_scoped3A_156, %dma_wait3A_163] : memref<25x128xi32, #tpu.memory_space<vmem>> -> memref<1x128xi32, #tpu.memory_space<vmem>>
        %dma_wait3A_165 = tpu.memref_squeeze %dma_wait3A_164 : memref<1x128xi32, #tpu.memory_space<vmem>> -> memref<128xi32, #tpu.memory_space<vmem>>
        %dma_wait3A_166 = arith.constant 0 : i32
        %dma_wait3A_167 = arith.constant 0 : i32
        %dma_wait3A_168 = tpu.memref_slice %arg20[%dma_wait3A_166, %dma_wait3A_167] : memref<1152x128xf32, #tpu.memory_space<vmem_shared>> -> memref<1152x128xf32, #tpu.memory_space<vmem_shared>>
        tpu.wait_indirect_dma semaphore(%run_scoped3A_157 : memref<!tpu.dma_semaphore, #tpu.memory_space<semaphore_mem>>) src(%arg13 : memref<128x128xf32, #tpu.memory_space<vmem>>) dst(%dma_wait3A_168 : memref<1152x128xf32, #tpu.memory_space<vmem_shared>>)
        tpu.yield
      }) : () -> ()
    } else {
    }
    %gt3A_64 = arith.constant 11 : i32
    %gt3A_65 = arith.cmpi sgt, %min3A, %gt3A_64 : i32
    %convert_element_type3A_66 = arith.extui %gt3A_65 : i1 to i32
    %cond3A_67 = arith.constant 0 : i32
    %cond3A_68 = arith.cmpi ne, %convert_element_type3A_66, %cond3A_67 : i32
    scf.if %cond3A_68 {
      %gt3A_135 = arith.constant 12 : i32
      %gt3A_136 = arith.cmpi sgt, %min3A, %gt3A_135 : i32
      %convert_element_type3A_137 = arith.extui %gt3A_136 : i1 to i32
      %cond3A_138 = arith.constant 0 : i32
      %cond3A_139 = arith.cmpi ne, %convert_element_type3A_137, %cond3A_138 : i32
      scf.if %cond3A_139 {
        %add3A_157 = arith.constant 12 : i32
        %add3A_158 = arith.addi %mul3A_4, %add3A_157 : i32
        %eq3A = arith.constant 781 : i32
        %eq3A_159 = arith.cmpi eq, %add3A_158, %eq3A : i32
        %mul3A_160 = arith.constant 128 : i32
        %mul3A_161 = arith.muli %add3A_158, %mul3A_160 : i32
        %jit3A_162 = arith.constant 99872 : i32
        %select_n3A = arith.select %eq3A_159, %jit3A_162, %mul3A_161 : i32
        %dma_start3A = arith.constant 0 : i32
        %dma_start3A_163 = tpu.memref_slice %arg2[%select_n3A, %dma_start3A] : memref<100000x128xf32, #tpu.memory_space<hbm>> -> memref<128x128xf32, #tpu.memory_space<hbm>>
        %dma_start3A_164 = arith.constant 0 : i32
        %dma_start3A_165 = tpu.memref_slice %arg2[%select_n3A, %dma_start3A_164] : memref<100000x128xf32, #tpu.memory_space<hbm>> -> memref<128x128xf32, #tpu.memory_space<hbm>>
        tpu.enqueue_dma source(%dma_start3A_165 : memref<128x128xf32, #tpu.memory_space<hbm>>) target(%arg11 : memref<128x128xf32, #tpu.memory_space<vmem>>) target_semaphore(%arg15 : memref<!tpu.dma_semaphore, #tpu.memory_space<semaphore_mem>>)
      } else {
      }
      %dma_wait3A = arith.constant 0 : i32
      %dma_wait3A_140 = arith.constant 0 : i32
      %dma_wait3A_141 = tpu.memref_slice %arg2[%dma_wait3A, %dma_wait3A_140] : memref<100000x128xf32, #tpu.memory_space<hbm>> -> memref<128x128xf32, #tpu.memory_space<hbm>>
      %dma_wait3A_142 = arith.constant 0 : i32
      %dma_wait3A_143 = arith.constant 0 : i32
      %dma_wait3A_144 = tpu.memref_slice %arg2[%dma_wait3A_142, %dma_wait3A_143] : memref<100000x128xf32, #tpu.memory_space<hbm>> -> memref<128x128xf32, #tpu.memory_space<hbm>>
      tpu.wait_dma2 semaphore(%arg16 : memref<!tpu.dma_semaphore, #tpu.memory_space<semaphore_mem>>) src(%dma_wait3A_144 : memref<128x128xf32, #tpu.memory_space<hbm>>) dst(%arg12 : memref<128x128xf32, #tpu.memory_space<vmem>>)
      %run_scoped3A = arith.constant 11 : i32
      "tpu.region"() ({
        %run_scoped3A_157 = tpu.sem_alloc : memref<!tpu.dma_semaphore, #tpu.memory_space<semaphore_mem>>
        %dma_start3A = arith.constant 0 : i32
        %dma_start3A_158 = tpu.memref_slice %arg9[%run_scoped3A, %dma_start3A] : memref<25x128xi32, #tpu.memory_space<vmem>> -> memref<1x128xi32, #tpu.memory_space<vmem>>
        %dma_start3A_159 = tpu.memref_squeeze %dma_start3A_158 : memref<1x128xi32, #tpu.memory_space<vmem>> -> memref<128xi32, #tpu.memory_space<vmem>>
        %dma_start3A_160 = arith.constant 0 : i32
        %dma_start3A_161 = arith.constant 0 : i32
        %dma_start3A_162 = tpu.memref_slice %arg19[%dma_start3A_160, %dma_start3A_161] : memref<1152x128xf32, #tpu.memory_space<vmem_shared>> -> memref<1152x128xf32, #tpu.memory_space<vmem_shared>>
        tpu.enqueue_indirect_dma source(%arg12 : memref<128x128xf32, #tpu.memory_space<vmem>>) target(%dma_start3A_162 : memref<1152x128xf32, #tpu.memory_space<vmem_shared>>) offsets(%dma_start3A_159 : memref<128xi32, #tpu.memory_space<vmem>>) semaphore(%run_scoped3A_157 : memref<!tpu.dma_semaphore, #tpu.memory_space<semaphore_mem>>) {add = true}
        %dma_wait3A_163 = arith.constant 0 : i32
        %dma_wait3A_164 = tpu.memref_slice %arg9[%run_scoped3A, %dma_wait3A_163] : memref<25x128xi32, #tpu.memory_space<vmem>> -> memref<1x128xi32, #tpu.memory_space<vmem>>
        %dma_wait3A_165 = tpu.memref_squeeze %dma_wait3A_164 : memref<1x128xi32, #tpu.memory_space<vmem>> -> memref<128xi32, #tpu.memory_space<vmem>>
        %dma_wait3A_166 = arith.constant 0 : i32
        %dma_wait3A_167 = arith.constant 0 : i32
        %dma_wait3A_168 = tpu.memref_slice %arg19[%dma_wait3A_166, %dma_wait3A_167] : memref<1152x128xf32, #tpu.memory_space<vmem_shared>> -> memref<1152x128xf32, #tpu.memory_space<vmem_shared>>
        tpu.wait_indirect_dma semaphore(%run_scoped3A_157 : memref<!tpu.dma_semaphore, #tpu.memory_space<semaphore_mem>>) src(%arg12 : memref<128x128xf32, #tpu.memory_space<vmem>>) dst(%dma_wait3A_168 : memref<1152x128xf32, #tpu.memory_space<vmem_shared>>)
        tpu.yield
      }) : () -> ()
      %gt3A_145 = arith.constant 12 : i32
      %gt3A_146 = arith.cmpi sgt, %min3A, %gt3A_145 : i32
      %convert_element_type3A_147 = arith.extui %gt3A_146 : i1 to i32
      %cond3A_148 = arith.constant 0 : i32
      %cond3A_149 = arith.cmpi ne, %convert_element_type3A_147, %cond3A_148 : i32
      scf.if %cond3A_149 {
        %add3A_157 = arith.constant 12 : i32
        %add3A_158 = arith.addi %mul3A_4, %add3A_157 : i32
        %eq3A = arith.constant 781 : i32
        %eq3A_159 = arith.cmpi eq, %add3A_158, %eq3A : i32
        %mul3A_160 = arith.constant 128 : i32
        %mul3A_161 = arith.muli %add3A_158, %mul3A_160 : i32
        %jit3A_162 = arith.constant 99872 : i32
        %select_n3A = arith.select %eq3A_159, %jit3A_162, %mul3A_161 : i32
        %dma_start3A = arith.constant 0 : i32
        %dma_start3A_163 = tpu.memref_slice %arg3[%select_n3A, %dma_start3A] : memref<100000x128xf32, #tpu.memory_space<hbm>> -> memref<128x128xf32, #tpu.memory_space<hbm>>
        %dma_start3A_164 = arith.constant 0 : i32
        %dma_start3A_165 = tpu.memref_slice %arg3[%select_n3A, %dma_start3A_164] : memref<100000x128xf32, #tpu.memory_space<hbm>> -> memref<128x128xf32, #tpu.memory_space<hbm>>
        tpu.enqueue_dma source(%dma_start3A_165 : memref<128x128xf32, #tpu.memory_space<hbm>>) target(%arg13 : memref<128x128xf32, #tpu.memory_space<vmem>>) target_semaphore(%arg17 : memref<!tpu.dma_semaphore, #tpu.memory_space<semaphore_mem>>)
      } else {
      }
      %dma_wait3A_150 = arith.constant 0 : i32
      %dma_wait3A_151 = arith.constant 0 : i32
      %dma_wait3A_152 = tpu.memref_slice %arg3[%dma_wait3A_150, %dma_wait3A_151] : memref<100000x128xf32, #tpu.memory_space<hbm>> -> memref<128x128xf32, #tpu.memory_space<hbm>>
      %dma_wait3A_153 = arith.constant 0 : i32
      %dma_wait3A_154 = arith.constant 0 : i32
      %dma_wait3A_155 = tpu.memref_slice %arg3[%dma_wait3A_153, %dma_wait3A_154] : memref<100000x128xf32, #tpu.memory_space<hbm>> -> memref<128x128xf32, #tpu.memory_space<hbm>>
      tpu.wait_dma2 semaphore(%arg18 : memref<!tpu.dma_semaphore, #tpu.memory_space<semaphore_mem>>) src(%dma_wait3A_155 : memref<128x128xf32, #tpu.memory_space<hbm>>) dst(%arg14 : memref<128x128xf32, #tpu.memory_space<vmem>>)
      %run_scoped3A_156 = arith.constant 11 : i32
      "tpu.region"() ({
        %run_scoped3A_157 = tpu.sem_alloc : memref<!tpu.dma_semaphore, #tpu.memory_space<semaphore_mem>>
        %dma_start3A = arith.constant 0 : i32
        %dma_start3A_158 = tpu.memref_slice %arg10[%run_scoped3A_156, %dma_start3A] : memref<25x128xi32, #tpu.memory_space<vmem>> -> memref<1x128xi32, #tpu.memory_space<vmem>>
        %dma_start3A_159 = tpu.memref_squeeze %dma_start3A_158 : memref<1x128xi32, #tpu.memory_space<vmem>> -> memref<128xi32, #tpu.memory_space<vmem>>
        %dma_start3A_160 = arith.constant 0 : i32
        %dma_start3A_161 = arith.constant 0 : i32
        %dma_start3A_162 = tpu.memref_slice %arg20[%dma_start3A_160, %dma_start3A_161] : memref<1152x128xf32, #tpu.memory_space<vmem_shared>> -> memref<1152x128xf32, #tpu.memory_space<vmem_shared>>
        tpu.enqueue_indirect_dma source(%arg14 : memref<128x128xf32, #tpu.memory_space<vmem>>) target(%dma_start3A_162 : memref<1152x128xf32, #tpu.memory_space<vmem_shared>>) offsets(%dma_start3A_159 : memref<128xi32, #tpu.memory_space<vmem>>) semaphore(%run_scoped3A_157 : memref<!tpu.dma_semaphore, #tpu.memory_space<semaphore_mem>>) {add = true}
        %dma_wait3A_163 = arith.constant 0 : i32
        %dma_wait3A_164 = tpu.memref_slice %arg10[%run_scoped3A_156, %dma_wait3A_163] : memref<25x128xi32, #tpu.memory_space<vmem>> -> memref<1x128xi32, #tpu.memory_space<vmem>>
        %dma_wait3A_165 = tpu.memref_squeeze %dma_wait3A_164 : memref<1x128xi32, #tpu.memory_space<vmem>> -> memref<128xi32, #tpu.memory_space<vmem>>
        %dma_wait3A_166 = arith.constant 0 : i32
        %dma_wait3A_167 = arith.constant 0 : i32
        %dma_wait3A_168 = tpu.memref_slice %arg20[%dma_wait3A_166, %dma_wait3A_167] : memref<1152x128xf32, #tpu.memory_space<vmem_shared>> -> memref<1152x128xf32, #tpu.memory_space<vmem_shared>>
        tpu.wait_indirect_dma semaphore(%run_scoped3A_157 : memref<!tpu.dma_semaphore, #tpu.memory_space<semaphore_mem>>) src(%arg14 : memref<128x128xf32, #tpu.memory_space<vmem>>) dst(%dma_wait3A_168 : memref<1152x128xf32, #tpu.memory_space<vmem_shared>>)
        tpu.yield
      }) : () -> ()
    } else {
    }
    %gt3A_69 = arith.constant 12 : i32
    %gt3A_70 = arith.cmpi sgt, %min3A, %gt3A_69 : i32
    %convert_element_type3A_71 = arith.extui %gt3A_70 : i1 to i32
    %cond3A_72 = arith.constant 0 : i32
    %cond3A_73 = arith.cmpi ne, %convert_element_type3A_71, %cond3A_72 : i32
    scf.if %cond3A_73 {
      %gt3A_135 = arith.constant 13 : i32
      %gt3A_136 = arith.cmpi sgt, %min3A, %gt3A_135 : i32
      %convert_element_type3A_137 = arith.extui %gt3A_136 : i1 to i32
      %cond3A_138 = arith.constant 0 : i32
      %cond3A_139 = arith.cmpi ne, %convert_element_type3A_137, %cond3A_138 : i32
      scf.if %cond3A_139 {
        %add3A_157 = arith.constant 13 : i32
        %add3A_158 = arith.addi %mul3A_4, %add3A_157 : i32
        %eq3A = arith.constant 781 : i32
        %eq3A_159 = arith.cmpi eq, %add3A_158, %eq3A : i32
        %mul3A_160 = arith.constant 128 : i32
        %mul3A_161 = arith.muli %add3A_158, %mul3A_160 : i32
        %jit3A_162 = arith.constant 99872 : i32
        %select_n3A = arith.select %eq3A_159, %jit3A_162, %mul3A_161 : i32
        %dma_start3A = arith.constant 0 : i32
        %dma_start3A_163 = tpu.memref_slice %arg2[%select_n3A, %dma_start3A] : memref<100000x128xf32, #tpu.memory_space<hbm>> -> memref<128x128xf32, #tpu.memory_space<hbm>>
        %dma_start3A_164 = arith.constant 0 : i32
        %dma_start3A_165 = tpu.memref_slice %arg2[%select_n3A, %dma_start3A_164] : memref<100000x128xf32, #tpu.memory_space<hbm>> -> memref<128x128xf32, #tpu.memory_space<hbm>>
        tpu.enqueue_dma source(%dma_start3A_165 : memref<128x128xf32, #tpu.memory_space<hbm>>) target(%arg12 : memref<128x128xf32, #tpu.memory_space<vmem>>) target_semaphore(%arg16 : memref<!tpu.dma_semaphore, #tpu.memory_space<semaphore_mem>>)
      } else {
      }
      %dma_wait3A = arith.constant 0 : i32
      %dma_wait3A_140 = arith.constant 0 : i32
      %dma_wait3A_141 = tpu.memref_slice %arg2[%dma_wait3A, %dma_wait3A_140] : memref<100000x128xf32, #tpu.memory_space<hbm>> -> memref<128x128xf32, #tpu.memory_space<hbm>>
      %dma_wait3A_142 = arith.constant 0 : i32
      %dma_wait3A_143 = arith.constant 0 : i32
      %dma_wait3A_144 = tpu.memref_slice %arg2[%dma_wait3A_142, %dma_wait3A_143] : memref<100000x128xf32, #tpu.memory_space<hbm>> -> memref<128x128xf32, #tpu.memory_space<hbm>>
      tpu.wait_dma2 semaphore(%arg15 : memref<!tpu.dma_semaphore, #tpu.memory_space<semaphore_mem>>) src(%dma_wait3A_144 : memref<128x128xf32, #tpu.memory_space<hbm>>) dst(%arg11 : memref<128x128xf32, #tpu.memory_space<vmem>>)
      %run_scoped3A = arith.constant 12 : i32
      "tpu.region"() ({
        %run_scoped3A_157 = tpu.sem_alloc : memref<!tpu.dma_semaphore, #tpu.memory_space<semaphore_mem>>
        %dma_start3A = arith.constant 0 : i32
        %dma_start3A_158 = tpu.memref_slice %arg9[%run_scoped3A, %dma_start3A] : memref<25x128xi32, #tpu.memory_space<vmem>> -> memref<1x128xi32, #tpu.memory_space<vmem>>
        %dma_start3A_159 = tpu.memref_squeeze %dma_start3A_158 : memref<1x128xi32, #tpu.memory_space<vmem>> -> memref<128xi32, #tpu.memory_space<vmem>>
        %dma_start3A_160 = arith.constant 0 : i32
        %dma_start3A_161 = arith.constant 0 : i32
        %dma_start3A_162 = tpu.memref_slice %arg19[%dma_start3A_160, %dma_start3A_161] : memref<1152x128xf32, #tpu.memory_space<vmem_shared>> -> memref<1152x128xf32, #tpu.memory_space<vmem_shared>>
        tpu.enqueue_indirect_dma source(%arg11 : memref<128x128xf32, #tpu.memory_space<vmem>>) target(%dma_start3A_162 : memref<1152x128xf32, #tpu.memory_space<vmem_shared>>) offsets(%dma_start3A_159 : memref<128xi32, #tpu.memory_space<vmem>>) semaphore(%run_scoped3A_157 : memref<!tpu.dma_semaphore, #tpu.memory_space<semaphore_mem>>) {add = true}
        %dma_wait3A_163 = arith.constant 0 : i32
        %dma_wait3A_164 = tpu.memref_slice %arg9[%run_scoped3A, %dma_wait3A_163] : memref<25x128xi32, #tpu.memory_space<vmem>> -> memref<1x128xi32, #tpu.memory_space<vmem>>
        %dma_wait3A_165 = tpu.memref_squeeze %dma_wait3A_164 : memref<1x128xi32, #tpu.memory_space<vmem>> -> memref<128xi32, #tpu.memory_space<vmem>>
        %dma_wait3A_166 = arith.constant 0 : i32
        %dma_wait3A_167 = arith.constant 0 : i32
        %dma_wait3A_168 = tpu.memref_slice %arg19[%dma_wait3A_166, %dma_wait3A_167] : memref<1152x128xf32, #tpu.memory_space<vmem_shared>> -> memref<1152x128xf32, #tpu.memory_space<vmem_shared>>
        tpu.wait_indirect_dma semaphore(%run_scoped3A_157 : memref<!tpu.dma_semaphore, #tpu.memory_space<semaphore_mem>>) src(%arg11 : memref<128x128xf32, #tpu.memory_space<vmem>>) dst(%dma_wait3A_168 : memref<1152x128xf32, #tpu.memory_space<vmem_shared>>)
        tpu.yield
      }) : () -> ()
      %gt3A_145 = arith.constant 13 : i32
      %gt3A_146 = arith.cmpi sgt, %min3A, %gt3A_145 : i32
      %convert_element_type3A_147 = arith.extui %gt3A_146 : i1 to i32
      %cond3A_148 = arith.constant 0 : i32
      %cond3A_149 = arith.cmpi ne, %convert_element_type3A_147, %cond3A_148 : i32
      scf.if %cond3A_149 {
        %add3A_157 = arith.constant 13 : i32
        %add3A_158 = arith.addi %mul3A_4, %add3A_157 : i32
        %eq3A = arith.constant 781 : i32
        %eq3A_159 = arith.cmpi eq, %add3A_158, %eq3A : i32
        %mul3A_160 = arith.constant 128 : i32
        %mul3A_161 = arith.muli %add3A_158, %mul3A_160 : i32
        %jit3A_162 = arith.constant 99872 : i32
        %select_n3A = arith.select %eq3A_159, %jit3A_162, %mul3A_161 : i32
        %dma_start3A = arith.constant 0 : i32
        %dma_start3A_163 = tpu.memref_slice %arg3[%select_n3A, %dma_start3A] : memref<100000x128xf32, #tpu.memory_space<hbm>> -> memref<128x128xf32, #tpu.memory_space<hbm>>
        %dma_start3A_164 = arith.constant 0 : i32
        %dma_start3A_165 = tpu.memref_slice %arg3[%select_n3A, %dma_start3A_164] : memref<100000x128xf32, #tpu.memory_space<hbm>> -> memref<128x128xf32, #tpu.memory_space<hbm>>
        tpu.enqueue_dma source(%dma_start3A_165 : memref<128x128xf32, #tpu.memory_space<hbm>>) target(%arg14 : memref<128x128xf32, #tpu.memory_space<vmem>>) target_semaphore(%arg18 : memref<!tpu.dma_semaphore, #tpu.memory_space<semaphore_mem>>)
      } else {
      }
      %dma_wait3A_150 = arith.constant 0 : i32
      %dma_wait3A_151 = arith.constant 0 : i32
      %dma_wait3A_152 = tpu.memref_slice %arg3[%dma_wait3A_150, %dma_wait3A_151] : memref<100000x128xf32, #tpu.memory_space<hbm>> -> memref<128x128xf32, #tpu.memory_space<hbm>>
      %dma_wait3A_153 = arith.constant 0 : i32
      %dma_wait3A_154 = arith.constant 0 : i32
      %dma_wait3A_155 = tpu.memref_slice %arg3[%dma_wait3A_153, %dma_wait3A_154] : memref<100000x128xf32, #tpu.memory_space<hbm>> -> memref<128x128xf32, #tpu.memory_space<hbm>>
      tpu.wait_dma2 semaphore(%arg17 : memref<!tpu.dma_semaphore, #tpu.memory_space<semaphore_mem>>) src(%dma_wait3A_155 : memref<128x128xf32, #tpu.memory_space<hbm>>) dst(%arg13 : memref<128x128xf32, #tpu.memory_space<vmem>>)
      %run_scoped3A_156 = arith.constant 12 : i32
      "tpu.region"() ({
        %run_scoped3A_157 = tpu.sem_alloc : memref<!tpu.dma_semaphore, #tpu.memory_space<semaphore_mem>>
        %dma_start3A = arith.constant 0 : i32
        %dma_start3A_158 = tpu.memref_slice %arg10[%run_scoped3A_156, %dma_start3A] : memref<25x128xi32, #tpu.memory_space<vmem>> -> memref<1x128xi32, #tpu.memory_space<vmem>>
        %dma_start3A_159 = tpu.memref_squeeze %dma_start3A_158 : memref<1x128xi32, #tpu.memory_space<vmem>> -> memref<128xi32, #tpu.memory_space<vmem>>
        %dma_start3A_160 = arith.constant 0 : i32
        %dma_start3A_161 = arith.constant 0 : i32
        %dma_start3A_162 = tpu.memref_slice %arg20[%dma_start3A_160, %dma_start3A_161] : memref<1152x128xf32, #tpu.memory_space<vmem_shared>> -> memref<1152x128xf32, #tpu.memory_space<vmem_shared>>
        tpu.enqueue_indirect_dma source(%arg13 : memref<128x128xf32, #tpu.memory_space<vmem>>) target(%dma_start3A_162 : memref<1152x128xf32, #tpu.memory_space<vmem_shared>>) offsets(%dma_start3A_159 : memref<128xi32, #tpu.memory_space<vmem>>) semaphore(%run_scoped3A_157 : memref<!tpu.dma_semaphore, #tpu.memory_space<semaphore_mem>>) {add = true}
        %dma_wait3A_163 = arith.constant 0 : i32
        %dma_wait3A_164 = tpu.memref_slice %arg10[%run_scoped3A_156, %dma_wait3A_163] : memref<25x128xi32, #tpu.memory_space<vmem>> -> memref<1x128xi32, #tpu.memory_space<vmem>>
        %dma_wait3A_165 = tpu.memref_squeeze %dma_wait3A_164 : memref<1x128xi32, #tpu.memory_space<vmem>> -> memref<128xi32, #tpu.memory_space<vmem>>
        %dma_wait3A_166 = arith.constant 0 : i32
        %dma_wait3A_167 = arith.constant 0 : i32
        %dma_wait3A_168 = tpu.memref_slice %arg20[%dma_wait3A_166, %dma_wait3A_167] : memref<1152x128xf32, #tpu.memory_space<vmem_shared>> -> memref<1152x128xf32, #tpu.memory_space<vmem_shared>>
        tpu.wait_indirect_dma semaphore(%run_scoped3A_157 : memref<!tpu.dma_semaphore, #tpu.memory_space<semaphore_mem>>) src(%arg13 : memref<128x128xf32, #tpu.memory_space<vmem>>) dst(%dma_wait3A_168 : memref<1152x128xf32, #tpu.memory_space<vmem_shared>>)
        tpu.yield
      }) : () -> ()
    } else {
    }
    %gt3A_74 = arith.constant 13 : i32
    %gt3A_75 = arith.cmpi sgt, %min3A, %gt3A_74 : i32
    %convert_element_type3A_76 = arith.extui %gt3A_75 : i1 to i32
    %cond3A_77 = arith.constant 0 : i32
    %cond3A_78 = arith.cmpi ne, %convert_element_type3A_76, %cond3A_77 : i32
    scf.if %cond3A_78 {
      %gt3A_135 = arith.constant 14 : i32
      %gt3A_136 = arith.cmpi sgt, %min3A, %gt3A_135 : i32
      %convert_element_type3A_137 = arith.extui %gt3A_136 : i1 to i32
      %cond3A_138 = arith.constant 0 : i32
      %cond3A_139 = arith.cmpi ne, %convert_element_type3A_137, %cond3A_138 : i32
      scf.if %cond3A_139 {
        %add3A_157 = arith.constant 14 : i32
        %add3A_158 = arith.addi %mul3A_4, %add3A_157 : i32
        %eq3A = arith.constant 781 : i32
        %eq3A_159 = arith.cmpi eq, %add3A_158, %eq3A : i32
        %mul3A_160 = arith.constant 128 : i32
        %mul3A_161 = arith.muli %add3A_158, %mul3A_160 : i32
        %jit3A_162 = arith.constant 99872 : i32
        %select_n3A = arith.select %eq3A_159, %jit3A_162, %mul3A_161 : i32
        %dma_start3A = arith.constant 0 : i32
        %dma_start3A_163 = tpu.memref_slice %arg2[%select_n3A, %dma_start3A] : memref<100000x128xf32, #tpu.memory_space<hbm>> -> memref<128x128xf32, #tpu.memory_space<hbm>>
        %dma_start3A_164 = arith.constant 0 : i32
        %dma_start3A_165 = tpu.memref_slice %arg2[%select_n3A, %dma_start3A_164] : memref<100000x128xf32, #tpu.memory_space<hbm>> -> memref<128x128xf32, #tpu.memory_space<hbm>>
        tpu.enqueue_dma source(%dma_start3A_165 : memref<128x128xf32, #tpu.memory_space<hbm>>) target(%arg11 : memref<128x128xf32, #tpu.memory_space<vmem>>) target_semaphore(%arg15 : memref<!tpu.dma_semaphore, #tpu.memory_space<semaphore_mem>>)
      } else {
      }
      %dma_wait3A = arith.constant 0 : i32
      %dma_wait3A_140 = arith.constant 0 : i32
      %dma_wait3A_141 = tpu.memref_slice %arg2[%dma_wait3A, %dma_wait3A_140] : memref<100000x128xf32, #tpu.memory_space<hbm>> -> memref<128x128xf32, #tpu.memory_space<hbm>>
      %dma_wait3A_142 = arith.constant 0 : i32
      %dma_wait3A_143 = arith.constant 0 : i32
      %dma_wait3A_144 = tpu.memref_slice %arg2[%dma_wait3A_142, %dma_wait3A_143] : memref<100000x128xf32, #tpu.memory_space<hbm>> -> memref<128x128xf32, #tpu.memory_space<hbm>>
      tpu.wait_dma2 semaphore(%arg16 : memref<!tpu.dma_semaphore, #tpu.memory_space<semaphore_mem>>) src(%dma_wait3A_144 : memref<128x128xf32, #tpu.memory_space<hbm>>) dst(%arg12 : memref<128x128xf32, #tpu.memory_space<vmem>>)
      %run_scoped3A = arith.constant 13 : i32
      "tpu.region"() ({
        %run_scoped3A_157 = tpu.sem_alloc : memref<!tpu.dma_semaphore, #tpu.memory_space<semaphore_mem>>
        %dma_start3A = arith.constant 0 : i32
        %dma_start3A_158 = tpu.memref_slice %arg9[%run_scoped3A, %dma_start3A] : memref<25x128xi32, #tpu.memory_space<vmem>> -> memref<1x128xi32, #tpu.memory_space<vmem>>
        %dma_start3A_159 = tpu.memref_squeeze %dma_start3A_158 : memref<1x128xi32, #tpu.memory_space<vmem>> -> memref<128xi32, #tpu.memory_space<vmem>>
        %dma_start3A_160 = arith.constant 0 : i32
        %dma_start3A_161 = arith.constant 0 : i32
        %dma_start3A_162 = tpu.memref_slice %arg19[%dma_start3A_160, %dma_start3A_161] : memref<1152x128xf32, #tpu.memory_space<vmem_shared>> -> memref<1152x128xf32, #tpu.memory_space<vmem_shared>>
        tpu.enqueue_indirect_dma source(%arg12 : memref<128x128xf32, #tpu.memory_space<vmem>>) target(%dma_start3A_162 : memref<1152x128xf32, #tpu.memory_space<vmem_shared>>) offsets(%dma_start3A_159 : memref<128xi32, #tpu.memory_space<vmem>>) semaphore(%run_scoped3A_157 : memref<!tpu.dma_semaphore, #tpu.memory_space<semaphore_mem>>) {add = true}
        %dma_wait3A_163 = arith.constant 0 : i32
        %dma_wait3A_164 = tpu.memref_slice %arg9[%run_scoped3A, %dma_wait3A_163] : memref<25x128xi32, #tpu.memory_space<vmem>> -> memref<1x128xi32, #tpu.memory_space<vmem>>
        %dma_wait3A_165 = tpu.memref_squeeze %dma_wait3A_164 : memref<1x128xi32, #tpu.memory_space<vmem>> -> memref<128xi32, #tpu.memory_space<vmem>>
        %dma_wait3A_166 = arith.constant 0 : i32
        %dma_wait3A_167 = arith.constant 0 : i32
        %dma_wait3A_168 = tpu.memref_slice %arg19[%dma_wait3A_166, %dma_wait3A_167] : memref<1152x128xf32, #tpu.memory_space<vmem_shared>> -> memref<1152x128xf32, #tpu.memory_space<vmem_shared>>
        tpu.wait_indirect_dma semaphore(%run_scoped3A_157 : memref<!tpu.dma_semaphore, #tpu.memory_space<semaphore_mem>>) src(%arg12 : memref<128x128xf32, #tpu.memory_space<vmem>>) dst(%dma_wait3A_168 : memref<1152x128xf32, #tpu.memory_space<vmem_shared>>)
        tpu.yield
      }) : () -> ()
      %gt3A_145 = arith.constant 14 : i32
      %gt3A_146 = arith.cmpi sgt, %min3A, %gt3A_145 : i32
      %convert_element_type3A_147 = arith.extui %gt3A_146 : i1 to i32
      %cond3A_148 = arith.constant 0 : i32
      %cond3A_149 = arith.cmpi ne, %convert_element_type3A_147, %cond3A_148 : i32
      scf.if %cond3A_149 {
        %add3A_157 = arith.constant 14 : i32
        %add3A_158 = arith.addi %mul3A_4, %add3A_157 : i32
        %eq3A = arith.constant 781 : i32
        %eq3A_159 = arith.cmpi eq, %add3A_158, %eq3A : i32
        %mul3A_160 = arith.constant 128 : i32
        %mul3A_161 = arith.muli %add3A_158, %mul3A_160 : i32
        %jit3A_162 = arith.constant 99872 : i32
        %select_n3A = arith.select %eq3A_159, %jit3A_162, %mul3A_161 : i32
        %dma_start3A = arith.constant 0 : i32
        %dma_start3A_163 = tpu.memref_slice %arg3[%select_n3A, %dma_start3A] : memref<100000x128xf32, #tpu.memory_space<hbm>> -> memref<128x128xf32, #tpu.memory_space<hbm>>
        %dma_start3A_164 = arith.constant 0 : i32
        %dma_start3A_165 = tpu.memref_slice %arg3[%select_n3A, %dma_start3A_164] : memref<100000x128xf32, #tpu.memory_space<hbm>> -> memref<128x128xf32, #tpu.memory_space<hbm>>
        tpu.enqueue_dma source(%dma_start3A_165 : memref<128x128xf32, #tpu.memory_space<hbm>>) target(%arg13 : memref<128x128xf32, #tpu.memory_space<vmem>>) target_semaphore(%arg17 : memref<!tpu.dma_semaphore, #tpu.memory_space<semaphore_mem>>)
      } else {
      }
      %dma_wait3A_150 = arith.constant 0 : i32
      %dma_wait3A_151 = arith.constant 0 : i32
      %dma_wait3A_152 = tpu.memref_slice %arg3[%dma_wait3A_150, %dma_wait3A_151] : memref<100000x128xf32, #tpu.memory_space<hbm>> -> memref<128x128xf32, #tpu.memory_space<hbm>>
      %dma_wait3A_153 = arith.constant 0 : i32
      %dma_wait3A_154 = arith.constant 0 : i32
      %dma_wait3A_155 = tpu.memref_slice %arg3[%dma_wait3A_153, %dma_wait3A_154] : memref<100000x128xf32, #tpu.memory_space<hbm>> -> memref<128x128xf32, #tpu.memory_space<hbm>>
      tpu.wait_dma2 semaphore(%arg18 : memref<!tpu.dma_semaphore, #tpu.memory_space<semaphore_mem>>) src(%dma_wait3A_155 : memref<128x128xf32, #tpu.memory_space<hbm>>) dst(%arg14 : memref<128x128xf32, #tpu.memory_space<vmem>>)
      %run_scoped3A_156 = arith.constant 13 : i32
      "tpu.region"() ({
        %run_scoped3A_157 = tpu.sem_alloc : memref<!tpu.dma_semaphore, #tpu.memory_space<semaphore_mem>>
        %dma_start3A = arith.constant 0 : i32
        %dma_start3A_158 = tpu.memref_slice %arg10[%run_scoped3A_156, %dma_start3A] : memref<25x128xi32, #tpu.memory_space<vmem>> -> memref<1x128xi32, #tpu.memory_space<vmem>>
        %dma_start3A_159 = tpu.memref_squeeze %dma_start3A_158 : memref<1x128xi32, #tpu.memory_space<vmem>> -> memref<128xi32, #tpu.memory_space<vmem>>
        %dma_start3A_160 = arith.constant 0 : i32
        %dma_start3A_161 = arith.constant 0 : i32
        %dma_start3A_162 = tpu.memref_slice %arg20[%dma_start3A_160, %dma_start3A_161] : memref<1152x128xf32, #tpu.memory_space<vmem_shared>> -> memref<1152x128xf32, #tpu.memory_space<vmem_shared>>
        tpu.enqueue_indirect_dma source(%arg14 : memref<128x128xf32, #tpu.memory_space<vmem>>) target(%dma_start3A_162 : memref<1152x128xf32, #tpu.memory_space<vmem_shared>>) offsets(%dma_start3A_159 : memref<128xi32, #tpu.memory_space<vmem>>) semaphore(%run_scoped3A_157 : memref<!tpu.dma_semaphore, #tpu.memory_space<semaphore_mem>>) {add = true}
        %dma_wait3A_163 = arith.constant 0 : i32
        %dma_wait3A_164 = tpu.memref_slice %arg10[%run_scoped3A_156, %dma_wait3A_163] : memref<25x128xi32, #tpu.memory_space<vmem>> -> memref<1x128xi32, #tpu.memory_space<vmem>>
        %dma_wait3A_165 = tpu.memref_squeeze %dma_wait3A_164 : memref<1x128xi32, #tpu.memory_space<vmem>> -> memref<128xi32, #tpu.memory_space<vmem>>
        %dma_wait3A_166 = arith.constant 0 : i32
        %dma_wait3A_167 = arith.constant 0 : i32
        %dma_wait3A_168 = tpu.memref_slice %arg20[%dma_wait3A_166, %dma_wait3A_167] : memref<1152x128xf32, #tpu.memory_space<vmem_shared>> -> memref<1152x128xf32, #tpu.memory_space<vmem_shared>>
        tpu.wait_indirect_dma semaphore(%run_scoped3A_157 : memref<!tpu.dma_semaphore, #tpu.memory_space<semaphore_mem>>) src(%arg14 : memref<128x128xf32, #tpu.memory_space<vmem>>) dst(%dma_wait3A_168 : memref<1152x128xf32, #tpu.memory_space<vmem_shared>>)
        tpu.yield
      }) : () -> ()
    } else {
    }
    %gt3A_79 = arith.constant 14 : i32
    %gt3A_80 = arith.cmpi sgt, %min3A, %gt3A_79 : i32
    %convert_element_type3A_81 = arith.extui %gt3A_80 : i1 to i32
    %cond3A_82 = arith.constant 0 : i32
    %cond3A_83 = arith.cmpi ne, %convert_element_type3A_81, %cond3A_82 : i32
    scf.if %cond3A_83 {
      %gt3A_135 = arith.constant 15 : i32
      %gt3A_136 = arith.cmpi sgt, %min3A, %gt3A_135 : i32
      %convert_element_type3A_137 = arith.extui %gt3A_136 : i1 to i32
      %cond3A_138 = arith.constant 0 : i32
      %cond3A_139 = arith.cmpi ne, %convert_element_type3A_137, %cond3A_138 : i32
      scf.if %cond3A_139 {
        %add3A_157 = arith.constant 15 : i32
        %add3A_158 = arith.addi %mul3A_4, %add3A_157 : i32
        %eq3A = arith.constant 781 : i32
        %eq3A_159 = arith.cmpi eq, %add3A_158, %eq3A : i32
        %mul3A_160 = arith.constant 128 : i32
        %mul3A_161 = arith.muli %add3A_158, %mul3A_160 : i32
        %jit3A_162 = arith.constant 99872 : i32
        %select_n3A = arith.select %eq3A_159, %jit3A_162, %mul3A_161 : i32
        %dma_start3A = arith.constant 0 : i32
        %dma_start3A_163 = tpu.memref_slice %arg2[%select_n3A, %dma_start3A] : memref<100000x128xf32, #tpu.memory_space<hbm>> -> memref<128x128xf32, #tpu.memory_space<hbm>>
        %dma_start3A_164 = arith.constant 0 : i32
        %dma_start3A_165 = tpu.memref_slice %arg2[%select_n3A, %dma_start3A_164] : memref<100000x128xf32, #tpu.memory_space<hbm>> -> memref<128x128xf32, #tpu.memory_space<hbm>>
        tpu.enqueue_dma source(%dma_start3A_165 : memref<128x128xf32, #tpu.memory_space<hbm>>) target(%arg12 : memref<128x128xf32, #tpu.memory_space<vmem>>) target_semaphore(%arg16 : memref<!tpu.dma_semaphore, #tpu.memory_space<semaphore_mem>>)
      } else {
      }
      %dma_wait3A = arith.constant 0 : i32
      %dma_wait3A_140 = arith.constant 0 : i32
      %dma_wait3A_141 = tpu.memref_slice %arg2[%dma_wait3A, %dma_wait3A_140] : memref<100000x128xf32, #tpu.memory_space<hbm>> -> memref<128x128xf32, #tpu.memory_space<hbm>>
      %dma_wait3A_142 = arith.constant 0 : i32
      %dma_wait3A_143 = arith.constant 0 : i32
      %dma_wait3A_144 = tpu.memref_slice %arg2[%dma_wait3A_142, %dma_wait3A_143] : memref<100000x128xf32, #tpu.memory_space<hbm>> -> memref<128x128xf32, #tpu.memory_space<hbm>>
      tpu.wait_dma2 semaphore(%arg15 : memref<!tpu.dma_semaphore, #tpu.memory_space<semaphore_mem>>) src(%dma_wait3A_144 : memref<128x128xf32, #tpu.memory_space<hbm>>) dst(%arg11 : memref<128x128xf32, #tpu.memory_space<vmem>>)
      %run_scoped3A = arith.constant 14 : i32
      "tpu.region"() ({
        %run_scoped3A_157 = tpu.sem_alloc : memref<!tpu.dma_semaphore, #tpu.memory_space<semaphore_mem>>
        %dma_start3A = arith.constant 0 : i32
        %dma_start3A_158 = tpu.memref_slice %arg9[%run_scoped3A, %dma_start3A] : memref<25x128xi32, #tpu.memory_space<vmem>> -> memref<1x128xi32, #tpu.memory_space<vmem>>
        %dma_start3A_159 = tpu.memref_squeeze %dma_start3A_158 : memref<1x128xi32, #tpu.memory_space<vmem>> -> memref<128xi32, #tpu.memory_space<vmem>>
        %dma_start3A_160 = arith.constant 0 : i32
        %dma_start3A_161 = arith.constant 0 : i32
        %dma_start3A_162 = tpu.memref_slice %arg19[%dma_start3A_160, %dma_start3A_161] : memref<1152x128xf32, #tpu.memory_space<vmem_shared>> -> memref<1152x128xf32, #tpu.memory_space<vmem_shared>>
        tpu.enqueue_indirect_dma source(%arg11 : memref<128x128xf32, #tpu.memory_space<vmem>>) target(%dma_start3A_162 : memref<1152x128xf32, #tpu.memory_space<vmem_shared>>) offsets(%dma_start3A_159 : memref<128xi32, #tpu.memory_space<vmem>>) semaphore(%run_scoped3A_157 : memref<!tpu.dma_semaphore, #tpu.memory_space<semaphore_mem>>) {add = true}
        %dma_wait3A_163 = arith.constant 0 : i32
        %dma_wait3A_164 = tpu.memref_slice %arg9[%run_scoped3A, %dma_wait3A_163] : memref<25x128xi32, #tpu.memory_space<vmem>> -> memref<1x128xi32, #tpu.memory_space<vmem>>
        %dma_wait3A_165 = tpu.memref_squeeze %dma_wait3A_164 : memref<1x128xi32, #tpu.memory_space<vmem>> -> memref<128xi32, #tpu.memory_space<vmem>>
        %dma_wait3A_166 = arith.constant 0 : i32
        %dma_wait3A_167 = arith.constant 0 : i32
        %dma_wait3A_168 = tpu.memref_slice %arg19[%dma_wait3A_166, %dma_wait3A_167] : memref<1152x128xf32, #tpu.memory_space<vmem_shared>> -> memref<1152x128xf32, #tpu.memory_space<vmem_shared>>
        tpu.wait_indirect_dma semaphore(%run_scoped3A_157 : memref<!tpu.dma_semaphore, #tpu.memory_space<semaphore_mem>>) src(%arg11 : memref<128x128xf32, #tpu.memory_space<vmem>>) dst(%dma_wait3A_168 : memref<1152x128xf32, #tpu.memory_space<vmem_shared>>)
        tpu.yield
      }) : () -> ()
      %gt3A_145 = arith.constant 15 : i32
      %gt3A_146 = arith.cmpi sgt, %min3A, %gt3A_145 : i32
      %convert_element_type3A_147 = arith.extui %gt3A_146 : i1 to i32
      %cond3A_148 = arith.constant 0 : i32
      %cond3A_149 = arith.cmpi ne, %convert_element_type3A_147, %cond3A_148 : i32
      scf.if %cond3A_149 {
        %add3A_157 = arith.constant 15 : i32
        %add3A_158 = arith.addi %mul3A_4, %add3A_157 : i32
        %eq3A = arith.constant 781 : i32
        %eq3A_159 = arith.cmpi eq, %add3A_158, %eq3A : i32
        %mul3A_160 = arith.constant 128 : i32
        %mul3A_161 = arith.muli %add3A_158, %mul3A_160 : i32
        %jit3A_162 = arith.constant 99872 : i32
        %select_n3A = arith.select %eq3A_159, %jit3A_162, %mul3A_161 : i32
        %dma_start3A = arith.constant 0 : i32
        %dma_start3A_163 = tpu.memref_slice %arg3[%select_n3A, %dma_start3A] : memref<100000x128xf32, #tpu.memory_space<hbm>> -> memref<128x128xf32, #tpu.memory_space<hbm>>
        %dma_start3A_164 = arith.constant 0 : i32
        %dma_start3A_165 = tpu.memref_slice %arg3[%select_n3A, %dma_start3A_164] : memref<100000x128xf32, #tpu.memory_space<hbm>> -> memref<128x128xf32, #tpu.memory_space<hbm>>
        tpu.enqueue_dma source(%dma_start3A_165 : memref<128x128xf32, #tpu.memory_space<hbm>>) target(%arg14 : memref<128x128xf32, #tpu.memory_space<vmem>>) target_semaphore(%arg18 : memref<!tpu.dma_semaphore, #tpu.memory_space<semaphore_mem>>)
      } else {
      }
      %dma_wait3A_150 = arith.constant 0 : i32
      %dma_wait3A_151 = arith.constant 0 : i32
      %dma_wait3A_152 = tpu.memref_slice %arg3[%dma_wait3A_150, %dma_wait3A_151] : memref<100000x128xf32, #tpu.memory_space<hbm>> -> memref<128x128xf32, #tpu.memory_space<hbm>>
      %dma_wait3A_153 = arith.constant 0 : i32
      %dma_wait3A_154 = arith.constant 0 : i32
      %dma_wait3A_155 = tpu.memref_slice %arg3[%dma_wait3A_153, %dma_wait3A_154] : memref<100000x128xf32, #tpu.memory_space<hbm>> -> memref<128x128xf32, #tpu.memory_space<hbm>>
      tpu.wait_dma2 semaphore(%arg17 : memref<!tpu.dma_semaphore, #tpu.memory_space<semaphore_mem>>) src(%dma_wait3A_155 : memref<128x128xf32, #tpu.memory_space<hbm>>) dst(%arg13 : memref<128x128xf32, #tpu.memory_space<vmem>>)
      %run_scoped3A_156 = arith.constant 14 : i32
      "tpu.region"() ({
        %run_scoped3A_157 = tpu.sem_alloc : memref<!tpu.dma_semaphore, #tpu.memory_space<semaphore_mem>>
        %dma_start3A = arith.constant 0 : i32
        %dma_start3A_158 = tpu.memref_slice %arg10[%run_scoped3A_156, %dma_start3A] : memref<25x128xi32, #tpu.memory_space<vmem>> -> memref<1x128xi32, #tpu.memory_space<vmem>>
        %dma_start3A_159 = tpu.memref_squeeze %dma_start3A_158 : memref<1x128xi32, #tpu.memory_space<vmem>> -> memref<128xi32, #tpu.memory_space<vmem>>
        %dma_start3A_160 = arith.constant 0 : i32
        %dma_start3A_161 = arith.constant 0 : i32
        %dma_start3A_162 = tpu.memref_slice %arg20[%dma_start3A_160, %dma_start3A_161] : memref<1152x128xf32, #tpu.memory_space<vmem_shared>> -> memref<1152x128xf32, #tpu.memory_space<vmem_shared>>
        tpu.enqueue_indirect_dma source(%arg13 : memref<128x128xf32, #tpu.memory_space<vmem>>) target(%dma_start3A_162 : memref<1152x128xf32, #tpu.memory_space<vmem_shared>>) offsets(%dma_start3A_159 : memref<128xi32, #tpu.memory_space<vmem>>) semaphore(%run_scoped3A_157 : memref<!tpu.dma_semaphore, #tpu.memory_space<semaphore_mem>>) {add = true}
        %dma_wait3A_163 = arith.constant 0 : i32
        %dma_wait3A_164 = tpu.memref_slice %arg10[%run_scoped3A_156, %dma_wait3A_163] : memref<25x128xi32, #tpu.memory_space<vmem>> -> memref<1x128xi32, #tpu.memory_space<vmem>>
        %dma_wait3A_165 = tpu.memref_squeeze %dma_wait3A_164 : memref<1x128xi32, #tpu.memory_space<vmem>> -> memref<128xi32, #tpu.memory_space<vmem>>
        %dma_wait3A_166 = arith.constant 0 : i32
        %dma_wait3A_167 = arith.constant 0 : i32
        %dma_wait3A_168 = tpu.memref_slice %arg20[%dma_wait3A_166, %dma_wait3A_167] : memref<1152x128xf32, #tpu.memory_space<vmem_shared>> -> memref<1152x128xf32, #tpu.memory_space<vmem_shared>>
        tpu.wait_indirect_dma semaphore(%run_scoped3A_157 : memref<!tpu.dma_semaphore, #tpu.memory_space<semaphore_mem>>) src(%arg13 : memref<128x128xf32, #tpu.memory_space<vmem>>) dst(%dma_wait3A_168 : memref<1152x128xf32, #tpu.memory_space<vmem_shared>>)
        tpu.yield
      }) : () -> ()
    } else {
    }
    %gt3A_84 = arith.constant 15 : i32
    %gt3A_85 = arith.cmpi sgt, %min3A, %gt3A_84 : i32
    %convert_element_type3A_86 = arith.extui %gt3A_85 : i1 to i32
    %cond3A_87 = arith.constant 0 : i32
    %cond3A_88 = arith.cmpi ne, %convert_element_type3A_86, %cond3A_87 : i32
    scf.if %cond3A_88 {
      %gt3A_135 = arith.constant 16 : i32
      %gt3A_136 = arith.cmpi sgt, %min3A, %gt3A_135 : i32
      %convert_element_type3A_137 = arith.extui %gt3A_136 : i1 to i32
      %cond3A_138 = arith.constant 0 : i32
      %cond3A_139 = arith.cmpi ne, %convert_element_type3A_137, %cond3A_138 : i32
      scf.if %cond3A_139 {
        %add3A_157 = arith.constant 16 : i32
        %add3A_158 = arith.addi %mul3A_4, %add3A_157 : i32
        %eq3A = arith.constant 781 : i32
        %eq3A_159 = arith.cmpi eq, %add3A_158, %eq3A : i32
        %mul3A_160 = arith.constant 128 : i32
        %mul3A_161 = arith.muli %add3A_158, %mul3A_160 : i32
        %jit3A_162 = arith.constant 99872 : i32
        %select_n3A = arith.select %eq3A_159, %jit3A_162, %mul3A_161 : i32
        %dma_start3A = arith.constant 0 : i32
        %dma_start3A_163 = tpu.memref_slice %arg2[%select_n3A, %dma_start3A] : memref<100000x128xf32, #tpu.memory_space<hbm>> -> memref<128x128xf32, #tpu.memory_space<hbm>>
        %dma_start3A_164 = arith.constant 0 : i32
        %dma_start3A_165 = tpu.memref_slice %arg2[%select_n3A, %dma_start3A_164] : memref<100000x128xf32, #tpu.memory_space<hbm>> -> memref<128x128xf32, #tpu.memory_space<hbm>>
        tpu.enqueue_dma source(%dma_start3A_165 : memref<128x128xf32, #tpu.memory_space<hbm>>) target(%arg11 : memref<128x128xf32, #tpu.memory_space<vmem>>) target_semaphore(%arg15 : memref<!tpu.dma_semaphore, #tpu.memory_space<semaphore_mem>>)
      } else {
      }
      %dma_wait3A = arith.constant 0 : i32
      %dma_wait3A_140 = arith.constant 0 : i32
      %dma_wait3A_141 = tpu.memref_slice %arg2[%dma_wait3A, %dma_wait3A_140] : memref<100000x128xf32, #tpu.memory_space<hbm>> -> memref<128x128xf32, #tpu.memory_space<hbm>>
      %dma_wait3A_142 = arith.constant 0 : i32
      %dma_wait3A_143 = arith.constant 0 : i32
      %dma_wait3A_144 = tpu.memref_slice %arg2[%dma_wait3A_142, %dma_wait3A_143] : memref<100000x128xf32, #tpu.memory_space<hbm>> -> memref<128x128xf32, #tpu.memory_space<hbm>>
      tpu.wait_dma2 semaphore(%arg16 : memref<!tpu.dma_semaphore, #tpu.memory_space<semaphore_mem>>) src(%dma_wait3A_144 : memref<128x128xf32, #tpu.memory_space<hbm>>) dst(%arg12 : memref<128x128xf32, #tpu.memory_space<vmem>>)
      %run_scoped3A = arith.constant 15 : i32
      "tpu.region"() ({
        %run_scoped3A_157 = tpu.sem_alloc : memref<!tpu.dma_semaphore, #tpu.memory_space<semaphore_mem>>
        %dma_start3A = arith.constant 0 : i32
        %dma_start3A_158 = tpu.memref_slice %arg9[%run_scoped3A, %dma_start3A] : memref<25x128xi32, #tpu.memory_space<vmem>> -> memref<1x128xi32, #tpu.memory_space<vmem>>
        %dma_start3A_159 = tpu.memref_squeeze %dma_start3A_158 : memref<1x128xi32, #tpu.memory_space<vmem>> -> memref<128xi32, #tpu.memory_space<vmem>>
        %dma_start3A_160 = arith.constant 0 : i32
        %dma_start3A_161 = arith.constant 0 : i32
        %dma_start3A_162 = tpu.memref_slice %arg19[%dma_start3A_160, %dma_start3A_161] : memref<1152x128xf32, #tpu.memory_space<vmem_shared>> -> memref<1152x128xf32, #tpu.memory_space<vmem_shared>>
        tpu.enqueue_indirect_dma source(%arg12 : memref<128x128xf32, #tpu.memory_space<vmem>>) target(%dma_start3A_162 : memref<1152x128xf32, #tpu.memory_space<vmem_shared>>) offsets(%dma_start3A_159 : memref<128xi32, #tpu.memory_space<vmem>>) semaphore(%run_scoped3A_157 : memref<!tpu.dma_semaphore, #tpu.memory_space<semaphore_mem>>) {add = true}
        %dma_wait3A_163 = arith.constant 0 : i32
        %dma_wait3A_164 = tpu.memref_slice %arg9[%run_scoped3A, %dma_wait3A_163] : memref<25x128xi32, #tpu.memory_space<vmem>> -> memref<1x128xi32, #tpu.memory_space<vmem>>
        %dma_wait3A_165 = tpu.memref_squeeze %dma_wait3A_164 : memref<1x128xi32, #tpu.memory_space<vmem>> -> memref<128xi32, #tpu.memory_space<vmem>>
        %dma_wait3A_166 = arith.constant 0 : i32
        %dma_wait3A_167 = arith.constant 0 : i32
        %dma_wait3A_168 = tpu.memref_slice %arg19[%dma_wait3A_166, %dma_wait3A_167] : memref<1152x128xf32, #tpu.memory_space<vmem_shared>> -> memref<1152x128xf32, #tpu.memory_space<vmem_shared>>
        tpu.wait_indirect_dma semaphore(%run_scoped3A_157 : memref<!tpu.dma_semaphore, #tpu.memory_space<semaphore_mem>>) src(%arg12 : memref<128x128xf32, #tpu.memory_space<vmem>>) dst(%dma_wait3A_168 : memref<1152x128xf32, #tpu.memory_space<vmem_shared>>)
        tpu.yield
      }) : () -> ()
      %gt3A_145 = arith.constant 16 : i32
      %gt3A_146 = arith.cmpi sgt, %min3A, %gt3A_145 : i32
      %convert_element_type3A_147 = arith.extui %gt3A_146 : i1 to i32
      %cond3A_148 = arith.constant 0 : i32
      %cond3A_149 = arith.cmpi ne, %convert_element_type3A_147, %cond3A_148 : i32
      scf.if %cond3A_149 {
        %add3A_157 = arith.constant 16 : i32
        %add3A_158 = arith.addi %mul3A_4, %add3A_157 : i32
        %eq3A = arith.constant 781 : i32
        %eq3A_159 = arith.cmpi eq, %add3A_158, %eq3A : i32
        %mul3A_160 = arith.constant 128 : i32
        %mul3A_161 = arith.muli %add3A_158, %mul3A_160 : i32
        %jit3A_162 = arith.constant 99872 : i32
        %select_n3A = arith.select %eq3A_159, %jit3A_162, %mul3A_161 : i32
        %dma_start3A = arith.constant 0 : i32
        %dma_start3A_163 = tpu.memref_slice %arg3[%select_n3A, %dma_start3A] : memref<100000x128xf32, #tpu.memory_space<hbm>> -> memref<128x128xf32, #tpu.memory_space<hbm>>
        %dma_start3A_164 = arith.constant 0 : i32
        %dma_start3A_165 = tpu.memref_slice %arg3[%select_n3A, %dma_start3A_164] : memref<100000x128xf32, #tpu.memory_space<hbm>> -> memref<128x128xf32, #tpu.memory_space<hbm>>
        tpu.enqueue_dma source(%dma_start3A_165 : memref<128x128xf32, #tpu.memory_space<hbm>>) target(%arg13 : memref<128x128xf32, #tpu.memory_space<vmem>>) target_semaphore(%arg17 : memref<!tpu.dma_semaphore, #tpu.memory_space<semaphore_mem>>)
      } else {
      }
      %dma_wait3A_150 = arith.constant 0 : i32
      %dma_wait3A_151 = arith.constant 0 : i32
      %dma_wait3A_152 = tpu.memref_slice %arg3[%dma_wait3A_150, %dma_wait3A_151] : memref<100000x128xf32, #tpu.memory_space<hbm>> -> memref<128x128xf32, #tpu.memory_space<hbm>>
      %dma_wait3A_153 = arith.constant 0 : i32
      %dma_wait3A_154 = arith.constant 0 : i32
      %dma_wait3A_155 = tpu.memref_slice %arg3[%dma_wait3A_153, %dma_wait3A_154] : memref<100000x128xf32, #tpu.memory_space<hbm>> -> memref<128x128xf32, #tpu.memory_space<hbm>>
      tpu.wait_dma2 semaphore(%arg18 : memref<!tpu.dma_semaphore, #tpu.memory_space<semaphore_mem>>) src(%dma_wait3A_155 : memref<128x128xf32, #tpu.memory_space<hbm>>) dst(%arg14 : memref<128x128xf32, #tpu.memory_space<vmem>>)
      %run_scoped3A_156 = arith.constant 15 : i32
      "tpu.region"() ({
        %run_scoped3A_157 = tpu.sem_alloc : memref<!tpu.dma_semaphore, #tpu.memory_space<semaphore_mem>>
        %dma_start3A = arith.constant 0 : i32
        %dma_start3A_158 = tpu.memref_slice %arg10[%run_scoped3A_156, %dma_start3A] : memref<25x128xi32, #tpu.memory_space<vmem>> -> memref<1x128xi32, #tpu.memory_space<vmem>>
        %dma_start3A_159 = tpu.memref_squeeze %dma_start3A_158 : memref<1x128xi32, #tpu.memory_space<vmem>> -> memref<128xi32, #tpu.memory_space<vmem>>
        %dma_start3A_160 = arith.constant 0 : i32
        %dma_start3A_161 = arith.constant 0 : i32
        %dma_start3A_162 = tpu.memref_slice %arg20[%dma_start3A_160, %dma_start3A_161] : memref<1152x128xf32, #tpu.memory_space<vmem_shared>> -> memref<1152x128xf32, #tpu.memory_space<vmem_shared>>
        tpu.enqueue_indirect_dma source(%arg14 : memref<128x128xf32, #tpu.memory_space<vmem>>) target(%dma_start3A_162 : memref<1152x128xf32, #tpu.memory_space<vmem_shared>>) offsets(%dma_start3A_159 : memref<128xi32, #tpu.memory_space<vmem>>) semaphore(%run_scoped3A_157 : memref<!tpu.dma_semaphore, #tpu.memory_space<semaphore_mem>>) {add = true}
        %dma_wait3A_163 = arith.constant 0 : i32
        %dma_wait3A_164 = tpu.memref_slice %arg10[%run_scoped3A_156, %dma_wait3A_163] : memref<25x128xi32, #tpu.memory_space<vmem>> -> memref<1x128xi32, #tpu.memory_space<vmem>>
        %dma_wait3A_165 = tpu.memref_squeeze %dma_wait3A_164 : memref<1x128xi32, #tpu.memory_space<vmem>> -> memref<128xi32, #tpu.memory_space<vmem>>
        %dma_wait3A_166 = arith.constant 0 : i32
        %dma_wait3A_167 = arith.constant 0 : i32
        %dma_wait3A_168 = tpu.memref_slice %arg20[%dma_wait3A_166, %dma_wait3A_167] : memref<1152x128xf32, #tpu.memory_space<vmem_shared>> -> memref<1152x128xf32, #tpu.memory_space<vmem_shared>>
        tpu.wait_indirect_dma semaphore(%run_scoped3A_157 : memref<!tpu.dma_semaphore, #tpu.memory_space<semaphore_mem>>) src(%arg14 : memref<128x128xf32, #tpu.memory_space<vmem>>) dst(%dma_wait3A_168 : memref<1152x128xf32, #tpu.memory_space<vmem_shared>>)
        tpu.yield
      }) : () -> ()
    } else {
    }
    %gt3A_89 = arith.constant 16 : i32
    %gt3A_90 = arith.cmpi sgt, %min3A, %gt3A_89 : i32
    %convert_element_type3A_91 = arith.extui %gt3A_90 : i1 to i32
    %cond3A_92 = arith.constant 0 : i32
    %cond3A_93 = arith.cmpi ne, %convert_element_type3A_91, %cond3A_92 : i32
    scf.if %cond3A_93 {
      %gt3A_135 = arith.constant 17 : i32
      %gt3A_136 = arith.cmpi sgt, %min3A, %gt3A_135 : i32
      %convert_element_type3A_137 = arith.extui %gt3A_136 : i1 to i32
      %cond3A_138 = arith.constant 0 : i32
      %cond3A_139 = arith.cmpi ne, %convert_element_type3A_137, %cond3A_138 : i32
      scf.if %cond3A_139 {
        %add3A_157 = arith.constant 17 : i32
        %add3A_158 = arith.addi %mul3A_4, %add3A_157 : i32
        %eq3A = arith.constant 781 : i32
        %eq3A_159 = arith.cmpi eq, %add3A_158, %eq3A : i32
        %mul3A_160 = arith.constant 128 : i32
        %mul3A_161 = arith.muli %add3A_158, %mul3A_160 : i32
        %jit3A_162 = arith.constant 99872 : i32
        %select_n3A = arith.select %eq3A_159, %jit3A_162, %mul3A_161 : i32
        %dma_start3A = arith.constant 0 : i32
        %dma_start3A_163 = tpu.memref_slice %arg2[%select_n3A, %dma_start3A] : memref<100000x128xf32, #tpu.memory_space<hbm>> -> memref<128x128xf32, #tpu.memory_space<hbm>>
        %dma_start3A_164 = arith.constant 0 : i32
        %dma_start3A_165 = tpu.memref_slice %arg2[%select_n3A, %dma_start3A_164] : memref<100000x128xf32, #tpu.memory_space<hbm>> -> memref<128x128xf32, #tpu.memory_space<hbm>>
        tpu.enqueue_dma source(%dma_start3A_165 : memref<128x128xf32, #tpu.memory_space<hbm>>) target(%arg12 : memref<128x128xf32, #tpu.memory_space<vmem>>) target_semaphore(%arg16 : memref<!tpu.dma_semaphore, #tpu.memory_space<semaphore_mem>>)
      } else {
      }
      %dma_wait3A = arith.constant 0 : i32
      %dma_wait3A_140 = arith.constant 0 : i32
      %dma_wait3A_141 = tpu.memref_slice %arg2[%dma_wait3A, %dma_wait3A_140] : memref<100000x128xf32, #tpu.memory_space<hbm>> -> memref<128x128xf32, #tpu.memory_space<hbm>>
      %dma_wait3A_142 = arith.constant 0 : i32
      %dma_wait3A_143 = arith.constant 0 : i32
      %dma_wait3A_144 = tpu.memref_slice %arg2[%dma_wait3A_142, %dma_wait3A_143] : memref<100000x128xf32, #tpu.memory_space<hbm>> -> memref<128x128xf32, #tpu.memory_space<hbm>>
      tpu.wait_dma2 semaphore(%arg15 : memref<!tpu.dma_semaphore, #tpu.memory_space<semaphore_mem>>) src(%dma_wait3A_144 : memref<128x128xf32, #tpu.memory_space<hbm>>) dst(%arg11 : memref<128x128xf32, #tpu.memory_space<vmem>>)
      %run_scoped3A = arith.constant 16 : i32
      "tpu.region"() ({
        %run_scoped3A_157 = tpu.sem_alloc : memref<!tpu.dma_semaphore, #tpu.memory_space<semaphore_mem>>
        %dma_start3A = arith.constant 0 : i32
        %dma_start3A_158 = tpu.memref_slice %arg9[%run_scoped3A, %dma_start3A] : memref<25x128xi32, #tpu.memory_space<vmem>> -> memref<1x128xi32, #tpu.memory_space<vmem>>
        %dma_start3A_159 = tpu.memref_squeeze %dma_start3A_158 : memref<1x128xi32, #tpu.memory_space<vmem>> -> memref<128xi32, #tpu.memory_space<vmem>>
        %dma_start3A_160 = arith.constant 0 : i32
        %dma_start3A_161 = arith.constant 0 : i32
        %dma_start3A_162 = tpu.memref_slice %arg19[%dma_start3A_160, %dma_start3A_161] : memref<1152x128xf32, #tpu.memory_space<vmem_shared>> -> memref<1152x128xf32, #tpu.memory_space<vmem_shared>>
        tpu.enqueue_indirect_dma source(%arg11 : memref<128x128xf32, #tpu.memory_space<vmem>>) target(%dma_start3A_162 : memref<1152x128xf32, #tpu.memory_space<vmem_shared>>) offsets(%dma_start3A_159 : memref<128xi32, #tpu.memory_space<vmem>>) semaphore(%run_scoped3A_157 : memref<!tpu.dma_semaphore, #tpu.memory_space<semaphore_mem>>) {add = true}
        %dma_wait3A_163 = arith.constant 0 : i32
        %dma_wait3A_164 = tpu.memref_slice %arg9[%run_scoped3A, %dma_wait3A_163] : memref<25x128xi32, #tpu.memory_space<vmem>> -> memref<1x128xi32, #tpu.memory_space<vmem>>
        %dma_wait3A_165 = tpu.memref_squeeze %dma_wait3A_164 : memref<1x128xi32, #tpu.memory_space<vmem>> -> memref<128xi32, #tpu.memory_space<vmem>>
        %dma_wait3A_166 = arith.constant 0 : i32
        %dma_wait3A_167 = arith.constant 0 : i32
        %dma_wait3A_168 = tpu.memref_slice %arg19[%dma_wait3A_166, %dma_wait3A_167] : memref<1152x128xf32, #tpu.memory_space<vmem_shared>> -> memref<1152x128xf32, #tpu.memory_space<vmem_shared>>
        tpu.wait_indirect_dma semaphore(%run_scoped3A_157 : memref<!tpu.dma_semaphore, #tpu.memory_space<semaphore_mem>>) src(%arg11 : memref<128x128xf32, #tpu.memory_space<vmem>>) dst(%dma_wait3A_168 : memref<1152x128xf32, #tpu.memory_space<vmem_shared>>)
        tpu.yield
      }) : () -> ()
      %gt3A_145 = arith.constant 17 : i32
      %gt3A_146 = arith.cmpi sgt, %min3A, %gt3A_145 : i32
      %convert_element_type3A_147 = arith.extui %gt3A_146 : i1 to i32
      %cond3A_148 = arith.constant 0 : i32
      %cond3A_149 = arith.cmpi ne, %convert_element_type3A_147, %cond3A_148 : i32
      scf.if %cond3A_149 {
        %add3A_157 = arith.constant 17 : i32
        %add3A_158 = arith.addi %mul3A_4, %add3A_157 : i32
        %eq3A = arith.constant 781 : i32
        %eq3A_159 = arith.cmpi eq, %add3A_158, %eq3A : i32
        %mul3A_160 = arith.constant 128 : i32
        %mul3A_161 = arith.muli %add3A_158, %mul3A_160 : i32
        %jit3A_162 = arith.constant 99872 : i32
        %select_n3A = arith.select %eq3A_159, %jit3A_162, %mul3A_161 : i32
        %dma_start3A = arith.constant 0 : i32
        %dma_start3A_163 = tpu.memref_slice %arg3[%select_n3A, %dma_start3A] : memref<100000x128xf32, #tpu.memory_space<hbm>> -> memref<128x128xf32, #tpu.memory_space<hbm>>
        %dma_start3A_164 = arith.constant 0 : i32
        %dma_start3A_165 = tpu.memref_slice %arg3[%select_n3A, %dma_start3A_164] : memref<100000x128xf32, #tpu.memory_space<hbm>> -> memref<128x128xf32, #tpu.memory_space<hbm>>
        tpu.enqueue_dma source(%dma_start3A_165 : memref<128x128xf32, #tpu.memory_space<hbm>>) target(%arg14 : memref<128x128xf32, #tpu.memory_space<vmem>>) target_semaphore(%arg18 : memref<!tpu.dma_semaphore, #tpu.memory_space<semaphore_mem>>)
      } else {
      }
      %dma_wait3A_150 = arith.constant 0 : i32
      %dma_wait3A_151 = arith.constant 0 : i32
      %dma_wait3A_152 = tpu.memref_slice %arg3[%dma_wait3A_150, %dma_wait3A_151] : memref<100000x128xf32, #tpu.memory_space<hbm>> -> memref<128x128xf32, #tpu.memory_space<hbm>>
      %dma_wait3A_153 = arith.constant 0 : i32
      %dma_wait3A_154 = arith.constant 0 : i32
      %dma_wait3A_155 = tpu.memref_slice %arg3[%dma_wait3A_153, %dma_wait3A_154] : memref<100000x128xf32, #tpu.memory_space<hbm>> -> memref<128x128xf32, #tpu.memory_space<hbm>>
      tpu.wait_dma2 semaphore(%arg17 : memref<!tpu.dma_semaphore, #tpu.memory_space<semaphore_mem>>) src(%dma_wait3A_155 : memref<128x128xf32, #tpu.memory_space<hbm>>) dst(%arg13 : memref<128x128xf32, #tpu.memory_space<vmem>>)
      %run_scoped3A_156 = arith.constant 16 : i32
      "tpu.region"() ({
        %run_scoped3A_157 = tpu.sem_alloc : memref<!tpu.dma_semaphore, #tpu.memory_space<semaphore_mem>>
        %dma_start3A = arith.constant 0 : i32
        %dma_start3A_158 = tpu.memref_slice %arg10[%run_scoped3A_156, %dma_start3A] : memref<25x128xi32, #tpu.memory_space<vmem>> -> memref<1x128xi32, #tpu.memory_space<vmem>>
        %dma_start3A_159 = tpu.memref_squeeze %dma_start3A_158 : memref<1x128xi32, #tpu.memory_space<vmem>> -> memref<128xi32, #tpu.memory_space<vmem>>
        %dma_start3A_160 = arith.constant 0 : i32
        %dma_start3A_161 = arith.constant 0 : i32
        %dma_start3A_162 = tpu.memref_slice %arg20[%dma_start3A_160, %dma_start3A_161] : memref<1152x128xf32, #tpu.memory_space<vmem_shared>> -> memref<1152x128xf32, #tpu.memory_space<vmem_shared>>
        tpu.enqueue_indirect_dma source(%arg13 : memref<128x128xf32, #tpu.memory_space<vmem>>) target(%dma_start3A_162 : memref<1152x128xf32, #tpu.memory_space<vmem_shared>>) offsets(%dma_start3A_159 : memref<128xi32, #tpu.memory_space<vmem>>) semaphore(%run_scoped3A_157 : memref<!tpu.dma_semaphore, #tpu.memory_space<semaphore_mem>>) {add = true}
        %dma_wait3A_163 = arith.constant 0 : i32
        %dma_wait3A_164 = tpu.memref_slice %arg10[%run_scoped3A_156, %dma_wait3A_163] : memref<25x128xi32, #tpu.memory_space<vmem>> -> memref<1x128xi32, #tpu.memory_space<vmem>>
        %dma_wait3A_165 = tpu.memref_squeeze %dma_wait3A_164 : memref<1x128xi32, #tpu.memory_space<vmem>> -> memref<128xi32, #tpu.memory_space<vmem>>
        %dma_wait3A_166 = arith.constant 0 : i32
        %dma_wait3A_167 = arith.constant 0 : i32
        %dma_wait3A_168 = tpu.memref_slice %arg20[%dma_wait3A_166, %dma_wait3A_167] : memref<1152x128xf32, #tpu.memory_space<vmem_shared>> -> memref<1152x128xf32, #tpu.memory_space<vmem_shared>>
        tpu.wait_indirect_dma semaphore(%run_scoped3A_157 : memref<!tpu.dma_semaphore, #tpu.memory_space<semaphore_mem>>) src(%arg13 : memref<128x128xf32, #tpu.memory_space<vmem>>) dst(%dma_wait3A_168 : memref<1152x128xf32, #tpu.memory_space<vmem_shared>>)
        tpu.yield
      }) : () -> ()
    } else {
    }
    %gt3A_94 = arith.constant 17 : i32
    %gt3A_95 = arith.cmpi sgt, %min3A, %gt3A_94 : i32
    %convert_element_type3A_96 = arith.extui %gt3A_95 : i1 to i32
    %cond3A_97 = arith.constant 0 : i32
    %cond3A_98 = arith.cmpi ne, %convert_element_type3A_96, %cond3A_97 : i32
    scf.if %cond3A_98 {
      %gt3A_135 = arith.constant 18 : i32
      %gt3A_136 = arith.cmpi sgt, %min3A, %gt3A_135 : i32
      %convert_element_type3A_137 = arith.extui %gt3A_136 : i1 to i32
      %cond3A_138 = arith.constant 0 : i32
      %cond3A_139 = arith.cmpi ne, %convert_element_type3A_137, %cond3A_138 : i32
      scf.if %cond3A_139 {
        %add3A_157 = arith.constant 18 : i32
        %add3A_158 = arith.addi %mul3A_4, %add3A_157 : i32
        %eq3A = arith.constant 781 : i32
        %eq3A_159 = arith.cmpi eq, %add3A_158, %eq3A : i32
        %mul3A_160 = arith.constant 128 : i32
        %mul3A_161 = arith.muli %add3A_158, %mul3A_160 : i32
        %jit3A_162 = arith.constant 99872 : i32
        %select_n3A = arith.select %eq3A_159, %jit3A_162, %mul3A_161 : i32
        %dma_start3A = arith.constant 0 : i32
        %dma_start3A_163 = tpu.memref_slice %arg2[%select_n3A, %dma_start3A] : memref<100000x128xf32, #tpu.memory_space<hbm>> -> memref<128x128xf32, #tpu.memory_space<hbm>>
        %dma_start3A_164 = arith.constant 0 : i32
        %dma_start3A_165 = tpu.memref_slice %arg2[%select_n3A, %dma_start3A_164] : memref<100000x128xf32, #tpu.memory_space<hbm>> -> memref<128x128xf32, #tpu.memory_space<hbm>>
        tpu.enqueue_dma source(%dma_start3A_165 : memref<128x128xf32, #tpu.memory_space<hbm>>) target(%arg11 : memref<128x128xf32, #tpu.memory_space<vmem>>) target_semaphore(%arg15 : memref<!tpu.dma_semaphore, #tpu.memory_space<semaphore_mem>>)
      } else {
      }
      %dma_wait3A = arith.constant 0 : i32
      %dma_wait3A_140 = arith.constant 0 : i32
      %dma_wait3A_141 = tpu.memref_slice %arg2[%dma_wait3A, %dma_wait3A_140] : memref<100000x128xf32, #tpu.memory_space<hbm>> -> memref<128x128xf32, #tpu.memory_space<hbm>>
      %dma_wait3A_142 = arith.constant 0 : i32
      %dma_wait3A_143 = arith.constant 0 : i32
      %dma_wait3A_144 = tpu.memref_slice %arg2[%dma_wait3A_142, %dma_wait3A_143] : memref<100000x128xf32, #tpu.memory_space<hbm>> -> memref<128x128xf32, #tpu.memory_space<hbm>>
      tpu.wait_dma2 semaphore(%arg16 : memref<!tpu.dma_semaphore, #tpu.memory_space<semaphore_mem>>) src(%dma_wait3A_144 : memref<128x128xf32, #tpu.memory_space<hbm>>) dst(%arg12 : memref<128x128xf32, #tpu.memory_space<vmem>>)
      %run_scoped3A = arith.constant 17 : i32
      "tpu.region"() ({
        %run_scoped3A_157 = tpu.sem_alloc : memref<!tpu.dma_semaphore, #tpu.memory_space<semaphore_mem>>
        %dma_start3A = arith.constant 0 : i32
        %dma_start3A_158 = tpu.memref_slice %arg9[%run_scoped3A, %dma_start3A] : memref<25x128xi32, #tpu.memory_space<vmem>> -> memref<1x128xi32, #tpu.memory_space<vmem>>
        %dma_start3A_159 = tpu.memref_squeeze %dma_start3A_158 : memref<1x128xi32, #tpu.memory_space<vmem>> -> memref<128xi32, #tpu.memory_space<vmem>>
        %dma_start3A_160 = arith.constant 0 : i32
        %dma_start3A_161 = arith.constant 0 : i32
        %dma_start3A_162 = tpu.memref_slice %arg19[%dma_start3A_160, %dma_start3A_161] : memref<1152x128xf32, #tpu.memory_space<vmem_shared>> -> memref<1152x128xf32, #tpu.memory_space<vmem_shared>>
        tpu.enqueue_indirect_dma source(%arg12 : memref<128x128xf32, #tpu.memory_space<vmem>>) target(%dma_start3A_162 : memref<1152x128xf32, #tpu.memory_space<vmem_shared>>) offsets(%dma_start3A_159 : memref<128xi32, #tpu.memory_space<vmem>>) semaphore(%run_scoped3A_157 : memref<!tpu.dma_semaphore, #tpu.memory_space<semaphore_mem>>) {add = true}
        %dma_wait3A_163 = arith.constant 0 : i32
        %dma_wait3A_164 = tpu.memref_slice %arg9[%run_scoped3A, %dma_wait3A_163] : memref<25x128xi32, #tpu.memory_space<vmem>> -> memref<1x128xi32, #tpu.memory_space<vmem>>
        %dma_wait3A_165 = tpu.memref_squeeze %dma_wait3A_164 : memref<1x128xi32, #tpu.memory_space<vmem>> -> memref<128xi32, #tpu.memory_space<vmem>>
        %dma_wait3A_166 = arith.constant 0 : i32
        %dma_wait3A_167 = arith.constant 0 : i32
        %dma_wait3A_168 = tpu.memref_slice %arg19[%dma_wait3A_166, %dma_wait3A_167] : memref<1152x128xf32, #tpu.memory_space<vmem_shared>> -> memref<1152x128xf32, #tpu.memory_space<vmem_shared>>
        tpu.wait_indirect_dma semaphore(%run_scoped3A_157 : memref<!tpu.dma_semaphore, #tpu.memory_space<semaphore_mem>>) src(%arg12 : memref<128x128xf32, #tpu.memory_space<vmem>>) dst(%dma_wait3A_168 : memref<1152x128xf32, #tpu.memory_space<vmem_shared>>)
        tpu.yield
      }) : () -> ()
      %gt3A_145 = arith.constant 18 : i32
      %gt3A_146 = arith.cmpi sgt, %min3A, %gt3A_145 : i32
      %convert_element_type3A_147 = arith.extui %gt3A_146 : i1 to i32
      %cond3A_148 = arith.constant 0 : i32
      %cond3A_149 = arith.cmpi ne, %convert_element_type3A_147, %cond3A_148 : i32
      scf.if %cond3A_149 {
        %add3A_157 = arith.constant 18 : i32
        %add3A_158 = arith.addi %mul3A_4, %add3A_157 : i32
        %eq3A = arith.constant 781 : i32
        %eq3A_159 = arith.cmpi eq, %add3A_158, %eq3A : i32
        %mul3A_160 = arith.constant 128 : i32
        %mul3A_161 = arith.muli %add3A_158, %mul3A_160 : i32
        %jit3A_162 = arith.constant 99872 : i32
        %select_n3A = arith.select %eq3A_159, %jit3A_162, %mul3A_161 : i32
        %dma_start3A = arith.constant 0 : i32
        %dma_start3A_163 = tpu.memref_slice %arg3[%select_n3A, %dma_start3A] : memref<100000x128xf32, #tpu.memory_space<hbm>> -> memref<128x128xf32, #tpu.memory_space<hbm>>
        %dma_start3A_164 = arith.constant 0 : i32
        %dma_start3A_165 = tpu.memref_slice %arg3[%select_n3A, %dma_start3A_164] : memref<100000x128xf32, #tpu.memory_space<hbm>> -> memref<128x128xf32, #tpu.memory_space<hbm>>
        tpu.enqueue_dma source(%dma_start3A_165 : memref<128x128xf32, #tpu.memory_space<hbm>>) target(%arg13 : memref<128x128xf32, #tpu.memory_space<vmem>>) target_semaphore(%arg17 : memref<!tpu.dma_semaphore, #tpu.memory_space<semaphore_mem>>)
      } else {
      }
      %dma_wait3A_150 = arith.constant 0 : i32
      %dma_wait3A_151 = arith.constant 0 : i32
      %dma_wait3A_152 = tpu.memref_slice %arg3[%dma_wait3A_150, %dma_wait3A_151] : memref<100000x128xf32, #tpu.memory_space<hbm>> -> memref<128x128xf32, #tpu.memory_space<hbm>>
      %dma_wait3A_153 = arith.constant 0 : i32
      %dma_wait3A_154 = arith.constant 0 : i32
      %dma_wait3A_155 = tpu.memref_slice %arg3[%dma_wait3A_153, %dma_wait3A_154] : memref<100000x128xf32, #tpu.memory_space<hbm>> -> memref<128x128xf32, #tpu.memory_space<hbm>>
      tpu.wait_dma2 semaphore(%arg18 : memref<!tpu.dma_semaphore, #tpu.memory_space<semaphore_mem>>) src(%dma_wait3A_155 : memref<128x128xf32, #tpu.memory_space<hbm>>) dst(%arg14 : memref<128x128xf32, #tpu.memory_space<vmem>>)
      %run_scoped3A_156 = arith.constant 17 : i32
      "tpu.region"() ({
        %run_scoped3A_157 = tpu.sem_alloc : memref<!tpu.dma_semaphore, #tpu.memory_space<semaphore_mem>>
        %dma_start3A = arith.constant 0 : i32
        %dma_start3A_158 = tpu.memref_slice %arg10[%run_scoped3A_156, %dma_start3A] : memref<25x128xi32, #tpu.memory_space<vmem>> -> memref<1x128xi32, #tpu.memory_space<vmem>>
        %dma_start3A_159 = tpu.memref_squeeze %dma_start3A_158 : memref<1x128xi32, #tpu.memory_space<vmem>> -> memref<128xi32, #tpu.memory_space<vmem>>
        %dma_start3A_160 = arith.constant 0 : i32
        %dma_start3A_161 = arith.constant 0 : i32
        %dma_start3A_162 = tpu.memref_slice %arg20[%dma_start3A_160, %dma_start3A_161] : memref<1152x128xf32, #tpu.memory_space<vmem_shared>> -> memref<1152x128xf32, #tpu.memory_space<vmem_shared>>
        tpu.enqueue_indirect_dma source(%arg14 : memref<128x128xf32, #tpu.memory_space<vmem>>) target(%dma_start3A_162 : memref<1152x128xf32, #tpu.memory_space<vmem_shared>>) offsets(%dma_start3A_159 : memref<128xi32, #tpu.memory_space<vmem>>) semaphore(%run_scoped3A_157 : memref<!tpu.dma_semaphore, #tpu.memory_space<semaphore_mem>>) {add = true}
        %dma_wait3A_163 = arith.constant 0 : i32
        %dma_wait3A_164 = tpu.memref_slice %arg10[%run_scoped3A_156, %dma_wait3A_163] : memref<25x128xi32, #tpu.memory_space<vmem>> -> memref<1x128xi32, #tpu.memory_space<vmem>>
        %dma_wait3A_165 = tpu.memref_squeeze %dma_wait3A_164 : memref<1x128xi32, #tpu.memory_space<vmem>> -> memref<128xi32, #tpu.memory_space<vmem>>
        %dma_wait3A_166 = arith.constant 0 : i32
        %dma_wait3A_167 = arith.constant 0 : i32
        %dma_wait3A_168 = tpu.memref_slice %arg20[%dma_wait3A_166, %dma_wait3A_167] : memref<1152x128xf32, #tpu.memory_space<vmem_shared>> -> memref<1152x128xf32, #tpu.memory_space<vmem_shared>>
        tpu.wait_indirect_dma semaphore(%run_scoped3A_157 : memref<!tpu.dma_semaphore, #tpu.memory_space<semaphore_mem>>) src(%arg14 : memref<128x128xf32, #tpu.memory_space<vmem>>) dst(%dma_wait3A_168 : memref<1152x128xf32, #tpu.memory_space<vmem_shared>>)
        tpu.yield
      }) : () -> ()
    } else {
    }
    %gt3A_99 = arith.constant 18 : i32
    %gt3A_100 = arith.cmpi sgt, %min3A, %gt3A_99 : i32
    %convert_element_type3A_101 = arith.extui %gt3A_100 : i1 to i32
    %cond3A_102 = arith.constant 0 : i32
    %cond3A_103 = arith.cmpi ne, %convert_element_type3A_101, %cond3A_102 : i32
    scf.if %cond3A_103 {
      %gt3A_135 = arith.constant 19 : i32
      %gt3A_136 = arith.cmpi sgt, %min3A, %gt3A_135 : i32
      %convert_element_type3A_137 = arith.extui %gt3A_136 : i1 to i32
      %cond3A_138 = arith.constant 0 : i32
      %cond3A_139 = arith.cmpi ne, %convert_element_type3A_137, %cond3A_138 : i32
      scf.if %cond3A_139 {
        %add3A_157 = arith.constant 19 : i32
        %add3A_158 = arith.addi %mul3A_4, %add3A_157 : i32
        %eq3A = arith.constant 781 : i32
        %eq3A_159 = arith.cmpi eq, %add3A_158, %eq3A : i32
        %mul3A_160 = arith.constant 128 : i32
        %mul3A_161 = arith.muli %add3A_158, %mul3A_160 : i32
        %jit3A_162 = arith.constant 99872 : i32
        %select_n3A = arith.select %eq3A_159, %jit3A_162, %mul3A_161 : i32
        %dma_start3A = arith.constant 0 : i32
        %dma_start3A_163 = tpu.memref_slice %arg2[%select_n3A, %dma_start3A] : memref<100000x128xf32, #tpu.memory_space<hbm>> -> memref<128x128xf32, #tpu.memory_space<hbm>>
        %dma_start3A_164 = arith.constant 0 : i32
        %dma_start3A_165 = tpu.memref_slice %arg2[%select_n3A, %dma_start3A_164] : memref<100000x128xf32, #tpu.memory_space<hbm>> -> memref<128x128xf32, #tpu.memory_space<hbm>>
        tpu.enqueue_dma source(%dma_start3A_165 : memref<128x128xf32, #tpu.memory_space<hbm>>) target(%arg12 : memref<128x128xf32, #tpu.memory_space<vmem>>) target_semaphore(%arg16 : memref<!tpu.dma_semaphore, #tpu.memory_space<semaphore_mem>>)
      } else {
      }
      %dma_wait3A = arith.constant 0 : i32
      %dma_wait3A_140 = arith.constant 0 : i32
      %dma_wait3A_141 = tpu.memref_slice %arg2[%dma_wait3A, %dma_wait3A_140] : memref<100000x128xf32, #tpu.memory_space<hbm>> -> memref<128x128xf32, #tpu.memory_space<hbm>>
      %dma_wait3A_142 = arith.constant 0 : i32
      %dma_wait3A_143 = arith.constant 0 : i32
      %dma_wait3A_144 = tpu.memref_slice %arg2[%dma_wait3A_142, %dma_wait3A_143] : memref<100000x128xf32, #tpu.memory_space<hbm>> -> memref<128x128xf32, #tpu.memory_space<hbm>>
      tpu.wait_dma2 semaphore(%arg15 : memref<!tpu.dma_semaphore, #tpu.memory_space<semaphore_mem>>) src(%dma_wait3A_144 : memref<128x128xf32, #tpu.memory_space<hbm>>) dst(%arg11 : memref<128x128xf32, #tpu.memory_space<vmem>>)
      %run_scoped3A = arith.constant 18 : i32
      "tpu.region"() ({
        %run_scoped3A_157 = tpu.sem_alloc : memref<!tpu.dma_semaphore, #tpu.memory_space<semaphore_mem>>
        %dma_start3A = arith.constant 0 : i32
        %dma_start3A_158 = tpu.memref_slice %arg9[%run_scoped3A, %dma_start3A] : memref<25x128xi32, #tpu.memory_space<vmem>> -> memref<1x128xi32, #tpu.memory_space<vmem>>
        %dma_start3A_159 = tpu.memref_squeeze %dma_start3A_158 : memref<1x128xi32, #tpu.memory_space<vmem>> -> memref<128xi32, #tpu.memory_space<vmem>>
        %dma_start3A_160 = arith.constant 0 : i32
        %dma_start3A_161 = arith.constant 0 : i32
        %dma_start3A_162 = tpu.memref_slice %arg19[%dma_start3A_160, %dma_start3A_161] : memref<1152x128xf32, #tpu.memory_space<vmem_shared>> -> memref<1152x128xf32, #tpu.memory_space<vmem_shared>>
        tpu.enqueue_indirect_dma source(%arg11 : memref<128x128xf32, #tpu.memory_space<vmem>>) target(%dma_start3A_162 : memref<1152x128xf32, #tpu.memory_space<vmem_shared>>) offsets(%dma_start3A_159 : memref<128xi32, #tpu.memory_space<vmem>>) semaphore(%run_scoped3A_157 : memref<!tpu.dma_semaphore, #tpu.memory_space<semaphore_mem>>) {add = true}
        %dma_wait3A_163 = arith.constant 0 : i32
        %dma_wait3A_164 = tpu.memref_slice %arg9[%run_scoped3A, %dma_wait3A_163] : memref<25x128xi32, #tpu.memory_space<vmem>> -> memref<1x128xi32, #tpu.memory_space<vmem>>
        %dma_wait3A_165 = tpu.memref_squeeze %dma_wait3A_164 : memref<1x128xi32, #tpu.memory_space<vmem>> -> memref<128xi32, #tpu.memory_space<vmem>>
        %dma_wait3A_166 = arith.constant 0 : i32
        %dma_wait3A_167 = arith.constant 0 : i32
        %dma_wait3A_168 = tpu.memref_slice %arg19[%dma_wait3A_166, %dma_wait3A_167] : memref<1152x128xf32, #tpu.memory_space<vmem_shared>> -> memref<1152x128xf32, #tpu.memory_space<vmem_shared>>
        tpu.wait_indirect_dma semaphore(%run_scoped3A_157 : memref<!tpu.dma_semaphore, #tpu.memory_space<semaphore_mem>>) src(%arg11 : memref<128x128xf32, #tpu.memory_space<vmem>>) dst(%dma_wait3A_168 : memref<1152x128xf32, #tpu.memory_space<vmem_shared>>)
        tpu.yield
      }) : () -> ()
      %gt3A_145 = arith.constant 19 : i32
      %gt3A_146 = arith.cmpi sgt, %min3A, %gt3A_145 : i32
      %convert_element_type3A_147 = arith.extui %gt3A_146 : i1 to i32
      %cond3A_148 = arith.constant 0 : i32
      %cond3A_149 = arith.cmpi ne, %convert_element_type3A_147, %cond3A_148 : i32
      scf.if %cond3A_149 {
        %add3A_157 = arith.constant 19 : i32
        %add3A_158 = arith.addi %mul3A_4, %add3A_157 : i32
        %eq3A = arith.constant 781 : i32
        %eq3A_159 = arith.cmpi eq, %add3A_158, %eq3A : i32
        %mul3A_160 = arith.constant 128 : i32
        %mul3A_161 = arith.muli %add3A_158, %mul3A_160 : i32
        %jit3A_162 = arith.constant 99872 : i32
        %select_n3A = arith.select %eq3A_159, %jit3A_162, %mul3A_161 : i32
        %dma_start3A = arith.constant 0 : i32
        %dma_start3A_163 = tpu.memref_slice %arg3[%select_n3A, %dma_start3A] : memref<100000x128xf32, #tpu.memory_space<hbm>> -> memref<128x128xf32, #tpu.memory_space<hbm>>
        %dma_start3A_164 = arith.constant 0 : i32
        %dma_start3A_165 = tpu.memref_slice %arg3[%select_n3A, %dma_start3A_164] : memref<100000x128xf32, #tpu.memory_space<hbm>> -> memref<128x128xf32, #tpu.memory_space<hbm>>
        tpu.enqueue_dma source(%dma_start3A_165 : memref<128x128xf32, #tpu.memory_space<hbm>>) target(%arg14 : memref<128x128xf32, #tpu.memory_space<vmem>>) target_semaphore(%arg18 : memref<!tpu.dma_semaphore, #tpu.memory_space<semaphore_mem>>)
      } else {
      }
      %dma_wait3A_150 = arith.constant 0 : i32
      %dma_wait3A_151 = arith.constant 0 : i32
      %dma_wait3A_152 = tpu.memref_slice %arg3[%dma_wait3A_150, %dma_wait3A_151] : memref<100000x128xf32, #tpu.memory_space<hbm>> -> memref<128x128xf32, #tpu.memory_space<hbm>>
      %dma_wait3A_153 = arith.constant 0 : i32
      %dma_wait3A_154 = arith.constant 0 : i32
      %dma_wait3A_155 = tpu.memref_slice %arg3[%dma_wait3A_153, %dma_wait3A_154] : memref<100000x128xf32, #tpu.memory_space<hbm>> -> memref<128x128xf32, #tpu.memory_space<hbm>>
      tpu.wait_dma2 semaphore(%arg17 : memref<!tpu.dma_semaphore, #tpu.memory_space<semaphore_mem>>) src(%dma_wait3A_155 : memref<128x128xf32, #tpu.memory_space<hbm>>) dst(%arg13 : memref<128x128xf32, #tpu.memory_space<vmem>>)
      %run_scoped3A_156 = arith.constant 18 : i32
      "tpu.region"() ({
        %run_scoped3A_157 = tpu.sem_alloc : memref<!tpu.dma_semaphore, #tpu.memory_space<semaphore_mem>>
        %dma_start3A = arith.constant 0 : i32
        %dma_start3A_158 = tpu.memref_slice %arg10[%run_scoped3A_156, %dma_start3A] : memref<25x128xi32, #tpu.memory_space<vmem>> -> memref<1x128xi32, #tpu.memory_space<vmem>>
        %dma_start3A_159 = tpu.memref_squeeze %dma_start3A_158 : memref<1x128xi32, #tpu.memory_space<vmem>> -> memref<128xi32, #tpu.memory_space<vmem>>
        %dma_start3A_160 = arith.constant 0 : i32
        %dma_start3A_161 = arith.constant 0 : i32
        %dma_start3A_162 = tpu.memref_slice %arg20[%dma_start3A_160, %dma_start3A_161] : memref<1152x128xf32, #tpu.memory_space<vmem_shared>> -> memref<1152x128xf32, #tpu.memory_space<vmem_shared>>
        tpu.enqueue_indirect_dma source(%arg13 : memref<128x128xf32, #tpu.memory_space<vmem>>) target(%dma_start3A_162 : memref<1152x128xf32, #tpu.memory_space<vmem_shared>>) offsets(%dma_start3A_159 : memref<128xi32, #tpu.memory_space<vmem>>) semaphore(%run_scoped3A_157 : memref<!tpu.dma_semaphore, #tpu.memory_space<semaphore_mem>>) {add = true}
        %dma_wait3A_163 = arith.constant 0 : i32
        %dma_wait3A_164 = tpu.memref_slice %arg10[%run_scoped3A_156, %dma_wait3A_163] : memref<25x128xi32, #tpu.memory_space<vmem>> -> memref<1x128xi32, #tpu.memory_space<vmem>>
        %dma_wait3A_165 = tpu.memref_squeeze %dma_wait3A_164 : memref<1x128xi32, #tpu.memory_space<vmem>> -> memref<128xi32, #tpu.memory_space<vmem>>
        %dma_wait3A_166 = arith.constant 0 : i32
        %dma_wait3A_167 = arith.constant 0 : i32
        %dma_wait3A_168 = tpu.memref_slice %arg20[%dma_wait3A_166, %dma_wait3A_167] : memref<1152x128xf32, #tpu.memory_space<vmem_shared>> -> memref<1152x128xf32, #tpu.memory_space<vmem_shared>>
        tpu.wait_indirect_dma semaphore(%run_scoped3A_157 : memref<!tpu.dma_semaphore, #tpu.memory_space<semaphore_mem>>) src(%arg13 : memref<128x128xf32, #tpu.memory_space<vmem>>) dst(%dma_wait3A_168 : memref<1152x128xf32, #tpu.memory_space<vmem_shared>>)
        tpu.yield
      }) : () -> ()
    } else {
    }
    %gt3A_104 = arith.constant 19 : i32
    %gt3A_105 = arith.cmpi sgt, %min3A, %gt3A_104 : i32
    %convert_element_type3A_106 = arith.extui %gt3A_105 : i1 to i32
    %cond3A_107 = arith.constant 0 : i32
    %cond3A_108 = arith.cmpi ne, %convert_element_type3A_106, %cond3A_107 : i32
    scf.if %cond3A_108 {
      %gt3A_135 = arith.constant 20 : i32
      %gt3A_136 = arith.cmpi sgt, %min3A, %gt3A_135 : i32
      %convert_element_type3A_137 = arith.extui %gt3A_136 : i1 to i32
      %cond3A_138 = arith.constant 0 : i32
      %cond3A_139 = arith.cmpi ne, %convert_element_type3A_137, %cond3A_138 : i32
      scf.if %cond3A_139 {
        %add3A_157 = arith.constant 20 : i32
        %add3A_158 = arith.addi %mul3A_4, %add3A_157 : i32
        %eq3A = arith.constant 781 : i32
        %eq3A_159 = arith.cmpi eq, %add3A_158, %eq3A : i32
        %mul3A_160 = arith.constant 128 : i32
        %mul3A_161 = arith.muli %add3A_158, %mul3A_160 : i32
        %jit3A_162 = arith.constant 99872 : i32
        %select_n3A = arith.select %eq3A_159, %jit3A_162, %mul3A_161 : i32
        %dma_start3A = arith.constant 0 : i32
        %dma_start3A_163 = tpu.memref_slice %arg2[%select_n3A, %dma_start3A] : memref<100000x128xf32, #tpu.memory_space<hbm>> -> memref<128x128xf32, #tpu.memory_space<hbm>>
        %dma_start3A_164 = arith.constant 0 : i32
        %dma_start3A_165 = tpu.memref_slice %arg2[%select_n3A, %dma_start3A_164] : memref<100000x128xf32, #tpu.memory_space<hbm>> -> memref<128x128xf32, #tpu.memory_space<hbm>>
        tpu.enqueue_dma source(%dma_start3A_165 : memref<128x128xf32, #tpu.memory_space<hbm>>) target(%arg11 : memref<128x128xf32, #tpu.memory_space<vmem>>) target_semaphore(%arg15 : memref<!tpu.dma_semaphore, #tpu.memory_space<semaphore_mem>>)
      } else {
      }
      %dma_wait3A = arith.constant 0 : i32
      %dma_wait3A_140 = arith.constant 0 : i32
      %dma_wait3A_141 = tpu.memref_slice %arg2[%dma_wait3A, %dma_wait3A_140] : memref<100000x128xf32, #tpu.memory_space<hbm>> -> memref<128x128xf32, #tpu.memory_space<hbm>>
      %dma_wait3A_142 = arith.constant 0 : i32
      %dma_wait3A_143 = arith.constant 0 : i32
      %dma_wait3A_144 = tpu.memref_slice %arg2[%dma_wait3A_142, %dma_wait3A_143] : memref<100000x128xf32, #tpu.memory_space<hbm>> -> memref<128x128xf32, #tpu.memory_space<hbm>>
      tpu.wait_dma2 semaphore(%arg16 : memref<!tpu.dma_semaphore, #tpu.memory_space<semaphore_mem>>) src(%dma_wait3A_144 : memref<128x128xf32, #tpu.memory_space<hbm>>) dst(%arg12 : memref<128x128xf32, #tpu.memory_space<vmem>>)
      %run_scoped3A = arith.constant 19 : i32
      "tpu.region"() ({
        %run_scoped3A_157 = tpu.sem_alloc : memref<!tpu.dma_semaphore, #tpu.memory_space<semaphore_mem>>
        %dma_start3A = arith.constant 0 : i32
        %dma_start3A_158 = tpu.memref_slice %arg9[%run_scoped3A, %dma_start3A] : memref<25x128xi32, #tpu.memory_space<vmem>> -> memref<1x128xi32, #tpu.memory_space<vmem>>
        %dma_start3A_159 = tpu.memref_squeeze %dma_start3A_158 : memref<1x128xi32, #tpu.memory_space<vmem>> -> memref<128xi32, #tpu.memory_space<vmem>>
        %dma_start3A_160 = arith.constant 0 : i32
        %dma_start3A_161 = arith.constant 0 : i32
        %dma_start3A_162 = tpu.memref_slice %arg19[%dma_start3A_160, %dma_start3A_161] : memref<1152x128xf32, #tpu.memory_space<vmem_shared>> -> memref<1152x128xf32, #tpu.memory_space<vmem_shared>>
        tpu.enqueue_indirect_dma source(%arg12 : memref<128x128xf32, #tpu.memory_space<vmem>>) target(%dma_start3A_162 : memref<1152x128xf32, #tpu.memory_space<vmem_shared>>) offsets(%dma_start3A_159 : memref<128xi32, #tpu.memory_space<vmem>>) semaphore(%run_scoped3A_157 : memref<!tpu.dma_semaphore, #tpu.memory_space<semaphore_mem>>) {add = true}
        %dma_wait3A_163 = arith.constant 0 : i32
        %dma_wait3A_164 = tpu.memref_slice %arg9[%run_scoped3A, %dma_wait3A_163] : memref<25x128xi32, #tpu.memory_space<vmem>> -> memref<1x128xi32, #tpu.memory_space<vmem>>
        %dma_wait3A_165 = tpu.memref_squeeze %dma_wait3A_164 : memref<1x128xi32, #tpu.memory_space<vmem>> -> memref<128xi32, #tpu.memory_space<vmem>>
        %dma_wait3A_166 = arith.constant 0 : i32
        %dma_wait3A_167 = arith.constant 0 : i32
        %dma_wait3A_168 = tpu.memref_slice %arg19[%dma_wait3A_166, %dma_wait3A_167] : memref<1152x128xf32, #tpu.memory_space<vmem_shared>> -> memref<1152x128xf32, #tpu.memory_space<vmem_shared>>
        tpu.wait_indirect_dma semaphore(%run_scoped3A_157 : memref<!tpu.dma_semaphore, #tpu.memory_space<semaphore_mem>>) src(%arg12 : memref<128x128xf32, #tpu.memory_space<vmem>>) dst(%dma_wait3A_168 : memref<1152x128xf32, #tpu.memory_space<vmem_shared>>)
        tpu.yield
      }) : () -> ()
      %gt3A_145 = arith.constant 20 : i32
      %gt3A_146 = arith.cmpi sgt, %min3A, %gt3A_145 : i32
      %convert_element_type3A_147 = arith.extui %gt3A_146 : i1 to i32
      %cond3A_148 = arith.constant 0 : i32
      %cond3A_149 = arith.cmpi ne, %convert_element_type3A_147, %cond3A_148 : i32
      scf.if %cond3A_149 {
        %add3A_157 = arith.constant 20 : i32
        %add3A_158 = arith.addi %mul3A_4, %add3A_157 : i32
        %eq3A = arith.constant 781 : i32
        %eq3A_159 = arith.cmpi eq, %add3A_158, %eq3A : i32
        %mul3A_160 = arith.constant 128 : i32
        %mul3A_161 = arith.muli %add3A_158, %mul3A_160 : i32
        %jit3A_162 = arith.constant 99872 : i32
        %select_n3A = arith.select %eq3A_159, %jit3A_162, %mul3A_161 : i32
        %dma_start3A = arith.constant 0 : i32
        %dma_start3A_163 = tpu.memref_slice %arg3[%select_n3A, %dma_start3A] : memref<100000x128xf32, #tpu.memory_space<hbm>> -> memref<128x128xf32, #tpu.memory_space<hbm>>
        %dma_start3A_164 = arith.constant 0 : i32
        %dma_start3A_165 = tpu.memref_slice %arg3[%select_n3A, %dma_start3A_164] : memref<100000x128xf32, #tpu.memory_space<hbm>> -> memref<128x128xf32, #tpu.memory_space<hbm>>
        tpu.enqueue_dma source(%dma_start3A_165 : memref<128x128xf32, #tpu.memory_space<hbm>>) target(%arg13 : memref<128x128xf32, #tpu.memory_space<vmem>>) target_semaphore(%arg17 : memref<!tpu.dma_semaphore, #tpu.memory_space<semaphore_mem>>)
      } else {
      }
      %dma_wait3A_150 = arith.constant 0 : i32
      %dma_wait3A_151 = arith.constant 0 : i32
      %dma_wait3A_152 = tpu.memref_slice %arg3[%dma_wait3A_150, %dma_wait3A_151] : memref<100000x128xf32, #tpu.memory_space<hbm>> -> memref<128x128xf32, #tpu.memory_space<hbm>>
      %dma_wait3A_153 = arith.constant 0 : i32
      %dma_wait3A_154 = arith.constant 0 : i32
      %dma_wait3A_155 = tpu.memref_slice %arg3[%dma_wait3A_153, %dma_wait3A_154] : memref<100000x128xf32, #tpu.memory_space<hbm>> -> memref<128x128xf32, #tpu.memory_space<hbm>>
      tpu.wait_dma2 semaphore(%arg18 : memref<!tpu.dma_semaphore, #tpu.memory_space<semaphore_mem>>) src(%dma_wait3A_155 : memref<128x128xf32, #tpu.memory_space<hbm>>) dst(%arg14 : memref<128x128xf32, #tpu.memory_space<vmem>>)
      %run_scoped3A_156 = arith.constant 19 : i32
      "tpu.region"() ({
        %run_scoped3A_157 = tpu.sem_alloc : memref<!tpu.dma_semaphore, #tpu.memory_space<semaphore_mem>>
        %dma_start3A = arith.constant 0 : i32
        %dma_start3A_158 = tpu.memref_slice %arg10[%run_scoped3A_156, %dma_start3A] : memref<25x128xi32, #tpu.memory_space<vmem>> -> memref<1x128xi32, #tpu.memory_space<vmem>>
        %dma_start3A_159 = tpu.memref_squeeze %dma_start3A_158 : memref<1x128xi32, #tpu.memory_space<vmem>> -> memref<128xi32, #tpu.memory_space<vmem>>
        %dma_start3A_160 = arith.constant 0 : i32
        %dma_start3A_161 = arith.constant 0 : i32
        %dma_start3A_162 = tpu.memref_slice %arg20[%dma_start3A_160, %dma_start3A_161] : memref<1152x128xf32, #tpu.memory_space<vmem_shared>> -> memref<1152x128xf32, #tpu.memory_space<vmem_shared>>
        tpu.enqueue_indirect_dma source(%arg14 : memref<128x128xf32, #tpu.memory_space<vmem>>) target(%dma_start3A_162 : memref<1152x128xf32, #tpu.memory_space<vmem_shared>>) offsets(%dma_start3A_159 : memref<128xi32, #tpu.memory_space<vmem>>) semaphore(%run_scoped3A_157 : memref<!tpu.dma_semaphore, #tpu.memory_space<semaphore_mem>>) {add = true}
        %dma_wait3A_163 = arith.constant 0 : i32
        %dma_wait3A_164 = tpu.memref_slice %arg10[%run_scoped3A_156, %dma_wait3A_163] : memref<25x128xi32, #tpu.memory_space<vmem>> -> memref<1x128xi32, #tpu.memory_space<vmem>>
        %dma_wait3A_165 = tpu.memref_squeeze %dma_wait3A_164 : memref<1x128xi32, #tpu.memory_space<vmem>> -> memref<128xi32, #tpu.memory_space<vmem>>
        %dma_wait3A_166 = arith.constant 0 : i32
        %dma_wait3A_167 = arith.constant 0 : i32
        %dma_wait3A_168 = tpu.memref_slice %arg20[%dma_wait3A_166, %dma_wait3A_167] : memref<1152x128xf32, #tpu.memory_space<vmem_shared>> -> memref<1152x128xf32, #tpu.memory_space<vmem_shared>>
        tpu.wait_indirect_dma semaphore(%run_scoped3A_157 : memref<!tpu.dma_semaphore, #tpu.memory_space<semaphore_mem>>) src(%arg14 : memref<128x128xf32, #tpu.memory_space<vmem>>) dst(%dma_wait3A_168 : memref<1152x128xf32, #tpu.memory_space<vmem_shared>>)
        tpu.yield
      }) : () -> ()
    } else {
    }
    %gt3A_109 = arith.constant 20 : i32
    %gt3A_110 = arith.cmpi sgt, %min3A, %gt3A_109 : i32
    %convert_element_type3A_111 = arith.extui %gt3A_110 : i1 to i32
    %cond3A_112 = arith.constant 0 : i32
    %cond3A_113 = arith.cmpi ne, %convert_element_type3A_111, %cond3A_112 : i32
    scf.if %cond3A_113 {
      %gt3A_135 = arith.constant 21 : i32
      %gt3A_136 = arith.cmpi sgt, %min3A, %gt3A_135 : i32
      %convert_element_type3A_137 = arith.extui %gt3A_136 : i1 to i32
      %cond3A_138 = arith.constant 0 : i32
      %cond3A_139 = arith.cmpi ne, %convert_element_type3A_137, %cond3A_138 : i32
      scf.if %cond3A_139 {
        %add3A_157 = arith.constant 21 : i32
        %add3A_158 = arith.addi %mul3A_4, %add3A_157 : i32
        %eq3A = arith.constant 781 : i32
        %eq3A_159 = arith.cmpi eq, %add3A_158, %eq3A : i32
        %mul3A_160 = arith.constant 128 : i32
        %mul3A_161 = arith.muli %add3A_158, %mul3A_160 : i32
        %jit3A_162 = arith.constant 99872 : i32
        %select_n3A = arith.select %eq3A_159, %jit3A_162, %mul3A_161 : i32
        %dma_start3A = arith.constant 0 : i32
        %dma_start3A_163 = tpu.memref_slice %arg2[%select_n3A, %dma_start3A] : memref<100000x128xf32, #tpu.memory_space<hbm>> -> memref<128x128xf32, #tpu.memory_space<hbm>>
        %dma_start3A_164 = arith.constant 0 : i32
        %dma_start3A_165 = tpu.memref_slice %arg2[%select_n3A, %dma_start3A_164] : memref<100000x128xf32, #tpu.memory_space<hbm>> -> memref<128x128xf32, #tpu.memory_space<hbm>>
        tpu.enqueue_dma source(%dma_start3A_165 : memref<128x128xf32, #tpu.memory_space<hbm>>) target(%arg12 : memref<128x128xf32, #tpu.memory_space<vmem>>) target_semaphore(%arg16 : memref<!tpu.dma_semaphore, #tpu.memory_space<semaphore_mem>>)
      } else {
      }
      %dma_wait3A = arith.constant 0 : i32
      %dma_wait3A_140 = arith.constant 0 : i32
      %dma_wait3A_141 = tpu.memref_slice %arg2[%dma_wait3A, %dma_wait3A_140] : memref<100000x128xf32, #tpu.memory_space<hbm>> -> memref<128x128xf32, #tpu.memory_space<hbm>>
      %dma_wait3A_142 = arith.constant 0 : i32
      %dma_wait3A_143 = arith.constant 0 : i32
      %dma_wait3A_144 = tpu.memref_slice %arg2[%dma_wait3A_142, %dma_wait3A_143] : memref<100000x128xf32, #tpu.memory_space<hbm>> -> memref<128x128xf32, #tpu.memory_space<hbm>>
      tpu.wait_dma2 semaphore(%arg15 : memref<!tpu.dma_semaphore, #tpu.memory_space<semaphore_mem>>) src(%dma_wait3A_144 : memref<128x128xf32, #tpu.memory_space<hbm>>) dst(%arg11 : memref<128x128xf32, #tpu.memory_space<vmem>>)
      %run_scoped3A = arith.constant 20 : i32
      "tpu.region"() ({
        %run_scoped3A_157 = tpu.sem_alloc : memref<!tpu.dma_semaphore, #tpu.memory_space<semaphore_mem>>
        %dma_start3A = arith.constant 0 : i32
        %dma_start3A_158 = tpu.memref_slice %arg9[%run_scoped3A, %dma_start3A] : memref<25x128xi32, #tpu.memory_space<vmem>> -> memref<1x128xi32, #tpu.memory_space<vmem>>
        %dma_start3A_159 = tpu.memref_squeeze %dma_start3A_158 : memref<1x128xi32, #tpu.memory_space<vmem>> -> memref<128xi32, #tpu.memory_space<vmem>>
        %dma_start3A_160 = arith.constant 0 : i32
        %dma_start3A_161 = arith.constant 0 : i32
        %dma_start3A_162 = tpu.memref_slice %arg19[%dma_start3A_160, %dma_start3A_161] : memref<1152x128xf32, #tpu.memory_space<vmem_shared>> -> memref<1152x128xf32, #tpu.memory_space<vmem_shared>>
        tpu.enqueue_indirect_dma source(%arg11 : memref<128x128xf32, #tpu.memory_space<vmem>>) target(%dma_start3A_162 : memref<1152x128xf32, #tpu.memory_space<vmem_shared>>) offsets(%dma_start3A_159 : memref<128xi32, #tpu.memory_space<vmem>>) semaphore(%run_scoped3A_157 : memref<!tpu.dma_semaphore, #tpu.memory_space<semaphore_mem>>) {add = true}
        %dma_wait3A_163 = arith.constant 0 : i32
        %dma_wait3A_164 = tpu.memref_slice %arg9[%run_scoped3A, %dma_wait3A_163] : memref<25x128xi32, #tpu.memory_space<vmem>> -> memref<1x128xi32, #tpu.memory_space<vmem>>
        %dma_wait3A_165 = tpu.memref_squeeze %dma_wait3A_164 : memref<1x128xi32, #tpu.memory_space<vmem>> -> memref<128xi32, #tpu.memory_space<vmem>>
        %dma_wait3A_166 = arith.constant 0 : i32
        %dma_wait3A_167 = arith.constant 0 : i32
        %dma_wait3A_168 = tpu.memref_slice %arg19[%dma_wait3A_166, %dma_wait3A_167] : memref<1152x128xf32, #tpu.memory_space<vmem_shared>> -> memref<1152x128xf32, #tpu.memory_space<vmem_shared>>
        tpu.wait_indirect_dma semaphore(%run_scoped3A_157 : memref<!tpu.dma_semaphore, #tpu.memory_space<semaphore_mem>>) src(%arg11 : memref<128x128xf32, #tpu.memory_space<vmem>>) dst(%dma_wait3A_168 : memref<1152x128xf32, #tpu.memory_space<vmem_shared>>)
        tpu.yield
      }) : () -> ()
      %gt3A_145 = arith.constant 21 : i32
      %gt3A_146 = arith.cmpi sgt, %min3A, %gt3A_145 : i32
      %convert_element_type3A_147 = arith.extui %gt3A_146 : i1 to i32
      %cond3A_148 = arith.constant 0 : i32
      %cond3A_149 = arith.cmpi ne, %convert_element_type3A_147, %cond3A_148 : i32
      scf.if %cond3A_149 {
        %add3A_157 = arith.constant 21 : i32
        %add3A_158 = arith.addi %mul3A_4, %add3A_157 : i32
        %eq3A = arith.constant 781 : i32
        %eq3A_159 = arith.cmpi eq, %add3A_158, %eq3A : i32
        %mul3A_160 = arith.constant 128 : i32
        %mul3A_161 = arith.muli %add3A_158, %mul3A_160 : i32
        %jit3A_162 = arith.constant 99872 : i32
        %select_n3A = arith.select %eq3A_159, %jit3A_162, %mul3A_161 : i32
        %dma_start3A = arith.constant 0 : i32
        %dma_start3A_163 = tpu.memref_slice %arg3[%select_n3A, %dma_start3A] : memref<100000x128xf32, #tpu.memory_space<hbm>> -> memref<128x128xf32, #tpu.memory_space<hbm>>
        %dma_start3A_164 = arith.constant 0 : i32
        %dma_start3A_165 = tpu.memref_slice %arg3[%select_n3A, %dma_start3A_164] : memref<100000x128xf32, #tpu.memory_space<hbm>> -> memref<128x128xf32, #tpu.memory_space<hbm>>
        tpu.enqueue_dma source(%dma_start3A_165 : memref<128x128xf32, #tpu.memory_space<hbm>>) target(%arg14 : memref<128x128xf32, #tpu.memory_space<vmem>>) target_semaphore(%arg18 : memref<!tpu.dma_semaphore, #tpu.memory_space<semaphore_mem>>)
      } else {
      }
      %dma_wait3A_150 = arith.constant 0 : i32
      %dma_wait3A_151 = arith.constant 0 : i32
      %dma_wait3A_152 = tpu.memref_slice %arg3[%dma_wait3A_150, %dma_wait3A_151] : memref<100000x128xf32, #tpu.memory_space<hbm>> -> memref<128x128xf32, #tpu.memory_space<hbm>>
      %dma_wait3A_153 = arith.constant 0 : i32
      %dma_wait3A_154 = arith.constant 0 : i32
      %dma_wait3A_155 = tpu.memref_slice %arg3[%dma_wait3A_153, %dma_wait3A_154] : memref<100000x128xf32, #tpu.memory_space<hbm>> -> memref<128x128xf32, #tpu.memory_space<hbm>>
      tpu.wait_dma2 semaphore(%arg17 : memref<!tpu.dma_semaphore, #tpu.memory_space<semaphore_mem>>) src(%dma_wait3A_155 : memref<128x128xf32, #tpu.memory_space<hbm>>) dst(%arg13 : memref<128x128xf32, #tpu.memory_space<vmem>>)
      %run_scoped3A_156 = arith.constant 20 : i32
      "tpu.region"() ({
        %run_scoped3A_157 = tpu.sem_alloc : memref<!tpu.dma_semaphore, #tpu.memory_space<semaphore_mem>>
        %dma_start3A = arith.constant 0 : i32
        %dma_start3A_158 = tpu.memref_slice %arg10[%run_scoped3A_156, %dma_start3A] : memref<25x128xi32, #tpu.memory_space<vmem>> -> memref<1x128xi32, #tpu.memory_space<vmem>>
        %dma_start3A_159 = tpu.memref_squeeze %dma_start3A_158 : memref<1x128xi32, #tpu.memory_space<vmem>> -> memref<128xi32, #tpu.memory_space<vmem>>
        %dma_start3A_160 = arith.constant 0 : i32
        %dma_start3A_161 = arith.constant 0 : i32
        %dma_start3A_162 = tpu.memref_slice %arg20[%dma_start3A_160, %dma_start3A_161] : memref<1152x128xf32, #tpu.memory_space<vmem_shared>> -> memref<1152x128xf32, #tpu.memory_space<vmem_shared>>
        tpu.enqueue_indirect_dma source(%arg13 : memref<128x128xf32, #tpu.memory_space<vmem>>) target(%dma_start3A_162 : memref<1152x128xf32, #tpu.memory_space<vmem_shared>>) offsets(%dma_start3A_159 : memref<128xi32, #tpu.memory_space<vmem>>) semaphore(%run_scoped3A_157 : memref<!tpu.dma_semaphore, #tpu.memory_space<semaphore_mem>>) {add = true}
        %dma_wait3A_163 = arith.constant 0 : i32
        %dma_wait3A_164 = tpu.memref_slice %arg10[%run_scoped3A_156, %dma_wait3A_163] : memref<25x128xi32, #tpu.memory_space<vmem>> -> memref<1x128xi32, #tpu.memory_space<vmem>>
        %dma_wait3A_165 = tpu.memref_squeeze %dma_wait3A_164 : memref<1x128xi32, #tpu.memory_space<vmem>> -> memref<128xi32, #tpu.memory_space<vmem>>
        %dma_wait3A_166 = arith.constant 0 : i32
        %dma_wait3A_167 = arith.constant 0 : i32
        %dma_wait3A_168 = tpu.memref_slice %arg20[%dma_wait3A_166, %dma_wait3A_167] : memref<1152x128xf32, #tpu.memory_space<vmem_shared>> -> memref<1152x128xf32, #tpu.memory_space<vmem_shared>>
        tpu.wait_indirect_dma semaphore(%run_scoped3A_157 : memref<!tpu.dma_semaphore, #tpu.memory_space<semaphore_mem>>) src(%arg13 : memref<128x128xf32, #tpu.memory_space<vmem>>) dst(%dma_wait3A_168 : memref<1152x128xf32, #tpu.memory_space<vmem_shared>>)
        tpu.yield
      }) : () -> ()
    } else {
    }
    %gt3A_114 = arith.constant 21 : i32
    %gt3A_115 = arith.cmpi sgt, %min3A, %gt3A_114 : i32
    %convert_element_type3A_116 = arith.extui %gt3A_115 : i1 to i32
    %cond3A_117 = arith.constant 0 : i32
    %cond3A_118 = arith.cmpi ne, %convert_element_type3A_116, %cond3A_117 : i32
    scf.if %cond3A_118 {
      %gt3A_135 = arith.constant 22 : i32
      %gt3A_136 = arith.cmpi sgt, %min3A, %gt3A_135 : i32
      %convert_element_type3A_137 = arith.extui %gt3A_136 : i1 to i32
      %cond3A_138 = arith.constant 0 : i32
      %cond3A_139 = arith.cmpi ne, %convert_element_type3A_137, %cond3A_138 : i32
      scf.if %cond3A_139 {
        %add3A_157 = arith.constant 22 : i32
        %add3A_158 = arith.addi %mul3A_4, %add3A_157 : i32
        %eq3A = arith.constant 781 : i32
        %eq3A_159 = arith.cmpi eq, %add3A_158, %eq3A : i32
        %mul3A_160 = arith.constant 128 : i32
        %mul3A_161 = arith.muli %add3A_158, %mul3A_160 : i32
        %jit3A_162 = arith.constant 99872 : i32
        %select_n3A = arith.select %eq3A_159, %jit3A_162, %mul3A_161 : i32
        %dma_start3A = arith.constant 0 : i32
        %dma_start3A_163 = tpu.memref_slice %arg2[%select_n3A, %dma_start3A] : memref<100000x128xf32, #tpu.memory_space<hbm>> -> memref<128x128xf32, #tpu.memory_space<hbm>>
        %dma_start3A_164 = arith.constant 0 : i32
        %dma_start3A_165 = tpu.memref_slice %arg2[%select_n3A, %dma_start3A_164] : memref<100000x128xf32, #tpu.memory_space<hbm>> -> memref<128x128xf32, #tpu.memory_space<hbm>>
        tpu.enqueue_dma source(%dma_start3A_165 : memref<128x128xf32, #tpu.memory_space<hbm>>) target(%arg11 : memref<128x128xf32, #tpu.memory_space<vmem>>) target_semaphore(%arg15 : memref<!tpu.dma_semaphore, #tpu.memory_space<semaphore_mem>>)
      } else {
      }
      %dma_wait3A = arith.constant 0 : i32
      %dma_wait3A_140 = arith.constant 0 : i32
      %dma_wait3A_141 = tpu.memref_slice %arg2[%dma_wait3A, %dma_wait3A_140] : memref<100000x128xf32, #tpu.memory_space<hbm>> -> memref<128x128xf32, #tpu.memory_space<hbm>>
      %dma_wait3A_142 = arith.constant 0 : i32
      %dma_wait3A_143 = arith.constant 0 : i32
      %dma_wait3A_144 = tpu.memref_slice %arg2[%dma_wait3A_142, %dma_wait3A_143] : memref<100000x128xf32, #tpu.memory_space<hbm>> -> memref<128x128xf32, #tpu.memory_space<hbm>>
      tpu.wait_dma2 semaphore(%arg16 : memref<!tpu.dma_semaphore, #tpu.memory_space<semaphore_mem>>) src(%dma_wait3A_144 : memref<128x128xf32, #tpu.memory_space<hbm>>) dst(%arg12 : memref<128x128xf32, #tpu.memory_space<vmem>>)
      %run_scoped3A = arith.constant 21 : i32
      "tpu.region"() ({
        %run_scoped3A_157 = tpu.sem_alloc : memref<!tpu.dma_semaphore, #tpu.memory_space<semaphore_mem>>
        %dma_start3A = arith.constant 0 : i32
        %dma_start3A_158 = tpu.memref_slice %arg9[%run_scoped3A, %dma_start3A] : memref<25x128xi32, #tpu.memory_space<vmem>> -> memref<1x128xi32, #tpu.memory_space<vmem>>
        %dma_start3A_159 = tpu.memref_squeeze %dma_start3A_158 : memref<1x128xi32, #tpu.memory_space<vmem>> -> memref<128xi32, #tpu.memory_space<vmem>>
        %dma_start3A_160 = arith.constant 0 : i32
        %dma_start3A_161 = arith.constant 0 : i32
        %dma_start3A_162 = tpu.memref_slice %arg19[%dma_start3A_160, %dma_start3A_161] : memref<1152x128xf32, #tpu.memory_space<vmem_shared>> -> memref<1152x128xf32, #tpu.memory_space<vmem_shared>>
        tpu.enqueue_indirect_dma source(%arg12 : memref<128x128xf32, #tpu.memory_space<vmem>>) target(%dma_start3A_162 : memref<1152x128xf32, #tpu.memory_space<vmem_shared>>) offsets(%dma_start3A_159 : memref<128xi32, #tpu.memory_space<vmem>>) semaphore(%run_scoped3A_157 : memref<!tpu.dma_semaphore, #tpu.memory_space<semaphore_mem>>) {add = true}
        %dma_wait3A_163 = arith.constant 0 : i32
        %dma_wait3A_164 = tpu.memref_slice %arg9[%run_scoped3A, %dma_wait3A_163] : memref<25x128xi32, #tpu.memory_space<vmem>> -> memref<1x128xi32, #tpu.memory_space<vmem>>
        %dma_wait3A_165 = tpu.memref_squeeze %dma_wait3A_164 : memref<1x128xi32, #tpu.memory_space<vmem>> -> memref<128xi32, #tpu.memory_space<vmem>>
        %dma_wait3A_166 = arith.constant 0 : i32
        %dma_wait3A_167 = arith.constant 0 : i32
        %dma_wait3A_168 = tpu.memref_slice %arg19[%dma_wait3A_166, %dma_wait3A_167] : memref<1152x128xf32, #tpu.memory_space<vmem_shared>> -> memref<1152x128xf32, #tpu.memory_space<vmem_shared>>
        tpu.wait_indirect_dma semaphore(%run_scoped3A_157 : memref<!tpu.dma_semaphore, #tpu.memory_space<semaphore_mem>>) src(%arg12 : memref<128x128xf32, #tpu.memory_space<vmem>>) dst(%dma_wait3A_168 : memref<1152x128xf32, #tpu.memory_space<vmem_shared>>)
        tpu.yield
      }) : () -> ()
      %gt3A_145 = arith.constant 22 : i32
      %gt3A_146 = arith.cmpi sgt, %min3A, %gt3A_145 : i32
      %convert_element_type3A_147 = arith.extui %gt3A_146 : i1 to i32
      %cond3A_148 = arith.constant 0 : i32
      %cond3A_149 = arith.cmpi ne, %convert_element_type3A_147, %cond3A_148 : i32
      scf.if %cond3A_149 {
        %add3A_157 = arith.constant 22 : i32
        %add3A_158 = arith.addi %mul3A_4, %add3A_157 : i32
        %eq3A = arith.constant 781 : i32
        %eq3A_159 = arith.cmpi eq, %add3A_158, %eq3A : i32
        %mul3A_160 = arith.constant 128 : i32
        %mul3A_161 = arith.muli %add3A_158, %mul3A_160 : i32
        %jit3A_162 = arith.constant 99872 : i32
        %select_n3A = arith.select %eq3A_159, %jit3A_162, %mul3A_161 : i32
        %dma_start3A = arith.constant 0 : i32
        %dma_start3A_163 = tpu.memref_slice %arg3[%select_n3A, %dma_start3A] : memref<100000x128xf32, #tpu.memory_space<hbm>> -> memref<128x128xf32, #tpu.memory_space<hbm>>
        %dma_start3A_164 = arith.constant 0 : i32
        %dma_start3A_165 = tpu.memref_slice %arg3[%select_n3A, %dma_start3A_164] : memref<100000x128xf32, #tpu.memory_space<hbm>> -> memref<128x128xf32, #tpu.memory_space<hbm>>
        tpu.enqueue_dma source(%dma_start3A_165 : memref<128x128xf32, #tpu.memory_space<hbm>>) target(%arg13 : memref<128x128xf32, #tpu.memory_space<vmem>>) target_semaphore(%arg17 : memref<!tpu.dma_semaphore, #tpu.memory_space<semaphore_mem>>)
      } else {
      }
      %dma_wait3A_150 = arith.constant 0 : i32
      %dma_wait3A_151 = arith.constant 0 : i32
      %dma_wait3A_152 = tpu.memref_slice %arg3[%dma_wait3A_150, %dma_wait3A_151] : memref<100000x128xf32, #tpu.memory_space<hbm>> -> memref<128x128xf32, #tpu.memory_space<hbm>>
      %dma_wait3A_153 = arith.constant 0 : i32
      %dma_wait3A_154 = arith.constant 0 : i32
      %dma_wait3A_155 = tpu.memref_slice %arg3[%dma_wait3A_153, %dma_wait3A_154] : memref<100000x128xf32, #tpu.memory_space<hbm>> -> memref<128x128xf32, #tpu.memory_space<hbm>>
      tpu.wait_dma2 semaphore(%arg18 : memref<!tpu.dma_semaphore, #tpu.memory_space<semaphore_mem>>) src(%dma_wait3A_155 : memref<128x128xf32, #tpu.memory_space<hbm>>) dst(%arg14 : memref<128x128xf32, #tpu.memory_space<vmem>>)
      %run_scoped3A_156 = arith.constant 21 : i32
      "tpu.region"() ({
        %run_scoped3A_157 = tpu.sem_alloc : memref<!tpu.dma_semaphore, #tpu.memory_space<semaphore_mem>>
        %dma_start3A = arith.constant 0 : i32
        %dma_start3A_158 = tpu.memref_slice %arg10[%run_scoped3A_156, %dma_start3A] : memref<25x128xi32, #tpu.memory_space<vmem>> -> memref<1x128xi32, #tpu.memory_space<vmem>>
        %dma_start3A_159 = tpu.memref_squeeze %dma_start3A_158 : memref<1x128xi32, #tpu.memory_space<vmem>> -> memref<128xi32, #tpu.memory_space<vmem>>
        %dma_start3A_160 = arith.constant 0 : i32
        %dma_start3A_161 = arith.constant 0 : i32
        %dma_start3A_162 = tpu.memref_slice %arg20[%dma_start3A_160, %dma_start3A_161] : memref<1152x128xf32, #tpu.memory_space<vmem_shared>> -> memref<1152x128xf32, #tpu.memory_space<vmem_shared>>
        tpu.enqueue_indirect_dma source(%arg14 : memref<128x128xf32, #tpu.memory_space<vmem>>) target(%dma_start3A_162 : memref<1152x128xf32, #tpu.memory_space<vmem_shared>>) offsets(%dma_start3A_159 : memref<128xi32, #tpu.memory_space<vmem>>) semaphore(%run_scoped3A_157 : memref<!tpu.dma_semaphore, #tpu.memory_space<semaphore_mem>>) {add = true}
        %dma_wait3A_163 = arith.constant 0 : i32
        %dma_wait3A_164 = tpu.memref_slice %arg10[%run_scoped3A_156, %dma_wait3A_163] : memref<25x128xi32, #tpu.memory_space<vmem>> -> memref<1x128xi32, #tpu.memory_space<vmem>>
        %dma_wait3A_165 = tpu.memref_squeeze %dma_wait3A_164 : memref<1x128xi32, #tpu.memory_space<vmem>> -> memref<128xi32, #tpu.memory_space<vmem>>
        %dma_wait3A_166 = arith.constant 0 : i32
        %dma_wait3A_167 = arith.constant 0 : i32
        %dma_wait3A_168 = tpu.memref_slice %arg20[%dma_wait3A_166, %dma_wait3A_167] : memref<1152x128xf32, #tpu.memory_space<vmem_shared>> -> memref<1152x128xf32, #tpu.memory_space<vmem_shared>>
        tpu.wait_indirect_dma semaphore(%run_scoped3A_157 : memref<!tpu.dma_semaphore, #tpu.memory_space<semaphore_mem>>) src(%arg14 : memref<128x128xf32, #tpu.memory_space<vmem>>) dst(%dma_wait3A_168 : memref<1152x128xf32, #tpu.memory_space<vmem_shared>>)
        tpu.yield
      }) : () -> ()
    } else {
    }
    %gt3A_119 = arith.constant 22 : i32
    %gt3A_120 = arith.cmpi sgt, %min3A, %gt3A_119 : i32
    %convert_element_type3A_121 = arith.extui %gt3A_120 : i1 to i32
    %cond3A_122 = arith.constant 0 : i32
    %cond3A_123 = arith.cmpi ne, %convert_element_type3A_121, %cond3A_122 : i32
    scf.if %cond3A_123 {
      %gt3A_135 = arith.constant 23 : i32
      %gt3A_136 = arith.cmpi sgt, %min3A, %gt3A_135 : i32
      %convert_element_type3A_137 = arith.extui %gt3A_136 : i1 to i32
      %cond3A_138 = arith.constant 0 : i32
      %cond3A_139 = arith.cmpi ne, %convert_element_type3A_137, %cond3A_138 : i32
      scf.if %cond3A_139 {
        %add3A_157 = arith.constant 23 : i32
        %add3A_158 = arith.addi %mul3A_4, %add3A_157 : i32
        %eq3A = arith.constant 781 : i32
        %eq3A_159 = arith.cmpi eq, %add3A_158, %eq3A : i32
        %mul3A_160 = arith.constant 128 : i32
        %mul3A_161 = arith.muli %add3A_158, %mul3A_160 : i32
        %jit3A_162 = arith.constant 99872 : i32
        %select_n3A = arith.select %eq3A_159, %jit3A_162, %mul3A_161 : i32
        %dma_start3A = arith.constant 0 : i32
        %dma_start3A_163 = tpu.memref_slice %arg2[%select_n3A, %dma_start3A] : memref<100000x128xf32, #tpu.memory_space<hbm>> -> memref<128x128xf32, #tpu.memory_space<hbm>>
        %dma_start3A_164 = arith.constant 0 : i32
        %dma_start3A_165 = tpu.memref_slice %arg2[%select_n3A, %dma_start3A_164] : memref<100000x128xf32, #tpu.memory_space<hbm>> -> memref<128x128xf32, #tpu.memory_space<hbm>>
        tpu.enqueue_dma source(%dma_start3A_165 : memref<128x128xf32, #tpu.memory_space<hbm>>) target(%arg12 : memref<128x128xf32, #tpu.memory_space<vmem>>) target_semaphore(%arg16 : memref<!tpu.dma_semaphore, #tpu.memory_space<semaphore_mem>>)
      } else {
      }
      %dma_wait3A = arith.constant 0 : i32
      %dma_wait3A_140 = arith.constant 0 : i32
      %dma_wait3A_141 = tpu.memref_slice %arg2[%dma_wait3A, %dma_wait3A_140] : memref<100000x128xf32, #tpu.memory_space<hbm>> -> memref<128x128xf32, #tpu.memory_space<hbm>>
      %dma_wait3A_142 = arith.constant 0 : i32
      %dma_wait3A_143 = arith.constant 0 : i32
      %dma_wait3A_144 = tpu.memref_slice %arg2[%dma_wait3A_142, %dma_wait3A_143] : memref<100000x128xf32, #tpu.memory_space<hbm>> -> memref<128x128xf32, #tpu.memory_space<hbm>>
      tpu.wait_dma2 semaphore(%arg15 : memref<!tpu.dma_semaphore, #tpu.memory_space<semaphore_mem>>) src(%dma_wait3A_144 : memref<128x128xf32, #tpu.memory_space<hbm>>) dst(%arg11 : memref<128x128xf32, #tpu.memory_space<vmem>>)
      %run_scoped3A = arith.constant 22 : i32
      "tpu.region"() ({
        %run_scoped3A_157 = tpu.sem_alloc : memref<!tpu.dma_semaphore, #tpu.memory_space<semaphore_mem>>
        %dma_start3A = arith.constant 0 : i32
        %dma_start3A_158 = tpu.memref_slice %arg9[%run_scoped3A, %dma_start3A] : memref<25x128xi32, #tpu.memory_space<vmem>> -> memref<1x128xi32, #tpu.memory_space<vmem>>
        %dma_start3A_159 = tpu.memref_squeeze %dma_start3A_158 : memref<1x128xi32, #tpu.memory_space<vmem>> -> memref<128xi32, #tpu.memory_space<vmem>>
        %dma_start3A_160 = arith.constant 0 : i32
        %dma_start3A_161 = arith.constant 0 : i32
        %dma_start3A_162 = tpu.memref_slice %arg19[%dma_start3A_160, %dma_start3A_161] : memref<1152x128xf32, #tpu.memory_space<vmem_shared>> -> memref<1152x128xf32, #tpu.memory_space<vmem_shared>>
        tpu.enqueue_indirect_dma source(%arg11 : memref<128x128xf32, #tpu.memory_space<vmem>>) target(%dma_start3A_162 : memref<1152x128xf32, #tpu.memory_space<vmem_shared>>) offsets(%dma_start3A_159 : memref<128xi32, #tpu.memory_space<vmem>>) semaphore(%run_scoped3A_157 : memref<!tpu.dma_semaphore, #tpu.memory_space<semaphore_mem>>) {add = true}
        %dma_wait3A_163 = arith.constant 0 : i32
        %dma_wait3A_164 = tpu.memref_slice %arg9[%run_scoped3A, %dma_wait3A_163] : memref<25x128xi32, #tpu.memory_space<vmem>> -> memref<1x128xi32, #tpu.memory_space<vmem>>
        %dma_wait3A_165 = tpu.memref_squeeze %dma_wait3A_164 : memref<1x128xi32, #tpu.memory_space<vmem>> -> memref<128xi32, #tpu.memory_space<vmem>>
        %dma_wait3A_166 = arith.constant 0 : i32
        %dma_wait3A_167 = arith.constant 0 : i32
        %dma_wait3A_168 = tpu.memref_slice %arg19[%dma_wait3A_166, %dma_wait3A_167] : memref<1152x128xf32, #tpu.memory_space<vmem_shared>> -> memref<1152x128xf32, #tpu.memory_space<vmem_shared>>
        tpu.wait_indirect_dma semaphore(%run_scoped3A_157 : memref<!tpu.dma_semaphore, #tpu.memory_space<semaphore_mem>>) src(%arg11 : memref<128x128xf32, #tpu.memory_space<vmem>>) dst(%dma_wait3A_168 : memref<1152x128xf32, #tpu.memory_space<vmem_shared>>)
        tpu.yield
      }) : () -> ()
      %gt3A_145 = arith.constant 23 : i32
      %gt3A_146 = arith.cmpi sgt, %min3A, %gt3A_145 : i32
      %convert_element_type3A_147 = arith.extui %gt3A_146 : i1 to i32
      %cond3A_148 = arith.constant 0 : i32
      %cond3A_149 = arith.cmpi ne, %convert_element_type3A_147, %cond3A_148 : i32
      scf.if %cond3A_149 {
        %add3A_157 = arith.constant 23 : i32
        %add3A_158 = arith.addi %mul3A_4, %add3A_157 : i32
        %eq3A = arith.constant 781 : i32
        %eq3A_159 = arith.cmpi eq, %add3A_158, %eq3A : i32
        %mul3A_160 = arith.constant 128 : i32
        %mul3A_161 = arith.muli %add3A_158, %mul3A_160 : i32
        %jit3A_162 = arith.constant 99872 : i32
        %select_n3A = arith.select %eq3A_159, %jit3A_162, %mul3A_161 : i32
        %dma_start3A = arith.constant 0 : i32
        %dma_start3A_163 = tpu.memref_slice %arg3[%select_n3A, %dma_start3A] : memref<100000x128xf32, #tpu.memory_space<hbm>> -> memref<128x128xf32, #tpu.memory_space<hbm>>
        %dma_start3A_164 = arith.constant 0 : i32
        %dma_start3A_165 = tpu.memref_slice %arg3[%select_n3A, %dma_start3A_164] : memref<100000x128xf32, #tpu.memory_space<hbm>> -> memref<128x128xf32, #tpu.memory_space<hbm>>
        tpu.enqueue_dma source(%dma_start3A_165 : memref<128x128xf32, #tpu.memory_space<hbm>>) target(%arg14 : memref<128x128xf32, #tpu.memory_space<vmem>>) target_semaphore(%arg18 : memref<!tpu.dma_semaphore, #tpu.memory_space<semaphore_mem>>)
      } else {
      }
      %dma_wait3A_150 = arith.constant 0 : i32
      %dma_wait3A_151 = arith.constant 0 : i32
      %dma_wait3A_152 = tpu.memref_slice %arg3[%dma_wait3A_150, %dma_wait3A_151] : memref<100000x128xf32, #tpu.memory_space<hbm>> -> memref<128x128xf32, #tpu.memory_space<hbm>>
      %dma_wait3A_153 = arith.constant 0 : i32
      %dma_wait3A_154 = arith.constant 0 : i32
      %dma_wait3A_155 = tpu.memref_slice %arg3[%dma_wait3A_153, %dma_wait3A_154] : memref<100000x128xf32, #tpu.memory_space<hbm>> -> memref<128x128xf32, #tpu.memory_space<hbm>>
      tpu.wait_dma2 semaphore(%arg17 : memref<!tpu.dma_semaphore, #tpu.memory_space<semaphore_mem>>) src(%dma_wait3A_155 : memref<128x128xf32, #tpu.memory_space<hbm>>) dst(%arg13 : memref<128x128xf32, #tpu.memory_space<vmem>>)
      %run_scoped3A_156 = arith.constant 22 : i32
      "tpu.region"() ({
        %run_scoped3A_157 = tpu.sem_alloc : memref<!tpu.dma_semaphore, #tpu.memory_space<semaphore_mem>>
        %dma_start3A = arith.constant 0 : i32
        %dma_start3A_158 = tpu.memref_slice %arg10[%run_scoped3A_156, %dma_start3A] : memref<25x128xi32, #tpu.memory_space<vmem>> -> memref<1x128xi32, #tpu.memory_space<vmem>>
        %dma_start3A_159 = tpu.memref_squeeze %dma_start3A_158 : memref<1x128xi32, #tpu.memory_space<vmem>> -> memref<128xi32, #tpu.memory_space<vmem>>
        %dma_start3A_160 = arith.constant 0 : i32
        %dma_start3A_161 = arith.constant 0 : i32
        %dma_start3A_162 = tpu.memref_slice %arg20[%dma_start3A_160, %dma_start3A_161] : memref<1152x128xf32, #tpu.memory_space<vmem_shared>> -> memref<1152x128xf32, #tpu.memory_space<vmem_shared>>
        tpu.enqueue_indirect_dma source(%arg13 : memref<128x128xf32, #tpu.memory_space<vmem>>) target(%dma_start3A_162 : memref<1152x128xf32, #tpu.memory_space<vmem_shared>>) offsets(%dma_start3A_159 : memref<128xi32, #tpu.memory_space<vmem>>) semaphore(%run_scoped3A_157 : memref<!tpu.dma_semaphore, #tpu.memory_space<semaphore_mem>>) {add = true}
        %dma_wait3A_163 = arith.constant 0 : i32
        %dma_wait3A_164 = tpu.memref_slice %arg10[%run_scoped3A_156, %dma_wait3A_163] : memref<25x128xi32, #tpu.memory_space<vmem>> -> memref<1x128xi32, #tpu.memory_space<vmem>>
        %dma_wait3A_165 = tpu.memref_squeeze %dma_wait3A_164 : memref<1x128xi32, #tpu.memory_space<vmem>> -> memref<128xi32, #tpu.memory_space<vmem>>
        %dma_wait3A_166 = arith.constant 0 : i32
        %dma_wait3A_167 = arith.constant 0 : i32
        %dma_wait3A_168 = tpu.memref_slice %arg20[%dma_wait3A_166, %dma_wait3A_167] : memref<1152x128xf32, #tpu.memory_space<vmem_shared>> -> memref<1152x128xf32, #tpu.memory_space<vmem_shared>>
        tpu.wait_indirect_dma semaphore(%run_scoped3A_157 : memref<!tpu.dma_semaphore, #tpu.memory_space<semaphore_mem>>) src(%arg13 : memref<128x128xf32, #tpu.memory_space<vmem>>) dst(%dma_wait3A_168 : memref<1152x128xf32, #tpu.memory_space<vmem_shared>>)
        tpu.yield
      }) : () -> ()
    } else {
    }
    %gt3A_124 = arith.constant 23 : i32
    %gt3A_125 = arith.cmpi sgt, %min3A, %gt3A_124 : i32
    %convert_element_type3A_126 = arith.extui %gt3A_125 : i1 to i32
    %cond3A_127 = arith.constant 0 : i32
    %cond3A_128 = arith.cmpi ne, %convert_element_type3A_126, %cond3A_127 : i32
    scf.if %cond3A_128 {
      %gt3A_135 = arith.constant 24 : i32
      %gt3A_136 = arith.cmpi sgt, %min3A, %gt3A_135 : i32
      %convert_element_type3A_137 = arith.extui %gt3A_136 : i1 to i32
      %cond3A_138 = arith.constant 0 : i32
      %cond3A_139 = arith.cmpi ne, %convert_element_type3A_137, %cond3A_138 : i32
      scf.if %cond3A_139 {
        %add3A_157 = arith.constant 24 : i32
        %add3A_158 = arith.addi %mul3A_4, %add3A_157 : i32
        %eq3A = arith.constant 781 : i32
        %eq3A_159 = arith.cmpi eq, %add3A_158, %eq3A : i32
        %mul3A_160 = arith.constant 128 : i32
        %mul3A_161 = arith.muli %add3A_158, %mul3A_160 : i32
        %jit3A_162 = arith.constant 99872 : i32
        %select_n3A = arith.select %eq3A_159, %jit3A_162, %mul3A_161 : i32
        %dma_start3A = arith.constant 0 : i32
        %dma_start3A_163 = tpu.memref_slice %arg2[%select_n3A, %dma_start3A] : memref<100000x128xf32, #tpu.memory_space<hbm>> -> memref<128x128xf32, #tpu.memory_space<hbm>>
        %dma_start3A_164 = arith.constant 0 : i32
        %dma_start3A_165 = tpu.memref_slice %arg2[%select_n3A, %dma_start3A_164] : memref<100000x128xf32, #tpu.memory_space<hbm>> -> memref<128x128xf32, #tpu.memory_space<hbm>>
        tpu.enqueue_dma source(%dma_start3A_165 : memref<128x128xf32, #tpu.memory_space<hbm>>) target(%arg11 : memref<128x128xf32, #tpu.memory_space<vmem>>) target_semaphore(%arg15 : memref<!tpu.dma_semaphore, #tpu.memory_space<semaphore_mem>>)
      } else {
      }
      %dma_wait3A = arith.constant 0 : i32
      %dma_wait3A_140 = arith.constant 0 : i32
      %dma_wait3A_141 = tpu.memref_slice %arg2[%dma_wait3A, %dma_wait3A_140] : memref<100000x128xf32, #tpu.memory_space<hbm>> -> memref<128x128xf32, #tpu.memory_space<hbm>>
      %dma_wait3A_142 = arith.constant 0 : i32
      %dma_wait3A_143 = arith.constant 0 : i32
      %dma_wait3A_144 = tpu.memref_slice %arg2[%dma_wait3A_142, %dma_wait3A_143] : memref<100000x128xf32, #tpu.memory_space<hbm>> -> memref<128x128xf32, #tpu.memory_space<hbm>>
      tpu.wait_dma2 semaphore(%arg16 : memref<!tpu.dma_semaphore, #tpu.memory_space<semaphore_mem>>) src(%dma_wait3A_144 : memref<128x128xf32, #tpu.memory_space<hbm>>) dst(%arg12 : memref<128x128xf32, #tpu.memory_space<vmem>>)
      %run_scoped3A = arith.constant 23 : i32
      "tpu.region"() ({
        %run_scoped3A_157 = tpu.sem_alloc : memref<!tpu.dma_semaphore, #tpu.memory_space<semaphore_mem>>
        %dma_start3A = arith.constant 0 : i32
        %dma_start3A_158 = tpu.memref_slice %arg9[%run_scoped3A, %dma_start3A] : memref<25x128xi32, #tpu.memory_space<vmem>> -> memref<1x128xi32, #tpu.memory_space<vmem>>
        %dma_start3A_159 = tpu.memref_squeeze %dma_start3A_158 : memref<1x128xi32, #tpu.memory_space<vmem>> -> memref<128xi32, #tpu.memory_space<vmem>>
        %dma_start3A_160 = arith.constant 0 : i32
        %dma_start3A_161 = arith.constant 0 : i32
        %dma_start3A_162 = tpu.memref_slice %arg19[%dma_start3A_160, %dma_start3A_161] : memref<1152x128xf32, #tpu.memory_space<vmem_shared>> -> memref<1152x128xf32, #tpu.memory_space<vmem_shared>>
        tpu.enqueue_indirect_dma source(%arg12 : memref<128x128xf32, #tpu.memory_space<vmem>>) target(%dma_start3A_162 : memref<1152x128xf32, #tpu.memory_space<vmem_shared>>) offsets(%dma_start3A_159 : memref<128xi32, #tpu.memory_space<vmem>>) semaphore(%run_scoped3A_157 : memref<!tpu.dma_semaphore, #tpu.memory_space<semaphore_mem>>) {add = true}
        %dma_wait3A_163 = arith.constant 0 : i32
        %dma_wait3A_164 = tpu.memref_slice %arg9[%run_scoped3A, %dma_wait3A_163] : memref<25x128xi32, #tpu.memory_space<vmem>> -> memref<1x128xi32, #tpu.memory_space<vmem>>
        %dma_wait3A_165 = tpu.memref_squeeze %dma_wait3A_164 : memref<1x128xi32, #tpu.memory_space<vmem>> -> memref<128xi32, #tpu.memory_space<vmem>>
        %dma_wait3A_166 = arith.constant 0 : i32
        %dma_wait3A_167 = arith.constant 0 : i32
        %dma_wait3A_168 = tpu.memref_slice %arg19[%dma_wait3A_166, %dma_wait3A_167] : memref<1152x128xf32, #tpu.memory_space<vmem_shared>> -> memref<1152x128xf32, #tpu.memory_space<vmem_shared>>
        tpu.wait_indirect_dma semaphore(%run_scoped3A_157 : memref<!tpu.dma_semaphore, #tpu.memory_space<semaphore_mem>>) src(%arg12 : memref<128x128xf32, #tpu.memory_space<vmem>>) dst(%dma_wait3A_168 : memref<1152x128xf32, #tpu.memory_space<vmem_shared>>)
        tpu.yield
      }) : () -> ()
      %gt3A_145 = arith.constant 24 : i32
      %gt3A_146 = arith.cmpi sgt, %min3A, %gt3A_145 : i32
      %convert_element_type3A_147 = arith.extui %gt3A_146 : i1 to i32
      %cond3A_148 = arith.constant 0 : i32
      %cond3A_149 = arith.cmpi ne, %convert_element_type3A_147, %cond3A_148 : i32
      scf.if %cond3A_149 {
        %add3A_157 = arith.constant 24 : i32
        %add3A_158 = arith.addi %mul3A_4, %add3A_157 : i32
        %eq3A = arith.constant 781 : i32
        %eq3A_159 = arith.cmpi eq, %add3A_158, %eq3A : i32
        %mul3A_160 = arith.constant 128 : i32
        %mul3A_161 = arith.muli %add3A_158, %mul3A_160 : i32
        %jit3A_162 = arith.constant 99872 : i32
        %select_n3A = arith.select %eq3A_159, %jit3A_162, %mul3A_161 : i32
        %dma_start3A = arith.constant 0 : i32
        %dma_start3A_163 = tpu.memref_slice %arg3[%select_n3A, %dma_start3A] : memref<100000x128xf32, #tpu.memory_space<hbm>> -> memref<128x128xf32, #tpu.memory_space<hbm>>
        %dma_start3A_164 = arith.constant 0 : i32
        %dma_start3A_165 = tpu.memref_slice %arg3[%select_n3A, %dma_start3A_164] : memref<100000x128xf32, #tpu.memory_space<hbm>> -> memref<128x128xf32, #tpu.memory_space<hbm>>
        tpu.enqueue_dma source(%dma_start3A_165 : memref<128x128xf32, #tpu.memory_space<hbm>>) target(%arg13 : memref<128x128xf32, #tpu.memory_space<vmem>>) target_semaphore(%arg17 : memref<!tpu.dma_semaphore, #tpu.memory_space<semaphore_mem>>)
      } else {
      }
      %dma_wait3A_150 = arith.constant 0 : i32
      %dma_wait3A_151 = arith.constant 0 : i32
      %dma_wait3A_152 = tpu.memref_slice %arg3[%dma_wait3A_150, %dma_wait3A_151] : memref<100000x128xf32, #tpu.memory_space<hbm>> -> memref<128x128xf32, #tpu.memory_space<hbm>>
      %dma_wait3A_153 = arith.constant 0 : i32
      %dma_wait3A_154 = arith.constant 0 : i32
      %dma_wait3A_155 = tpu.memref_slice %arg3[%dma_wait3A_153, %dma_wait3A_154] : memref<100000x128xf32, #tpu.memory_space<hbm>> -> memref<128x128xf32, #tpu.memory_space<hbm>>
      tpu.wait_dma2 semaphore(%arg18 : memref<!tpu.dma_semaphore, #tpu.memory_space<semaphore_mem>>) src(%dma_wait3A_155 : memref<128x128xf32, #tpu.memory_space<hbm>>) dst(%arg14 : memref<128x128xf32, #tpu.memory_space<vmem>>)
      %run_scoped3A_156 = arith.constant 23 : i32
      "tpu.region"() ({
        %run_scoped3A_157 = tpu.sem_alloc : memref<!tpu.dma_semaphore, #tpu.memory_space<semaphore_mem>>
        %dma_start3A = arith.constant 0 : i32
        %dma_start3A_158 = tpu.memref_slice %arg10[%run_scoped3A_156, %dma_start3A] : memref<25x128xi32, #tpu.memory_space<vmem>> -> memref<1x128xi32, #tpu.memory_space<vmem>>
        %dma_start3A_159 = tpu.memref_squeeze %dma_start3A_158 : memref<1x128xi32, #tpu.memory_space<vmem>> -> memref<128xi32, #tpu.memory_space<vmem>>
        %dma_start3A_160 = arith.constant 0 : i32
        %dma_start3A_161 = arith.constant 0 : i32
        %dma_start3A_162 = tpu.memref_slice %arg20[%dma_start3A_160, %dma_start3A_161] : memref<1152x128xf32, #tpu.memory_space<vmem_shared>> -> memref<1152x128xf32, #tpu.memory_space<vmem_shared>>
        tpu.enqueue_indirect_dma source(%arg14 : memref<128x128xf32, #tpu.memory_space<vmem>>) target(%dma_start3A_162 : memref<1152x128xf32, #tpu.memory_space<vmem_shared>>) offsets(%dma_start3A_159 : memref<128xi32, #tpu.memory_space<vmem>>) semaphore(%run_scoped3A_157 : memref<!tpu.dma_semaphore, #tpu.memory_space<semaphore_mem>>) {add = true}
        %dma_wait3A_163 = arith.constant 0 : i32
        %dma_wait3A_164 = tpu.memref_slice %arg10[%run_scoped3A_156, %dma_wait3A_163] : memref<25x128xi32, #tpu.memory_space<vmem>> -> memref<1x128xi32, #tpu.memory_space<vmem>>
        %dma_wait3A_165 = tpu.memref_squeeze %dma_wait3A_164 : memref<1x128xi32, #tpu.memory_space<vmem>> -> memref<128xi32, #tpu.memory_space<vmem>>
        %dma_wait3A_166 = arith.constant 0 : i32
        %dma_wait3A_167 = arith.constant 0 : i32
        %dma_wait3A_168 = tpu.memref_slice %arg20[%dma_wait3A_166, %dma_wait3A_167] : memref<1152x128xf32, #tpu.memory_space<vmem_shared>> -> memref<1152x128xf32, #tpu.memory_space<vmem_shared>>
        tpu.wait_indirect_dma semaphore(%run_scoped3A_157 : memref<!tpu.dma_semaphore, #tpu.memory_space<semaphore_mem>>) src(%arg14 : memref<128x128xf32, #tpu.memory_space<vmem>>) dst(%dma_wait3A_168 : memref<1152x128xf32, #tpu.memory_space<vmem_shared>>)
        tpu.yield
      }) : () -> ()
    } else {
    }
    %gt3A_129 = arith.constant 24 : i32
    %gt3A_130 = arith.cmpi sgt, %min3A, %gt3A_129 : i32
    %convert_element_type3A_131 = arith.extui %gt3A_130 : i1 to i32
    %cond3A_132 = arith.constant 0 : i32
    %cond3A_133 = arith.cmpi ne, %convert_element_type3A_131, %cond3A_132 : i32
    scf.if %cond3A_133 {
      %gt3A_135 = arith.constant 25 : i32
      %gt3A_136 = arith.cmpi sgt, %min3A, %gt3A_135 : i32
      %convert_element_type3A_137 = arith.extui %gt3A_136 : i1 to i32
      %cond3A_138 = arith.constant 0 : i32
      %cond3A_139 = arith.cmpi ne, %convert_element_type3A_137, %cond3A_138 : i32
      scf.if %cond3A_139 {
        %add3A_157 = arith.constant 25 : i32
        %add3A_158 = arith.addi %mul3A_4, %add3A_157 : i32
        %eq3A = arith.constant 781 : i32
        %eq3A_159 = arith.cmpi eq, %add3A_158, %eq3A : i32
        %mul3A_160 = arith.constant 128 : i32
        %mul3A_161 = arith.muli %add3A_158, %mul3A_160 : i32
        %jit3A_162 = arith.constant 99872 : i32
        %select_n3A = arith.select %eq3A_159, %jit3A_162, %mul3A_161 : i32
        %dma_start3A = arith.constant 0 : i32
        %dma_start3A_163 = tpu.memref_slice %arg2[%select_n3A, %dma_start3A] : memref<100000x128xf32, #tpu.memory_space<hbm>> -> memref<128x128xf32, #tpu.memory_space<hbm>>
        %dma_start3A_164 = arith.constant 0 : i32
        %dma_start3A_165 = tpu.memref_slice %arg2[%select_n3A, %dma_start3A_164] : memref<100000x128xf32, #tpu.memory_space<hbm>> -> memref<128x128xf32, #tpu.memory_space<hbm>>
        tpu.enqueue_dma source(%dma_start3A_165 : memref<128x128xf32, #tpu.memory_space<hbm>>) target(%arg12 : memref<128x128xf32, #tpu.memory_space<vmem>>) target_semaphore(%arg16 : memref<!tpu.dma_semaphore, #tpu.memory_space<semaphore_mem>>)
      } else {
      }
      %dma_wait3A = arith.constant 0 : i32
      %dma_wait3A_140 = arith.constant 0 : i32
      %dma_wait3A_141 = tpu.memref_slice %arg2[%dma_wait3A, %dma_wait3A_140] : memref<100000x128xf32, #tpu.memory_space<hbm>> -> memref<128x128xf32, #tpu.memory_space<hbm>>
      %dma_wait3A_142 = arith.constant 0 : i32
      %dma_wait3A_143 = arith.constant 0 : i32
      %dma_wait3A_144 = tpu.memref_slice %arg2[%dma_wait3A_142, %dma_wait3A_143] : memref<100000x128xf32, #tpu.memory_space<hbm>> -> memref<128x128xf32, #tpu.memory_space<hbm>>
      tpu.wait_dma2 semaphore(%arg15 : memref<!tpu.dma_semaphore, #tpu.memory_space<semaphore_mem>>) src(%dma_wait3A_144 : memref<128x128xf32, #tpu.memory_space<hbm>>) dst(%arg11 : memref<128x128xf32, #tpu.memory_space<vmem>>)
      %run_scoped3A = arith.constant 24 : i32
      "tpu.region"() ({
        %run_scoped3A_157 = tpu.sem_alloc : memref<!tpu.dma_semaphore, #tpu.memory_space<semaphore_mem>>
        %dma_start3A = arith.constant 0 : i32
        %dma_start3A_158 = tpu.memref_slice %arg9[%run_scoped3A, %dma_start3A] : memref<25x128xi32, #tpu.memory_space<vmem>> -> memref<1x128xi32, #tpu.memory_space<vmem>>
        %dma_start3A_159 = tpu.memref_squeeze %dma_start3A_158 : memref<1x128xi32, #tpu.memory_space<vmem>> -> memref<128xi32, #tpu.memory_space<vmem>>
        %dma_start3A_160 = arith.constant 0 : i32
        %dma_start3A_161 = arith.constant 0 : i32
        %dma_start3A_162 = tpu.memref_slice %arg19[%dma_start3A_160, %dma_start3A_161] : memref<1152x128xf32, #tpu.memory_space<vmem_shared>> -> memref<1152x128xf32, #tpu.memory_space<vmem_shared>>
        tpu.enqueue_indirect_dma source(%arg11 : memref<128x128xf32, #tpu.memory_space<vmem>>) target(%dma_start3A_162 : memref<1152x128xf32, #tpu.memory_space<vmem_shared>>) offsets(%dma_start3A_159 : memref<128xi32, #tpu.memory_space<vmem>>) semaphore(%run_scoped3A_157 : memref<!tpu.dma_semaphore, #tpu.memory_space<semaphore_mem>>) {add = true}
        %dma_wait3A_163 = arith.constant 0 : i32
        %dma_wait3A_164 = tpu.memref_slice %arg9[%run_scoped3A, %dma_wait3A_163] : memref<25x128xi32, #tpu.memory_space<vmem>> -> memref<1x128xi32, #tpu.memory_space<vmem>>
        %dma_wait3A_165 = tpu.memref_squeeze %dma_wait3A_164 : memref<1x128xi32, #tpu.memory_space<vmem>> -> memref<128xi32, #tpu.memory_space<vmem>>
        %dma_wait3A_166 = arith.constant 0 : i32
        %dma_wait3A_167 = arith.constant 0 : i32
        %dma_wait3A_168 = tpu.memref_slice %arg19[%dma_wait3A_166, %dma_wait3A_167] : memref<1152x128xf32, #tpu.memory_space<vmem_shared>> -> memref<1152x128xf32, #tpu.memory_space<vmem_shared>>
        tpu.wait_indirect_dma semaphore(%run_scoped3A_157 : memref<!tpu.dma_semaphore, #tpu.memory_space<semaphore_mem>>) src(%arg11 : memref<128x128xf32, #tpu.memory_space<vmem>>) dst(%dma_wait3A_168 : memref<1152x128xf32, #tpu.memory_space<vmem_shared>>)
        tpu.yield
      }) : () -> ()
      %gt3A_145 = arith.constant 25 : i32
      %gt3A_146 = arith.cmpi sgt, %min3A, %gt3A_145 : i32
      %convert_element_type3A_147 = arith.extui %gt3A_146 : i1 to i32
      %cond3A_148 = arith.constant 0 : i32
      %cond3A_149 = arith.cmpi ne, %convert_element_type3A_147, %cond3A_148 : i32
      scf.if %cond3A_149 {
        %add3A_157 = arith.constant 25 : i32
        %add3A_158 = arith.addi %mul3A_4, %add3A_157 : i32
        %eq3A = arith.constant 781 : i32
        %eq3A_159 = arith.cmpi eq, %add3A_158, %eq3A : i32
        %mul3A_160 = arith.constant 128 : i32
        %mul3A_161 = arith.muli %add3A_158, %mul3A_160 : i32
        %jit3A_162 = arith.constant 99872 : i32
        %select_n3A = arith.select %eq3A_159, %jit3A_162, %mul3A_161 : i32
        %dma_start3A = arith.constant 0 : i32
        %dma_start3A_163 = tpu.memref_slice %arg3[%select_n3A, %dma_start3A] : memref<100000x128xf32, #tpu.memory_space<hbm>> -> memref<128x128xf32, #tpu.memory_space<hbm>>
        %dma_start3A_164 = arith.constant 0 : i32
        %dma_start3A_165 = tpu.memref_slice %arg3[%select_n3A, %dma_start3A_164] : memref<100000x128xf32, #tpu.memory_space<hbm>> -> memref<128x128xf32, #tpu.memory_space<hbm>>
        tpu.enqueue_dma source(%dma_start3A_165 : memref<128x128xf32, #tpu.memory_space<hbm>>) target(%arg14 : memref<128x128xf32, #tpu.memory_space<vmem>>) target_semaphore(%arg18 : memref<!tpu.dma_semaphore, #tpu.memory_space<semaphore_mem>>)
      } else {
      }
      %dma_wait3A_150 = arith.constant 0 : i32
      %dma_wait3A_151 = arith.constant 0 : i32
      %dma_wait3A_152 = tpu.memref_slice %arg3[%dma_wait3A_150, %dma_wait3A_151] : memref<100000x128xf32, #tpu.memory_space<hbm>> -> memref<128x128xf32, #tpu.memory_space<hbm>>
      %dma_wait3A_153 = arith.constant 0 : i32
      %dma_wait3A_154 = arith.constant 0 : i32
      %dma_wait3A_155 = tpu.memref_slice %arg3[%dma_wait3A_153, %dma_wait3A_154] : memref<100000x128xf32, #tpu.memory_space<hbm>> -> memref<128x128xf32, #tpu.memory_space<hbm>>
      tpu.wait_dma2 semaphore(%arg17 : memref<!tpu.dma_semaphore, #tpu.memory_space<semaphore_mem>>) src(%dma_wait3A_155 : memref<128x128xf32, #tpu.memory_space<hbm>>) dst(%arg13 : memref<128x128xf32, #tpu.memory_space<vmem>>)
      %run_scoped3A_156 = arith.constant 24 : i32
      "tpu.region"() ({
        %run_scoped3A_157 = tpu.sem_alloc : memref<!tpu.dma_semaphore, #tpu.memory_space<semaphore_mem>>
        %dma_start3A = arith.constant 0 : i32
        %dma_start3A_158 = tpu.memref_slice %arg10[%run_scoped3A_156, %dma_start3A] : memref<25x128xi32, #tpu.memory_space<vmem>> -> memref<1x128xi32, #tpu.memory_space<vmem>>
        %dma_start3A_159 = tpu.memref_squeeze %dma_start3A_158 : memref<1x128xi32, #tpu.memory_space<vmem>> -> memref<128xi32, #tpu.memory_space<vmem>>
        %dma_start3A_160 = arith.constant 0 : i32
        %dma_start3A_161 = arith.constant 0 : i32
        %dma_start3A_162 = tpu.memref_slice %arg20[%dma_start3A_160, %dma_start3A_161] : memref<1152x128xf32, #tpu.memory_space<vmem_shared>> -> memref<1152x128xf32, #tpu.memory_space<vmem_shared>>
        tpu.enqueue_indirect_dma source(%arg13 : memref<128x128xf32, #tpu.memory_space<vmem>>) target(%dma_start3A_162 : memref<1152x128xf32, #tpu.memory_space<vmem_shared>>) offsets(%dma_start3A_159 : memref<128xi32, #tpu.memory_space<vmem>>) semaphore(%run_scoped3A_157 : memref<!tpu.dma_semaphore, #tpu.memory_space<semaphore_mem>>) {add = true}
        %dma_wait3A_163 = arith.constant 0 : i32
        %dma_wait3A_164 = tpu.memref_slice %arg10[%run_scoped3A_156, %dma_wait3A_163] : memref<25x128xi32, #tpu.memory_space<vmem>> -> memref<1x128xi32, #tpu.memory_space<vmem>>
        %dma_wait3A_165 = tpu.memref_squeeze %dma_wait3A_164 : memref<1x128xi32, #tpu.memory_space<vmem>> -> memref<128xi32, #tpu.memory_space<vmem>>
        %dma_wait3A_166 = arith.constant 0 : i32
        %dma_wait3A_167 = arith.constant 0 : i32
        %dma_wait3A_168 = tpu.memref_slice %arg20[%dma_wait3A_166, %dma_wait3A_167] : memref<1152x128xf32, #tpu.memory_space<vmem_shared>> -> memref<1152x128xf32, #tpu.memory_space<vmem_shared>>
        tpu.wait_indirect_dma semaphore(%run_scoped3A_157 : memref<!tpu.dma_semaphore, #tpu.memory_space<semaphore_mem>>) src(%arg13 : memref<128x128xf32, #tpu.memory_space<vmem>>) dst(%dma_wait3A_168 : memref<1152x128xf32, #tpu.memory_space<vmem_shared>>)
        tpu.yield
      }) : () -> ()
    } else {
    }
    %barrier3A_134 = arith.constant 0 : index
    tpu.barrier barrier_id(%barrier3A_134)
    "tpu.region"() ({
      %run_scoped3A = tpu.sem_alloc : memref<!tpu.dma_semaphore, #tpu.memory_space<semaphore_mem>>
      %dma_start3A = arith.constant 0 : i32
      %dma_start3A_135 = tpu.memref_slice %arg7[%arg0, %mul3A_2, %dma_start3A] : memref<2x1152x128xf32, #tpu.memory_space<hbm>> -> memref<1x72x128xf32, #tpu.memory_space<hbm>>
      %dma_start3A_136 = tpu.memref_squeeze %dma_start3A_135 : memref<1x72x128xf32, #tpu.memory_space<hbm>> -> memref<72x128xf32, #tpu.memory_space<hbm>>
      %dma_start3A_137 = arith.constant 0 : i32
      %dma_start3A_138 = tpu.memref_slice %arg19[%mul3A_2, %dma_start3A_137] : memref<1152x128xf32, #tpu.memory_space<vmem_shared>> -> memref<72x128xf32, #tpu.memory_space<vmem_shared>>
      tpu.enqueue_dma source(%dma_start3A_138 : memref<72x128xf32, #tpu.memory_space<vmem_shared>>) target(%dma_start3A_136 : memref<72x128xf32, #tpu.memory_space<hbm>>) target_semaphore(%run_scoped3A : memref<!tpu.dma_semaphore, #tpu.memory_space<semaphore_mem>>)
      %dma_wait3A = arith.constant 0 : i32
      %dma_wait3A_139 = tpu.memref_slice %arg7[%arg0, %mul3A_2, %dma_wait3A] : memref<2x1152x128xf32, #tpu.memory_space<hbm>> -> memref<1x72x128xf32, #tpu.memory_space<hbm>>
      %dma_wait3A_140 = tpu.memref_squeeze %dma_wait3A_139 : memref<1x72x128xf32, #tpu.memory_space<hbm>> -> memref<72x128xf32, #tpu.memory_space<hbm>>
      %dma_wait3A_141 = arith.constant 0 : i32
      %dma_wait3A_142 = tpu.memref_slice %arg19[%mul3A_2, %dma_wait3A_141] : memref<1152x128xf32, #tpu.memory_space<vmem_shared>> -> memref<72x128xf32, #tpu.memory_space<vmem_shared>>
      tpu.wait_dma2 semaphore(%run_scoped3A : memref<!tpu.dma_semaphore, #tpu.memory_space<semaphore_mem>>) src(%dma_wait3A_142 : memref<72x128xf32, #tpu.memory_space<vmem_shared>>) dst(%dma_wait3A_140 : memref<72x128xf32, #tpu.memory_space<hbm>>)
      tpu.yield
    }) : () -> ()
    "tpu.region"() ({
      %run_scoped3A = tpu.sem_alloc : memref<!tpu.dma_semaphore, #tpu.memory_space<semaphore_mem>>
      %dma_start3A = arith.constant 0 : i32
      %dma_start3A_135 = tpu.memref_slice %arg8[%arg0, %mul3A_2, %dma_start3A] : memref<2x1152x128xf32, #tpu.memory_space<hbm>> -> memref<1x72x128xf32, #tpu.memory_space<hbm>>
      %dma_start3A_136 = tpu.memref_squeeze %dma_start3A_135 : memref<1x72x128xf32, #tpu.memory_space<hbm>> -> memref<72x128xf32, #tpu.memory_space<hbm>>
      %dma_start3A_137 = arith.constant 0 : i32
      %dma_start3A_138 = tpu.memref_slice %arg20[%mul3A_2, %dma_start3A_137] : memref<1152x128xf32, #tpu.memory_space<vmem_shared>> -> memref<72x128xf32, #tpu.memory_space<vmem_shared>>
      tpu.enqueue_dma source(%dma_start3A_138 : memref<72x128xf32, #tpu.memory_space<vmem_shared>>) target(%dma_start3A_136 : memref<72x128xf32, #tpu.memory_space<hbm>>) target_semaphore(%run_scoped3A : memref<!tpu.dma_semaphore, #tpu.memory_space<semaphore_mem>>)
      %dma_wait3A = arith.constant 0 : i32
      %dma_wait3A_139 = tpu.memref_slice %arg8[%arg0, %mul3A_2, %dma_wait3A] : memref<2x1152x128xf32, #tpu.memory_space<hbm>> -> memref<1x72x128xf32, #tpu.memory_space<hbm>>
      %dma_wait3A_140 = tpu.memref_squeeze %dma_wait3A_139 : memref<1x72x128xf32, #tpu.memory_space<hbm>> -> memref<72x128xf32, #tpu.memory_space<hbm>>
      %dma_wait3A_141 = arith.constant 0 : i32
      %dma_wait3A_142 = tpu.memref_slice %arg20[%mul3A_2, %dma_wait3A_141] : memref<1152x128xf32, #tpu.memory_space<vmem_shared>> -> memref<72x128xf32, #tpu.memory_space<vmem_shared>>
      tpu.wait_dma2 semaphore(%run_scoped3A : memref<!tpu.dma_semaphore, #tpu.memory_space<semaphore_mem>>) src(%dma_wait3A_142 : memref<72x128xf32, #tpu.memory_space<vmem_shared>>) dst(%dma_wait3A_140 : memref<72x128xf32, #tpu.memory_space<hbm>>)
      tpu.yield
    }) : () -> ()
    return
  }
}

module attributes {stable_mosaic.version = 14 : i64} {
  func.func @_counts_body(%arg0: memref<100x1024xi32, #tpu.memory_space<vmem>>, %arg1: memref<100x1024xi32, #tpu.memory_space<vmem>>, %arg2: memref<1024x2xf32, #tpu.memory_space<vmem>>) attributes {dimension_semantics = [], scalar_prefetch = 0 : i64, scratch_operands = 0 : i64, tpu.core_type = #tpu.core_type<tc>} {
    %iota3A = tpu.iota {dimensions = array<i32: 0>} : vector<8x1xi32>
    %iota3A_0 = tpu.iota {dimensions = array<i32: 0>} : vector<128x1xi32>
    %broadcast_in_dim3A = arith.constant 0.000000e+00 : f32
    %broadcast_in_dim3A_1 = vector.broadcast %broadcast_in_dim3A : f32 to vector<8x128xf32>
    %scan3A = arith.constant 0 : i32
    %scan3A_2 = arith.constant 100 : i32
    %scan3A_3 = arith.addi %scan3A, %scan3A_2 : i32
    %scan3A_4 = arith.constant 1 : i32
    %scan3A_5 = scf.for %scan3A_65 = %scan3A to %scan3A_3 step %scan3A_4 iter_args(%scan3A_66 = %broadcast_in_dim3A_1) -> (vector<8x128xf32>)  : i32 {
      %get3A = arith.index_cast %scan3A_65 : i32 to index
      %get3A_67 = arith.constant 0 : index
      %get3A_68 = vector.load %arg0[%get3A, %get3A_67] : memref<100x1024xi32, #tpu.memory_space<vmem>>, vector<1x1024xi32>
      %shift_right_logical3A_69 = arith.constant 7 : i32
      %shift_right_logical3A_70 = vector.broadcast %shift_right_logical3A_69 : i32 to vector<1x1024xi32>
      %shift_right_logical3A_71 = arith.shrui %get3A_68, %shift_right_logical3A_70 : vector<1x1024xi32>
      %eq3A_72 = vector.broadcast %shift_right_logical3A_71 : vector<1x1024xi32> to vector<8x1024xi32>
      %eq3A_73 = vector.broadcast %iota3A : vector<8x1xi32> to vector<8x1024xi32>
      %eq3A_74 = arith.cmpi eq, %eq3A_72, %eq3A_73 : vector<8x1024xi32>
      %convert_element_type3A_75 = arith.extui %eq3A_74 : vector<8x1024xi1> to vector<8x1024xi32>
      %convert_element_type3A_76 = arith.sitofp %convert_element_type3A_75 : vector<8x1024xi32> to vector<8x1024xf32>
      %convert_element_type3A_77 = arith.truncf %convert_element_type3A_76 : vector<8x1024xf32> to vector<8x1024xbf16>
      %and3A_78 = arith.constant 127 : i32
      %and3A_79 = vector.broadcast %and3A_78 : i32 to vector<1x1024xi32>
      %and3A_80 = arith.andi %get3A_68, %and3A_79 : vector<1x1024xi32>
      %eq3A_81 = vector.broadcast %and3A_80 : vector<1x1024xi32> to vector<128x1024xi32>
      %eq3A_82 = vector.broadcast %iota3A_0 : vector<128x1xi32> to vector<128x1024xi32>
      %eq3A_83 = arith.cmpi eq, %eq3A_81, %eq3A_82 : vector<128x1024xi32>
      %convert_element_type3A_84 = arith.extui %eq3A_83 : vector<128x1024xi1> to vector<128x1024xi32>
      %convert_element_type3A_85 = arith.sitofp %convert_element_type3A_84 : vector<128x1024xi32> to vector<128x1024xf32>
      %convert_element_type3A_86 = arith.truncf %convert_element_type3A_85 : vector<128x1024xf32> to vector<128x1024xbf16>
      %dot_general3A_87 = arith.constant dense<0.000000e+00> : vector<8x128xf32>
      %dot_general3A_88 = tpu.matmul %convert_element_type3A_77, %convert_element_type3A_86, %dot_general3A_87 {dimension_numbers = #tpu.dot_dimension_numbers<[1], [1], [0], [0], [0, 0, 1, 0], [], []>, transpose_lhs_hint = false} : vector<8x1024xbf16>, vector<128x1024xbf16>, vector<8x128xf32> -> vector<8x128xf32>
      %add3A = arith.addf %scan3A_66, %dot_general3A_88 : vector<8x128xf32>
      scf.yield %add3A : vector<8x128xf32>
    }
    %scan3A_6 = arith.constant 100 : i32
    %iota3A_7 = tpu.iota {dimensions = array<i32: 0>} : vector<1024x1xi32>
    %iota3A_8 = tpu.iota {dimensions = array<i32: 1>} : vector<1x8xi32>
    %iota3A_9 = tpu.iota {dimensions = array<i32: 1>} : vector<1x128xi32>
    %shift_right_logical3A = arith.constant 7 : i32
    %shift_right_logical3A_10 = vector.broadcast %shift_right_logical3A : i32 to vector<1024x1xi32>
    %shift_right_logical3A_11 = arith.shrui %iota3A_7, %shift_right_logical3A_10 : vector<1024x1xi32>
    %eq3A = vector.broadcast %shift_right_logical3A_11 : vector<1024x1xi32> to vector<1024x8xi32>
    %eq3A_12 = vector.broadcast %iota3A_8 : vector<1x8xi32> to vector<1024x8xi32>
    %eq3A_13 = arith.cmpi eq, %eq3A, %eq3A_12 : vector<1024x8xi32>
    %convert_element_type3A = arith.extui %eq3A_13 : vector<1024x8xi1> to vector<1024x8xi32>
    %convert_element_type3A_14 = arith.sitofp %convert_element_type3A : vector<1024x8xi32> to vector<1024x8xf32>
    %and3A = arith.constant 127 : i32
    %and3A_15 = vector.broadcast %and3A : i32 to vector<1024x1xi32>
    %and3A_16 = arith.andi %iota3A_7, %and3A_15 : vector<1024x1xi32>
    %eq3A_17 = vector.broadcast %and3A_16 : vector<1024x1xi32> to vector<1024x128xi32>
    %eq3A_18 = vector.broadcast %iota3A_9 : vector<1x128xi32> to vector<1024x128xi32>
    %eq3A_19 = arith.cmpi eq, %eq3A_17, %eq3A_18 : vector<1024x128xi32>
    %convert_element_type3A_20 = arith.extui %eq3A_19 : vector<1024x128xi1> to vector<1024x128xi32>
    %convert_element_type3A_21 = arith.sitofp %convert_element_type3A_20 : vector<1024x128xi32> to vector<1024x128xf32>
    %dot_general3A = arith.constant dense<0.000000e+00> : vector<1024x128xf32>
    %dot_general3A_22 = tpu.matmul %convert_element_type3A_14, %scan3A_5, %dot_general3A {dimension_numbers = #tpu.dot_dimension_numbers<[1], [0], [0], [1], [0, 0, 1, 1], [], []>, precision = #tpu.contract_precision<fp32>, transpose_lhs_hint = false} : vector<1024x8xf32>, vector<8x128xf32>, vector<1024x128xf32> -> vector<1024x128xf32>
    %mul3A = arith.mulf %dot_general3A_22, %convert_element_type3A_21 : vector<1024x128xf32>
    %reduce_sum3A = arith.constant dense<0.000000e+00> : vector<1024xf32>
    %reduce_sum3A_23 = vector.multi_reduction <add>, %mul3A, %reduce_sum3A [1] : vector<1024x128xf32> to vector<1024xf32>
    %broadcast_in_dim3A_24 = vector.shape_cast %reduce_sum3A_23 : vector<1024xf32> to vector<1024x1xf32>
    %swap3A = arith.constant 0 : index
    %swap3A_25 = arith.constant 0 : index
    %swap3A_26 = vector.load %arg2[%swap3A, %swap3A_25] : memref<1024x2xf32, #tpu.memory_space<vmem>>, vector<1024x1xf32>
    tpu.vector_store %arg2[%swap3A, %swap3A_25], %broadcast_in_dim3A_24 {strides = array<i32>} : memref<1024x2xf32, #tpu.memory_space<vmem>>, vector<1024x1xf32>,
    %iota3A_27 = tpu.iota {dimensions = array<i32: 0>} : vector<8x1xi32>
    %iota3A_28 = tpu.iota {dimensions = array<i32: 0>} : vector<128x1xi32>
    %broadcast_in_dim3A_29 = arith.constant 0.000000e+00 : f32
    %broadcast_in_dim3A_30 = vector.broadcast %broadcast_in_dim3A_29 : f32 to vector<8x128xf32>
    %scan3A_31 = arith.constant 0 : i32
    %scan3A_32 = arith.constant 100 : i32
    %scan3A_33 = arith.addi %scan3A_31, %scan3A_32 : i32
    %scan3A_34 = arith.constant 1 : i32
    %scan3A_35 = scf.for %scan3A_65 = %scan3A_31 to %scan3A_33 step %scan3A_34 iter_args(%scan3A_66 = %broadcast_in_dim3A_30) -> (vector<8x128xf32>)  : i32 {
      %get3A = arith.index_cast %scan3A_65 : i32 to index
      %get3A_67 = arith.constant 0 : index
      %get3A_68 = vector.load %arg1[%get3A, %get3A_67] : memref<100x1024xi32, #tpu.memory_space<vmem>>, vector<1x1024xi32>
      %shift_right_logical3A_69 = arith.constant 7 : i32
      %shift_right_logical3A_70 = vector.broadcast %shift_right_logical3A_69 : i32 to vector<1x1024xi32>
      %shift_right_logical3A_71 = arith.shrui %get3A_68, %shift_right_logical3A_70 : vector<1x1024xi32>
      %eq3A_72 = vector.broadcast %shift_right_logical3A_71 : vector<1x1024xi32> to vector<8x1024xi32>
      %eq3A_73 = vector.broadcast %iota3A_27 : vector<8x1xi32> to vector<8x1024xi32>
      %eq3A_74 = arith.cmpi eq, %eq3A_72, %eq3A_73 : vector<8x1024xi32>
      %convert_element_type3A_75 = arith.extui %eq3A_74 : vector<8x1024xi1> to vector<8x1024xi32>
      %convert_element_type3A_76 = arith.sitofp %convert_element_type3A_75 : vector<8x1024xi32> to vector<8x1024xf32>
      %convert_element_type3A_77 = arith.truncf %convert_element_type3A_76 : vector<8x1024xf32> to vector<8x1024xbf16>
      %and3A_78 = arith.constant 127 : i32
      %and3A_79 = vector.broadcast %and3A_78 : i32 to vector<1x1024xi32>
      %and3A_80 = arith.andi %get3A_68, %and3A_79 : vector<1x1024xi32>
      %eq3A_81 = vector.broadcast %and3A_80 : vector<1x1024xi32> to vector<128x1024xi32>
      %eq3A_82 = vector.broadcast %iota3A_28 : vector<128x1xi32> to vector<128x1024xi32>
      %eq3A_83 = arith.cmpi eq, %eq3A_81, %eq3A_82 : vector<128x1024xi32>
      %convert_element_type3A_84 = arith.extui %eq3A_83 : vector<128x1024xi1> to vector<128x1024xi32>
      %convert_element_type3A_85 = arith.sitofp %convert_element_type3A_84 : vector<128x1024xi32> to vector<128x1024xf32>
      %convert_element_type3A_86 = arith.truncf %convert_element_type3A_85 : vector<128x1024xf32> to vector<128x1024xbf16>
      %dot_general3A_87 = arith.constant dense<0.000000e+00> : vector<8x128xf32>
      %dot_general3A_88 = tpu.matmul %convert_element_type3A_77, %convert_element_type3A_86, %dot_general3A_87 {dimension_numbers = #tpu.dot_dimension_numbers<[1], [1], [0], [0], [0, 0, 1, 0], [], []>, transpose_lhs_hint = false} : vector<8x1024xbf16>, vector<128x1024xbf16>, vector<8x128xf32> -> vector<8x128xf32>
      %add3A = arith.addf %scan3A_66, %dot_general3A_88 : vector<8x128xf32>
      scf.yield %add3A : vector<8x128xf32>
    }
    %scan3A_36 = arith.constant 100 : i32
    %iota3A_37 = tpu.iota {dimensions = array<i32: 0>} : vector<1024x1xi32>
    %iota3A_38 = tpu.iota {dimensions = array<i32: 1>} : vector<1x8xi32>
    %iota3A_39 = tpu.iota {dimensions = array<i32: 1>} : vector<1x128xi32>
    %shift_right_logical3A_40 = arith.constant 7 : i32
    %shift_right_logical3A_41 = vector.broadcast %shift_right_logical3A_40 : i32 to vector<1024x1xi32>
    %shift_right_logical3A_42 = arith.shrui %iota3A_37, %shift_right_logical3A_41 : vector<1024x1xi32>
    %eq3A_43 = vector.broadcast %shift_right_logical3A_42 : vector<1024x1xi32> to vector<1024x8xi32>
    %eq3A_44 = vector.broadcast %iota3A_38 : vector<1x8xi32> to vector<1024x8xi32>
    %eq3A_45 = arith.cmpi eq, %eq3A_43, %eq3A_44 : vector<1024x8xi32>
    %convert_element_type3A_46 = arith.extui %eq3A_45 : vector<1024x8xi1> to vector<1024x8xi32>
    %convert_element_type3A_47 = arith.sitofp %convert_element_type3A_46 : vector<1024x8xi32> to vector<1024x8xf32>
    %and3A_48 = arith.constant 127 : i32
    %and3A_49 = vector.broadcast %and3A_48 : i32 to vector<1024x1xi32>
    %and3A_50 = arith.andi %iota3A_37, %and3A_49 : vector<1024x1xi32>
    %eq3A_51 = vector.broadcast %and3A_50 : vector<1024x1xi32> to vector<1024x128xi32>
    %eq3A_52 = vector.broadcast %iota3A_39 : vector<1x128xi32> to vector<1024x128xi32>
    %eq3A_53 = arith.cmpi eq, %eq3A_51, %eq3A_52 : vector<1024x128xi32>
    %convert_element_type3A_54 = arith.extui %eq3A_53 : vector<1024x128xi1> to vector<1024x128xi32>
    %convert_element_type3A_55 = arith.sitofp %convert_element_type3A_54 : vector<1024x128xi32> to vector<1024x128xf32>
    %dot_general3A_56 = arith.constant dense<0.000000e+00> : vector<1024x128xf32>
    %dot_general3A_57 = tpu.matmul %convert_element_type3A_47, %scan3A_35, %dot_general3A_56 {dimension_numbers = #tpu.dot_dimension_numbers<[1], [0], [0], [1], [0, 0, 1, 1], [], []>, precision = #tpu.contract_precision<fp32>, transpose_lhs_hint = false} : vector<1024x8xf32>, vector<8x128xf32>, vector<1024x128xf32> -> vector<1024x128xf32>
    %mul3A_58 = arith.mulf %dot_general3A_57, %convert_element_type3A_55 : vector<1024x128xf32>
    %reduce_sum3A_59 = arith.constant dense<0.000000e+00> : vector<1024xf32>
    %reduce_sum3A_60 = vector.multi_reduction <add>, %mul3A_58, %reduce_sum3A_59 [1] : vector<1024x128xf32> to vector<1024xf32>
    %broadcast_in_dim3A_61 = vector.shape_cast %reduce_sum3A_60 : vector<1024xf32> to vector<1024x1xf32>
    %swap3A_62 = arith.constant 0 : index
    %swap3A_63 = arith.constant 1 : index
    %swap3A_64 = vector.load %arg2[%swap3A_62, %swap3A_63] : memref<1024x2xf32, #tpu.memory_space<vmem>>, vector<1024x1xf32>
    tpu.vector_store %arg2[%swap3A_62, %swap3A_63], %broadcast_in_dim3A_61 {strides = array<i32>} : memref<1024x2xf32, #tpu.memory_space<vmem>>, vector<1024x1xf32>,
    return
  }
}

module attributes {stable_mosaic.version = 14 : i64} {
  func.func @_tc_body(%arg0: memref<2x1152x128xf32, #tpu.memory_space<vmem>>, %arg1: memref<2x1152x128xf32, #tpu.memory_space<vmem>>, %arg2: memref<1024x2xf32, #tpu.memory_space<vmem>>, %arg3: memref<128x128xf32, #tpu.memory_space<vmem>>, %arg4: memref<1x128xf32, #tpu.memory_space<vmem>>, %arg5: memref<128x128xf32, #tpu.memory_space<vmem>>, %arg6: memref<1x128xf32, #tpu.memory_space<vmem>>, %arg7: memref<1x1xf32, #tpu.memory_space<vmem>>) attributes {dimension_semantics = [], scalar_prefetch = 0 : i64, scratch_operands = 0 : i64, tpu.core_type = #tpu.core_type<tc>} {
    %get3A = arith.constant 0 : index
    %get3A_0 = arith.constant 0 : index
    %get3A_1 = arith.constant 0 : index
    %get3A_2 = vector.load %arg0[%get3A, %get3A_0, %get3A_1] : memref<2x1152x128xf32, #tpu.memory_space<vmem>>, vector<2x1152x128xf32>
    %get3A_3 = arith.constant 0 : index
    %get3A_4 = arith.constant 0 : index
    %get3A_5 = vector.load %arg2[%get3A_3, %get3A_4] : memref<1024x2xf32, #tpu.memory_space<vmem>>, vector<1024x1xf32>
    %slice3A = vector.extract_strided_slice %get3A_2 {offsets = [0, 0, 0], sizes = [1, 1024, 128], strides = [1, 1, 1]} : vector<2x1152x128xf32> to vector<1x1024x128xf32>
    %squeeze3A = vector.shape_cast %slice3A : vector<1x1024x128xf32> to vector<1024x128xf32>
    %slice3A_6 = vector.extract_strided_slice %get3A_2 {offsets = [1, 0, 0], sizes = [1, 1024, 128], strides = [1, 1, 1]} : vector<2x1152x128xf32> to vector<1x1024x128xf32>
    %squeeze3A_7 = vector.shape_cast %slice3A_6 : vector<1x1024x128xf32> to vector<1024x128xf32>
    %add3A = arith.addf %squeeze3A, %squeeze3A_7 : vector<1024x128xf32>
    %max3A = arith.constant 1.000000e+00 : f32
    %max3A_8 = vector.broadcast %max3A : f32 to vector<1024x1xf32>
    %max3A_9 = arith.maximumf %get3A_5, %max3A_8 : vector<1024x1xf32>
    %div3A = vector.broadcast %max3A_9 : vector<1024x1xf32> to vector<1024x128xf32>
    %div3A_10 = arith.divf %add3A, %div3A : vector<1024x128xf32>
    %get3A_11 = arith.constant 0 : index
    %get3A_12 = arith.constant 0 : index
    %get3A_13 = vector.load %arg3[%get3A_11, %get3A_12] : memref<128x128xf32, #tpu.memory_space<vmem>>, vector<128x128xf32>
    %dot_general3A = arith.constant dense<0.000000e+00> : vector<1024x128xf32>
    %dot_general3A_14 = tpu.matmul %div3A_10, %get3A_13, %dot_general3A {dimension_numbers = #tpu.dot_dimension_numbers<[1], [0], [0], [1], [0, 0, 1, 1], [], []>, precision = #tpu.contract_precision<fp32>, transpose_lhs_hint = false} : vector<1024x128xf32>, vector<128x128xf32>, vector<1024x128xf32> -> vector<1024x128xf32>
    %get3A_15 = arith.constant 0 : index
    %get3A_16 = arith.constant 0 : index
    %get3A_17 = vector.load %arg4[%get3A_15, %get3A_16] : memref<1x128xf32, #tpu.memory_space<vmem>>, vector<1x128xf32>
    %add3A_18 = vector.broadcast %get3A_17 : vector<1x128xf32> to vector<1024x128xf32>
    %add3A_19 = arith.addf %dot_general3A_14, %add3A_18 : vector<1024x128xf32>
    %neg3A = arith.constant 0.000000e+00 : f32
    %neg3A_20 = vector.broadcast %neg3A : f32 to vector<1024x128xf32>
    %neg3A_21 = arith.subf %neg3A_20, %add3A_19 : vector<1024x128xf32>
    %exp3A = math.exp %neg3A_21 : vector<1024x128xf32>
    %add3A_22 = arith.constant 1.000000e+00 : f32
    %add3A_23 = vector.broadcast %add3A_22 : f32 to vector<1024x128xf32>
    %add3A_24 = arith.addf %add3A_23, %exp3A : vector<1024x128xf32>
    %div3A_25 = arith.constant 1.000000e+00 : f32
    %div3A_26 = vector.broadcast %div3A_25 : f32 to vector<1024x128xf32>
    %div3A_27 = arith.divf %div3A_26, %add3A_24 : vector<1024x128xf32>
    %mul3A = arith.mulf %add3A_19, %div3A_27 : vector<1024x128xf32>
    %get3A_28 = arith.constant 0 : index
    %get3A_29 = arith.constant 0 : index
    %get3A_30 = vector.load %arg5[%get3A_28, %get3A_29] : memref<128x128xf32, #tpu.memory_space<vmem>>, vector<128x128xf32>
    %dot_general3A_31 = arith.constant dense<0.000000e+00> : vector<1024x128xf32>
    %dot_general3A_32 = tpu.matmul %mul3A, %get3A_30, %dot_general3A_31 {dimension_numbers = #tpu.dot_dimension_numbers<[1], [0], [0], [1], [0, 0, 1, 1], [], []>, precision = #tpu.contract_precision<fp32>, transpose_lhs_hint = false} : vector<1024x128xf32>, vector<128x128xf32>, vector<1024x128xf32> -> vector<1024x128xf32>
    %get3A_33 = arith.constant 0 : index
    %get3A_34 = arith.constant 0 : index
    %get3A_35 = vector.load %arg6[%get3A_33, %get3A_34] : memref<1x128xf32, #tpu.memory_space<vmem>>, vector<1x128xf32>
    %add3A_36 = vector.broadcast %get3A_35 : vector<1x128xf32> to vector<1024x128xf32>
    %add3A_37 = arith.addf %dot_general3A_32, %add3A_36 : vector<1024x128xf32>
    %get3A_38 = arith.constant 0 : index
    %get3A_39 = arith.constant 0 : index
    %get3A_40 = arith.constant 0 : index
    %get3A_41 = vector.load %arg1[%get3A_38, %get3A_39, %get3A_40] : memref<2x1152x128xf32, #tpu.memory_space<vmem>>, vector<2x1152x128xf32>
    %get3A_42 = arith.constant 0 : index
    %get3A_43 = arith.constant 1 : index
    %get3A_44 = vector.load %arg2[%get3A_42, %get3A_43] : memref<1024x2xf32, #tpu.memory_space<vmem>>, vector<1024x1xf32>
    %slice3A_45 = vector.extract_strided_slice %get3A_41 {offsets = [0, 0, 0], sizes = [1, 1024, 128], strides = [1, 1, 1]} : vector<2x1152x128xf32> to vector<1x1024x128xf32>
    %squeeze3A_46 = vector.shape_cast %slice3A_45 : vector<1x1024x128xf32> to vector<1024x128xf32>
    %slice3A_47 = vector.extract_strided_slice %get3A_41 {offsets = [1, 0, 0], sizes = [1, 1024, 128], strides = [1, 1, 1]} : vector<2x1152x128xf32> to vector<1x1024x128xf32>
    %squeeze3A_48 = vector.shape_cast %slice3A_47 : vector<1x1024x128xf32> to vector<1024x128xf32>
    %add3A_49 = arith.addf %squeeze3A_46, %squeeze3A_48 : vector<1024x128xf32>
    %max3A_50 = arith.constant 1.000000e+00 : f32
    %max3A_51 = vector.broadcast %max3A_50 : f32 to vector<1024x1xf32>
    %max3A_52 = arith.maximumf %get3A_44, %max3A_51 : vector<1024x1xf32>
    %div3A_53 = vector.broadcast %max3A_52 : vector<1024x1xf32> to vector<1024x128xf32>
    %div3A_54 = arith.divf %add3A_49, %div3A_53 : vector<1024x128xf32>
    %get3A_55 = arith.constant 0 : index
    %get3A_56 = arith.constant 0 : index
    %get3A_57 = vector.load %arg3[%get3A_55, %get3A_56] : memref<128x128xf32, #tpu.memory_space<vmem>>, vector<128x128xf32>
    %dot_general3A_58 = arith.constant dense<0.000000e+00> : vector<1024x128xf32>
    %dot_general3A_59 = tpu.matmul %div3A_54, %get3A_57, %dot_general3A_58 {dimension_numbers = #tpu.dot_dimension_numbers<[1], [0], [0], [1], [0, 0, 1, 1], [], []>, precision = #tpu.contract_precision<fp32>, transpose_lhs_hint = false} : vector<1024x128xf32>, vector<128x128xf32>, vector<1024x128xf32> -> vector<1024x128xf32>
    %get3A_60 = arith.constant 0 : index
    %get3A_61 = arith.constant 0 : index
    %get3A_62 = vector.load %arg4[%get3A_60, %get3A_61] : memref<1x128xf32, #tpu.memory_space<vmem>>, vector<1x128xf32>
    %add3A_63 = vector.broadcast %get3A_62 : vector<1x128xf32> to vector<1024x128xf32>
    %add3A_64 = arith.addf %dot_general3A_59, %add3A_63 : vector<1024x128xf32>
    %neg3A_65 = arith.constant 0.000000e+00 : f32
    %neg3A_66 = vector.broadcast %neg3A_65 : f32 to vector<1024x128xf32>
    %neg3A_67 = arith.subf %neg3A_66, %add3A_64 : vector<1024x128xf32>
    %exp3A_68 = math.exp %neg3A_67 : vector<1024x128xf32>
    %add3A_69 = arith.constant 1.000000e+00 : f32
    %add3A_70 = vector.broadcast %add3A_69 : f32 to vector<1024x128xf32>
    %add3A_71 = arith.addf %add3A_70, %exp3A_68 : vector<1024x128xf32>
    %div3A_72 = arith.constant 1.000000e+00 : f32
    %div3A_73 = vector.broadcast %div3A_72 : f32 to vector<1024x128xf32>
    %div3A_74 = arith.divf %div3A_73, %add3A_71 : vector<1024x128xf32>
    %mul3A_75 = arith.mulf %add3A_64, %div3A_74 : vector<1024x128xf32>
    %get3A_76 = arith.constant 0 : index
    %get3A_77 = arith.constant 0 : index
    %get3A_78 = vector.load %arg5[%get3A_76, %get3A_77] : memref<128x128xf32, #tpu.memory_space<vmem>>, vector<128x128xf32>
    %dot_general3A_79 = arith.constant dense<0.000000e+00> : vector<1024x128xf32>
    %dot_general3A_80 = tpu.matmul %mul3A_75, %get3A_78, %dot_general3A_79 {dimension_numbers = #tpu.dot_dimension_numbers<[1], [0], [0], [1], [0, 0, 1, 1], [], []>, precision = #tpu.contract_precision<fp32>, transpose_lhs_hint = false} : vector<1024x128xf32>, vector<128x128xf32>, vector<1024x128xf32> -> vector<1024x128xf32>
    %get3A_81 = arith.constant 0 : index
    %get3A_82 = arith.constant 0 : index
    %get3A_83 = vector.load %arg6[%get3A_81, %get3A_82] : memref<1x128xf32, #tpu.memory_space<vmem>>, vector<1x128xf32>
    %add3A_84 = vector.broadcast %get3A_83 : vector<1x128xf32> to vector<1024x128xf32>
    %add3A_85 = arith.addf %dot_general3A_80, %add3A_84 : vector<1024x128xf32>
    %dot_general3A_86 = arith.constant dense<0.000000e+00> : vector<1024x1024xf32>
    %dot_general3A_87 = tpu.matmul %add3A_37, %add3A_85, %dot_general3A_86 {dimension_numbers = #tpu.dot_dimension_numbers<[1], [1], [0], [0], [0, 0, 1, 0], [], []>, precision = #tpu.contract_precision<fp32>, transpose_lhs_hint = false} : vector<1024x128xf32>, vector<1024x128xf32>, vector<1024x1024xf32> -> vector<1024x1024xf32>
    %mul3A_88 = arith.constant 1.000000e+01 : f32
    %mul3A_89 = vector.broadcast %mul3A_88 : f32 to vector<1024x1024xf32>
    %mul3A_90 = arith.mulf %dot_general3A_87, %mul3A_89 : vector<1024x1024xf32>
    %reduce_max3A = arith.constant dense<0xFF800000> : vector<1024xf32>
    %reduce_max3A_91 = vector.multi_reduction <maximumf>, %mul3A_90, %reduce_max3A [1] : vector<1024x1024xf32> to vector<1024xf32>
    %broadcast_in_dim3A = vector.shape_cast %reduce_max3A_91 : vector<1024xf32> to vector<1024x1xf32>
    %sub3A = vector.broadcast %broadcast_in_dim3A : vector<1024x1xf32> to vector<1024x1024xf32>
    %sub3A_92 = arith.subf %mul3A_90, %sub3A : vector<1024x1024xf32>
    %exp3A_93 = math.exp %sub3A_92 : vector<1024x1024xf32>
    %reduce_sum3A = arith.constant dense<0.000000e+00> : vector<1024xf32>
    %reduce_sum3A_94 = vector.multi_reduction <add>, %exp3A_93, %reduce_sum3A [1] : vector<1024x1024xf32> to vector<1024xf32>
    %broadcast_in_dim3A_95 = vector.shape_cast %reduce_sum3A_94 : vector<1024xf32> to vector<1024x1xf32>
    %log3A = math.log %broadcast_in_dim3A_95 : vector<1024x1xf32>
    %add3A_96 = arith.addf %log3A, %broadcast_in_dim3A : vector<1024x1xf32>
    %iota3A = tpu.iota {dimensions = array<i32: 0>} : vector<1024x1024xi32>
    %iota3A_97 = tpu.iota {dimensions = array<i32: 1>} : vector<1024x1024xi32>
    %eq3A = arith.cmpi eq, %iota3A, %iota3A_97 : vector<1024x1024xi32>
    %jit3A = arith.constant 0.000000e+00 : f32
    %broadcast_in_dim3A_98 = vector.broadcast %jit3A : f32 to vector<1024x1024xf32>
    %select_n3A = arith.select %eq3A, %mul3A_90, %broadcast_in_dim3A_98 : vector<1024x1024xi1>, vector<1024x1024xf32>
    %reduce_sum3A_99 = arith.constant dense<0.000000e+00> : vector<1024xf32>
    %reduce_sum3A_100 = vector.multi_reduction <add>, %select_n3A, %reduce_sum3A_99 [1] : vector<1024x1024xf32> to vector<1024xf32>
    %broadcast_in_dim3A_101 = vector.shape_cast %reduce_sum3A_100 : vector<1024xf32> to vector<1024x1xf32>
    %sub3A_102 = arith.subf %add3A_96, %broadcast_in_dim3A_101 : vector<1024x1xf32>
    %reduce_sum3A_103 = vector.shape_cast %sub3A_102 : vector<1024x1xf32> to vector<1x1024x1xf32>
    %reduce_sum3A_104 = arith.constant dense<0.000000e+00> : vector<1xf32>
    %reduce_sum3A_105 = vector.multi_reduction <add>, %reduce_sum3A_103, %reduce_sum3A_104 [1, 2] : vector<1x1024x1xf32> to vector<1xf32>
    %reduce_sum3A_106 = vector.shape_cast %reduce_sum3A_105 : vector<1xf32> to vector<1x1x1xf32>
    %reduce_sum3A_107 = vector.extract %reduce_sum3A_106[0, 0, 0] : f32 from vector<1x1x1xf32>
    %broadcast_in_dim3A_108 = vector.broadcast %reduce_sum3A_107 : f32 to vector<1x1xf32>
    %mul3A_109 = arith.constant 9.765625E-4 : f32
    %mul3A_110 = vector.broadcast %mul3A_109 : f32 to vector<1x1xf32>
    %mul3A_111 = arith.mulf %broadcast_in_dim3A_108, %mul3A_110 : vector<1x1xf32>
    %swap3A = arith.constant 0 : index
    %swap3A_112 = arith.constant 0 : index
    %swap3A_113 = vector.load %arg7[%swap3A, %swap3A_112] : memref<1x1xf32, #tpu.memory_space<vmem>>, vector<1x1xf32>
    tpu.vector_store %arg7[%swap3A, %swap3A_112], %mul3A_111 {strides = array<i32>} : memref<1x1xf32, #tpu.memory_space<vmem>>, vector<1x1xf32>,
    return
  }
}

</mosaic_0001>

<sc_bundles>
// kernel: kernel.5.cloned.1.call-start
scs
__scs_entry_jumppad:
0x0: {  	(pc) =	sbr.rel $0x88, $3  }
0x1: {  	(tag) =	ssettag $0x0;
	lr =	simm.s32 $0x1  }
0x2: {  	[smem:$0x3F99] =	sst lr;
	_ =	strace $0xD0000000  }
0x3: {  	_ = 	snop  }
0x4: {  	_ = 	snop  }
0x5: {  	_ = 	snop  }
0x6: {  	_ = 	snop  }
0x7: {  	_ = 	snop  }
__scs_overlays_trampoline_lowered:
0x8: {  	[smem:$0x3FA8] =	sst s0  }
0x9: {  	[smem:$0x3FA9] =	sst s1  }
0xa: {  	[smem:$0x3FAA] =	sst s2  }
0xb: {  	[smem:$0x3FAB] =	sst s3  }
0xc: {  	[smem:$0x3FAC] =	sst s4  }
0xd: {  	[smem:$0x3FAD] =	sst s5  }
0xe: {  	[smem:$0x3FAE] =	sst s6  }
0xf: {  	[smem:$0x3FAF] =	sst s7  }
0x10: {  	[smem:$0x3FB0] =	sst s8  }
0x11: {  	[smem:$0x3FB1] =	sst s9;
	s0 =	simm.s32 @!p0 $0x0  }
0x12: {  	s1 =	sld [smem:$0x3F97];
	s0 =	simm.s32 @p0 $0x1  }
0x13: {  	[smem:$0x3FB2] =	sst s0;
	s0 =	simm.s32 @!p1 $0x0  }
0x14: {  	s2 =	sld [smem:$0x3F96];
	s0 =	simm.s32 @p1 $0x1  }
0x15: {  	[smem:$0x3FB3] =	sst s0;
	s0 =	simm.s32 @!p2 $0x0  }
0x16: {  	s3 =	sld [smem:$0x3FDB];
	s0 =	simm.s32 @p2 $0x1  }
0x17: {  	s4 =	simm.s32 $0x1BF5;
	[smem:$0x3FB5] =	sst s0  }
0x18: {  	s0 =	sld [smem:$0x3F98];
	_ =	swait.ge [sflag:s4], $0x0  }
0x19: {  	s7 =	sld [smem:$0x3F99]  }
0x1a: {  	s8 =	sadd.s32 $0xFFFFE003, lr  }
0x1b: {  	s9 =	sadd.s32 $0xFFFFFEF7, lr;
	s5 =	simm.s32 $0xFFFFFFFF;
	p2 =	slt.u32 s8, $0xFFFFF086  }
0x1c: {  	p1 =	slt.u32 s9, $0xF7A;
	s5 =	simm.s32 @!p2 $0x0  }
0x1d: {  	s5 =	simm.s32 @p1 $0x1;
	p0 =	seq.s32 s7, s2  }
0x1e: {  	s7 =	smul.u32 @!p0 $0xF7A, s2;
	p2 =	seq.s32 @!p0 s5, $0x0  }
0x1f: {  	s9 =	smul.u32 $0xF7A, s1;
	s8 =	simm.s32 @!p0 $0x1BF5;
	p2 =	por !p2, p0  }
0x20: {  	[sflag:s8] =	ssyncset.s32 @!p0 $0xFFFFF086;
	s6 =	sadd.s32 @!p0 s3, s7;
	s7 =	simm.s32 @!p0 $0x108  }
0x21: {  	s3 =	sadd.s32 s3, s9;
	s6 =	sadd.s32 @!p0 $0x88, s6;
	s7 =	simm.s32 @p2 $0x1082  }
0x22: {  	[simem:s7], [sflag:s8] =	dma.local @!p0 [hbm:s6], $0xF7A  }
0x23: {  	s9 =	sor.u32 $0xD0000000, s2;
	s6 =	simm.s32 $0x108;
	_ =	swait.ge @!p0 [sflag:s8], $0x0  }
0x24: {  	s3 =	sadd.s32 $0x88, s3;
	s6 =	simm.s32 @!p1 $0x1082;
	[sflag:s4] =	ssyncset.s32 $0xFFFFF086  }
0x25: {  	[simem:s6], [sflag:s4] =	dma.local [hbm:s3], $0xF7A  }
0x26: {  	[smem:$0x3F99] =	sst s1;
	(tag) =	ssettag s2;
	_ =	strace s9  }
0x27: {  	s1 =	sld [smem:$0x3FA9]  }
0x28: {  	s2 =	sld [smem:$0x3FAA]  }
0x29: {  	s4 =	sld [smem:$0x3FAC]  }
0x2a: {  	p0 =	seq.s32 s5, $0x0;
	s5 =	sld [smem:$0x3FAD]  }
0x2b: {  	s6 =	sld [smem:$0x3FAE]  }
0x2c: {  	s7 =	sld [smem:$0x3FAF]  }
0x2d: {  	s3 =	simm.s32 $0x108;
	s8 =	sld [smem:$0x3FB0]  }
0x2e: {  	s3 =	simm.s32 @!p0 $0x1082;
	s9 =	sld [smem:$0x3FB1]  }
0x2f: {  	lr =	sadd.s32 s0, s3;
	s0 =	sld [smem:$0x3FA8]  }
0x30: {  	s3 =	sld [smem:$0x3FAB]  }
0x31: {  	[smem:$0x3FB4] =	sst s10  }
0x32: {  	s10 =	sld [smem:$0x3FB2];
	_ =	sdelay $0x3  }
0x33: {  	p0 =	seq.s32 s10, $0x1;
	s10 =	sld [smem:$0x3FB4];
	_ =	sdelay $0x3  }
0x34: {  	[smem:$0x3FB4] =	sst s10  }
0x35: {  	s10 =	sld [smem:$0x3FB3];
	_ =	sdelay $0x3  }
0x36: {  	p1 =	seq.s32 s10, $0x1;
	s10 =	sld [smem:$0x3FB4];
	_ =	sdelay $0x3  }
0x37: {  	[smem:$0x3FB4] =	sst s10  }
0x38: {  	s10 =	sld [smem:$0x3FB5]  }
0x39: {  	_ = 	snop;
	(pc) =	sbr.ind lr, $3  }
0x3a: {  	_ = 	snop  }
0x3b: {  	_ = 	snop  }
0x3c: {  	p2 =	seq.s32 s10, $0x1;
	s10 =	sld [smem:$0x3FB4]  }
0x3d: {  	_ =	shalt  }
0x3e: {  	_ =	shalt  }
0x3f: {  	_ =	shalt  }
0x40: {  	_ =	shalt  }
0x41: {  	_ =	shalt  }
0x42: {  	_ =	shalt  }
0x43: {  	_ =	shalt  }
0x44: {  	_ =	shalt  }
0x45: {  	_ =	shalt  }
0x46: {  	_ =	shalt  }
0x47: {  	_ =	shalt  }
0x48: {  	_ =	shalt  }
0x49: {  	_ =	shalt  }
0x4a: {  	_ =	shalt  }
0x4b: {  	_ =	shalt  }
0x4c: {  	_ =	shalt  }
0x4d: {  	_ =	shalt  }
0x4e: {  	_ =	shalt  }
0x4f: {  	_ =	shalt  }
0x50: {  	_ =	shalt  }
0x51: {  	_ =	shalt  }
0x52: {  	_ =	shalt  }
0x53: {  	_ =	shalt  }
0x54: {  	_ =	shalt  }
0x55: {  	_ =	shalt  }
0x56: {  	_ =	shalt  }
0x57: {  	_ =	shalt  }
0x58: {  	_ =	shalt  }
0x59: {  	_ =	shalt  }
0x5a: {  	_ =	shalt  }
0x5b: {  	_ =	shalt  }
0x5c: {  	_ =	shalt  }
0x5d: {  	_ =	shalt  }
0x5e: {  	_ =	shalt  }
0x5f: {  	_ =	shalt  }
0x60: {  	_ =	shalt  }
0x61: {  	_ =	shalt  }
0x62: {  	_ =	shalt  }
0x63: {  	_ =	shalt  }
0x64: {  	_ =	shalt  }
0x65: {  	_ =	shalt  }
0x66: {  	_ =	shalt  }
0x67: {  	_ =	shalt  }
0x68: {  	_ =	shalt  }
0x69: {  	_ =	shalt  }
0x6a: {  	_ =	shalt  }
0x6b: {  	_ =	shalt  }
0x6c: {  	_ =	shalt  }
0x6d: {  	_ =	shalt  }
0x6e: {  	_ =	shalt  }
0x6f: {  	_ =	shalt  }
0x70: {  	_ =	shalt  }
0x71: {  	_ =	shalt  }
0x72: {  	_ =	shalt  }
0x73: {  	_ =	shalt  }
0x74: {  	_ =	shalt  }
0x75: {  	_ =	shalt  }
0x76: {  	_ =	shalt  }
0x77: {  	_ =	shalt  }
0x78: {  	_ =	shalt  }
0x79: {  	_ =	shalt  }
0x7a: {  	_ =	shalt  }
0x7b: {  	_ =	shalt  }
0x7c: {  	_ =	shalt  }
0x7d: {  	_ =	shalt  }
0x7e: {  	_ =	shalt  }
0x7f: {  	_ =	shalt  }
0x80: {  	_ =	shalt  }
0x81: {  	_ =	shalt  }
0x82: {  	_ =	shalt  }
0x83: {  	_ =	shalt  }
0x84: {  	_ =	shalt  }
0x85: {  	_ =	shalt  }
0x86: {  	_ =	shalt  }
0x87: {  	_ =	shalt  }
.Lfunc_end0:
.L_simem_size_0:
called_computation_lowered:
.L_overlay_start_0:
0x88: {  	s2 =	sld [smem:$0x3FD9]  }
0x89: {  	s3 =	sld [smem:$0x3FFE];
	_ =	sdelay $0x1  }
0x8a: {  	s1 =	srdreg.scid  }
0x8b: {  	s0 =	sand.u32 $0x1, s1  }
0x8c: {  	s17 =	sshll.u32 s0, $0xA;
	s2 =	sadd.s32 s3, s2  }
0x8d: {  	s2 =	sadd.s32 s2, s17  }
0x8e: {  	[smem:$0x3FC0] =	sst s2  }
0x8f: {  	_ = 	snop  }
0x90: {  	s2 =	sld [smem:$0x3FC9]  }
0x91: {  	s18 =	sld [smem:$0x3FC8];
	(tm) =	ssettm $0x1  }
0x92: {  	s4 =	sld [smem:$0x3FFB];
	_ =	sdelay $0x3  }
0x93: {  	_ =	strace s4  }
0x94: {  	s4 =	sld [smem:$0x3FFC];
	_ =	sdelay $0x3  }
0x95: {  	_ =	strace s4  }
0x96: {  	s4 =	sld [smem:$0x3FFD];
	_ =	sdelay $0x3  }
0x97: {  	_ =	strace s4  }
0x98: {  	_ =	strace $0x8FFFFFFF  }
0x99: {  	s19 =	sld [smem:$0x3FDB];
	_ =	sdelay $0x1  }
0x9a: {  	s5 =	simm.s32 $_scs_section_size  }
0x9b: {  	s6 =	simm.s32 $_size__tile_overlayer_lowered;
	s7 =	simm.s32 $_tile_overlayer_lowered  }
0x9c: {  	s22 =	simm.s32 $0x1BFF;
	s21 =	sshll.u32 s7, $0x1;
	s4 =	sadd.s32 s5, s19  }
0x9d: {  	s8 =	simm.s32 $0x0;
	s20 =	sshll.u32 s6, $0x1;
	s6 =	sadd.s32 s21, s4  }
0x9e: {  	[timem:s8], [sflag:s22] =	dma.local [hbm:s6], s20  }
0x9f: {  	_ =	swait.ge [sflag:s22], s20  }
0xa0: {  	s5 =	ssub.s32 $0x0, s20;
	[sflag:s22] =	ssyncset.done $0x0  }
0xa1: {  	[sflag:s22] =	ssyncadd.s32 s5;
	_ =	sdelay $0x1  }
0xa2: {  	s23 =	simm.s32 $0x1B8B  }
0xa3: {  	_ =	swait.ge [sflag:s23], $0x1  }
0xa4: {  	[sflag:s23] =	ssyncset.done $0x0  }
0xa5: {  	s25 =	simm.s32 $0x1B8E;
	s24 =	sld [smem:$0x3FFE];
	[sflag:s23] =	ssyncadd.s32 $0xFFFFFFFF  }
0xa6: {  	s26 =	simm.s32 $execute0_lowered;
	[smem:$0x3FD2] =	sst s25  }
0xa7: {  	s6 =	sshll.u32 s26, $0x1;
	_ =	strace $0x80000046;
	[dreg:$0x1] =	wrdreg $0xFFFFFFFF  }
0xa8: {  	s28 =	simm.s32 $_size_execute0_lowered;
	s4 =	sadd.s32 s4, s6;
	[dreg:$0x0] =	wrdreg $0x0  }
0xa9: {  	s6 =	sshll.u32 s28, $0x1;
	[dreg:$0x2] =	wrdreg s4  }
0xaa: {  	[dreg:$0x3] =	wrdreg s6  }
0xab: {  	[dreg:$0x4] =	wrdreg $0xC0  }
0xac: {  	_ =	task [dreg:s8], $0x5FFFF  }
0xad: {  	[dreg:$0x1] =	wrdreg $0xFFFFFFFF  }
0xae: {  	[dreg:$0x0] =	wrdreg $0x60  }
0xaf: {  	[dreg:$0x2] =	wrdreg s2  }
0xb0: {  	[dreg:$0x3] =	wrdreg s18  }
0xb1: {  	[dreg:$0x4] =	wrdreg s24  }
0xb2: {  	[dreg:$0x5] =	wrdreg $0x120000  }
0xb3: {  	[dreg:$0x6] =	wrdreg $0x144000  }
0xb4: {  	[dreg:$0x7] =	wrdreg $0x9  }
0xb5: {  	_ =	task.clear_ibuf [dreg:s8], $0x8FFFF;
	_ =	strace $0x90000046  }
0xb6: {  	s29 =	simm.s32 $0x9;
	_ =	strace $0x80000048  }
0xb7: {  	_ =	swait.ge [sflag:s29], $0x1  }
0xb8: {  	[sflag:s29] =	ssyncadd.s32 $0xFFFFFFFF  }
0xb9: {  	_ =	strace $0x90000048  }
0xba: {  	_ =	sfence  }
0xbb: {  	s30 =	sld [smem:$0x0];
	_ =	sdelay $0x2  }
0xbc: {  	s31 =	sshll.u32 s1, $0xD;
	s1 =	sshrl.u32 s1, $0x2  }
0xbd: {  	s3 =	sand.u32 $0x4000, s31;
	s1 =	sadd.s32 s1, s30  }
0xbe: {  	s0 =	sor.u32 s3, s0;
	s1 =	sshll.u32 s1, $0x11  }
0xbf: {  	s0 =	sor.u32 s1, s0  }
0xc0: {  	s0 =	sadd.s32 $0x8F2B, s0  }
0xc1: {  	[sflag:s0] =	ssyncadd.remote.s32 $0x1  }
0xc2: {  	_ =	sfence.sel $0xFFFF  }
0xc3: {  	[dreg:$0x0] =	wrdreg $0xFFFFFFFF;
	(pc) =	sbr.abs _section_cstart, $3  }
0xc4: {  	[dreg:$0x1] =	wrdreg $0xFFFFFFFF  }
0xc5: {  	_ =	task.clear_ibuf [dreg:s8], $0x2FFFF;
	_ =	strace $0x9FFFFFFF  }
0xc6: {  	(tm) =	ssettm $0x7FFFFFFF  }
0xc7: {  	_ =	shalt  }
tec
execute0_lowered:
.L_overlay_start_1:
0x0: {  	(tag) =	ssettag $0x1  }
0x1: {  	s2 =	rddreg [dreg:$0x0];
	s0 =	srdreg.scid  }
0x2: {  	s14 =	stileid.u32;
	s3 =	rddreg [dreg:$0x1]  }
0x3: {  	s7 =	rddreg [dreg:$0x2];
	s1 =	simm.s32 $0x0;
	s6 =	sand.u32 $0x1, s0  }
0x4: {  	s25 =	sshll.u32 s14, $0x1;
	s0 =	smul.u32 $0x2400, s14;
	[smem:$0x7FF] =	sst s1  }
0x5: {  	s5 =	sor.u32 s6, s25;
	s8 =	smul.u32 $0x24000, s6;
	s10 =	ssub.s32 $0x2, s6  }
0x6: {  	s4 =	sshll.u32 s5, $0x9;
	s9 =	sshrl.u32 s0, $0x3;
	s11 =	sshrl.u32 s10, $0x1  }
0x7: {  	s12 =	smul.u32 $0xC800, s5;
	s4 =	sadd.s32 s4, s7;
	s8 =	sadd.s32 s0, s8  }
0x8: {  	s26 =	sshrl.u32 s8, $0x3;
	s8 =	sadd.s32 s9, s7;
	s9 =	smul.u32 $0x19, s5  }
0x9: {  	s13 =	sadd.s32 $0x800, s12;
	s15 =	sadd.s32 s3, s12;
	s6 =	sadd.s32 s26, s7  }
0xa: {  	s7 =	ssub.s32 s10, s11;
	s11 =	sadd.s32 s2, s12;
	[dreg:$0x7] =	wrdreg s15  }
0xb: {  	s17 =	sadd.s32 $0x1000, s12;
	s16 =	sadd.s32 s2, s13;
	[dreg:$0x6] =	wrdreg s11  }
0xc: {  	s19 =	sadd.s32 $0x1800, s12;
	s10 =	sadd.s32 s3, s13;
	[dreg:$0x8] =	wrdreg s16  }
0xd: {  	s21 =	sadd.s32 $0x2000, s12;
	s18 =	sadd.s32 s2, s17;
	[dreg:$0x9] =	wrdreg s10  }
0xe: {  	s31 =	sadd.s32 $0x1400, s4;
	s20 =	sadd.s32 s2, s19;
	[dreg:$0xa] =	wrdreg s18  }
0xf: {  	s22 =	sadd.s32 s2, s21;
	s13 =	sadd.s32 $0x2800, s12;
	[dreg:$0xc] =	wrdreg s20  }
0x10: {  	s11 =	sadd.s32 s3, s17;
	s10 =	sadd.s32 s3, s19;
	[dreg:$0xe] =	wrdreg s22  }
0x11: {  	s23 =	sadd.s32 $0x6, s9;
	s24 =	sadd.s32 s2, s13;
	s25 =	sadd.s32 s3, s13  }
0x12: {  	s12 =	sadd.s32 $0x7, s9;
	s16 =	sadd.s32 $0x8, s9;
	[dreg:$0xb] =	wrdreg s11  }
0x13: {  	s18 =	sadd.s32 $0x9, s9;
	s15 =	sadd.s32 $0xA, s9;
	[dreg:$0xd] =	wrdreg s10  }
0x14: {  	s19 =	sadd.s32 $0xB, s9;
	p0 =	seq.s32 s23, $0x30D;
	[dreg:$0x10] =	wrdreg s24  }
0x15: {  	s10 =	sshll.u32 s23, $0xB;
	s11 =	sadd.s32 s3, s21;
	[dreg:$0x11] =	wrdreg s25  }
0x16: {  	s21 =	sadd.s32 $0xC, s9;
	s23 =	sadd.s32 $0xD, s9;
	s25 =	sadd.s32 $0xE, s9  }
0x17: {  	[dreg:$0xf] =	wrdreg s11;
	s10 =	simm.s32 @p0 $0x186200;
	p0 =	seq.s32 s12, $0x30D  }
0x18: {  	s11 =	sshll.u32 s12, $0xB;
	s12 =	sadd.s32 $0xF, s9;
	s26 =	sadd.s32 s2, s10  }
0x19: {  	s10 =	sadd.s32 s3, s10;
	s11 =	simm.s32 @p0 $0x186200;
	[dreg:$0x12] =	wrdreg s26  }
0x1a: {  	p0 =	seq.s32 s16, $0x30D;
	[dreg:$0x13] =	wrdreg s10;
	s10 =	sshll.u32 s16, $0xB  }
0x1b: {  	s16 =	sadd.s32 s2, s11;
	s17 =	sadd.s32 s3, s11;
	s10 =	simm.s32 @p0 $0x186200  }
0x1c: {  	s11 =	sshll.u32 s18, $0xB;
	p0 =	seq.s32 s18, $0x30D;
	s13 =	sadd.s32 s2, s10  }
0x1d: {  	s10 =	sadd.s32 s3, s10;
	s11 =	simm.s32 @p0 $0x186200;
	[dreg:$0x14] =	wrdreg s13  }
0x1e: {  	p0 =	seq.s32 s15, $0x30D;
	[dreg:$0x15] =	wrdreg s10;
	s18 =	sadd.s32 s2, s11  }
0x1f: {  	s10 =	sshll.u32 s15, $0xB;
	s11 =	sadd.s32 s3, s11;
	[dreg:$0x16] =	wrdreg s18  }
0x20: {  	s15 =	sadd.s32 $0x10, s9;
	[dreg:$0x17] =	wrdreg s11;
	s10 =	simm.s32 @p0 $0x186200  }
0x21: {  	p0 =	seq.s32 s19, $0x30D;
	s11 =	sshll.u32 s19, $0xB;
	s20 =	sadd.s32 s2, s10  }
0x22: {  	s10 =	sadd.s32 s3, s10;
	s11 =	simm.s32 @p0 $0x186200;
	[dreg:$0x18] =	wrdreg s20  }
0x23: {  	s19 =	sadd.s32 $0x11, s9;
	[dreg:$0x19] =	wrdreg s10;
	s22 =	sadd.s32 s2, s11  }
0x24: {  	p0 =	seq.s32 s21, $0x30D;
	s11 =	sadd.s32 s3, s11;
	[dreg:$0x1a] =	wrdreg s22  }
0x25: {  	s10 =	sshll.u32 s21, $0xB;
	s21 =	sadd.s32 $0x12, s9;
	[dreg:$0x1b] =	wrdreg s11  }
0x26: {  	s10 =	simm.s32 @p0 $0x186200;
	p0 =	seq.s32 s23, $0x30D;
	s11 =	sshll.u32 s23, $0xB  }
0x27: {  	s23 =	sadd.s32 $0x13, s9;
	s24 =	sadd.s32 s2, s10;
	s10 =	sadd.s32 s3, s10  }
0x28: {  	s11 =	simm.s32 @p0 $0x186200;
	p0 =	seq.s32 s25, $0x30D;
	[dreg:$0x1c] =	wrdreg s24  }
0x29: {  	[dreg:$0x1d] =	wrdreg s10;
	s10 =	sshll.u32 s25, $0xB;
	s26 =	sadd.s32 s2, s11  }
0x2a: {  	s11 =	sadd.s32 s3, s11;
	s25 =	sadd.s32 $0x14, s9;
	[dreg:$0x1e] =	wrdreg s26  }
0x2b: {  	[dreg:$0x1f] =	wrdreg s11;
	s10 =	simm.s32 @p0 $0x186200;
	p0 =	seq.s32 s12, $0x30D  }
0x2c: {  	s11 =	sshll.u32 s12, $0xB;
	s12 =	sadd.s32 $0x15, s9;
	s13 =	sadd.s32 s2, s10  }
0x2d: {  	s10 =	sadd.s32 s3, s10;
	s11 =	simm.s32 @p0 $0x186200;
	[smem:$0x7E8] =	sst s13  }
0x2e: {  	p0 =	seq.s32 s15, $0x30D;
	[smem:$0x7E9] =	sst s10;
	s18 =	sadd.s32 s2, s11  }
0x2f: {  	s10 =	sshll.u32 s15, $0xB;
	s11 =	sadd.s32 s3, s11;
	[smem:$0x7EA] =	sst s18  }
0x30: {  	s15 =	sadd.s32 $0x16, s9;
	[smem:$0x7EB] =	sst s11;
	s10 =	simm.s32 @p0 $0x186200  }
0x31: {  	p0 =	seq.s32 s19, $0x30D;
	s11 =	sshll.u32 s19, $0xB;
	s20 =	sadd.s32 s2, s10  }
0x32: {  	s18 =	sadd.s32 $0xDC00, s6;
	s10 =	sadd.s32 s3, s10;
	[smem:$0x7EC] =	sst s20  }
0x33: {  	s11 =	simm.s32 @p0 $0x186200;
	p0 =	seq.s32 s21, $0x30D;
	[smem:$0x7ED] =	sst s10  }
0x34: {  	s10 =	sshll.u32 s21, $0xB;
	s22 =	sadd.s32 s2, s11;
	s11 =	sadd.s32 s3, s11  }
0x35: {  	s20 =	sadd.s32 $0x17, s9;
	s9 =	sadd.s32 $0x18, s9;
	[smem:$0x7EE] =	sst s22  }
0x36: {  	[smem:$0x7EF] =	sst s11;
	s10 =	simm.s32 @p0 $0x186200;
	p0 =	seq.s32 s23, $0x30D  }
0x37: {  	s11 =	sshll.u32 s23, $0xB;
	s24 =	sadd.s32 s2, s10;
	s10 =	sadd.s32 s3, s10  }
0x38: {  	s11 =	simm.s32 @p0 $0x186200;
	p0 =	seq.s32 s25, $0x30D;
	[smem:$0x7F0] =	sst s24  }
0x39: {  	[smem:$0x7F1] =	sst s10;
	s10 =	sshll.u32 s25, $0xB;
	s26 =	sadd.s32 s2, s11  }
0x3a: {  	s11 =	sadd.s32 s3, s11;
	s25 =	sshll.u32 s14, $0x6;
	[smem:$0x7F2] =	sst s26  }
0x3b: {  	[smem:$0x7F3] =	sst s11;
	s10 =	simm.s32 @p0 $0x186200;
	p0 =	seq.s32 s12, $0x30D  }
0x3c: {  	s11 =	sshll.u32 s12, $0xB;
	s26 =	sadd.s32 $0x9400, s8;
	s28 =	sor.u32 $0x1C05, s25  }
0x3d: {  	s25 =	simm.s32 $0x2000;
	s8 =	simm.s32 $0x2;
	s13 =	sadd.s32 s2, s10  }
0x3e: {  	s10 =	sadd.s32 s3, s10;
	s11 =	simm.s32 @p0 $0x186200;
	[smem:$0x7F4] =	sst s13  }
0x3f: {  	p0 =	seq.s32 s15, $0x30D;
	[smem:$0x7F5] =	sst s10;
	s19 =	sadd.s32 s2, s11  }
0x40: {  	s10 =	sshll.u32 s15, $0xB;
	s11 =	sadd.s32 s3, s11;
	[smem:$0x7F6] =	sst s19  }
0x41: {  	[smem:$0x7F7] =	sst s11;
	s10 =	simm.s32 @p0 $0x186200;
	p0 =	seq.s32 s20, $0x30D  }
0x42: {  	s11 =	sshll.u32 s20, $0xB;
	s20 =	rddreg [dreg:$0x3];
	s19 =	sadd.s32 $0x16C00, s6  }
0x43: {  	s6 =	simm.s32 $0xE000;
	s21 =	sadd.s32 s2, s10;
	s10 =	sadd.s32 s3, s10  }
0x44: {  	s11 =	simm.s32 @p0 $0x186200;
	p0 =	seq.s32 s9, $0x30D;
	[smem:$0x7F8] =	sst s21  }
0x45: {  	s9 =	sshll.u32 s9, $0xB;
	s29 =	sadd.s32 s0, s20;
	[smem:$0x7F9] =	sst s10  }
0x46: {  	s22 =	sadd.s32 s2, s11;
	s23 =	sadd.s32 s3, s11;
	s9 =	simm.s32 @p0 $0x186200  }
0x47: {  	p0 =	seq.s32 s5, $0x1F;
	s21 =	smax.u32 s7, $0x1;
	[smem:$0x7FA] =	sst s22  }
0x48: {  	s5 =	simm.s32 $0x80;
	s7 =	simm.s32 $0x3;
	[smem:$0x7FB] =	sst s23  }
.Ltmp0:
0x49: {  	s23 =	rddreg [dreg:$0x4];
	s2 =	sadd.s32 s2, s9;
	(pc) =	sbr.rel .LBB2_1-.Ltmp0, $4  }
0x4a: {  	s24 =	sadd.s32 s3, s9;
	s22 =	simm.s32 $0x5;
	[smem:$0x7FC] =	sst s2  }
0x4b: {  	s3 =	simm.s32 $0x6000;
	s9 =	simm.s32 $0x4;
	[smem:$0x7FD] =	sst s24  }
0x4c: {  	s30 =	sadd.s32 s0, s23;
	s0 =	sadd.s32 $0x5400, s4;
	s24 =	simm.s32 $0x1000  }
0x4d: {  	s2 =	simm.s32 $0xA000;
	s4 =	simm.s32 $0x1;
	_ =	strace $0x80000047  }
.LBB2_3:
0x4e: {  	[bflag:$0x0] =	sbarrier.arrive $0xFFFF  }
0x4f: {  	[hbm:s18], [sflag:s28] =	dma.local [spmem:s10], $0x480  }
0x50: {  	s21 =	sadd.s32 $0xFFFFFFFF, s21;
	_ =	swait.ge [sflag:s22], $0x480  }
0x51: {  	p1 =	sne.s32 s21, $0x0;
	[sflag:s22] =	ssyncset.done $0x0  }
.Ltmp1:
0x52: {  	[sflag:s22] =	ssyncadd.s32 $0xFFFFFB80;
	(pc) =	sbr.rel @!p1 .LBB2_4-.Ltmp1, $4  }
0x53: {  	[hbm:s19], [sflag:s28] =	dma.local [spmem:s11], $0x480  }
0x54: {  	_ =	swait.ge [sflag:s22], $0x480  }
0x55: {  	[sflag:s22] =	ssyncset.done $0x0  }
0x56: {  	[sflag:s22] =	ssyncadd.s32 $0xFFFFFB80  }
.LBB2_1:
0x57: {  	s10 =	sshrl.u32 s29, $0x3  }
0x58: {  	[spmem:s10], [sflag:s28] =	dma.local [hbm:s26], $0x480  }
0x59: {  	_ =	swait.ge [sflag:s22], $0x480  }
0x5a: {  	[sflag:s22] =	ssyncset.done $0x0  }
0x5b: {  	s11 =	sshrl.u32 s30, $0x3;
	[sflag:s22] =	ssyncadd.s32 $0xFFFFFB80  }
0x5c: {  	[spmem:s11], [sflag:s28] =	dma.local [hbm:s26], $0x480  }
0x5d: {  	_ =	swait.ge [sflag:s22], $0x480  }
0x5e: {  	[sflag:s22] =	ssyncset.done $0x0  }
0x5f: {  	[sflag:s22] =	ssyncadd.s32 $0xFFFFFB80  }
0x60: {  	[bflag:$0x0] =	sbarrier.arrive $0xFFFF  }
0x61: {  	[tilespmem:s1], [sflag:$0x5] =	stream.linear.gather [hbm4b:s31+s1], $0xC80, $0x38;
	[tilespmem:$0x16800] =	vst v63  }
0x62: {  	_ =	swait.ge [sflag:s22], $0xC80  }
0x63: {  	[sflag:s22] =	ssyncset.done $0x0  }
0x64: {  	[sflag:s22] =	ssyncadd.s32 $0xFFFFF380  }
0x65: {  	[tilespmem:s24], [sflag:$0x5] =	stream.linear.gather [hbm4b:s0+s1], $0xC80, $0x38;
	[tilespmem:$0x16800] =	vst v63  }
0x66: {  	_ =	swait.ge [sflag:s22], $0xC80  }
0x67: {  	[sflag:s22] =	ssyncset.done $0x0  }
0x68: {  	s12 =	rddreg [dreg:$0x6];
	[sflag:s22] =	ssyncadd.s32 $0xFFFFF380  }
0x69: {  	[tilespmem:s25], [sflag:$0x1] =	stream.linear.gather [hbm4b:s12+s1], $0x4000, $0x38;
	[tilespmem:$0x16800] =	vst v63  }
0x6a: {  	s14 =	rddreg [dreg:$0x7]  }
0x6b: {  	[tilespmem:s2], [sflag:$0x3] =	stream.linear.gather [hbm4b:s14+s1], $0x4000, $0x38;
	[tilespmem:$0x16800] =	vst v63  }
0x6c: {  	s15 =	rddreg [dreg:$0x8]  }
0x6d: {  	[tilespmem:s3], [sflag:$0x2] =	stream.linear.gather [hbm4b:s15+s1], $0x4000, $0x38;
	[tilespmem:$0x16800] =	vst v63  }
0x6e: {  	_ =	swait.ge [sflag:s4], $0x4000  }
0x6f: {  	[sflag:s4] =	ssyncset.done $0x0  }
0x70: {  	[sflag:s4] =	ssyncadd.s32 $0xFFFFC000  }
0x71: {  	[spmem:s20] =	stream.indirect.scatter.add.f32 [tilespmem:s25], [sflag:$0x5], $0x80, s1, s5, $0xb8;
	[tilespmem:$0x16800] =	vst v63  }
0x72: {  	_ =	swait.ge [sflag:s22], $0x4000  }
0x73: {  	[sflag:s22] =	ssyncset.done $0x0  }
0x74: {  	s13 =	rddreg [dreg:$0x9];
	[sflag:s22] =	ssyncadd.s32 $0xFFFFC000  }
0x75: {  	[tilespmem:s6], [sflag:$0x4] =	stream.linear.gather [hbm4b:s13+s1], $0x4000, $0x38;
	[tilespmem:$0x16800] =	vst v63  }
0x76: {  	_ =	swait.ge [sflag:s7], $0x4000  }
0x77: {  	[sflag:s7] =	ssyncset.done $0x0  }
0x78: {  	[sflag:s7] =	ssyncadd.s32 $0xFFFFC000  }
0x79: {  	[spmem:s23] =	stream.indirect.scatter.add.f32 [tilespmem:s2], [sflag:$0x5], $0x80, s24, s5, $0xb8;
	[tilespmem:$0x16800] =	vst v63  }
0x7a: {  	_ =	swait.ge [sflag:s22], $0x4000  }
0x7b: {  	[sflag:s22] =	ssyncset.done $0x0  }
0x7c: {  	s14 =	rddreg [dreg:$0xa];
	[sflag:s22] =	ssyncadd.s32 $0xFFFFC000  }
0x7d: {  	[tilespmem:s25], [sflag:$0x1] =	stream.linear.gather [hbm4b:s14+s1], $0x4000, $0x38;
	[tilespmem:$0x16800] =	vst v63  }
0x7e: {  	_ =	swait.ge [sflag:s8], $0x4000  }
0x7f: {  	[sflag:s8] =	ssyncset.done $0x0  }
0x80: {  	[sflag:s8] =	ssyncadd.s32 $0xFFFFC000  }
0x81: {  	[spmem:s20] =	stream.indirect.scatter.add.f32 [tilespmem:s3], [sflag:$0x5], $0x80, s5, s5, $0xb8;
	[tilespmem:$0x16800] =	vst v63  }
0x82: {  	_ =	swait.ge [sflag:s22], $0x4000  }
0x83: {  	[sflag:s22] =	ssyncset.done $0x0  }
0x84: {  	s15 =	rddreg [dreg:$0xb];
	[sflag:s22] =	ssyncadd.s32 $0xFFFFC000  }
0x85: {  	[tilespmem:s2], [sflag:$0x3] =	stream.linear.gather [hbm4b:s15+s1], $0x4000, $0x38;
	[tilespmem:$0x16800] =	vst v63  }
0x86: {  	_ =	swait.ge [sflag:s9], $0x4000  }
0x87: {  	[sflag:s9] =	ssyncset.done $0x0  }
0x88: {  	s13 =	simm.s32 $0x1080;
	[sflag:s9] =	ssyncadd.s32 $0xFFFFC000  }
0x89: {  	[spmem:s23] =	stream.indirect.scatter.add.f32 [tilespmem:s6], [sflag:$0x5], $0x80, s13, s5, $0xb8;
	[tilespmem:$0x16800] =	vst v63  }
0x8a: {  	_ =	swait.ge [sflag:s22], $0x4000  }
0x8b: {  	[sflag:s22] =	ssyncset.done $0x0  }
0x8c: {  	s14 =	rddreg [dreg:$0xc];
	[sflag:s22] =	ssyncadd.s32 $0xFFFFC000  }
0x8d: {  	[tilespmem:s3], [sflag:$0x2] =	stream.linear.gather [hbm4b:s14+s1], $0x4000, $0x38;
	[tilespmem:$0x16800] =	vst v63  }
0x8e: {  	_ =	swait.ge [sflag:s4], $0x4000  }
0x8f: {  	[sflag:s4] =	ssyncset.done $0x0  }
0x90: {  	s15 =	simm.s32 $0x100;
	[sflag:s4] =	ssyncadd.s32 $0xFFFFC000  }
0x91: {  	[spmem:s20] =	stream.indirect.scatter.add.f32 [tilespmem:s25], [sflag:$0x5], $0x80, s15, s5, $0xb8;
	[tilespmem:$0x16800] =	vst v63  }
0x92: {  	_ =	swait.ge [sflag:s22], $0x4000  }
0x93: {  	[sflag:s22] =	ssyncset.done $0x0  }
0x94: {  	s13 =	rddreg [dreg:$0xd];
	[sflag:s22] =	ssyncadd.s32 $0xFFFFC000  }
0x95: {  	[tilespmem:s6], [sflag:$0x4] =	stream.linear.gather [hbm4b:s13+s1], $0x4000, $0x38;
	[tilespmem:$0x16800] =	vst v63  }
0x96: {  	_ =	swait.ge [sflag:s7], $0x4000  }
0x97: {  	[sflag:s7] =	ssyncset.done $0x0  }
0x98: {  	s14 =	simm.s32 $0x1100;
	[sflag:s7] =	ssyncadd.s32 $0xFFFFC000  }
0x99: {  	[spmem:s23] =	stream.indirect.scatter.add.f32 [tilespmem:s2], [sflag:$0x5], $0x80, s14, s5, $0xb8;
	[tilespmem:$0x16800] =	vst v63  }
0x9a: {  	_ =	swait.ge [sflag:s22], $0x4000  }
0x9b: {  	[sflag:s22] =	ssyncset.done $0x0  }
0x9c: {  	s15 =	rddreg [dreg:$0xe];
	[sflag:s22] =	ssyncadd.s32 $0xFFFFC000  }
0x9d: {  	[tilespmem:s25], [sflag:$0x1] =	stream.linear.gather [hbm4b:s15+s1], $0x4000, $0x38;
	[tilespmem:$0x16800] =	vst v63  }
0x9e: {  	_ =	swait.ge [sflag:s8], $0x4000  }
0x9f: {  	[sflag:s8] =	ssyncset.done $0x0  }
0xa0: {  	s13 =	simm.s32 $0x180;
	[sflag:s8] =	ssyncadd.s32 $0xFFFFC000  }
0xa1: {  	[spmem:s20] =	stream.indirect.scatter.add.f32 [tilespmem:s3], [sflag:$0x5], $0x80, s13, s5, $0xb8;
	[tilespmem:$0x16800] =	vst v63  }
0xa2: {  	_ =	swait.ge [sflag:s22], $0x4000  }
0xa3: {  	[sflag:s22] =	ssyncset.done $0x0  }
0xa4: {  	s14 =	rddreg [dreg:$0xf];
	[sflag:s22] =	ssyncadd.s32 $0xFFFFC000  }
0xa5: {  	[tilespmem:s2], [sflag:$0x3] =	stream.linear.gather [hbm4b:s14+s1], $0x4000, $0x38;
	[tilespmem:$0x16800] =	vst v63  }
0xa6: {  	_ =	swait.ge [sflag:s9], $0x4000  }
0xa7: {  	[sflag:s9] =	ssyncset.done $0x0  }
0xa8: {  	s15 =	simm.s32 $0x1180;
	[sflag:s9] =	ssyncadd.s32 $0xFFFFC000  }
0xa9: {  	[spmem:s23] =	stream.indirect.scatter.add.f32 [tilespmem:s6], [sflag:$0x5], $0x80, s15, s5, $0xb8;
	[tilespmem:$0x16800] =	vst v63  }
0xaa: {  	_ =	swait.ge [sflag:s22], $0x4000  }
0xab: {  	[sflag:s22] =	ssyncset.done $0x0  }
0xac: {  	s13 =	rddreg [dreg:$0x10];
	[sflag:s22] =	ssyncadd.s32 $0xFFFFC000  }
0xad: {  	[tilespmem:s3], [sflag:$0x2] =	stream.linear.gather [hbm4b:s13+s1], $0x4000, $0x38;
	[tilespmem:$0x16800] =	vst v63  }
0xae: {  	_ =	swait.ge [sflag:s4], $0x4000  }
0xaf: {  	[sflag:s4] =	ssyncset.done $0x0  }
0xb0: {  	s14 =	simm.s32 $0x200;
	[sflag:s4] =	ssyncadd.s32 $0xFFFFC000  }
0xb1: {  	[spmem:s20] =	stream.indirect.scatter.add.f32 [tilespmem:s25], [sflag:$0x5], $0x80, s14, s5, $0xb8;
	[tilespmem:$0x16800] =	vst v63  }
0xb2: {  	_ =	swait.ge [sflag:s22], $0x4000  }
0xb3: {  	[sflag:s22] =	ssyncset.done $0x0  }
0xb4: {  	s15 =	rddreg [dreg:$0x11];
	[sflag:s22] =	ssyncadd.s32 $0xFFFFC000  }
0xb5: {  	[tilespmem:s6], [sflag:$0x4] =	stream.linear.gather [hbm4b:s15+s1], $0x4000, $0x38;
	[tilespmem:$0x16800] =	vst v63  }
0xb6: {  	_ =	swait.ge [sflag:s7], $0x4000  }
0xb7: {  	[sflag:s7] =	ssyncset.done $0x0  }
0xb8: {  	s13 =	simm.s32 $0x1200;
	[sflag:s7] =	ssyncadd.s32 $0xFFFFC000  }
0xb9: {  	[spmem:s23] =	stream.indirect.scatter.add.f32 [tilespmem:s2], [sflag:$0x5], $0x80, s13, s5, $0xb8;
	[tilespmem:$0x16800] =	vst v63  }
0xba: {  	_ =	swait.ge [sflag:s22], $0x4000  }
0xbb: {  	[sflag:s22] =	ssyncset.done $0x0  }
0xbc: {  	s14 =	rddreg [dreg:$0x12];
	[sflag:s22] =	ssyncadd.s32 $0xFFFFC000  }
0xbd: {  	[tilespmem:s25], [sflag:$0x1] =	stream.linear.gather [hbm4b:s14+s1], $0x4000, $0x38;
	[tilespmem:$0x16800] =	vst v63  }
0xbe: {  	_ =	swait.ge [sflag:s8], $0x4000  }
0xbf: {  	[sflag:s8] =	ssyncset.done $0x0  }
0xc0: {  	s15 =	simm.s32 $0x280;
	[sflag:s8] =	ssyncadd.s32 $0xFFFFC000  }
0xc1: {  	[spmem:s20] =	stream.indirect.scatter.add.f32 [tilespmem:s3], [sflag:$0x5], $0x80, s15, s5, $0xb8;
	[tilespmem:$0x16800] =	vst v63  }
0xc2: {  	_ =	swait.ge [sflag:s22], $0x4000  }
0xc3: {  	[sflag:s22] =	ssyncset.done $0x0  }
0xc4: {  	s13 =	rddreg [dreg:$0x13];
	[sflag:s22] =	ssyncadd.s32 $0xFFFFC000  }
0xc5: {  	[tilespmem:s2], [sflag:$0x3] =	stream.linear.gather [hbm4b:s13+s1], $0x4000, $0x38;
	[tilespmem:$0x16800] =	vst v63  }
0xc6: {  	_ =	swait.ge [sflag:s9], $0x4000  }
0xc7: {  	[sflag:s9] =	ssyncset.done $0x0  }
0xc8: {  	s14 =	simm.s32 $0x1280;
	[sflag:s9] =	ssyncadd.s32 $0xFFFFC000  }
0xc9: {  	[spmem:s23] =	stream.indirect.scatter.add.f32 [tilespmem:s6], [sflag:$0x5], $0x80, s14, s5, $0xb8;
	[tilespmem:$0x16800] =	vst v63  }
0xca: {  	_ =	swait.ge [sflag:s22], $0x4000  }
0xcb: {  	[sflag:s22] =	ssyncset.done $0x0  }
0xcc: {  	s12 =	simm.s32 @p0 $0x1;
	[sflag:s22] =	ssyncadd.s32 $0xFFFFC000  }
0xcd: {  	_ =	swait.ge @p0 [sflag:s12], $0x4000  }
0xce: {  	s13 =	simm.s32 @p0 $0x300;
	[sflag:s12] =	ssyncset.done @p0 $0x0  }
0xcf: {  	s14 =	simm.s32 @p0 $0x2000;
	[sflag:s12] =	ssyncadd.s32 @p0 $0xFFFFC000;
	s12 =	simm.s32 @p0 $0x80  }
0xd0: {  	[spmem:s20] =	stream.indirect.scatter.add.f32 @p0 [tilespmem:s14], [sflag:$0x5], $0x80, s13, s12, $0xb8;
	[tilespmem:$0x16800] =	vst v63  }
0xd1: {  	s12 =	simm.s32 @p0 $0x5  }
0xd2: {  	_ =	swait.ge @p0 [sflag:s12], $0x4000  }
0xd3: {  	[sflag:s12] =	ssyncset.done @p0 $0x0  }
0xd4: {  	s13 =	simm.s32 @!p0 $0x6000;
	[sflag:s12] =	ssyncadd.s32 @p0 $0xFFFFC000;
	s12 =	simm.s32 @!p0 $0x0  }
0xd5: {  	[tilespmem:s13], [sflag:$0x2] =	stream.linear.gather @!p0 [hbm4b:s16+s12], $0x4000, $0x38;
	[tilespmem:$0x16800] =	vst v63  }
0xd6: {  	s13 =	simm.s32 @!p0 $0x1  }
0xd7: {  	_ =	swait.ge @!p0 [sflag:s13], $0x4000  }
0xd8: {  	s15 =	simm.s32 @!p0 $0x2000;
	[sflag:s13] =	ssyncset.done @!p0 $0x0  }
0xd9: {  	s14 =	simm.s32 @!p0 $0x300;
	[sflag:s13] =	ssyncadd.s32 @!p0 $0xFFFFC000;
	s13 =	simm.s32 @!p0 $0x80  }
0xda: {  	[spmem:s20] =	stream.indirect.scatter.add.f32 @!p0 [tilespmem:s15], [sflag:$0x5], $0x80, s14, s13, $0xb8;
	[tilespmem:$0x16800] =	vst v63  }
0xdb: {  	s13 =	simm.s32 @!p0 $0x5  }
0xdc: {  	_ =	swait.ge @!p0 [sflag:s13], $0x4000  }
0xdd: {  	[sflag:s13] =	ssyncset.done @!p0 $0x0  }
0xde: {  	[sflag:s13] =	ssyncadd.s32 @!p0 $0xFFFFC000;
	s13 =	simm.s32 @!p0 $0xE000  }
0xdf: {  	[tilespmem:s13], [sflag:$0x4] =	stream.linear.gather @!p0 [hbm4b:s17+s12], $0x4000, $0x38;
	[tilespmem:$0x16800] =	vst v63  }
0xe0: {  	_ =	swait.ge [sflag:s7], $0x4000  }
0xe1: {  	[sflag:s7] =	ssyncset.done $0x0  }
.Ltmp2:
0xe2: {  	s15 =	simm.s32 $0x1300;
	[sflag:s7] =	ssyncadd.s32 $0xFFFFC000;
	(pc) =	sbr.rel @p0 .LBB2_3-.Ltmp2, $4  }
0xe3: {  	[spmem:s23] =	stream.indirect.scatter.add.f32 [tilespmem:s2], [sflag:$0x5], $0x80, s15, s5, $0xb8;
	[tilespmem:$0x16800] =	vst v63  }
0xe4: {  	_ =	swait.ge [sflag:s22], $0x4000  }
0xe5: {  	[sflag:s22] =	ssyncset.done $0x0  }
0xe6: {  	[sflag:s22] =	ssyncadd.s32 $0xFFFFC000  }
0xe7: {  	s12 =	rddreg [dreg:$0x14]  }
0xe8: {  	[tilespmem:s25], [sflag:$0x1] =	stream.linear.gather [hbm4b:s12+s1], $0x4000, $0x38;
	[tilespmem:$0x16800] =	vst v63  }
0xe9: {  	_ =	swait.ge [sflag:s8], $0x4000  }
0xea: {  	[sflag:s8] =	ssyncset.done $0x0  }
0xeb: {  	s13 =	simm.s32 $0x380;
	[sflag:s8] =	ssyncadd.s32 $0xFFFFC000  }
0xec: {  	[spmem:s20] =	stream.indirect.scatter.add.f32 [tilespmem:s3], [sflag:$0x5], $0x80, s13, s5, $0xb8;
	[tilespmem:$0x16800] =	vst v63  }
0xed: {  	_ =	swait.ge [sflag:s22], $0x4000  }
0xee: {  	[sflag:s22] =	ssyncset.done $0x0  }
0xef: {  	s14 =	rddreg [dreg:$0x15];
	[sflag:s22] =	ssyncadd.s32 $0xFFFFC000  }
0xf0: {  	[tilespmem:s2], [sflag:$0x3] =	stream.linear.gather [hbm4b:s14+s1], $0x4000, $0x38;
	[tilespmem:$0x16800] =	vst v63  }
0xf1: {  	_ =	swait.ge [sflag:s9], $0x4000  }
0xf2: {  	[sflag:s9] =	ssyncset.done $0x0  }
0xf3: {  	s15 =	simm.s32 $0x1380;
	[sflag:s9] =	ssyncadd.s32 $0xFFFFC000  }
0xf4: {  	[spmem:s23] =	stream.indirect.scatter.add.f32 [tilespmem:s6], [sflag:$0x5], $0x80, s15, s5, $0xb8;
	[tilespmem:$0x16800] =	vst v63  }
0xf5: {  	_ =	swait.ge [sflag:s22], $0x4000  }
0xf6: {  	[sflag:s22] =	ssyncset.done $0x0  }
0xf7: {  	s13 =	rddreg [dreg:$0x16];
	[sflag:s22] =	ssyncadd.s32 $0xFFFFC000  }
0xf8: {  	[tilespmem:s3], [sflag:$0x2] =	stream.linear.gather [hbm4b:s13+s1], $0x4000, $0x38;
	[tilespmem:$0x16800] =	vst v63  }
0xf9: {  	_ =	swait.ge [sflag:s4], $0x4000  }
0xfa: {  	[sflag:s4] =	ssyncset.done $0x0  }
0xfb: {  	s14 =	simm.s32 $0x400;
	[sflag:s4] =	ssyncadd.s32 $0xFFFFC000  }
0xfc: {  	[spmem:s20] =	stream.indirect.scatter.add.f32 [tilespmem:s25], [sflag:$0x5], $0x80, s14, s5, $0xb8;
	[tilespmem:$0x16800] =	vst v63  }
0xfd: {  	_ =	swait.ge [sflag:s22], $0x4000  }
0xfe: {  	[sflag:s22] =	ssyncset.done $0x0  }
0xff: {  	s15 =	rddreg [dreg:$0x17];
	[sflag:s22] =	ssyncadd.s32 $0xFFFFC000  }
0x100: {  	[tilespmem:s6], [sflag:$0x4] =	stream.linear.gather [hbm4b:s15+s1], $0x4000, $0x38;
	[tilespmem:$0x16800] =	vst v63  }
0x101: {  	_ =	swait.ge [sflag:s7], $0x4000  }
0x102: {  	[sflag:s7] =	ssyncset.done $0x0  }
0x103: {  	s13 =	simm.s32 $0x1400;
	[sflag:s7] =	ssyncadd.s32 $0xFFFFC000  }
0x104: {  	[spmem:s23] =	stream.indirect.scatter.add.f32 [tilespmem:s2], [sflag:$0x5], $0x80, s13, s5, $0xb8;
	[tilespmem:$0x16800] =	vst v63  }
0x105: {  	_ =	swait.ge [sflag:s22], $0x4000  }
0x106: {  	[sflag:s22] =	ssyncset.done $0x0  }
0x107: {  	s14 =	rddreg [dreg:$0x18];
	[sflag:s22] =	ssyncadd.s32 $0xFFFFC000  }
0x108: {  	[tilespmem:s25], [sflag:$0x1] =	stream.linear.gather [hbm4b:s14+s1], $0x4000, $0x38;
	[tilespmem:$0x16800] =	vst v63  }
0x109: {  	_ =	swait.ge [sflag:s8], $0x4000  }
0x10a: {  	[sflag:s8] =	ssyncset.done $0x0  }
0x10b: {  	s15 =	simm.s32 $0x480;
	[sflag:s8] =	ssyncadd.s32 $0xFFFFC000  }
0x10c: {  	[spmem:s20] =	stream.indirect.scatter.add.f32 [tilespmem:s3], [sflag:$0x5], $0x80, s15, s5, $0xb8;
	[tilespmem:$0x16800] =	vst v63  }
0x10d: {  	_ =	swait.ge [sflag:s22], $0x4000  }
0x10e: {  	[sflag:s22] =	ssyncset.done $0x0  }
0x10f: {  	s13 =	rddreg [dreg:$0x19];
	[sflag:s22] =	ssyncadd.s32 $0xFFFFC000  }
0x110: {  	[tilespmem:s2], [sflag:$0x3] =	stream.linear.gather [hbm4b:s13+s1], $0x4000, $0x38;
	[tilespmem:$0x16800] =	vst v63  }
0x111: {  	_ =	swait.ge [sflag:s9], $0x4000  }
0x112: {  	[sflag:s9] =	ssyncset.done $0x0  }
0x113: {  	s14 =	simm.s32 $0x1480;
	[sflag:s9] =	ssyncadd.s32 $0xFFFFC000  }
0x114: {  	[spmem:s23] =	stream.indirect.scatter.add.f32 [tilespmem:s6], [sflag:$0x5], $0x80, s14, s5, $0xb8;
	[tilespmem:$0x16800] =	vst v63  }
0x115: {  	_ =	swait.ge [sflag:s22], $0x4000  }
0x116: {  	[sflag:s22] =	ssyncset.done $0x0  }
0x117: {  	s15 =	rddreg [dreg:$0x1a];
	[sflag:s22] =	ssyncadd.s32 $0xFFFFC000  }
0x118: {  	[tilespmem:s3], [sflag:$0x2] =	stream.linear.gather [hbm4b:s15+s1], $0x4000, $0x38;
	[tilespmem:$0x16800] =	vst v63  }
0x119: {  	_ =	swait.ge [sflag:s4], $0x4000  }
0x11a: {  	[sflag:s4] =	ssyncset.done $0x0  }
0x11b: {  	s13 =	simm.s32 $0x500;
	[sflag:s4] =	ssyncadd.s32 $0xFFFFC000  }
0x11c: {  	[spmem:s20] =	stream.indirect.scatter.add.f32 [tilespmem:s25], [sflag:$0x5], $0x80, s13, s5, $0xb8;
	[tilespmem:$0x16800] =	vst v63  }
0x11d: {  	_ =	swait.ge [sflag:s22], $0x4000  }
0x11e: {  	[sflag:s22] =	ssyncset.done $0x0  }
0x11f: {  	s14 =	rddreg [dreg:$0x1b];
	[sflag:s22] =	ssyncadd.s32 $0xFFFFC000  }
0x120: {  	[tilespmem:s6], [sflag:$0x4] =	stream.linear.gather [hbm4b:s14+s1], $0x4000, $0x38;
	[tilespmem:$0x16800] =	vst v63  }
0x121: {  	_ =	swait.ge [sflag:s7], $0x4000  }
0x122: {  	[sflag:s7] =	ssyncset.done $0x0  }
0x123: {  	s15 =	simm.s32 $0x1500;
	[sflag:s7] =	ssyncadd.s32 $0xFFFFC000  }
0x124: {  	[spmem:s23] =	stream.indirect.scatter.add.f32 [tilespmem:s2], [sflag:$0x5], $0x80, s15, s5, $0xb8;
	[tilespmem:$0x16800] =	vst v63  }
0x125: {  	_ =	swait.ge [sflag:s22], $0x4000  }
0x126: {  	[sflag:s22] =	ssyncset.done $0x0  }
0x127: {  	s13 =	rddreg [dreg:$0x1c];
	[sflag:s22] =	ssyncadd.s32 $0xFFFFC000  }
0x128: {  	[tilespmem:s25], [sflag:$0x1] =	stream.linear.gather [hbm4b:s13+s1], $0x4000, $0x38;
	[tilespmem:$0x16800] =	vst v63  }
0x129: {  	_ =	swait.ge [sflag:s8], $0x4000  }
0x12a: {  	[sflag:s8] =	ssyncset.done $0x0  }
0x12b: {  	s14 =	simm.s32 $0x580;
	[sflag:s8] =	ssyncadd.s32 $0xFFFFC000  }
0x12c: {  	[spmem:s20] =	stream.indirect.scatter.add.f32 [tilespmem:s3], [sflag:$0x5], $0x80, s14, s5, $0xb8;
	[tilespmem:$0x16800] =	vst v63  }
0x12d: {  	_ =	swait.ge [sflag:s22], $0x4000  }
0x12e: {  	[sflag:s22] =	ssyncset.done $0x0  }
0x12f: {  	s15 =	rddreg [dreg:$0x1d];
	[sflag:s22] =	ssyncadd.s32 $0xFFFFC000  }
0x130: {  	[tilespmem:s2], [sflag:$0x3] =	stream.linear.gather [hbm4b:s15+s1], $0x4000, $0x38;
	[tilespmem:$0x16800] =	vst v63  }
0x131: {  	_ =	swait.ge [sflag:s9], $0x4000  }
0x132: {  	[sflag:s9] =	ssyncset.done $0x0  }
0x133: {  	s13 =	simm.s32 $0x1580;
	[sflag:s9] =	ssyncadd.s32 $0xFFFFC000  }
0x134: {  	[spmem:s23] =	stream.indirect.scatter.add.f32 [tilespmem:s6], [sflag:$0x5], $0x80, s13, s5, $0xb8;
	[tilespmem:$0x16800] =	vst v63  }
0x135: {  	_ =	swait.ge [sflag:s22], $0x4000  }
0x136: {  	[sflag:s22] =	ssyncset.done $0x0  }
0x137: {  	s14 =	rddreg [dreg:$0x1e];
	[sflag:s22] =	ssyncadd.s32 $0xFFFFC000  }
0x138: {  	[tilespmem:s3], [sflag:$0x2] =	stream.linear.gather [hbm4b:s14+s1], $0x4000, $0x38;
	[tilespmem:$0x16800] =	vst v63  }
0x139: {  	_ =	swait.ge [sflag:s4], $0x4000  }
0x13a: {  	[sflag:s4] =	ssyncset.done $0x0  }
0x13b: {  	s15 =	simm.s32 $0x600;
	[sflag:s4] =	ssyncadd.s32 $0xFFFFC000  }
0x13c: {  	[spmem:s20] =	stream.indirect.scatter.add.f32 [tilespmem:s25], [sflag:$0x5], $0x80, s15, s5, $0xb8;
	[tilespmem:$0x16800] =	vst v63  }
0x13d: {  	_ =	swait.ge [sflag:s22], $0x4000  }
0x13e: {  	[sflag:s22] =	ssyncset.done $0x0  }
0x13f: {  	s13 =	rddreg [dreg:$0x1f];
	[sflag:s22] =	ssyncadd.s32 $0xFFFFC000  }
0x140: {  	[tilespmem:s6], [sflag:$0x4] =	stream.linear.gather [hbm4b:s13+s1], $0x4000, $0x38;
	[tilespmem:$0x16800] =	vst v63  }
0x141: {  	_ =	swait.ge [sflag:s7], $0x4000  }
0x142: {  	[sflag:s7] =	ssyncset.done $0x0  }
0x143: {  	s14 =	simm.s32 $0x1600;
	[sflag:s7] =	ssyncadd.s32 $0xFFFFC000  }
0x144: {  	[spmem:s23] =	stream.indirect.scatter.add.f32 [tilespmem:s2], [sflag:$0x5], $0x80, s14, s5, $0xb8;
	[tilespmem:$0x16800] =	vst v63  }
0x145: {  	_ =	swait.ge [sflag:s22], $0x4000  }
0x146: {  	s15 =	sld [smem:$0x7E8]  }
0x147: {  	[sflag:s22] =	ssyncset.done $0x0  }
0x148: {  	[sflag:s22] =	ssyncadd.s32 $0xFFFFC000  }
0x149: {  	[tilespmem:s25], [sflag:$0x1] =	stream.linear.gather [hbm4b:s15+s1], $0x4000, $0x38;
	[tilespmem:$0x16800] =	vst v63  }
0x14a: {  	_ =	swait.ge [sflag:s8], $0x4000  }
0x14b: {  	[sflag:s8] =	ssyncset.done $0x0  }
0x14c: {  	s13 =	simm.s32 $0x680;
	[sflag:s8] =	ssyncadd.s32 $0xFFFFC000  }
0x14d: {  	[spmem:s20] =	stream.indirect.scatter.add.f32 [tilespmem:s3], [sflag:$0x5], $0x80, s13, s5, $0xb8;
	[tilespmem:$0x16800] =	vst v63  }
0x14e: {  	_ =	swait.ge [sflag:s22], $0x4000  }
0x14f: {  	s14 =	sld [smem:$0x7E9]  }
0x150: {  	[sflag:s22] =	ssyncset.done $0x0  }
0x151: {  	[sflag:s22] =	ssyncadd.s32 $0xFFFFC000  }
0x152: {  	[tilespmem:s2], [sflag:$0x3] =	stream.linear.gather [hbm4b:s14+s1], $0x4000, $0x38;
	[tilespmem:$0x16800] =	vst v63  }
0x153: {  	_ =	swait.ge [sflag:s9], $0x4000  }
0x154: {  	[sflag:s9] =	ssyncset.done $0x0  }
0x155: {  	s15 =	simm.s32 $0x1680;
	[sflag:s9] =	ssyncadd.s32 $0xFFFFC000  }
0x156: {  	[spmem:s23] =	stream.indirect.scatter.add.f32 [tilespmem:s6], [sflag:$0x5], $0x80, s15, s5, $0xb8;
	[tilespmem:$0x16800] =	vst v63  }
0x157: {  	_ =	swait.ge [sflag:s22], $0x4000  }
0x158: {  	s13 =	sld [smem:$0x7EA]  }
0x159: {  	[sflag:s22] =	ssyncset.done $0x0  }
0x15a: {  	[sflag:s22] =	ssyncadd.s32 $0xFFFFC000  }
0x15b: {  	[tilespmem:s3], [sflag:$0x2] =	stream.linear.gather [hbm4b:s13+s1], $0x4000, $0x38;
	[tilespmem:$0x16800] =	vst v63  }
0x15c: {  	_ =	swait.ge [sflag:s4], $0x4000  }
0x15d: {  	[sflag:s4] =	ssyncset.done $0x0  }
0x15e: {  	s14 =	simm.s32 $0x700;
	[sflag:s4] =	ssyncadd.s32 $0xFFFFC000  }
0x15f: {  	[spmem:s20] =	stream.indirect.scatter.add.f32 [tilespmem:s25], [sflag:$0x5], $0x80, s14, s5, $0xb8;
	[tilespmem:$0x16800] =	vst v63  }
0x160: {  	_ =	swait.ge [sflag:s22], $0x4000  }
0x161: {  	s15 =	sld [smem:$0x7EB]  }
0x162: {  	[sflag:s22] =	ssyncset.done $0x0  }
0x163: {  	[sflag:s22] =	ssyncadd.s32 $0xFFFFC000  }
0x164: {  	[tilespmem:s6], [sflag:$0x4] =	stream.linear.gather [hbm4b:s15+s1], $0x4000, $0x38;
	[tilespmem:$0x16800] =	vst v63  }
0x165: {  	_ =	swait.ge [sflag:s7], $0x4000  }
0x166: {  	[sflag:s7] =	ssyncset.done $0x0  }
0x167: {  	s13 =	simm.s32 $0x1700;
	[sflag:s7] =	ssyncadd.s32 $0xFFFFC000  }
0x168: {  	[spmem:s23] =	stream.indirect.scatter.add.f32 [tilespmem:s2], [sflag:$0x5], $0x80, s13, s5, $0xb8;
	[tilespmem:$0x16800] =	vst v63  }
0x169: {  	_ =	swait.ge [sflag:s22], $0x4000  }
0x16a: {  	s14 =	sld [smem:$0x7EC]  }
0x16b: {  	[sflag:s22] =	ssyncset.done $0x0  }
0x16c: {  	[sflag:s22] =	ssyncadd.s32 $0xFFFFC000  }
0x16d: {  	[tilespmem:s25], [sflag:$0x1] =	stream.linear.gather [hbm4b:s14+s1], $0x4000, $0x38;
	[tilespmem:$0x16800] =	vst v63  }
0x16e: {  	_ =	swait.ge [sflag:s8], $0x4000  }
0x16f: {  	[sflag:s8] =	ssyncset.done $0x0  }
0x170: {  	s15 =	simm.s32 $0x780;
	[sflag:s8] =	ssyncadd.s32 $0xFFFFC000  }
0x171: {  	[spmem:s20] =	stream.indirect.scatter.add.f32 [tilespmem:s3], [sflag:$0x5], $0x80, s15, s5, $0xb8;
	[tilespmem:$0x16800] =	vst v63  }
0x172: {  	_ =	swait.ge [sflag:s22], $0x4000  }
0x173: {  	s13 =	sld [smem:$0x7ED]  }
0x174: {  	[sflag:s22] =	ssyncset.done $0x0  }
0x175: {  	[sflag:s22] =	ssyncadd.s32 $0xFFFFC000  }
0x176: {  	[tilespmem:s2], [sflag:$0x3] =	stream.linear.gather [hbm4b:s13+s1], $0x4000, $0x38;
	[tilespmem:$0x16800] =	vst v63  }
0x177: {  	_ =	swait.ge [sflag:s9], $0x4000  }
0x178: {  	[sflag:s9] =	ssyncset.done $0x0  }
0x179: {  	s14 =	simm.s32 $0x1780;
	[sflag:s9] =	ssyncadd.s32 $0xFFFFC000  }
0x17a: {  	[spmem:s23] =	stream.indirect.scatter.add.f32 [tilespmem:s6], [sflag:$0x5], $0x80, s14, s5, $0xb8;
	[tilespmem:$0x16800] =	vst v63  }
0x17b: {  	_ =	swait.ge [sflag:s22], $0x4000  }
0x17c: {  	s15 =	sld [smem:$0x7EE]  }
0x17d: {  	[sflag:s22] =	ssyncset.done $0x0  }
0x17e: {  	[sflag:s22] =	ssyncadd.s32 $0xFFFFC000  }
0x17f: {  	[tilespmem:s3], [sflag:$0x2] =	stream.linear.gather [hbm4b:s15+s1], $0x4000, $0x38;
	[tilespmem:$0x16800] =	vst v63  }
0x180: {  	_ =	swait.ge [sflag:s4], $0x4000  }
0x181: {  	[sflag:s4] =	ssyncset.done $0x0  }
0x182: {  	s13 =	simm.s32 $0x800;
	[sflag:s4] =	ssyncadd.s32 $0xFFFFC000  }
0x183: {  	[spmem:s20] =	stream.indirect.scatter.add.f32 [tilespmem:s25], [sflag:$0x5], $0x80, s13, s5, $0xb8;
	[tilespmem:$0x16800] =	vst v63  }
0x184: {  	_ =	swait.ge [sflag:s22], $0x4000  }
0x185: {  	s14 =	sld [smem:$0x7EF]  }
0x186: {  	[sflag:s22] =	ssyncset.done $0x0  }
0x187: {  	[sflag:s22] =	ssyncadd.s32 $0xFFFFC000  }
0x188: {  	[tilespmem:s6], [sflag:$0x4] =	stream.linear.gather [hbm4b:s14+s1], $0x4000, $0x38;
	[tilespmem:$0x16800] =	vst v63  }
0x189: {  	_ =	swait.ge [sflag:s7], $0x4000  }
0x18a: {  	[sflag:s7] =	ssyncset.done $0x0  }
0x18b: {  	s15 =	simm.s32 $0x1800;
	[sflag:s7] =	ssyncadd.s32 $0xFFFFC000  }
0x18c: {  	[spmem:s23] =	stream.indirect.scatter.add.f32 [tilespmem:s2], [sflag:$0x5], $0x80, s15, s5, $0xb8;
	[tilespmem:$0x16800] =	vst v63  }
0x18d: {  	_ =	swait.ge [sflag:s22], $0x4000  }
0x18e: {  	s13 =	sld [smem:$0x7F0]  }
0x18f: {  	[sflag:s22] =	ssyncset.done $0x0  }
0x190: {  	[sflag:s22] =	ssyncadd.s32 $0xFFFFC000  }
0x191: {  	[tilespmem:s25], [sflag:$0x1] =	stream.linear.gather [hbm4b:s13+s1], $0x4000, $0x38;
	[tilespmem:$0x16800] =	vst v63  }
0x192: {  	_ =	swait.ge [sflag:s8], $0x4000  }
0x193: {  	[sflag:s8] =	ssyncset.done $0x0  }
0x194: {  	s14 =	simm.s32 $0x880;
	[sflag:s8] =	ssyncadd.s32 $0xFFFFC000  }
0x195: {  	[spmem:s20] =	stream.indirect.scatter.add.f32 [tilespmem:s3], [sflag:$0x5], $0x80, s14, s5, $0xb8;
	[tilespmem:$0x16800] =	vst v63  }
0x196: {  	_ =	swait.ge [sflag:s22], $0x4000  }
0x197: {  	s15 =	sld [smem:$0x7F1]  }
0x198: {  	[sflag:s22] =	ssyncset.done $0x0  }
0x199: {  	[sflag:s22] =	ssyncadd.s32 $0xFFFFC000  }
0x19a: {  	[tilespmem:s2], [sflag:$0x3] =	stream.linear.gather [hbm4b:s15+s1], $0x4000, $0x38;
	[tilespmem:$0x16800] =	vst v63  }
0x19b: {  	_ =	swait.ge [sflag:s9], $0x4000  }
0x19c: {  	[sflag:s9] =	ssyncset.done $0x0  }
0x19d: {  	s13 =	simm.s32 $0x1880;
	[sflag:s9] =	ssyncadd.s32 $0xFFFFC000  }
0x19e: {  	[spmem:s23] =	stream.indirect.scatter.add.f32 [tilespmem:s6], [sflag:$0x5], $0x80, s13, s5, $0xb8;
	[tilespmem:$0x16800] =	vst v63  }
0x19f: {  	_ =	swait.ge [sflag:s22], $0x4000  }
0x1a0: {  	s14 =	sld [smem:$0x7F2]  }
0x1a1: {  	[sflag:s22] =	ssyncset.done $0x0  }
0x1a2: {  	[sflag:s22] =	ssyncadd.s32 $0xFFFFC000  }
0x1a3: {  	[tilespmem:s3], [sflag:$0x2] =	stream.linear.gather [hbm4b:s14+s1], $0x4000, $0x38;
	[tilespmem:$0x16800] =	vst v63  }
0x1a4: {  	_ =	swait.ge [sflag:s4], $0x4000  }
0x1a5: {  	[sflag:s4] =	ssyncset.done $0x0  }
0x1a6: {  	s15 =	simm.s32 $0x900;
	[sflag:s4] =	ssyncadd.s32 $0xFFFFC000  }
0x1a7: {  	[spmem:s20] =	stream.indirect.scatter.add.f32 [tilespmem:s25], [sflag:$0x5], $0x80, s15, s5, $0xb8;
	[tilespmem:$0x16800] =	vst v63  }
0x1a8: {  	_ =	swait.ge [sflag:s22], $0x4000  }
0x1a9: {  	s13 =	sld [smem:$0x7F3]  }
0x1aa: {  	[sflag:s22] =	ssyncset.done $0x0  }
0x1ab: {  	[sflag:s22] =	ssyncadd.s32 $0xFFFFC000  }
0x1ac: {  	[tilespmem:s6], [sflag:$0x4] =	stream.linear.gather [hbm4b:s13+s1], $0x4000, $0x38;
	[tilespmem:$0x16800] =	vst v63  }
0x1ad: {  	_ =	swait.ge [sflag:s7], $0x4000  }
0x1ae: {  	[sflag:s7] =	ssyncset.done $0x0  }
0x1af: {  	s14 =	simm.s32 $0x1900;
	[sflag:s7] =	ssyncadd.s32 $0xFFFFC000  }
0x1b0: {  	[spmem:s23] =	stream.indirect.scatter.add.f32 [tilespmem:s2], [sflag:$0x5], $0x80, s14, s5, $0xb8;
	[tilespmem:$0x16800] =	vst v63  }
0x1b1: {  	_ =	swait.ge [sflag:s22], $0x4000  }
0x1b2: {  	s15 =	sld [smem:$0x7F4]  }
0x1b3: {  	[sflag:s22] =	ssyncset.done $0x0  }
0x1b4: {  	[sflag:s22] =	ssyncadd.s32 $0xFFFFC000  }
0x1b5: {  	[tilespmem:s25], [sflag:$0x1] =	stream.linear.gather [hbm4b:s15+s1], $0x4000, $0x38;
	[tilespmem:$0x16800] =	vst v63  }
0x1b6: {  	_ =	swait.ge [sflag:s8], $0x4000  }
0x1b7: {  	[sflag:s8] =	ssyncset.done $0x0  }
0x1b8: {  	s13 =	simm.s32 $0x980;
	[sflag:s8] =	ssyncadd.s32 $0xFFFFC000  }
0x1b9: {  	[spmem:s20] =	stream.indirect.scatter.add.f32 [tilespmem:s3], [sflag:$0x5], $0x80, s13, s5, $0xb8;
	[tilespmem:$0x16800] =	vst v63  }
0x1ba: {  	_ =	swait.ge [sflag:s22], $0x4000  }
0x1bb: {  	s14 =	sld [smem:$0x7F5]  }
0x1bc: {  	[sflag:s22] =	ssyncset.done $0x0  }
0x1bd: {  	[sflag:s22] =	ssyncadd.s32 $0xFFFFC000  }
0x1be: {  	[tilespmem:s2], [sflag:$0x3] =	stream.linear.gather [hbm4b:s14+s1], $0x4000, $0x38;
	[tilespmem:$0x16800] =	vst v63  }
0x1bf: {  	_ =	swait.ge [sflag:s9], $0x4000  }
0x1c0: {  	[sflag:s9] =	ssyncset.done $0x0  }
0x1c1: {  	s15 =	simm.s32 $0x1980;
	[sflag:s9] =	ssyncadd.s32 $0xFFFFC000  }
0x1c2: {  	[spmem:s23] =	stream.indirect.scatter.add.f32 [tilespmem:s6], [sflag:$0x5], $0x80, s15, s5, $0xb8;
	[tilespmem:$0x16800] =	vst v63  }
0x1c3: {  	_ =	swait.ge [sflag:s22], $0x4000  }
0x1c4: {  	s13 =	sld [smem:$0x7F6]  }
0x1c5: {  	[sflag:s22] =	ssyncset.done $0x0  }
0x1c6: {  	[sflag:s22] =	ssyncadd.s32 $0xFFFFC000  }
0x1c7: {  	[tilespmem:s3], [sflag:$0x2] =	stream.linear.gather [hbm4b:s13+s1], $0x4000, $0x38;
	[tilespmem:$0x16800] =	vst v63  }
0x1c8: {  	_ =	swait.ge [sflag:s4], $0x4000  }
0x1c9: {  	[sflag:s4] =	ssyncset.done $0x0  }
0x1ca: {  	s14 =	simm.s32 $0xA00;
	[sflag:s4] =	ssyncadd.s32 $0xFFFFC000  }
0x1cb: {  	[spmem:s20] =	stream.indirect.scatter.add.f32 [tilespmem:s25], [sflag:$0x5], $0x80, s14, s5, $0xb8;
	[tilespmem:$0x16800] =	vst v63  }
0x1cc: {  	_ =	swait.ge [sflag:s22], $0x4000  }
0x1cd: {  	s15 =	sld [smem:$0x7F7]  }
0x1ce: {  	[sflag:s22] =	ssyncset.done $0x0  }
0x1cf: {  	[sflag:s22] =	ssyncadd.s32 $0xFFFFC000  }
0x1d0: {  	[tilespmem:s6], [sflag:$0x4] =	stream.linear.gather [hbm4b:s15+s1], $0x4000, $0x38;
	[tilespmem:$0x16800] =	vst v63  }
0x1d1: {  	_ =	swait.ge [sflag:s7], $0x4000  }
0x1d2: {  	[sflag:s7] =	ssyncset.done $0x0  }
0x1d3: {  	s13 =	simm.s32 $0x1A00;
	[sflag:s7] =	ssyncadd.s32 $0xFFFFC000  }
0x1d4: {  	[spmem:s23] =	stream.indirect.scatter.add.f32 [tilespmem:s2], [sflag:$0x5], $0x80, s13, s5, $0xb8;
	[tilespmem:$0x16800] =	vst v63  }
0x1d5: {  	_ =	swait.ge [sflag:s22], $0x4000  }
0x1d6: {  	s14 =	sld [smem:$0x7F8]  }
0x1d7: {  	[sflag:s22] =	ssyncset.done $0x0  }
0x1d8: {  	[sflag:s22] =	ssyncadd.s32 $0xFFFFC000  }
0x1d9: {  	[tilespmem:s25], [sflag:$0x1] =	stream.linear.gather [hbm4b:s14+s1], $0x4000, $0x38;
	[tilespmem:$0x16800] =	vst v63  }
0x1da: {  	_ =	swait.ge [sflag:s8], $0x4000  }
0x1db: {  	[sflag:s8] =	ssyncset.done $0x0  }
0x1dc: {  	s15 =	simm.s32 $0xA80;
	[sflag:s8] =	ssyncadd.s32 $0xFFFFC000  }
0x1dd: {  	[spmem:s20] =	stream.indirect.scatter.add.f32 [tilespmem:s3], [sflag:$0x5], $0x80, s15, s5, $0xb8;
	[tilespmem:$0x16800] =	vst v63  }
0x1de: {  	_ =	swait.ge [sflag:s22], $0x4000  }
0x1df: {  	s13 =	sld [smem:$0x7F9]  }
0x1e0: {  	[sflag:s22] =	ssyncset.done $0x0  }
0x1e1: {  	[sflag:s22] =	ssyncadd.s32 $0xFFFFC000  }
0x1e2: {  	[tilespmem:s2], [sflag:$0x3] =	stream.linear.gather [hbm4b:s13+s1], $0x4000, $0x38;
	[tilespmem:$0x16800] =	vst v63  }
0x1e3: {  	_ =	swait.ge [sflag:s9], $0x4000  }
0x1e4: {  	[sflag:s9] =	ssyncset.done $0x0  }
0x1e5: {  	s14 =	simm.s32 $0x1A80;
	[sflag:s9] =	ssyncadd.s32 $0xFFFFC000  }
0x1e6: {  	[spmem:s23] =	stream.indirect.scatter.add.f32 [tilespmem:s6], [sflag:$0x5], $0x80, s14, s5, $0xb8;
	[tilespmem:$0x16800] =	vst v63  }
0x1e7: {  	_ =	swait.ge [sflag:s22], $0x4000  }
0x1e8: {  	s15 =	sld [smem:$0x7FA]  }
0x1e9: {  	[sflag:s22] =	ssyncset.done $0x0  }
0x1ea: {  	[sflag:s22] =	ssyncadd.s32 $0xFFFFC000  }
0x1eb: {  	[tilespmem:s3], [sflag:$0x2] =	stream.linear.gather [hbm4b:s15+s1], $0x4000, $0x38;
	[tilespmem:$0x16800] =	vst v63  }
0x1ec: {  	_ =	swait.ge [sflag:s4], $0x4000  }
0x1ed: {  	[sflag:s4] =	ssyncset.done $0x0  }
0x1ee: {  	s13 =	simm.s32 $0xB00;
	[sflag:s4] =	ssyncadd.s32 $0xFFFFC000  }
0x1ef: {  	[spmem:s20] =	stream.indirect.scatter.add.f32 [tilespmem:s25], [sflag:$0x5], $0x80, s13, s5, $0xb8;
	[tilespmem:$0x16800] =	vst v63  }
0x1f0: {  	_ =	swait.ge [sflag:s22], $0x4000  }
0x1f1: {  	s14 =	sld [smem:$0x7FB]  }
0x1f2: {  	[sflag:s22] =	ssyncset.done $0x0  }
0x1f3: {  	[sflag:s22] =	ssyncadd.s32 $0xFFFFC000  }
0x1f4: {  	[tilespmem:s6], [sflag:$0x4] =	stream.linear.gather [hbm4b:s14+s1], $0x4000, $0x38;
	[tilespmem:$0x16800] =	vst v63  }
0x1f5: {  	_ =	swait.ge [sflag:s7], $0x4000  }
0x1f6: {  	[sflag:s7] =	ssyncset.done $0x0  }
0x1f7: {  	s15 =	simm.s32 $0x1B00;
	[sflag:s7] =	ssyncadd.s32 $0xFFFFC000  }
0x1f8: {  	[spmem:s23] =	stream.indirect.scatter.add.f32 [tilespmem:s2], [sflag:$0x5], $0x80, s15, s5, $0xb8;
	[tilespmem:$0x16800] =	vst v63  }
0x1f9: {  	_ =	swait.ge [sflag:s22], $0x4000  }
0x1fa: {  	s13 =	sld [smem:$0x7FC]  }
0x1fb: {  	[sflag:s22] =	ssyncset.done $0x0  }
0x1fc: {  	[sflag:s22] =	ssyncadd.s32 $0xFFFFC000  }
0x1fd: {  	[tilespmem:s25], [sflag:$0x1] =	stream.linear.gather [hbm4b:s13+s1], $0x4000, $0x38;
	[tilespmem:$0x16800] =	vst v63  }
0x1fe: {  	_ =	swait.ge [sflag:s8], $0x4000  }
0x1ff: {  	[sflag:s8] =	ssyncset.done $0x0  }
0x200: {  	s14 =	simm.s32 $0xB80;
	[sflag:s8] =	ssyncadd.s32 $0xFFFFC000  }
0x201: {  	[spmem:s20] =	stream.indirect.scatter.add.f32 [tilespmem:s3], [sflag:$0x5], $0x80, s14, s5, $0xb8;
	[tilespmem:$0x16800] =	vst v63  }
0x202: {  	_ =	swait.ge [sflag:s22], $0x4000  }
0x203: {  	s15 =	sld [smem:$0x7FD]  }
0x204: {  	[sflag:s22] =	ssyncset.done $0x0  }
0x205: {  	[sflag:s22] =	ssyncadd.s32 $0xFFFFC000  }
0x206: {  	[tilespmem:s2], [sflag:$0x3] =	stream.linear.gather [hbm4b:s15+s1], $0x4000, $0x38;
	[tilespmem:$0x16800] =	vst v63  }
0x207: {  	_ =	swait.ge [sflag:s9], $0x4000  }
0x208: {  	[sflag:s9] =	ssyncset.done $0x0  }
0x209: {  	s13 =	simm.s32 $0x1B80;
	[sflag:s9] =	ssyncadd.s32 $0xFFFFC000  }
0x20a: {  	[spmem:s23] =	stream.indirect.scatter.add.f32 [tilespmem:s6], [sflag:$0x5], $0x80, s13, s5, $0xb8;
	[tilespmem:$0x16800] =	vst v63  }
0x20b: {  	_ =	swait.ge [sflag:s22], $0x4000  }
0x20c: {  	[sflag:s22] =	ssyncset.done $0x0  }
0x20d: {  	[sflag:s22] =	ssyncadd.s32 $0xFFFFC000  }
0x20e: {  	_ =	swait.ge [sflag:s4], $0x4000  }
0x20f: {  	[sflag:s4] =	ssyncset.done $0x0  }
0x210: {  	s14 =	simm.s32 $0xC00;
	[sflag:s4] =	ssyncadd.s32 $0xFFFFC000  }
0x211: {  	[spmem:s20] =	stream.indirect.scatter.add.f32 [tilespmem:s25], [sflag:$0x5], $0x80, s14, s5, $0xb8;
	[tilespmem:$0x16800] =	vst v63  }
0x212: {  	_ =	swait.ge [sflag:s22], $0x4000  }
0x213: {  	[sflag:s22] =	ssyncset.done $0x0  }
0x214: {  	[sflag:s22] =	ssyncadd.s32 $0xFFFFC000  }
0x215: {  	_ =	swait.ge [sflag:s7], $0x4000  }
0x216: {  	[sflag:s7] =	ssyncset.done $0x0  }
.Ltmp3:
0x217: {  	s15 =	simm.s32 $0x1C00;
	[sflag:s7] =	ssyncadd.s32 $0xFFFFC000;
	(pc) =	sbr.rel .LBB2_3-.Ltmp3, $4  }
0x218: {  	[spmem:s23] =	stream.indirect.scatter.add.f32 [tilespmem:s2], [sflag:$0x5], $0x80, s15, s5, $0xb8;
	[tilespmem:$0x16800] =	vst v63  }
0x219: {  	_ =	swait.ge [sflag:s22], $0x4000  }
0x21a: {  	[sflag:s22] =	ssyncset.done $0x0  }
0x21b: {  	[sflag:s22] =	ssyncadd.s32 $0xFFFFC000  }
.LBB2_4:
0x21c: {  	_ =	sfence.sel $0x180000  }
0x21d: {  	[bflag:$0x0] =	sbarrier.arrive $0xFFFF  }
0x21e: {  	_ =	strace $0x90000047  }
0x21f: {  	s0 =	stileid.u32;
	[bflag:$0x2] =	sbarrier.arrive $0xFFFF  }
0x220: {  	p0 =	sne.s32 s0, $0x0;
	s0 =	rddreg [dreg:$0x5]  }
0x221: {  	s0 =	sadd.s32 @!p0 $0x100000, s0  }
0x222: {  	[sflag:s0] =	ssyncadd.tile.s32 @!p0 $0x1;
	_ =	shalt  }
.Lfunc_end2:
_tile_overlayer_lowered:
.L_overlay_start_2:
0x223: {  	(tag) =	ssettag $0x2  }
0x224: {  	s0 =	rddreg [dreg:$0x0];
	s2 =	stileid.u32  }
0x225: {  	s1 =	rddreg [dreg:$0x1];
	p0 =	sne.s32 s2, $0x0  }
0x226: {  	s3 =	rddreg [dreg:$0x2];
	[bflag:$0x3] =	sbarrier.arrive $0xFFFF;
	s2 =	simm.s32 @!p0 $0x1C05  }
0x227: {  	[timem:s3], [sflag:s2] =	dma.local @!p0 [hbm:s0], s1  }
0x228: {  	s0 =	simm.s32 @!p0 $0x5  }
0x229: {  	_ =	swait.ge @!p0 [sflag:s0], s1  }
0x22a: {  	s1 =	ssub.s32 @!p0 $0x0, s1;
	[sflag:s0] =	ssyncset.done @!p0 $0x0  }
0x22b: {  	[sflag:s0] =	ssyncadd.s32 @!p0 s1  }
0x22c: {  	[bflag:$0x3] =	sbarrier.arrive $0xFFFF  }
0x22d: {  	_ =	shalt  }

</sc_bundles>
